<compile_context>
chip_gen: v7x
topology: tpu7x:2x2x1
jax: 0.10.2.dev20260603
libtpu: 0.0.44.dev20260713+nightly
codegen_flags: <defaults>
</compile_context>

<pallas_src>
import jax
import jax.numpy as jnp
from jax import lax
from jax.experimental import pallas as pl
from jax.experimental.pallas import tpu as pltpu
from jax.experimental.pallas import tpu_sc as plsc

NUM_EXPERTS = 8
TOP_K = 2
HIDDEN = 2048
TOKENS = 2048
ROWS = NUM_EXPERTS * TOKENS


MM_GRID = 8
MM_TBLK = TOKENS // MM_GRID


def _mm_body(w_ref, h_ref, scores_ref):
    lt = jax.lax.dot_general(
        w_ref[...], h_ref[...], (((1,), (1,)), ((), ())),
        preferred_element_type=jnp.float32)
    eidx = jax.lax.broadcasted_iota(jnp.int32, lt.shape, 0)
    m1 = jnp.max(lt, axis=0, keepdims=True)
    i1 = jnp.min(jnp.where(lt == m1, eidx, NUM_EXPERTS), axis=0, keepdims=True)
    masked = jnp.where(eidx == i1, -jnp.inf, lt)
    m2 = jnp.max(masked, axis=0, keepdims=True)
    i2 = jnp.min(jnp.where(masked == m2, eidx, NUM_EXPERTS), axis=0,
                 keepdims=True)
    keep = (eidx == i1) | (eidx == i2)
    scores_ref[...] = jnp.where(keep, jax.nn.sigmoid(lt), 0.0)


def _tc_scores(hidden_states, W):
    return pl.pallas_call(
        _mm_body,
        grid=(MM_GRID,),
        in_specs=[
            pl.BlockSpec((NUM_EXPERTS, HIDDEN), lambda i: (0, 0)),
            pl.BlockSpec((MM_TBLK, HIDDEN), lambda i: (i, 0)),
        ],
        out_specs=pl.BlockSpec((NUM_EXPERTS, MM_TBLK), lambda i: (0, i)),
        out_shape=jax.ShapeDtypeStruct((NUM_EXPERTS, TOKENS), jnp.float32),
    )(W, hidden_states)



_SC_INFO = plsc.get_sparse_core_info()
_NC, _NS, _L = _SC_INFO.num_cores, _SC_INFO.num_subcores, _SC_INFO.num_lanes
_NW = _NC * _NS
_NPER = ROWS // TOKENS
_VPW = TOKENS // _NW
_CROWS = 16
_NCHUNK = _VPW // _CROWS


def _fill(buf, vbase):
    def body(j, _):
        val = jnp.zeros((_L,), jnp.int32) + (vbase + j)
        for c in range(HIDDEN // _L):
            buf[j, pl.ds(c * _L, _L)] = val
        return ()

    lax.fori_loop(0, _CROWS, body, ())


def _sc_idx_body(out_hbm, buf_a, buf_b, sem_a, sem_b):
    wid = lax.axis_index("s") * _NC + lax.axis_index("c")
    vbase = wid * _VPW
    bufs = (buf_a, buf_b)
    sems = (sem_a, sem_b)
    pending = [None, None]
    for chunk in range(_NCHUNK):
        slot = chunk % 2
        if pending[slot] is not None:
            for cp in pending[slot]:
                cp.wait()
        base = vbase + chunk * _CROWS
        _fill(bufs[slot], base)
        copies = []
        for p in range(_NPER):
            copies.append(pltpu.async_copy(
                bufs[slot],
                out_hbm.at[pl.ds(p * TOKENS + base, _CROWS), :],
                sems[slot]))
        pending[slot] = copies
    for cps in pending:
        if cps is not None:
            for cp in cps:
                cp.wait()


_sc_indices = pl.kernel(
    _sc_idx_body,
    mesh=plsc.VectorSubcoreMesh(core_axis_name="c", subcore_axis_name="s"),
    out_type=jax.ShapeDtypeStruct((ROWS, HIDDEN), jnp.int32),
    scratch_types=[
        pltpu.VMEM((_CROWS, HIDDEN), jnp.int32),
        pltpu.VMEM((_CROWS, HIDDEN), jnp.int32),
        pltpu.SemaphoreType.DMA,
        pltpu.SemaphoreType.DMA,
    ],
)


def kernel(hidden_states, W):
    indices = _sc_indices()
    scores = _tc_scores(hidden_states, W)
    probs = scores.reshape(-1, 1)
    return (scores, indices, probs)

# --- scband reference (transcript-rebuilt; emitter-appended) ---
"""Pipeline reference for scband-router-45956150067879 (READ-ONLY COPY).

The authoritative reference and input builder live on the scoring server;
editing this copy changes nothing except your own understanding.
"""

import jax, jax.numpy as jnp
import numpy as np

NUM_EXPERTS = 8
TOP_K = 2
HIDDEN = 2048
TOKENS = 2048


def setup_inputs(seed: int = 0) -> dict:
    key = jax.random.key(seed)
    k1, k2 = jax.random.split(key)
    hidden_states = jax.random.normal(k1, (TOKENS, HIDDEN), dtype=jnp.float32)
    # nn.Linear(hidden, num_experts, bias=False) weight: [num_experts, hidden]
    W = jax.random.normal(k2, (NUM_EXPERTS, HIDDEN), dtype=jnp.float32) * (1.0 / np.sqrt(HIDDEN))
    return {"hidden_states": hidden_states, "W": W}


def reference(hidden_states, W):
    T = hidden_states.shape[0]
    # router_logits = linear(hidden.float())  -> [T, E]
    logits = hidden_states.astype(jnp.float32) @ W.T
    # topk over experts in float64 (downcasts to f32 if x64 disabled; math identical)
    top_val, top_idx = jax.lax.top_k(logits.astype(jnp.float64), TOP_K)
    # scatter top values into -inf-filled [T, E], then transpose to [E, T]
    scores = jnp.full((T, NUM_EXPERTS), -jnp.inf, dtype=top_val.dtype)
    scores = scores.at[jnp.arange(T)[:, None], top_idx].set(top_val)
    router_scores = jax.nn.sigmoid(scores.T.astype(jnp.float32)).astype(hidden_states.dtype)  # [E, T]
    # router_indices = arange(T) expanded to [E, T] -> reshape(-1,1) -> expand to [E*T, hidden]
    router_indices = jnp.broadcast_to(jnp.arange(T, dtype=jnp.int64 if jax.config.jax_enable_x64 else jnp.int32)[None, :], (NUM_EXPERTS, T))
    router_indices = jnp.broadcast_to(router_indices.reshape(-1, 1), (NUM_EXPERTS * T, HIDDEN))
    router_probs = router_scores.reshape(-1, 1)  # [E*T, 1]
    return (router_scores, router_indices, router_probs)

if __name__ == "__main__":
    import jax
    _d = setup_inputs()
    print(jax.jit(kernel)(*tuple(_d.values())))

</pallas_src>

<mosaic_0001>
#map = affine_map<(d0, d1) -> (0, 0)>
module attributes {stable_mosaic.version = 14 : i64} {
  func.func @_sc_idx_body(%arg0: i32, %arg1: i32, %arg2: memref<16384x2048xi32, #tpu.memory_space<hbm>>, %arg3: memref<16x2048xi32, #tpu.memory_space<vmem>>, %arg4: memref<16x2048xi32, #tpu.memory_space<vmem>>, %arg5: memref<!tpu.dma_semaphore, #tpu.memory_space<semaphore_mem>>, %arg6: memref<!tpu.dma_semaphore, #tpu.memory_space<semaphore_mem>>) attributes {dimension_semantics = [#tpu.dimension_semantics<core_parallel>, #tpu.dimension_semantics<subcore_parallel>], iteration_bounds = array<i64: 2, 16>, scalar_prefetch = 0 : i64, scratch_operands = 4 : i64, tpu.core_type = #tpu.core_type<sc_vector_subcore>, window_params = [{transform_indices = #map}]} {
    %mul3A = arith.constant 2 : i32
    %mul3A_0 = arith.muli %arg1, %mul3A : i32
    %add3A = arith.addi %mul3A_0, %arg0 : i32
    %mul3A_1 = arith.constant 64 : i32
    %mul3A_2 = arith.muli %add3A, %mul3A_1 : i32
    %add3A_3 = arith.constant 0 : i32
    %add3A_4 = arith.addi %mul3A_2, %add3A_3 : i32
    %scan3A = arith.constant 0 : i32
    %scan3A_5 = arith.constant 16 : i32
    %scan3A_6 = arith.addi %scan3A, %scan3A_5 : i32
    %scan3A_7 = arith.constant 1 : i32
    scf.for %scan3A_348 = %scan3A to %scan3A_6 step %scan3A_7  : i32 {
      %broadcast_in_dim3A = arith.constant 0 : i32
      %broadcast_in_dim3A_349 = vector.broadcast %broadcast_in_dim3A : i32 to vector<16xi32>
      %add3A_350 = arith.addi %add3A_4, %scan3A_348 : i32
      %add3A_351 = vector.broadcast %add3A_350 : i32 to vector<16xi32>
      %add3A_352 = arith.addi %broadcast_in_dim3A_349, %add3A_351 : vector<16xi32>
      %swap3A = arith.index_cast %scan3A_348 : i32 to index
      %swap3A_353 = arith.constant 0 : index
      %swap3A_354 = tpu.vector_load %arg3[%swap3A, %swap3A_353] {strides = array<i32>} : memref<16x2048xi32, #tpu.memory_space<vmem>>, vector<1x16xi32>,
      %swap3A_355 = vector.shape_cast %swap3A_354 : vector<1x16xi32> to vector<16xi32>
      %swap3A_356 = vector.shape_cast %add3A_352 : vector<16xi32> to vector<1x16xi32>
      tpu.vector_store %arg3[%swap3A, %swap3A_353], %swap3A_356 {strides = array<i32>} : memref<16x2048xi32, #tpu.memory_space<vmem>>, vector<1x16xi32>,
      %swap3A_357 = arith.index_cast %scan3A_348 : i32 to index
      %swap3A_358 = arith.constant 16 : index
      %swap3A_359 = tpu.vector_load %arg3[%swap3A_357, %swap3A_358] {strides = array<i32>} : memref<16x2048xi32, #tpu.memory_space<vmem>>, vector<1x16xi32>,
      %swap3A_360 = vector.shape_cast %swap3A_359 : vector<1x16xi32> to vector<16xi32>
      %swap3A_361 = vector.shape_cast %add3A_352 : vector<16xi32> to vector<1x16xi32>
      tpu.vector_store %arg3[%swap3A_357, %swap3A_358], %swap3A_361 {strides = array<i32>} : memref<16x2048xi32, #tpu.memory_space<vmem>>, vector<1x16xi32>,
      %swap3A_362 = arith.index_cast %scan3A_348 : i32 to index
      %swap3A_363 = arith.constant 32 : index
      %swap3A_364 = tpu.vector_load %arg3[%swap3A_362, %swap3A_363] {strides = array<i32>} : memref<16x2048xi32, #tpu.memory_space<vmem>>, vector<1x16xi32>,
      %swap3A_365 = vector.shape_cast %swap3A_364 : vector<1x16xi32> to vector<16xi32>
      %swap3A_366 = vector.shape_cast %add3A_352 : vector<16xi32> to vector<1x16xi32>
      tpu.vector_store %arg3[%swap3A_362, %swap3A_363], %swap3A_366 {strides = array<i32>} : memref<16x2048xi32, #tpu.memory_space<vmem>>, vector<1x16xi32>,
      %swap3A_367 = arith.index_cast %scan3A_348 : i32 to index
      %swap3A_368 = arith.constant 48 : index
      %swap3A_369 = tpu.vector_load %arg3[%swap3A_367, %swap3A_368] {strides = array<i32>} : memref<16x2048xi32, #tpu.memory_space<vmem>>, vector<1x16xi32>,
      %swap3A_370 = vector.shape_cast %swap3A_369 : vector<1x16xi32> to vector<16xi32>
      %swap3A_371 = vector.shape_cast %add3A_352 : vector<16xi32> to vector<1x16xi32>
      tpu.vector_store %arg3[%swap3A_367, %swap3A_368], %swap3A_371 {strides = array<i32>} : memref<16x2048xi32, #tpu.memory_space<vmem>>, vector<1x16xi32>,
      %swap3A_372 = arith.index_cast %scan3A_348 : i32 to index
      %swap3A_373 = arith.constant 64 : index
      %swap3A_374 = tpu.vector_load %arg3[%swap3A_372, %swap3A_373] {strides = array<i32>} : memref<16x2048xi32, #tpu.memory_space<vmem>>, vector<1x16xi32>,
      %swap3A_375 = vector.shape_cast %swap3A_374 : vector<1x16xi32> to vector<16xi32>
      %swap3A_376 = vector.shape_cast %add3A_352 : vector<16xi32> to vector<1x16xi32>
      tpu.vector_store %arg3[%swap3A_372, %swap3A_373], %swap3A_376 {strides = array<i32>} : memref<16x2048xi32, #tpu.memory_space<vmem>>, vector<1x16xi32>,
      %swap3A_377 = arith.index_cast %scan3A_348 : i32 to index
      %swap3A_378 = arith.constant 80 : index
      %swap3A_379 = tpu.vector_load %arg3[%swap3A_377, %swap3A_378] {strides = array<i32>} : memref<16x2048xi32, #tpu.memory_space<vmem>>, vector<1x16xi32>,
      %swap3A_380 = vector.shape_cast %swap3A_379 : vector<1x16xi32> to vector<16xi32>
      %swap3A_381 = vector.shape_cast %add3A_352 : vector<16xi32> to vector<1x16xi32>
      tpu.vector_store %arg3[%swap3A_377, %swap3A_378], %swap3A_381 {strides = array<i32>} : memref<16x2048xi32, #tpu.memory_space<vmem>>, vector<1x16xi32>,
      %swap3A_382 = arith.index_cast %scan3A_348 : i32 to index
      %swap3A_383 = arith.constant 96 : index
      %swap3A_384 = tpu.vector_load %arg3[%swap3A_382, %swap3A_383] {strides = array<i32>} : memref<16x2048xi32, #tpu.memory_space<vmem>>, vector<1x16xi32>,
      %swap3A_385 = vector.shape_cast %swap3A_384 : vector<1x16xi32> to vector<16xi32>
      %swap3A_386 = vector.shape_cast %add3A_352 : vector<16xi32> to vector<1x16xi32>
      tpu.vector_store %arg3[%swap3A_382, %swap3A_383], %swap3A_386 {strides = array<i32>} : memref<16x2048xi32, #tpu.memory_space<vmem>>, vector<1x16xi32>,
      %swap3A_387 = arith.index_cast %scan3A_348 : i32 to index
      %swap3A_388 = arith.constant 112 : index
      %swap3A_389 = tpu.vector_load %arg3[%swap3A_387, %swap3A_388] {strides = array<i32>} : memref<16x2048xi32, #tpu.memory_space<vmem>>, vector<1x16xi32>,
      %swap3A_390 = vector.shape_cast %swap3A_389 : vector<1x16xi32> to vector<16xi32>
      %swap3A_391 = vector.shape_cast %add3A_352 : vector<16xi32> to vector<1x16xi32>
      tpu.vector_store %arg3[%swap3A_387, %swap3A_388], %swap3A_391 {strides = array<i32>} : memref<16x2048xi32, #tpu.memory_space<vmem>>, vector<1x16xi32>,
      %swap3A_392 = arith.index_cast %scan3A_348 : i32 to index
      %swap3A_393 = arith.constant 128 : index
      %swap3A_394 = tpu.vector_load %arg3[%swap3A_392, %swap3A_393] {strides = array<i32>} : memref<16x2048xi32, #tpu.memory_space<vmem>>, vector<1x16xi32>,
      %swap3A_395 = vector.shape_cast %swap3A_394 : vector<1x16xi32> to vector<16xi32>
      %swap3A_396 = vector.shape_cast %add3A_352 : vector<16xi32> to vector<1x16xi32>
      tpu.vector_store %arg3[%swap3A_392, %swap3A_393], %swap3A_396 {strides = array<i32>} : memref<16x2048xi32, #tpu.memory_space<vmem>>, vector<1x16xi32>,
      %swap3A_397 = arith.index_cast %scan3A_348 : i32 to index
      %swap3A_398 = arith.constant 144 : index
      %swap3A_399 = tpu.vector_load %arg3[%swap3A_397, %swap3A_398] {strides = array<i32>} : memref<16x2048xi32, #tpu.memory_space<vmem>>, vector<1x16xi32>,
      %swap3A_400 = vector.shape_cast %swap3A_399 : vector<1x16xi32> to vector<16xi32>
      %swap3A_401 = vector.shape_cast %add3A_352 : vector<16xi32> to vector<1x16xi32>
      tpu.vector_store %arg3[%swap3A_397, %swap3A_398], %swap3A_401 {strides = array<i32>} : memref<16x2048xi32, #tpu.memory_space<vmem>>, vector<1x16xi32>,
      %swap3A_402 = arith.index_cast %scan3A_348 : i32 to index
      %swap3A_403 = arith.constant 160 : index
      %swap3A_404 = tpu.vector_load %arg3[%swap3A_402, %swap3A_403] {strides = array<i32>} : memref<16x2048xi32, #tpu.memory_space<vmem>>, vector<1x16xi32>,
      %swap3A_405 = vector.shape_cast %swap3A_404 : vector<1x16xi32> to vector<16xi32>
      %swap3A_406 = vector.shape_cast %add3A_352 : vector<16xi32> to vector<1x16xi32>
      tpu.vector_store %arg3[%swap3A_402, %swap3A_403], %swap3A_406 {strides = array<i32>} : memref<16x2048xi32, #tpu.memory_space<vmem>>, vector<1x16xi32>,
      %swap3A_407 = arith.index_cast %scan3A_348 : i32 to index
      %swap3A_408 = arith.constant 176 : index
      %swap3A_409 = tpu.vector_load %arg3[%swap3A_407, %swap3A_408] {strides = array<i32>} : memref<16x2048xi32, #tpu.memory_space<vmem>>, vector<1x16xi32>,
      %swap3A_410 = vector.shape_cast %swap3A_409 : vector<1x16xi32> to vector<16xi32>
      %swap3A_411 = vector.shape_cast %add3A_352 : vector<16xi32> to vector<1x16xi32>
      tpu.vector_store %arg3[%swap3A_407, %swap3A_408], %swap3A_411 {strides = array<i32>} : memref<16x2048xi32, #tpu.memory_space<vmem>>, vector<1x16xi32>,
      %swap3A_412 = arith.index_cast %scan3A_348 : i32 to index
      %swap3A_413 = arith.constant 192 : index
      %swap3A_414 = tpu.vector_load %arg3[%swap3A_412, %swap3A_413] {strides = array<i32>} : memref<16x2048xi32, #tpu.memory_space<vmem>>, vector<1x16xi32>,
      %swap3A_415 = vector.shape_cast %swap3A_414 : vector<1x16xi32> to vector<16xi32>
      %swap3A_416 = vector.shape_cast %add3A_352 : vector<16xi32> to vector<1x16xi32>
      tpu.vector_store %arg3[%swap3A_412, %swap3A_413], %swap3A_416 {strides = array<i32>} : memref<16x2048xi32, #tpu.memory_space<vmem>>, vector<1x16xi32>,
      %swap3A_417 = arith.index_cast %scan3A_348 : i32 to index
      %swap3A_418 = arith.constant 208 : index
      %swap3A_419 = tpu.vector_load %arg3[%swap3A_417, %swap3A_418] {strides = array<i32>} : memref<16x2048xi32, #tpu.memory_space<vmem>>, vector<1x16xi32>,
      %swap3A_420 = vector.shape_cast %swap3A_419 : vector<1x16xi32> to vector<16xi32>
      %swap3A_421 = vector.shape_cast %add3A_352 : vector<16xi32> to vector<1x16xi32>
      tpu.vector_store %arg3[%swap3A_417, %swap3A_418], %swap3A_421 {strides = array<i32>} : memref<16x2048xi32, #tpu.memory_space<vmem>>, vector<1x16xi32>,
      %swap3A_422 = arith.index_cast %scan3A_348 : i32 to index
      %swap3A_423 = arith.constant 224 : index
      %swap3A_424 = tpu.vector_load %arg3[%swap3A_422, %swap3A_423] {strides = array<i32>} : memref<16x2048xi32, #tpu.memory_space<vmem>>, vector<1x16xi32>,
      %swap3A_425 = vector.shape_cast %swap3A_424 : vector<1x16xi32> to vector<16xi32>
      %swap3A_426 = vector.shape_cast %add3A_352 : vector<16xi32> to vector<1x16xi32>
      tpu.vector_store %arg3[%swap3A_422, %swap3A_423], %swap3A_426 {strides = array<i32>} : memref<16x2048xi32, #tpu.memory_space<vmem>>, vector<1x16xi32>,
      %swap3A_427 = arith.index_cast %scan3A_348 : i32 to index
      %swap3A_428 = arith.constant 240 : index
      %swap3A_429 = tpu.vector_load %arg3[%swap3A_427, %swap3A_428] {strides = array<i32>} : memref<16x2048xi32, #tpu.memory_space<vmem>>, vector<1x16xi32>,
      %swap3A_430 = vector.shape_cast %swap3A_429 : vector<1x16xi32> to vector<16xi32>
      %swap3A_431 = vector.shape_cast %add3A_352 : vector<16xi32> to vector<1x16xi32>
      tpu.vector_store %arg3[%swap3A_427, %swap3A_428], %swap3A_431 {strides = array<i32>} : memref<16x2048xi32, #tpu.memory_space<vmem>>, vector<1x16xi32>,
      %swap3A_432 = arith.index_cast %scan3A_348 : i32 to index
      %swap3A_433 = arith.constant 256 : index
      %swap3A_434 = tpu.vector_load %arg3[%swap3A_432, %swap3A_433] {strides = array<i32>} : memref<16x2048xi32, #tpu.memory_space<vmem>>, vector<1x16xi32>,
      %swap3A_435 = vector.shape_cast %swap3A_434 : vector<1x16xi32> to vector<16xi32>
      %swap3A_436 = vector.shape_cast %add3A_352 : vector<16xi32> to vector<1x16xi32>
      tpu.vector_store %arg3[%swap3A_432, %swap3A_433], %swap3A_436 {strides = array<i32>} : memref<16x2048xi32, #tpu.memory_space<vmem>>, vector<1x16xi32>,
      %swap3A_437 = arith.index_cast %scan3A_348 : i32 to index
      %swap3A_438 = arith.constant 272 : index
      %swap3A_439 = tpu.vector_load %arg3[%swap3A_437, %swap3A_438] {strides = array<i32>} : memref<16x2048xi32, #tpu.memory_space<vmem>>, vector<1x16xi32>,
      %swap3A_440 = vector.shape_cast %swap3A_439 : vector<1x16xi32> to vector<16xi32>
      %swap3A_441 = vector.shape_cast %add3A_352 : vector<16xi32> to vector<1x16xi32>
      tpu.vector_store %arg3[%swap3A_437, %swap3A_438], %swap3A_441 {strides = array<i32>} : memref<16x2048xi32, #tpu.memory_space<vmem>>, vector<1x16xi32>,
      %swap3A_442 = arith.index_cast %scan3A_348 : i32 to index
      %swap3A_443 = arith.constant 288 : index
      %swap3A_444 = tpu.vector_load %arg3[%swap3A_442, %swap3A_443] {strides = array<i32>} : memref<16x2048xi32, #tpu.memory_space<vmem>>, vector<1x16xi32>,
      %swap3A_445 = vector.shape_cast %swap3A_444 : vector<1x16xi32> to vector<16xi32>
      %swap3A_446 = vector.shape_cast %add3A_352 : vector<16xi32> to vector<1x16xi32>
      tpu.vector_store %arg3[%swap3A_442, %swap3A_443], %swap3A_446 {strides = array<i32>} : memref<16x2048xi32, #tpu.memory_space<vmem>>, vector<1x16xi32>,
      %swap3A_447 = arith.index_cast %scan3A_348 : i32 to index
      %swap3A_448 = arith.constant 304 : index
      %swap3A_449 = tpu.vector_load %arg3[%swap3A_447, %swap3A_448] {strides = array<i32>} : memref<16x2048xi32, #tpu.memory_space<vmem>>, vector<1x16xi32>,
      %swap3A_450 = vector.shape_cast %swap3A_449 : vector<1x16xi32> to vector<16xi32>
      %swap3A_451 = vector.shape_cast %add3A_352 : vector<16xi32> to vector<1x16xi32>
      tpu.vector_store %arg3[%swap3A_447, %swap3A_448], %swap3A_451 {strides = array<i32>} : memref<16x2048xi32, #tpu.memory_space<vmem>>, vector<1x16xi32>,
      %swap3A_452 = arith.index_cast %scan3A_348 : i32 to index
      %swap3A_453 = arith.constant 320 : index
      %swap3A_454 = tpu.vector_load %arg3[%swap3A_452, %swap3A_453] {strides = array<i32>} : memref<16x2048xi32, #tpu.memory_space<vmem>>, vector<1x16xi32>,
      %swap3A_455 = vector.shape_cast %swap3A_454 : vector<1x16xi32> to vector<16xi32>
      %swap3A_456 = vector.shape_cast %add3A_352 : vector<16xi32> to vector<1x16xi32>
      tpu.vector_store %arg3[%swap3A_452, %swap3A_453], %swap3A_456 {strides = array<i32>} : memref<16x2048xi32, #tpu.memory_space<vmem>>, vector<1x16xi32>,
      %swap3A_457 = arith.index_cast %scan3A_348 : i32 to index
      %swap3A_458 = arith.constant 336 : index
      %swap3A_459 = tpu.vector_load %arg3[%swap3A_457, %swap3A_458] {strides = array<i32>} : memref<16x2048xi32, #tpu.memory_space<vmem>>, vector<1x16xi32>,
      %swap3A_460 = vector.shape_cast %swap3A_459 : vector<1x16xi32> to vector<16xi32>
      %swap3A_461 = vector.shape_cast %add3A_352 : vector<16xi32> to vector<1x16xi32>
      tpu.vector_store %arg3[%swap3A_457, %swap3A_458], %swap3A_461 {strides = array<i32>} : memref<16x2048xi32, #tpu.memory_space<vmem>>, vector<1x16xi32>,
      %swap3A_462 = arith.index_cast %scan3A_348 : i32 to index
      %swap3A_463 = arith.constant 352 : index
      %swap3A_464 = tpu.vector_load %arg3[%swap3A_462, %swap3A_463] {strides = array<i32>} : memref<16x2048xi32, #tpu.memory_space<vmem>>, vector<1x16xi32>,
      %swap3A_465 = vector.shape_cast %swap3A_464 : vector<1x16xi32> to vector<16xi32>
      %swap3A_466 = vector.shape_cast %add3A_352 : vector<16xi32> to vector<1x16xi32>
      tpu.vector_store %arg3[%swap3A_462, %swap3A_463], %swap3A_466 {strides = array<i32>} : memref<16x2048xi32, #tpu.memory_space<vmem>>, vector<1x16xi32>,
      %swap3A_467 = arith.index_cast %scan3A_348 : i32 to index
      %swap3A_468 = arith.constant 368 : index
      %swap3A_469 = tpu.vector_load %arg3[%swap3A_467, %swap3A_468] {strides = array<i32>} : memref<16x2048xi32, #tpu.memory_space<vmem>>, vector<1x16xi32>,
      %swap3A_470 = vector.shape_cast %swap3A_469 : vector<1x16xi32> to vector<16xi32>
      %swap3A_471 = vector.shape_cast %add3A_352 : vector<16xi32> to vector<1x16xi32>
      tpu.vector_store %arg3[%swap3A_467, %swap3A_468], %swap3A_471 {strides = array<i32>} : memref<16x2048xi32, #tpu.memory_space<vmem>>, vector<1x16xi32>,
      %swap3A_472 = arith.index_cast %scan3A_348 : i32 to index
      %swap3A_473 = arith.constant 384 : index
      %swap3A_474 = tpu.vector_load %arg3[%swap3A_472, %swap3A_473] {strides = array<i32>} : memref<16x2048xi32, #tpu.memory_space<vmem>>, vector<1x16xi32>,
      %swap3A_475 = vector.shape_cast %swap3A_474 : vector<1x16xi32> to vector<16xi32>
      %swap3A_476 = vector.shape_cast %add3A_352 : vector<16xi32> to vector<1x16xi32>
      tpu.vector_store %arg3[%swap3A_472, %swap3A_473], %swap3A_476 {strides = array<i32>} : memref<16x2048xi32, #tpu.memory_space<vmem>>, vector<1x16xi32>,
      %swap3A_477 = arith.index_cast %scan3A_348 : i32 to index
      %swap3A_478 = arith.constant 400 : index
      %swap3A_479 = tpu.vector_load %arg3[%swap3A_477, %swap3A_478] {strides = array<i32>} : memref<16x2048xi32, #tpu.memory_space<vmem>>, vector<1x16xi32>,
      %swap3A_480 = vector.shape_cast %swap3A_479 : vector<1x16xi32> to vector<16xi32>
      %swap3A_481 = vector.shape_cast %add3A_352 : vector<16xi32> to vector<1x16xi32>
      tpu.vector_store %arg3[%swap3A_477, %swap3A_478], %swap3A_481 {strides = array<i32>} : memref<16x2048xi32, #tpu.memory_space<vmem>>, vector<1x16xi32>,
      %swap3A_482 = arith.index_cast %scan3A_348 : i32 to index
      %swap3A_483 = arith.constant 416 : index
      %swap3A_484 = tpu.vector_load %arg3[%swap3A_482, %swap3A_483] {strides = array<i32>} : memref<16x2048xi32, #tpu.memory_space<vmem>>, vector<1x16xi32>,
      %swap3A_485 = vector.shape_cast %swap3A_484 : vector<1x16xi32> to vector<16xi32>
      %swap3A_486 = vector.shape_cast %add3A_352 : vector<16xi32> to vector<1x16xi32>
      tpu.vector_store %arg3[%swap3A_482, %swap3A_483], %swap3A_486 {strides = array<i32>} : memref<16x2048xi32, #tpu.memory_space<vmem>>, vector<1x16xi32>,
      %swap3A_487 = arith.index_cast %scan3A_348 : i32 to index
      %swap3A_488 = arith.constant 432 : index
      %swap3A_489 = tpu.vector_load %arg3[%swap3A_487, %swap3A_488] {strides = array<i32>} : memref<16x2048xi32, #tpu.memory_space<vmem>>, vector<1x16xi32>,
      %swap3A_490 = vector.shape_cast %swap3A_489 : vector<1x16xi32> to vector<16xi32>
      %swap3A_491 = vector.shape_cast %add3A_352 : vector<16xi32> to vector<1x16xi32>
      tpu.vector_store %arg3[%swap3A_487, %swap3A_488], %swap3A_491 {strides = array<i32>} : memref<16x2048xi32, #tpu.memory_space<vmem>>, vector<1x16xi32>,
      %swap3A_492 = arith.index_cast %scan3A_348 : i32 to index
      %swap3A_493 = arith.constant 448 : index
      %swap3A_494 = tpu.vector_load %arg3[%swap3A_492, %swap3A_493] {strides = array<i32>} : memref<16x2048xi32, #tpu.memory_space<vmem>>, vector<1x16xi32>,
      %swap3A_495 = vector.shape_cast %swap3A_494 : vector<1x16xi32> to vector<16xi32>
      %swap3A_496 = vector.shape_cast %add3A_352 : vector<16xi32> to vector<1x16xi32>
      tpu.vector_store %arg3[%swap3A_492, %swap3A_493], %swap3A_496 {strides = array<i32>} : memref<16x2048xi32, #tpu.memory_space<vmem>>, vector<1x16xi32>,
      %swap3A_497 = arith.index_cast %scan3A_348 : i32 to index
      %swap3A_498 = arith.constant 464 : index
      %swap3A_499 = tpu.vector_load %arg3[%swap3A_497, %swap3A_498] {strides = array<i32>} : memref<16x2048xi32, #tpu.memory_space<vmem>>, vector<1x16xi32>,
      %swap3A_500 = vector.shape_cast %swap3A_499 : vector<1x16xi32> to vector<16xi32>
      %swap3A_501 = vector.shape_cast %add3A_352 : vector<16xi32> to vector<1x16xi32>
      tpu.vector_store %arg3[%swap3A_497, %swap3A_498], %swap3A_501 {strides = array<i32>} : memref<16x2048xi32, #tpu.memory_space<vmem>>, vector<1x16xi32>,
      %swap3A_502 = arith.index_cast %scan3A_348 : i32 to index
      %swap3A_503 = arith.constant 480 : index
      %swap3A_504 = tpu.vector_load %arg3[%swap3A_502, %swap3A_503] {strides = array<i32>} : memref<16x2048xi32, #tpu.memory_space<vmem>>, vector<1x16xi32>,
      %swap3A_505 = vector.shape_cast %swap3A_504 : vector<1x16xi32> to vector<16xi32>
      %swap3A_506 = vector.shape_cast %add3A_352 : vector<16xi32> to vector<1x16xi32>
      tpu.vector_store %arg3[%swap3A_502, %swap3A_503], %swap3A_506 {strides = array<i32>} : memref<16x2048xi32, #tpu.memory_space<vmem>>, vector<1x16xi32>,
      %swap3A_507 = arith.index_cast %scan3A_348 : i32 to index
      %swap3A_508 = arith.constant 496 : index
      %swap3A_509 = tpu.vector_load %arg3[%swap3A_507, %swap3A_508] {strides = array<i32>} : memref<16x2048xi32, #tpu.memory_space<vmem>>, vector<1x16xi32>,
      %swap3A_510 = vector.shape_cast %swap3A_509 : vector<1x16xi32> to vector<16xi32>
      %swap3A_511 = vector.shape_cast %add3A_352 : vector<16xi32> to vector<1x16xi32>
      tpu.vector_store %arg3[%swap3A_507, %swap3A_508], %swap3A_511 {strides = array<i32>} : memref<16x2048xi32, #tpu.memory_space<vmem>>, vector<1x16xi32>,
      %swap3A_512 = arith.index_cast %scan3A_348 : i32 to index
      %swap3A_513 = arith.constant 512 : index
      %swap3A_514 = tpu.vector_load %arg3[%swap3A_512, %swap3A_513] {strides = array<i32>} : memref<16x2048xi32, #tpu.memory_space<vmem>>, vector<1x16xi32>,
      %swap3A_515 = vector.shape_cast %swap3A_514 : vector<1x16xi32> to vector<16xi32>
      %swap3A_516 = vector.shape_cast %add3A_352 : vector<16xi32> to vector<1x16xi32>
      tpu.vector_store %arg3[%swap3A_512, %swap3A_513], %swap3A_516 {strides = array<i32>} : memref<16x2048xi32, #tpu.memory_space<vmem>>, vector<1x16xi32>,
      %swap3A_517 = arith.index_cast %scan3A_348 : i32 to index
      %swap3A_518 = arith.constant 528 : index
      %swap3A_519 = tpu.vector_load %arg3[%swap3A_517, %swap3A_518] {strides = array<i32>} : memref<16x2048xi32, #tpu.memory_space<vmem>>, vector<1x16xi32>,
      %swap3A_520 = vector.shape_cast %swap3A_519 : vector<1x16xi32> to vector<16xi32>
      %swap3A_521 = vector.shape_cast %add3A_352 : vector<16xi32> to vector<1x16xi32>
      tpu.vector_store %arg3[%swap3A_517, %swap3A_518], %swap3A_521 {strides = array<i32>} : memref<16x2048xi32, #tpu.memory_space<vmem>>, vector<1x16xi32>,
      %swap3A_522 = arith.index_cast %scan3A_348 : i32 to index
      %swap3A_523 = arith.constant 544 : index
      %swap3A_524 = tpu.vector_load %arg3[%swap3A_522, %swap3A_523] {strides = array<i32>} : memref<16x2048xi32, #tpu.memory_space<vmem>>, vector<1x16xi32>,
      %swap3A_525 = vector.shape_cast %swap3A_524 : vector<1x16xi32> to vector<16xi32>
      %swap3A_526 = vector.shape_cast %add3A_352 : vector<16xi32> to vector<1x16xi32>
      tpu.vector_store %arg3[%swap3A_522, %swap3A_523], %swap3A_526 {strides = array<i32>} : memref<16x2048xi32, #tpu.memory_space<vmem>>, vector<1x16xi32>,
      %swap3A_527 = arith.index_cast %scan3A_348 : i32 to index
      %swap3A_528 = arith.constant 560 : index
      %swap3A_529 = tpu.vector_load %arg3[%swap3A_527, %swap3A_528] {strides = array<i32>} : memref<16x2048xi32, #tpu.memory_space<vmem>>, vector<1x16xi32>,
      %swap3A_530 = vector.shape_cast %swap3A_529 : vector<1x16xi32> to vector<16xi32>
      %swap3A_531 = vector.shape_cast %add3A_352 : vector<16xi32> to vector<1x16xi32>
      tpu.vector_store %arg3[%swap3A_527, %swap3A_528], %swap3A_531 {strides = array<i32>} : memref<16x2048xi32, #tpu.memory_space<vmem>>, vector<1x16xi32>,
      %swap3A_532 = arith.index_cast %scan3A_348 : i32 to index
      %swap3A_533 = arith.constant 576 : index
      %swap3A_534 = tpu.vector_load %arg3[%swap3A_532, %swap3A_533] {strides = array<i32>} : memref<16x2048xi32, #tpu.memory_space<vmem>>, vector<1x16xi32>,
      %swap3A_535 = vector.shape_cast %swap3A_534 : vector<1x16xi32> to vector<16xi32>
      %swap3A_536 = vector.shape_cast %add3A_352 : vector<16xi32> to vector<1x16xi32>
      tpu.vector_store %arg3[%swap3A_532, %swap3A_533], %swap3A_536 {strides = array<i32>} : memref<16x2048xi32, #tpu.memory_space<vmem>>, vector<1x16xi32>,
      %swap3A_537 = arith.index_cast %scan3A_348 : i32 to index
      %swap3A_538 = arith.constant 592 : index
      %swap3A_539 = tpu.vector_load %arg3[%swap3A_537, %swap3A_538] {strides = array<i32>} : memref<16x2048xi32, #tpu.memory_space<vmem>>, vector<1x16xi32>,
      %swap3A_540 = vector.shape_cast %swap3A_539 : vector<1x16xi32> to vector<16xi32>
      %swap3A_541 = vector.shape_cast %add3A_352 : vector<16xi32> to vector<1x16xi32>
      tpu.vector_store %arg3[%swap3A_537, %swap3A_538], %swap3A_541 {strides = array<i32>} : memref<16x2048xi32, #tpu.memory_space<vmem>>, vector<1x16xi32>,
      %swap3A_542 = arith.index_cast %scan3A_348 : i32 to index
      %swap3A_543 = arith.constant 608 : index
      %swap3A_544 = tpu.vector_load %arg3[%swap3A_542, %swap3A_543] {strides = array<i32>} : memref<16x2048xi32, #tpu.memory_space<vmem>>, vector<1x16xi32>,
      %swap3A_545 = vector.shape_cast %swap3A_544 : vector<1x16xi32> to vector<16xi32>
      %swap3A_546 = vector.shape_cast %add3A_352 : vector<16xi32> to vector<1x16xi32>
      tpu.vector_store %arg3[%swap3A_542, %swap3A_543], %swap3A_546 {strides = array<i32>} : memref<16x2048xi32, #tpu.memory_space<vmem>>, vector<1x16xi32>,
      %swap3A_547 = arith.index_cast %scan3A_348 : i32 to index
      %swap3A_548 = arith.constant 624 : index
      %swap3A_549 = tpu.vector_load %arg3[%swap3A_547, %swap3A_548] {strides = array<i32>} : memref<16x2048xi32, #tpu.memory_space<vmem>>, vector<1x16xi32>,
      %swap3A_550 = vector.shape_cast %swap3A_549 : vector<1x16xi32> to vector<16xi32>
      %swap3A_551 = vector.shape_cast %add3A_352 : vector<16xi32> to vector<1x16xi32>
      tpu.vector_store %arg3[%swap3A_547, %swap3A_548], %swap3A_551 {strides = array<i32>} : memref<16x2048xi32, #tpu.memory_space<vmem>>, vector<1x16xi32>,
      %swap3A_552 = arith.index_cast %scan3A_348 : i32 to index
      %swap3A_553 = arith.constant 640 : index
      %swap3A_554 = tpu.vector_load %arg3[%swap3A_552, %swap3A_553] {strides = array<i32>} : memref<16x2048xi32, #tpu.memory_space<vmem>>, vector<1x16xi32>,
      %swap3A_555 = vector.shape_cast %swap3A_554 : vector<1x16xi32> to vector<16xi32>
      %swap3A_556 = vector.shape_cast %add3A_352 : vector<16xi32> to vector<1x16xi32>
      tpu.vector_store %arg3[%swap3A_552, %swap3A_553], %swap3A_556 {strides = array<i32>} : memref<16x2048xi32, #tpu.memory_space<vmem>>, vector<1x16xi32>,
      %swap3A_557 = arith.index_cast %scan3A_348 : i32 to index
      %swap3A_558 = arith.constant 656 : index
      %swap3A_559 = tpu.vector_load %arg3[%swap3A_557, %swap3A_558] {strides = array<i32>} : memref<16x2048xi32, #tpu.memory_space<vmem>>, vector<1x16xi32>,
      %swap3A_560 = vector.shape_cast %swap3A_559 : vector<1x16xi32> to vector<16xi32>
      %swap3A_561 = vector.shape_cast %add3A_352 : vector<16xi32> to vector<1x16xi32>
      tpu.vector_store %arg3[%swap3A_557, %swap3A_558], %swap3A_561 {strides = array<i32>} : memref<16x2048xi32, #tpu.memory_space<vmem>>, vector<1x16xi32>,
      %swap3A_562 = arith.index_cast %scan3A_348 : i32 to index
      %swap3A_563 = arith.constant 672 : index
      %swap3A_564 = tpu.vector_load %arg3[%swap3A_562, %swap3A_563] {strides = array<i32>} : memref<16x2048xi32, #tpu.memory_space<vmem>>, vector<1x16xi32>,
      %swap3A_565 = vector.shape_cast %swap3A_564 : vector<1x16xi32> to vector<16xi32>
      %swap3A_566 = vector.shape_cast %add3A_352 : vector<16xi32> to vector<1x16xi32>
      tpu.vector_store %arg3[%swap3A_562, %swap3A_563], %swap3A_566 {strides = array<i32>} : memref<16x2048xi32, #tpu.memory_space<vmem>>, vector<1x16xi32>,
      %swap3A_567 = arith.index_cast %scan3A_348 : i32 to index
      %swap3A_568 = arith.constant 688 : index
      %swap3A_569 = tpu.vector_load %arg3[%swap3A_567, %swap3A_568] {strides = array<i32>} : memref<16x2048xi32, #tpu.memory_space<vmem>>, vector<1x16xi32>,
      %swap3A_570 = vector.shape_cast %swap3A_569 : vector<1x16xi32> to vector<16xi32>
      %swap3A_571 = vector.shape_cast %add3A_352 : vector<16xi32> to vector<1x16xi32>
      tpu.vector_store %arg3[%swap3A_567, %swap3A_568], %swap3A_571 {strides = array<i32>} : memref<16x2048xi32, #tpu.memory_space<vmem>>, vector<1x16xi32>,
      %swap3A_572 = arith.index_cast %scan3A_348 : i32 to index
      %swap3A_573 = arith.constant 704 : index
      %swap3A_574 = tpu.vector_load %arg3[%swap3A_572, %swap3A_573] {strides = array<i32>} : memref<16x2048xi32, #tpu.memory_space<vmem>>, vector<1x16xi32>,
      %swap3A_575 = vector.shape_cast %swap3A_574 : vector<1x16xi32> to vector<16xi32>
      %swap3A_576 = vector.shape_cast %add3A_352 : vector<16xi32> to vector<1x16xi32>
      tpu.vector_store %arg3[%swap3A_572, %swap3A_573], %swap3A_576 {strides = array<i32>} : memref<16x2048xi32, #tpu.memory_space<vmem>>, vector<1x16xi32>,
      %swap3A_577 = arith.index_cast %scan3A_348 : i32 to index
      %swap3A_578 = arith.constant 720 : index
      %swap3A_579 = tpu.vector_load %arg3[%swap3A_577, %swap3A_578] {strides = array<i32>} : memref<16x2048xi32, #tpu.memory_space<vmem>>, vector<1x16xi32>,
      %swap3A_580 = vector.shape_cast %swap3A_579 : vector<1x16xi32> to vector<16xi32>
      %swap3A_581 = vector.shape_cast %add3A_352 : vector<16xi32> to vector<1x16xi32>
      tpu.vector_store %arg3[%swap3A_577, %swap3A_578], %swap3A_581 {strides = array<i32>} : memref<16x2048xi32, #tpu.memory_space<vmem>>, vector<1x16xi32>,
      %swap3A_582 = arith.index_cast %scan3A_348 : i32 to index
      %swap3A_583 = arith.constant 736 : index
      %swap3A_584 = tpu.vector_load %arg3[%swap3A_582, %swap3A_583] {strides = array<i32>} : memref<16x2048xi32, #tpu.memory_space<vmem>>, vector<1x16xi32>,
      %swap3A_585 = vector.shape_cast %swap3A_584 : vector<1x16xi32> to vector<16xi32>
      %swap3A_586 = vector.shape_cast %add3A_352 : vector<16xi32> to vector<1x16xi32>
      tpu.vector_store %arg3[%swap3A_582, %swap3A_583], %swap3A_586 {strides = array<i32>} : memref<16x2048xi32, #tpu.memory_space<vmem>>, vector<1x16xi32>,
      %swap3A_587 = arith.index_cast %scan3A_348 : i32 to index
      %swap3A_588 = arith.constant 752 : index
      %swap3A_589 = tpu.vector_load %arg3[%swap3A_587, %swap3A_588] {strides = array<i32>} : memref<16x2048xi32, #tpu.memory_space<vmem>>, vector<1x16xi32>,
      %swap3A_590 = vector.shape_cast %swap3A_589 : vector<1x16xi32> to vector<16xi32>
      %swap3A_591 = vector.shape_cast %add3A_352 : vector<16xi32> to vector<1x16xi32>
      tpu.vector_store %arg3[%swap3A_587, %swap3A_588], %swap3A_591 {strides = array<i32>} : memref<16x2048xi32, #tpu.memory_space<vmem>>, vector<1x16xi32>,
      %swap3A_592 = arith.index_cast %scan3A_348 : i32 to index
      %swap3A_593 = arith.constant 768 : index
      %swap3A_594 = tpu.vector_load %arg3[%swap3A_592, %swap3A_593] {strides = array<i32>} : memref<16x2048xi32, #tpu.memory_space<vmem>>, vector<1x16xi32>,
      %swap3A_595 = vector.shape_cast %swap3A_594 : vector<1x16xi32> to vector<16xi32>
      %swap3A_596 = vector.shape_cast %add3A_352 : vector<16xi32> to vector<1x16xi32>
      tpu.vector_store %arg3[%swap3A_592, %swap3A_593], %swap3A_596 {strides = array<i32>} : memref<16x2048xi32, #tpu.memory_space<vmem>>, vector<1x16xi32>,
      %swap3A_597 = arith.index_cast %scan3A_348 : i32 to index
      %swap3A_598 = arith.constant 784 : index
      %swap3A_599 = tpu.vector_load %arg3[%swap3A_597, %swap3A_598] {strides = array<i32>} : memref<16x2048xi32, #tpu.memory_space<vmem>>, vector<1x16xi32>,
      %swap3A_600 = vector.shape_cast %swap3A_599 : vector<1x16xi32> to vector<16xi32>
      %swap3A_601 = vector.shape_cast %add3A_352 : vector<16xi32> to vector<1x16xi32>
      tpu.vector_store %arg3[%swap3A_597, %swap3A_598], %swap3A_601 {strides = array<i32>} : memref<16x2048xi32, #tpu.memory_space<vmem>>, vector<1x16xi32>,
      %swap3A_602 = arith.index_cast %scan3A_348 : i32 to index
      %swap3A_603 = arith.constant 800 : index
      %swap3A_604 = tpu.vector_load %arg3[%swap3A_602, %swap3A_603] {strides = array<i32>} : memref<16x2048xi32, #tpu.memory_space<vmem>>, vector<1x16xi32>,
      %swap3A_605 = vector.shape_cast %swap3A_604 : vector<1x16xi32> to vector<16xi32>
      %swap3A_606 = vector.shape_cast %add3A_352 : vector<16xi32> to vector<1x16xi32>
      tpu.vector_store %arg3[%swap3A_602, %swap3A_603], %swap3A_606 {strides = array<i32>} : memref<16x2048xi32, #tpu.memory_space<vmem>>, vector<1x16xi32>,
      %swap3A_607 = arith.index_cast %scan3A_348 : i32 to index
      %swap3A_608 = arith.constant 816 : index
      %swap3A_609 = tpu.vector_load %arg3[%swap3A_607, %swap3A_608] {strides = array<i32>} : memref<16x2048xi32, #tpu.memory_space<vmem>>, vector<1x16xi32>,
      %swap3A_610 = vector.shape_cast %swap3A_609 : vector<1x16xi32> to vector<16xi32>
      %swap3A_611 = vector.shape_cast %add3A_352 : vector<16xi32> to vector<1x16xi32>
      tpu.vector_store %arg3[%swap3A_607, %swap3A_608], %swap3A_611 {strides = array<i32>} : memref<16x2048xi32, #tpu.memory_space<vmem>>, vector<1x16xi32>,
      %swap3A_612 = arith.index_cast %scan3A_348 : i32 to index
      %swap3A_613 = arith.constant 832 : index
      %swap3A_614 = tpu.vector_load %arg3[%swap3A_612, %swap3A_613] {strides = array<i32>} : memref<16x2048xi32, #tpu.memory_space<vmem>>, vector<1x16xi32>,
      %swap3A_615 = vector.shape_cast %swap3A_614 : vector<1x16xi32> to vector<16xi32>
      %swap3A_616 = vector.shape_cast %add3A_352 : vector<16xi32> to vector<1x16xi32>
      tpu.vector_store %arg3[%swap3A_612, %swap3A_613], %swap3A_616 {strides = array<i32>} : memref<16x2048xi32, #tpu.memory_space<vmem>>, vector<1x16xi32>,
      %swap3A_617 = arith.index_cast %scan3A_348 : i32 to index
      %swap3A_618 = arith.constant 848 : index
      %swap3A_619 = tpu.vector_load %arg3[%swap3A_617, %swap3A_618] {strides = array<i32>} : memref<16x2048xi32, #tpu.memory_space<vmem>>, vector<1x16xi32>,
      %swap3A_620 = vector.shape_cast %swap3A_619 : vector<1x16xi32> to vector<16xi32>
      %swap3A_621 = vector.shape_cast %add3A_352 : vector<16xi32> to vector<1x16xi32>
      tpu.vector_store %arg3[%swap3A_617, %swap3A_618], %swap3A_621 {strides = array<i32>} : memref<16x2048xi32, #tpu.memory_space<vmem>>, vector<1x16xi32>,
      %swap3A_622 = arith.index_cast %scan3A_348 : i32 to index
      %swap3A_623 = arith.constant 864 : index
      %swap3A_624 = tpu.vector_load %arg3[%swap3A_622, %swap3A_623] {strides = array<i32>} : memref<16x2048xi32, #tpu.memory_space<vmem>>, vector<1x16xi32>,
      %swap3A_625 = vector.shape_cast %swap3A_624 : vector<1x16xi32> to vector<16xi32>
      %swap3A_626 = vector.shape_cast %add3A_352 : vector<16xi32> to vector<1x16xi32>
      tpu.vector_store %arg3[%swap3A_622, %swap3A_623], %swap3A_626 {strides = array<i32>} : memref<16x2048xi32, #tpu.memory_space<vmem>>, vector<1x16xi32>,
      %swap3A_627 = arith.index_cast %scan3A_348 : i32 to index
      %swap3A_628 = arith.constant 880 : index
      %swap3A_629 = tpu.vector_load %arg3[%swap3A_627, %swap3A_628] {strides = array<i32>} : memref<16x2048xi32, #tpu.memory_space<vmem>>, vector<1x16xi32>,
      %swap3A_630 = vector.shape_cast %swap3A_629 : vector<1x16xi32> to vector<16xi32>
      %swap3A_631 = vector.shape_cast %add3A_352 : vector<16xi32> to vector<1x16xi32>
      tpu.vector_store %arg3[%swap3A_627, %swap3A_628], %swap3A_631 {strides = array<i32>} : memref<16x2048xi32, #tpu.memory_space<vmem>>, vector<1x16xi32>,
      %swap3A_632 = arith.index_cast %scan3A_348 : i32 to index
      %swap3A_633 = arith.constant 896 : index
      %swap3A_634 = tpu.vector_load %arg3[%swap3A_632, %swap3A_633] {strides = array<i32>} : memref<16x2048xi32, #tpu.memory_space<vmem>>, vector<1x16xi32>,
      %swap3A_635 = vector.shape_cast %swap3A_634 : vector<1x16xi32> to vector<16xi32>
      %swap3A_636 = vector.shape_cast %add3A_352 : vector<16xi32> to vector<1x16xi32>
      tpu.vector_store %arg3[%swap3A_632, %swap3A_633], %swap3A_636 {strides = array<i32>} : memref<16x2048xi32, #tpu.memory_space<vmem>>, vector<1x16xi32>,
      %swap3A_637 = arith.index_cast %scan3A_348 : i32 to index
      %swap3A_638 = arith.constant 912 : index
      %swap3A_639 = tpu.vector_load %arg3[%swap3A_637, %swap3A_638] {strides = array<i32>} : memref<16x2048xi32, #tpu.memory_space<vmem>>, vector<1x16xi32>,
      %swap3A_640 = vector.shape_cast %swap3A_639 : vector<1x16xi32> to vector<16xi32>
      %swap3A_641 = vector.shape_cast %add3A_352 : vector<16xi32> to vector<1x16xi32>
      tpu.vector_store %arg3[%swap3A_637, %swap3A_638], %swap3A_641 {strides = array<i32>} : memref<16x2048xi32, #tpu.memory_space<vmem>>, vector<1x16xi32>,
      %swap3A_642 = arith.index_cast %scan3A_348 : i32 to index
      %swap3A_643 = arith.constant 928 : index
      %swap3A_644 = tpu.vector_load %arg3[%swap3A_642, %swap3A_643] {strides = array<i32>} : memref<16x2048xi32, #tpu.memory_space<vmem>>, vector<1x16xi32>,
      %swap3A_645 = vector.shape_cast %swap3A_644 : vector<1x16xi32> to vector<16xi32>
      %swap3A_646 = vector.shape_cast %add3A_352 : vector<16xi32> to vector<1x16xi32>
      tpu.vector_store %arg3[%swap3A_642, %swap3A_643], %swap3A_646 {strides = array<i32>} : memref<16x2048xi32, #tpu.memory_space<vmem>>, vector<1x16xi32>,
      %swap3A_647 = arith.index_cast %scan3A_348 : i32 to index
      %swap3A_648 = arith.constant 944 : index
      %swap3A_649 = tpu.vector_load %arg3[%swap3A_647, %swap3A_648] {strides = array<i32>} : memref<16x2048xi32, #tpu.memory_space<vmem>>, vector<1x16xi32>,
      %swap3A_650 = vector.shape_cast %swap3A_649 : vector<1x16xi32> to vector<16xi32>
      %swap3A_651 = vector.shape_cast %add3A_352 : vector<16xi32> to vector<1x16xi32>
      tpu.vector_store %arg3[%swap3A_647, %swap3A_648], %swap3A_651 {strides = array<i32>} : memref<16x2048xi32, #tpu.memory_space<vmem>>, vector<1x16xi32>,
      %swap3A_652 = arith.index_cast %scan3A_348 : i32 to index
      %swap3A_653 = arith.constant 960 : index
      %swap3A_654 = tpu.vector_load %arg3[%swap3A_652, %swap3A_653] {strides = array<i32>} : memref<16x2048xi32, #tpu.memory_space<vmem>>, vector<1x16xi32>,
      %swap3A_655 = vector.shape_cast %swap3A_654 : vector<1x16xi32> to vector<16xi32>
      %swap3A_656 = vector.shape_cast %add3A_352 : vector<16xi32> to vector<1x16xi32>
      tpu.vector_store %arg3[%swap3A_652, %swap3A_653], %swap3A_656 {strides = array<i32>} : memref<16x2048xi32, #tpu.memory_space<vmem>>, vector<1x16xi32>,
      %swap3A_657 = arith.index_cast %scan3A_348 : i32 to index
      %swap3A_658 = arith.constant 976 : index
      %swap3A_659 = tpu.vector_load %arg3[%swap3A_657, %swap3A_658] {strides = array<i32>} : memref<16x2048xi32, #tpu.memory_space<vmem>>, vector<1x16xi32>,
      %swap3A_660 = vector.shape_cast %swap3A_659 : vector<1x16xi32> to vector<16xi32>
      %swap3A_661 = vector.shape_cast %add3A_352 : vector<16xi32> to vector<1x16xi32>
      tpu.vector_store %arg3[%swap3A_657, %swap3A_658], %swap3A_661 {strides = array<i32>} : memref<16x2048xi32, #tpu.memory_space<vmem>>, vector<1x16xi32>,
      %swap3A_662 = arith.index_cast %scan3A_348 : i32 to index
      %swap3A_663 = arith.constant 992 : index
      %swap3A_664 = tpu.vector_load %arg3[%swap3A_662, %swap3A_663] {strides = array<i32>} : memref<16x2048xi32, #tpu.memory_space<vmem>>, vector<1x16xi32>,
      %swap3A_665 = vector.shape_cast %swap3A_664 : vector<1x16xi32> to vector<16xi32>
      %swap3A_666 = vector.shape_cast %add3A_352 : vector<16xi32> to vector<1x16xi32>
      tpu.vector_store %arg3[%swap3A_662, %swap3A_663], %swap3A_666 {strides = array<i32>} : memref<16x2048xi32, #tpu.memory_space<vmem>>, vector<1x16xi32>,
      %swap3A_667 = arith.index_cast %scan3A_348 : i32 to index
      %swap3A_668 = arith.constant 1008 : index
      %swap3A_669 = tpu.vector_load %arg3[%swap3A_667, %swap3A_668] {strides = array<i32>} : memref<16x2048xi32, #tpu.memory_space<vmem>>, vector<1x16xi32>,
      %swap3A_670 = vector.shape_cast %swap3A_669 : vector<1x16xi32> to vector<16xi32>
      %swap3A_671 = vector.shape_cast %add3A_352 : vector<16xi32> to vector<1x16xi32>
      tpu.vector_store %arg3[%swap3A_667, %swap3A_668], %swap3A_671 {strides = array<i32>} : memref<16x2048xi32, #tpu.memory_space<vmem>>, vector<1x16xi32>,
      %swap3A_672 = arith.index_cast %scan3A_348 : i32 to index
      %swap3A_673 = arith.constant 1024 : index
      %swap3A_674 = tpu.vector_load %arg3[%swap3A_672, %swap3A_673] {strides = array<i32>} : memref<16x2048xi32, #tpu.memory_space<vmem>>, vector<1x16xi32>,
      %swap3A_675 = vector.shape_cast %swap3A_674 : vector<1x16xi32> to vector<16xi32>
      %swap3A_676 = vector.shape_cast %add3A_352 : vector<16xi32> to vector<1x16xi32>
      tpu.vector_store %arg3[%swap3A_672, %swap3A_673], %swap3A_676 {strides = array<i32>} : memref<16x2048xi32, #tpu.memory_space<vmem>>, vector<1x16xi32>,
      %swap3A_677 = arith.index_cast %scan3A_348 : i32 to index
      %swap3A_678 = arith.constant 1040 : index
      %swap3A_679 = tpu.vector_load %arg3[%swap3A_677, %swap3A_678] {strides = array<i32>} : memref<16x2048xi32, #tpu.memory_space<vmem>>, vector<1x16xi32>,
      %swap3A_680 = vector.shape_cast %swap3A_679 : vector<1x16xi32> to vector<16xi32>
      %swap3A_681 = vector.shape_cast %add3A_352 : vector<16xi32> to vector<1x16xi32>
      tpu.vector_store %arg3[%swap3A_677, %swap3A_678], %swap3A_681 {strides = array<i32>} : memref<16x2048xi32, #tpu.memory_space<vmem>>, vector<1x16xi32>,
      %swap3A_682 = arith.index_cast %scan3A_348 : i32 to index
      %swap3A_683 = arith.constant 1056 : index
      %swap3A_684 = tpu.vector_load %arg3[%swap3A_682, %swap3A_683] {strides = array<i32>} : memref<16x2048xi32, #tpu.memory_space<vmem>>, vector<1x16xi32>,
      %swap3A_685 = vector.shape_cast %swap3A_684 : vector<1x16xi32> to vector<16xi32>
      %swap3A_686 = vector.shape_cast %add3A_352 : vector<16xi32> to vector<1x16xi32>
      tpu.vector_store %arg3[%swap3A_682, %swap3A_683], %swap3A_686 {strides = array<i32>} : memref<16x2048xi32, #tpu.memory_space<vmem>>, vector<1x16xi32>,
      %swap3A_687 = arith.index_cast %scan3A_348 : i32 to index
      %swap3A_688 = arith.constant 1072 : index
      %swap3A_689 = tpu.vector_load %arg3[%swap3A_687, %swap3A_688] {strides = array<i32>} : memref<16x2048xi32, #tpu.memory_space<vmem>>, vector<1x16xi32>,
      %swap3A_690 = vector.shape_cast %swap3A_689 : vector<1x16xi32> to vector<16xi32>
      %swap3A_691 = vector.shape_cast %add3A_352 : vector<16xi32> to vector<1x16xi32>
      tpu.vector_store %arg3[%swap3A_687, %swap3A_688], %swap3A_691 {strides = array<i32>} : memref<16x2048xi32, #tpu.memory_space<vmem>>, vector<1x16xi32>,
      %swap3A_692 = arith.index_cast %scan3A_348 : i32 to index
      %swap3A_693 = arith.constant 1088 : index
      %swap3A_694 = tpu.vector_load %arg3[%swap3A_692, %swap3A_693] {strides = array<i32>} : memref<16x2048xi32, #tpu.memory_space<vmem>>, vector<1x16xi32>,
      %swap3A_695 = vector.shape_cast %swap3A_694 : vector<1x16xi32> to vector<16xi32>
      %swap3A_696 = vector.shape_cast %add3A_352 : vector<16xi32> to vector<1x16xi32>
      tpu.vector_store %arg3[%swap3A_692, %swap3A_693], %swap3A_696 {strides = array<i32>} : memref<16x2048xi32, #tpu.memory_space<vmem>>, vector<1x16xi32>,
      %swap3A_697 = arith.index_cast %scan3A_348 : i32 to index
      %swap3A_698 = arith.constant 1104 : index
      %swap3A_699 = tpu.vector_load %arg3[%swap3A_697, %swap3A_698] {strides = array<i32>} : memref<16x2048xi32, #tpu.memory_space<vmem>>, vector<1x16xi32>,
      %swap3A_700 = vector.shape_cast %swap3A_699 : vector<1x16xi32> to vector<16xi32>
      %swap3A_701 = vector.shape_cast %add3A_352 : vector<16xi32> to vector<1x16xi32>
      tpu.vector_store %arg3[%swap3A_697, %swap3A_698], %swap3A_701 {strides = array<i32>} : memref<16x2048xi32, #tpu.memory_space<vmem>>, vector<1x16xi32>,
      %swap3A_702 = arith.index_cast %scan3A_348 : i32 to index
      %swap3A_703 = arith.constant 1120 : index
      %swap3A_704 = tpu.vector_load %arg3[%swap3A_702, %swap3A_703] {strides = array<i32>} : memref<16x2048xi32, #tpu.memory_space<vmem>>, vector<1x16xi32>,
      %swap3A_705 = vector.shape_cast %swap3A_704 : vector<1x16xi32> to vector<16xi32>
      %swap3A_706 = vector.shape_cast %add3A_352 : vector<16xi32> to vector<1x16xi32>
      tpu.vector_store %arg3[%swap3A_702, %swap3A_703], %swap3A_706 {strides = array<i32>} : memref<16x2048xi32, #tpu.memory_space<vmem>>, vector<1x16xi32>,
      %swap3A_707 = arith.index_cast %scan3A_348 : i32 to index
      %swap3A_708 = arith.constant 1136 : index
      %swap3A_709 = tpu.vector_load %arg3[%swap3A_707, %swap3A_708] {strides = array<i32>} : memref<16x2048xi32, #tpu.memory_space<vmem>>, vector<1x16xi32>,
      %swap3A_710 = vector.shape_cast %swap3A_709 : vector<1x16xi32> to vector<16xi32>
      %swap3A_711 = vector.shape_cast %add3A_352 : vector<16xi32> to vector<1x16xi32>
      tpu.vector_store %arg3[%swap3A_707, %swap3A_708], %swap3A_711 {strides = array<i32>} : memref<16x2048xi32, #tpu.memory_space<vmem>>, vector<1x16xi32>,
      %swap3A_712 = arith.index_cast %scan3A_348 : i32 to index
      %swap3A_713 = arith.constant 1152 : index
      %swap3A_714 = tpu.vector_load %arg3[%swap3A_712, %swap3A_713] {strides = array<i32>} : memref<16x2048xi32, #tpu.memory_space<vmem>>, vector<1x16xi32>,
      %swap3A_715 = vector.shape_cast %swap3A_714 : vector<1x16xi32> to vector<16xi32>
      %swap3A_716 = vector.shape_cast %add3A_352 : vector<16xi32> to vector<1x16xi32>
      tpu.vector_store %arg3[%swap3A_712, %swap3A_713], %swap3A_716 {strides = array<i32>} : memref<16x2048xi32, #tpu.memory_space<vmem>>, vector<1x16xi32>,
      %swap3A_717 = arith.index_cast %scan3A_348 : i32 to index
      %swap3A_718 = arith.constant 1168 : index
      %swap3A_719 = tpu.vector_load %arg3[%swap3A_717, %swap3A_718] {strides = array<i32>} : memref<16x2048xi32, #tpu.memory_space<vmem>>, vector<1x16xi32>,
      %swap3A_720 = vector.shape_cast %swap3A_719 : vector<1x16xi32> to vector<16xi32>
      %swap3A_721 = vector.shape_cast %add3A_352 : vector<16xi32> to vector<1x16xi32>
      tpu.vector_store %arg3[%swap3A_717, %swap3A_718], %swap3A_721 {strides = array<i32>} : memref<16x2048xi32, #tpu.memory_space<vmem>>, vector<1x16xi32>,
      %swap3A_722 = arith.index_cast %scan3A_348 : i32 to index
      %swap3A_723 = arith.constant 1184 : index
      %swap3A_724 = tpu.vector_load %arg3[%swap3A_722, %swap3A_723] {strides = array<i32>} : memref<16x2048xi32, #tpu.memory_space<vmem>>, vector<1x16xi32>,
      %swap3A_725 = vector.shape_cast %swap3A_724 : vector<1x16xi32> to vector<16xi32>
      %swap3A_726 = vector.shape_cast %add3A_352 : vector<16xi32> to vector<1x16xi32>
      tpu.vector_store %arg3[%swap3A_722, %swap3A_723], %swap3A_726 {strides = array<i32>} : memref<16x2048xi32, #tpu.memory_space<vmem>>, vector<1x16xi32>,
      %swap3A_727 = arith.index_cast %scan3A_348 : i32 to index
      %swap3A_728 = arith.constant 1200 : index
      %swap3A_729 = tpu.vector_load %arg3[%swap3A_727, %swap3A_728] {strides = array<i32>} : memref<16x2048xi32, #tpu.memory_space<vmem>>, vector<1x16xi32>,
      %swap3A_730 = vector.shape_cast %swap3A_729 : vector<1x16xi32> to vector<16xi32>
      %swap3A_731 = vector.shape_cast %add3A_352 : vector<16xi32> to vector<1x16xi32>
      tpu.vector_store %arg3[%swap3A_727, %swap3A_728], %swap3A_731 {strides = array<i32>} : memref<16x2048xi32, #tpu.memory_space<vmem>>, vector<1x16xi32>,
      %swap3A_732 = arith.index_cast %scan3A_348 : i32 to index
      %swap3A_733 = arith.constant 1216 : index
      %swap3A_734 = tpu.vector_load %arg3[%swap3A_732, %swap3A_733] {strides = array<i32>} : memref<16x2048xi32, #tpu.memory_space<vmem>>, vector<1x16xi32>,
      %swap3A_735 = vector.shape_cast %swap3A_734 : vector<1x16xi32> to vector<16xi32>
      %swap3A_736 = vector.shape_cast %add3A_352 : vector<16xi32> to vector<1x16xi32>
      tpu.vector_store %arg3[%swap3A_732, %swap3A_733], %swap3A_736 {strides = array<i32>} : memref<16x2048xi32, #tpu.memory_space<vmem>>, vector<1x16xi32>,
      %swap3A_737 = arith.index_cast %scan3A_348 : i32 to index
      %swap3A_738 = arith.constant 1232 : index
      %swap3A_739 = tpu.vector_load %arg3[%swap3A_737, %swap3A_738] {strides = array<i32>} : memref<16x2048xi32, #tpu.memory_space<vmem>>, vector<1x16xi32>,
      %swap3A_740 = vector.shape_cast %swap3A_739 : vector<1x16xi32> to vector<16xi32>
      %swap3A_741 = vector.shape_cast %add3A_352 : vector<16xi32> to vector<1x16xi32>
      tpu.vector_store %arg3[%swap3A_737, %swap3A_738], %swap3A_741 {strides = array<i32>} : memref<16x2048xi32, #tpu.memory_space<vmem>>, vector<1x16xi32>,
      %swap3A_742 = arith.index_cast %scan3A_348 : i32 to index
      %swap3A_743 = arith.constant 1248 : index
      %swap3A_744 = tpu.vector_load %arg3[%swap3A_742, %swap3A_743] {strides = array<i32>} : memref<16x2048xi32, #tpu.memory_space<vmem>>, vector<1x16xi32>,
      %swap3A_745 = vector.shape_cast %swap3A_744 : vector<1x16xi32> to vector<16xi32>
      %swap3A_746 = vector.shape_cast %add3A_352 : vector<16xi32> to vector<1x16xi32>
      tpu.vector_store %arg3[%swap3A_742, %swap3A_743], %swap3A_746 {strides = array<i32>} : memref<16x2048xi32, #tpu.memory_space<vmem>>, vector<1x16xi32>,
      %swap3A_747 = arith.index_cast %scan3A_348 : i32 to index
      %swap3A_748 = arith.constant 1264 : index
      %swap3A_749 = tpu.vector_load %arg3[%swap3A_747, %swap3A_748] {strides = array<i32>} : memref<16x2048xi32, #tpu.memory_space<vmem>>, vector<1x16xi32>,
      %swap3A_750 = vector.shape_cast %swap3A_749 : vector<1x16xi32> to vector<16xi32>
      %swap3A_751 = vector.shape_cast %add3A_352 : vector<16xi32> to vector<1x16xi32>
      tpu.vector_store %arg3[%swap3A_747, %swap3A_748], %swap3A_751 {strides = array<i32>} : memref<16x2048xi32, #tpu.memory_space<vmem>>, vector<1x16xi32>,
      %swap3A_752 = arith.index_cast %scan3A_348 : i32 to index
      %swap3A_753 = arith.constant 1280 : index
      %swap3A_754 = tpu.vector_load %arg3[%swap3A_752, %swap3A_753] {strides = array<i32>} : memref<16x2048xi32, #tpu.memory_space<vmem>>, vector<1x16xi32>,
      %swap3A_755 = vector.shape_cast %swap3A_754 : vector<1x16xi32> to vector<16xi32>
      %swap3A_756 = vector.shape_cast %add3A_352 : vector<16xi32> to vector<1x16xi32>
      tpu.vector_store %arg3[%swap3A_752, %swap3A_753], %swap3A_756 {strides = array<i32>} : memref<16x2048xi32, #tpu.memory_space<vmem>>, vector<1x16xi32>,
      %swap3A_757 = arith.index_cast %scan3A_348 : i32 to index
      %swap3A_758 = arith.constant 1296 : index
      %swap3A_759 = tpu.vector_load %arg3[%swap3A_757, %swap3A_758] {strides = array<i32>} : memref<16x2048xi32, #tpu.memory_space<vmem>>, vector<1x16xi32>,
      %swap3A_760 = vector.shape_cast %swap3A_759 : vector<1x16xi32> to vector<16xi32>
      %swap3A_761 = vector.shape_cast %add3A_352 : vector<16xi32> to vector<1x16xi32>
      tpu.vector_store %arg3[%swap3A_757, %swap3A_758], %swap3A_761 {strides = array<i32>} : memref<16x2048xi32, #tpu.memory_space<vmem>>, vector<1x16xi32>,
      %swap3A_762 = arith.index_cast %scan3A_348 : i32 to index
      %swap3A_763 = arith.constant 1312 : index
      %swap3A_764 = tpu.vector_load %arg3[%swap3A_762, %swap3A_763] {strides = array<i32>} : memref<16x2048xi32, #tpu.memory_space<vmem>>, vector<1x16xi32>,
      %swap3A_765 = vector.shape_cast %swap3A_764 : vector<1x16xi32> to vector<16xi32>
      %swap3A_766 = vector.shape_cast %add3A_352 : vector<16xi32> to vector<1x16xi32>
      tpu.vector_store %arg3[%swap3A_762, %swap3A_763], %swap3A_766 {strides = array<i32>} : memref<16x2048xi32, #tpu.memory_space<vmem>>, vector<1x16xi32>,
      %swap3A_767 = arith.index_cast %scan3A_348 : i32 to index
      %swap3A_768 = arith.constant 1328 : index
      %swap3A_769 = tpu.vector_load %arg3[%swap3A_767, %swap3A_768] {strides = array<i32>} : memref<16x2048xi32, #tpu.memory_space<vmem>>, vector<1x16xi32>,
      %swap3A_770 = vector.shape_cast %swap3A_769 : vector<1x16xi32> to vector<16xi32>
      %swap3A_771 = vector.shape_cast %add3A_352 : vector<16xi32> to vector<1x16xi32>
      tpu.vector_store %arg3[%swap3A_767, %swap3A_768], %swap3A_771 {strides = array<i32>} : memref<16x2048xi32, #tpu.memory_space<vmem>>, vector<1x16xi32>,
      %swap3A_772 = arith.index_cast %scan3A_348 : i32 to index
      %swap3A_773 = arith.constant 1344 : index
      %swap3A_774 = tpu.vector_load %arg3[%swap3A_772, %swap3A_773] {strides = array<i32>} : memref<16x2048xi32, #tpu.memory_space<vmem>>, vector<1x16xi32>,
      %swap3A_775 = vector.shape_cast %swap3A_774 : vector<1x16xi32> to vector<16xi32>
      %swap3A_776 = vector.shape_cast %add3A_352 : vector<16xi32> to vector<1x16xi32>
      tpu.vector_store %arg3[%swap3A_772, %swap3A_773], %swap3A_776 {strides = array<i32>} : memref<16x2048xi32, #tpu.memory_space<vmem>>, vector<1x16xi32>,
      %swap3A_777 = arith.index_cast %scan3A_348 : i32 to index
      %swap3A_778 = arith.constant 1360 : index
      %swap3A_779 = tpu.vector_load %arg3[%swap3A_777, %swap3A_778] {strides = array<i32>} : memref<16x2048xi32, #tpu.memory_space<vmem>>, vector<1x16xi32>,
      %swap3A_780 = vector.shape_cast %swap3A_779 : vector<1x16xi32> to vector<16xi32>
      %swap3A_781 = vector.shape_cast %add3A_352 : vector<16xi32> to vector<1x16xi32>
      tpu.vector_store %arg3[%swap3A_777, %swap3A_778], %swap3A_781 {strides = array<i32>} : memref<16x2048xi32, #tpu.memory_space<vmem>>, vector<1x16xi32>,
      %swap3A_782 = arith.index_cast %scan3A_348 : i32 to index
      %swap3A_783 = arith.constant 1376 : index
      %swap3A_784 = tpu.vector_load %arg3[%swap3A_782, %swap3A_783] {strides = array<i32>} : memref<16x2048xi32, #tpu.memory_space<vmem>>, vector<1x16xi32>,
      %swap3A_785 = vector.shape_cast %swap3A_784 : vector<1x16xi32> to vector<16xi32>
      %swap3A_786 = vector.shape_cast %add3A_352 : vector<16xi32> to vector<1x16xi32>
      tpu.vector_store %arg3[%swap3A_782, %swap3A_783], %swap3A_786 {strides = array<i32>} : memref<16x2048xi32, #tpu.memory_space<vmem>>, vector<1x16xi32>,
      %swap3A_787 = arith.index_cast %scan3A_348 : i32 to index
      %swap3A_788 = arith.constant 1392 : index
      %swap3A_789 = tpu.vector_load %arg3[%swap3A_787, %swap3A_788] {strides = array<i32>} : memref<16x2048xi32, #tpu.memory_space<vmem>>, vector<1x16xi32>,
      %swap3A_790 = vector.shape_cast %swap3A_789 : vector<1x16xi32> to vector<16xi32>
      %swap3A_791 = vector.shape_cast %add3A_352 : vector<16xi32> to vector<1x16xi32>
      tpu.vector_store %arg3[%swap3A_787, %swap3A_788], %swap3A_791 {strides = array<i32>} : memref<16x2048xi32, #tpu.memory_space<vmem>>, vector<1x16xi32>,
      %swap3A_792 = arith.index_cast %scan3A_348 : i32 to index
      %swap3A_793 = arith.constant 1408 : index
      %swap3A_794 = tpu.vector_load %arg3[%swap3A_792, %swap3A_793] {strides = array<i32>} : memref<16x2048xi32, #tpu.memory_space<vmem>>, vector<1x16xi32>,
      %swap3A_795 = vector.shape_cast %swap3A_794 : vector<1x16xi32> to vector<16xi32>
      %swap3A_796 = vector.shape_cast %add3A_352 : vector<16xi32> to vector<1x16xi32>
      tpu.vector_store %arg3[%swap3A_792, %swap3A_793], %swap3A_796 {strides = array<i32>} : memref<16x2048xi32, #tpu.memory_space<vmem>>, vector<1x16xi32>,
      %swap3A_797 = arith.index_cast %scan3A_348 : i32 to index
      %swap3A_798 = arith.constant 1424 : index
      %swap3A_799 = tpu.vector_load %arg3[%swap3A_797, %swap3A_798] {strides = array<i32>} : memref<16x2048xi32, #tpu.memory_space<vmem>>, vector<1x16xi32>,
      %swap3A_800 = vector.shape_cast %swap3A_799 : vector<1x16xi32> to vector<16xi32>
      %swap3A_801 = vector.shape_cast %add3A_352 : vector<16xi32> to vector<1x16xi32>
      tpu.vector_store %arg3[%swap3A_797, %swap3A_798], %swap3A_801 {strides = array<i32>} : memref<16x2048xi32, #tpu.memory_space<vmem>>, vector<1x16xi32>,
      %swap3A_802 = arith.index_cast %scan3A_348 : i32 to index
      %swap3A_803 = arith.constant 1440 : index
      %swap3A_804 = tpu.vector_load %arg3[%swap3A_802, %swap3A_803] {strides = array<i32>} : memref<16x2048xi32, #tpu.memory_space<vmem>>, vector<1x16xi32>,
      %swap3A_805 = vector.shape_cast %swap3A_804 : vector<1x16xi32> to vector<16xi32>
      %swap3A_806 = vector.shape_cast %add3A_352 : vector<16xi32> to vector<1x16xi32>
      tpu.vector_store %arg3[%swap3A_802, %swap3A_803], %swap3A_806 {strides = array<i32>} : memref<16x2048xi32, #tpu.memory_space<vmem>>, vector<1x16xi32>,
      %swap3A_807 = arith.index_cast %scan3A_348 : i32 to index
      %swap3A_808 = arith.constant 1456 : index
      %swap3A_809 = tpu.vector_load %arg3[%swap3A_807, %swap3A_808] {strides = array<i32>} : memref<16x2048xi32, #tpu.memory_space<vmem>>, vector<1x16xi32>,
      %swap3A_810 = vector.shape_cast %swap3A_809 : vector<1x16xi32> to vector<16xi32>
      %swap3A_811 = vector.shape_cast %add3A_352 : vector<16xi32> to vector<1x16xi32>
      tpu.vector_store %arg3[%swap3A_807, %swap3A_808], %swap3A_811 {strides = array<i32>} : memref<16x2048xi32, #tpu.memory_space<vmem>>, vector<1x16xi32>,
      %swap3A_812 = arith.index_cast %scan3A_348 : i32 to index
      %swap3A_813 = arith.constant 1472 : index
      %swap3A_814 = tpu.vector_load %arg3[%swap3A_812, %swap3A_813] {strides = array<i32>} : memref<16x2048xi32, #tpu.memory_space<vmem>>, vector<1x16xi32>,
      %swap3A_815 = vector.shape_cast %swap3A_814 : vector<1x16xi32> to vector<16xi32>
      %swap3A_816 = vector.shape_cast %add3A_352 : vector<16xi32> to vector<1x16xi32>
      tpu.vector_store %arg3[%swap3A_812, %swap3A_813], %swap3A_816 {strides = array<i32>} : memref<16x2048xi32, #tpu.memory_space<vmem>>, vector<1x16xi32>,
      %swap3A_817 = arith.index_cast %scan3A_348 : i32 to index
      %swap3A_818 = arith.constant 1488 : index
      %swap3A_819 = tpu.vector_load %arg3[%swap3A_817, %swap3A_818] {strides = array<i32>} : memref<16x2048xi32, #tpu.memory_space<vmem>>, vector<1x16xi32>,
      %swap3A_820 = vector.shape_cast %swap3A_819 : vector<1x16xi32> to vector<16xi32>
      %swap3A_821 = vector.shape_cast %add3A_352 : vector<16xi32> to vector<1x16xi32>
      tpu.vector_store %arg3[%swap3A_817, %swap3A_818], %swap3A_821 {strides = array<i32>} : memref<16x2048xi32, #tpu.memory_space<vmem>>, vector<1x16xi32>,
      %swap3A_822 = arith.index_cast %scan3A_348 : i32 to index
      %swap3A_823 = arith.constant 1504 : index
      %swap3A_824 = tpu.vector_load %arg3[%swap3A_822, %swap3A_823] {strides = array<i32>} : memref<16x2048xi32, #tpu.memory_space<vmem>>, vector<1x16xi32>,
      %swap3A_825 = vector.shape_cast %swap3A_824 : vector<1x16xi32> to vector<16xi32>
      %swap3A_826 = vector.shape_cast %add3A_352 : vector<16xi32> to vector<1x16xi32>
      tpu.vector_store %arg3[%swap3A_822, %swap3A_823], %swap3A_826 {strides = array<i32>} : memref<16x2048xi32, #tpu.memory_space<vmem>>, vector<1x16xi32>,
      %swap3A_827 = arith.index_cast %scan3A_348 : i32 to index
      %swap3A_828 = arith.constant 1520 : index
      %swap3A_829 = tpu.vector_load %arg3[%swap3A_827, %swap3A_828] {strides = array<i32>} : memref<16x2048xi32, #tpu.memory_space<vmem>>, vector<1x16xi32>,
      %swap3A_830 = vector.shape_cast %swap3A_829 : vector<1x16xi32> to vector<16xi32>
      %swap3A_831 = vector.shape_cast %add3A_352 : vector<16xi32> to vector<1x16xi32>
      tpu.vector_store %arg3[%swap3A_827, %swap3A_828], %swap3A_831 {strides = array<i32>} : memref<16x2048xi32, #tpu.memory_space<vmem>>, vector<1x16xi32>,
      %swap3A_832 = arith.index_cast %scan3A_348 : i32 to index
      %swap3A_833 = arith.constant 1536 : index
      %swap3A_834 = tpu.vector_load %arg3[%swap3A_832, %swap3A_833] {strides = array<i32>} : memref<16x2048xi32, #tpu.memory_space<vmem>>, vector<1x16xi32>,
      %swap3A_835 = vector.shape_cast %swap3A_834 : vector<1x16xi32> to vector<16xi32>
      %swap3A_836 = vector.shape_cast %add3A_352 : vector<16xi32> to vector<1x16xi32>
      tpu.vector_store %arg3[%swap3A_832, %swap3A_833], %swap3A_836 {strides = array<i32>} : memref<16x2048xi32, #tpu.memory_space<vmem>>, vector<1x16xi32>,
      %swap3A_837 = arith.index_cast %scan3A_348 : i32 to index
      %swap3A_838 = arith.constant 1552 : index
      %swap3A_839 = tpu.vector_load %arg3[%swap3A_837, %swap3A_838] {strides = array<i32>} : memref<16x2048xi32, #tpu.memory_space<vmem>>, vector<1x16xi32>,
      %swap3A_840 = vector.shape_cast %swap3A_839 : vector<1x16xi32> to vector<16xi32>
      %swap3A_841 = vector.shape_cast %add3A_352 : vector<16xi32> to vector<1x16xi32>
      tpu.vector_store %arg3[%swap3A_837, %swap3A_838], %swap3A_841 {strides = array<i32>} : memref<16x2048xi32, #tpu.memory_space<vmem>>, vector<1x16xi32>,
      %swap3A_842 = arith.index_cast %scan3A_348 : i32 to index
      %swap3A_843 = arith.constant 1568 : index
      %swap3A_844 = tpu.vector_load %arg3[%swap3A_842, %swap3A_843] {strides = array<i32>} : memref<16x2048xi32, #tpu.memory_space<vmem>>, vector<1x16xi32>,
      %swap3A_845 = vector.shape_cast %swap3A_844 : vector<1x16xi32> to vector<16xi32>
      %swap3A_846 = vector.shape_cast %add3A_352 : vector<16xi32> to vector<1x16xi32>
      tpu.vector_store %arg3[%swap3A_842, %swap3A_843], %swap3A_846 {strides = array<i32>} : memref<16x2048xi32, #tpu.memory_space<vmem>>, vector<1x16xi32>,
      %swap3A_847 = arith.index_cast %scan3A_348 : i32 to index
      %swap3A_848 = arith.constant 1584 : index
      %swap3A_849 = tpu.vector_load %arg3[%swap3A_847, %swap3A_848] {strides = array<i32>} : memref<16x2048xi32, #tpu.memory_space<vmem>>, vector<1x16xi32>,
      %swap3A_850 = vector.shape_cast %swap3A_849 : vector<1x16xi32> to vector<16xi32>
      %swap3A_851 = vector.shape_cast %add3A_352 : vector<16xi32> to vector<1x16xi32>
      tpu.vector_store %arg3[%swap3A_847, %swap3A_848], %swap3A_851 {strides = array<i32>} : memref<16x2048xi32, #tpu.memory_space<vmem>>, vector<1x16xi32>,
      %swap3A_852 = arith.index_cast %scan3A_348 : i32 to index
      %swap3A_853 = arith.constant 1600 : index
      %swap3A_854 = tpu.vector_load %arg3[%swap3A_852, %swap3A_853] {strides = array<i32>} : memref<16x2048xi32, #tpu.memory_space<vmem>>, vector<1x16xi32>,
      %swap3A_855 = vector.shape_cast %swap3A_854 : vector<1x16xi32> to vector<16xi32>
      %swap3A_856 = vector.shape_cast %add3A_352 : vector<16xi32> to vector<1x16xi32>
      tpu.vector_store %arg3[%swap3A_852, %swap3A_853], %swap3A_856 {strides = array<i32>} : memref<16x2048xi32, #tpu.memory_space<vmem>>, vector<1x16xi32>,
      %swap3A_857 = arith.index_cast %scan3A_348 : i32 to index
      %swap3A_858 = arith.constant 1616 : index
      %swap3A_859 = tpu.vector_load %arg3[%swap3A_857, %swap3A_858] {strides = array<i32>} : memref<16x2048xi32, #tpu.memory_space<vmem>>, vector<1x16xi32>,
      %swap3A_860 = vector.shape_cast %swap3A_859 : vector<1x16xi32> to vector<16xi32>
      %swap3A_861 = vector.shape_cast %add3A_352 : vector<16xi32> to vector<1x16xi32>
      tpu.vector_store %arg3[%swap3A_857, %swap3A_858], %swap3A_861 {strides = array<i32>} : memref<16x2048xi32, #tpu.memory_space<vmem>>, vector<1x16xi32>,
      %swap3A_862 = arith.index_cast %scan3A_348 : i32 to index
      %swap3A_863 = arith.constant 1632 : index
      %swap3A_864 = tpu.vector_load %arg3[%swap3A_862, %swap3A_863] {strides = array<i32>} : memref<16x2048xi32, #tpu.memory_space<vmem>>, vector<1x16xi32>,
      %swap3A_865 = vector.shape_cast %swap3A_864 : vector<1x16xi32> to vector<16xi32>
      %swap3A_866 = vector.shape_cast %add3A_352 : vector<16xi32> to vector<1x16xi32>
      tpu.vector_store %arg3[%swap3A_862, %swap3A_863], %swap3A_866 {strides = array<i32>} : memref<16x2048xi32, #tpu.memory_space<vmem>>, vector<1x16xi32>,
      %swap3A_867 = arith.index_cast %scan3A_348 : i32 to index
      %swap3A_868 = arith.constant 1648 : index
      %swap3A_869 = tpu.vector_load %arg3[%swap3A_867, %swap3A_868] {strides = array<i32>} : memref<16x2048xi32, #tpu.memory_space<vmem>>, vector<1x16xi32>,
      %swap3A_870 = vector.shape_cast %swap3A_869 : vector<1x16xi32> to vector<16xi32>
      %swap3A_871 = vector.shape_cast %add3A_352 : vector<16xi32> to vector<1x16xi32>
      tpu.vector_store %arg3[%swap3A_867, %swap3A_868], %swap3A_871 {strides = array<i32>} : memref<16x2048xi32, #tpu.memory_space<vmem>>, vector<1x16xi32>,
      %swap3A_872 = arith.index_cast %scan3A_348 : i32 to index
      %swap3A_873 = arith.constant 1664 : index
      %swap3A_874 = tpu.vector_load %arg3[%swap3A_872, %swap3A_873] {strides = array<i32>} : memref<16x2048xi32, #tpu.memory_space<vmem>>, vector<1x16xi32>,
      %swap3A_875 = vector.shape_cast %swap3A_874 : vector<1x16xi32> to vector<16xi32>
      %swap3A_876 = vector.shape_cast %add3A_352 : vector<16xi32> to vector<1x16xi32>
      tpu.vector_store %arg3[%swap3A_872, %swap3A_873], %swap3A_876 {strides = array<i32>} : memref<16x2048xi32, #tpu.memory_space<vmem>>, vector<1x16xi32>,
      %swap3A_877 = arith.index_cast %scan3A_348 : i32 to index
      %swap3A_878 = arith.constant 1680 : index
      %swap3A_879 = tpu.vector_load %arg3[%swap3A_877, %swap3A_878] {strides = array<i32>} : memref<16x2048xi32, #tpu.memory_space<vmem>>, vector<1x16xi32>,
      %swap3A_880 = vector.shape_cast %swap3A_879 : vector<1x16xi32> to vector<16xi32>
      %swap3A_881 = vector.shape_cast %add3A_352 : vector<16xi32> to vector<1x16xi32>
      tpu.vector_store %arg3[%swap3A_877, %swap3A_878], %swap3A_881 {strides = array<i32>} : memref<16x2048xi32, #tpu.memory_space<vmem>>, vector<1x16xi32>,
      %swap3A_882 = arith.index_cast %scan3A_348 : i32 to index
      %swap3A_883 = arith.constant 1696 : index
      %swap3A_884 = tpu.vector_load %arg3[%swap3A_882, %swap3A_883] {strides = array<i32>} : memref<16x2048xi32, #tpu.memory_space<vmem>>, vector<1x16xi32>,
      %swap3A_885 = vector.shape_cast %swap3A_884 : vector<1x16xi32> to vector<16xi32>
      %swap3A_886 = vector.shape_cast %add3A_352 : vector<16xi32> to vector<1x16xi32>
      tpu.vector_store %arg3[%swap3A_882, %swap3A_883], %swap3A_886 {strides = array<i32>} : memref<16x2048xi32, #tpu.memory_space<vmem>>, vector<1x16xi32>,
      %swap3A_887 = arith.index_cast %scan3A_348 : i32 to index
      %swap3A_888 = arith.constant 1712 : index
      %swap3A_889 = tpu.vector_load %arg3[%swap3A_887, %swap3A_888] {strides = array<i32>} : memref<16x2048xi32, #tpu.memory_space<vmem>>, vector<1x16xi32>,
      %swap3A_890 = vector.shape_cast %swap3A_889 : vector<1x16xi32> to vector<16xi32>
      %swap3A_891 = vector.shape_cast %add3A_352 : vector<16xi32> to vector<1x16xi32>
      tpu.vector_store %arg3[%swap3A_887, %swap3A_888], %swap3A_891 {strides = array<i32>} : memref<16x2048xi32, #tpu.memory_space<vmem>>, vector<1x16xi32>,
      %swap3A_892 = arith.index_cast %scan3A_348 : i32 to index
      %swap3A_893 = arith.constant 1728 : index
      %swap3A_894 = tpu.vector_load %arg3[%swap3A_892, %swap3A_893] {strides = array<i32>} : memref<16x2048xi32, #tpu.memory_space<vmem>>, vector<1x16xi32>,
      %swap3A_895 = vector.shape_cast %swap3A_894 : vector<1x16xi32> to vector<16xi32>
      %swap3A_896 = vector.shape_cast %add3A_352 : vector<16xi32> to vector<1x16xi32>
      tpu.vector_store %arg3[%swap3A_892, %swap3A_893], %swap3A_896 {strides = array<i32>} : memref<16x2048xi32, #tpu.memory_space<vmem>>, vector<1x16xi32>,
      %swap3A_897 = arith.index_cast %scan3A_348 : i32 to index
      %swap3A_898 = arith.constant 1744 : index
      %swap3A_899 = tpu.vector_load %arg3[%swap3A_897, %swap3A_898] {strides = array<i32>} : memref<16x2048xi32, #tpu.memory_space<vmem>>, vector<1x16xi32>,
      %swap3A_900 = vector.shape_cast %swap3A_899 : vector<1x16xi32> to vector<16xi32>
      %swap3A_901 = vector.shape_cast %add3A_352 : vector<16xi32> to vector<1x16xi32>
      tpu.vector_store %arg3[%swap3A_897, %swap3A_898], %swap3A_901 {strides = array<i32>} : memref<16x2048xi32, #tpu.memory_space<vmem>>, vector<1x16xi32>,
      %swap3A_902 = arith.index_cast %scan3A_348 : i32 to index
      %swap3A_903 = arith.constant 1760 : index
      %swap3A_904 = tpu.vector_load %arg3[%swap3A_902, %swap3A_903] {strides = array<i32>} : memref<16x2048xi32, #tpu.memory_space<vmem>>, vector<1x16xi32>,
      %swap3A_905 = vector.shape_cast %swap3A_904 : vector<1x16xi32> to vector<16xi32>
      %swap3A_906 = vector.shape_cast %add3A_352 : vector<16xi32> to vector<1x16xi32>
      tpu.vector_store %arg3[%swap3A_902, %swap3A_903], %swap3A_906 {strides = array<i32>} : memref<16x2048xi32, #tpu.memory_space<vmem>>, vector<1x16xi32>,
      %swap3A_907 = arith.index_cast %scan3A_348 : i32 to index
      %swap3A_908 = arith.constant 1776 : index
      %swap3A_909 = tpu.vector_load %arg3[%swap3A_907, %swap3A_908] {strides = array<i32>} : memref<16x2048xi32, #tpu.memory_space<vmem>>, vector<1x16xi32>,
      %swap3A_910 = vector.shape_cast %swap3A_909 : vector<1x16xi32> to vector<16xi32>
      %swap3A_911 = vector.shape_cast %add3A_352 : vector<16xi32> to vector<1x16xi32>
      tpu.vector_store %arg3[%swap3A_907, %swap3A_908], %swap3A_911 {strides = array<i32>} : memref<16x2048xi32, #tpu.memory_space<vmem>>, vector<1x16xi32>,
      %swap3A_912 = arith.index_cast %scan3A_348 : i32 to index
      %swap3A_913 = arith.constant 1792 : index
      %swap3A_914 = tpu.vector_load %arg3[%swap3A_912, %swap3A_913] {strides = array<i32>} : memref<16x2048xi32, #tpu.memory_space<vmem>>, vector<1x16xi32>,
      %swap3A_915 = vector.shape_cast %swap3A_914 : vector<1x16xi32> to vector<16xi32>
      %swap3A_916 = vector.shape_cast %add3A_352 : vector<16xi32> to vector<1x16xi32>
      tpu.vector_store %arg3[%swap3A_912, %swap3A_913], %swap3A_916 {strides = array<i32>} : memref<16x2048xi32, #tpu.memory_space<vmem>>, vector<1x16xi32>,
      %swap3A_917 = arith.index_cast %scan3A_348 : i32 to index
      %swap3A_918 = arith.constant 1808 : index
      %swap3A_919 = tpu.vector_load %arg3[%swap3A_917, %swap3A_918] {strides = array<i32>} : memref<16x2048xi32, #tpu.memory_space<vmem>>, vector<1x16xi32>,
      %swap3A_920 = vector.shape_cast %swap3A_919 : vector<1x16xi32> to vector<16xi32>
      %swap3A_921 = vector.shape_cast %add3A_352 : vector<16xi32> to vector<1x16xi32>
      tpu.vector_store %arg3[%swap3A_917, %swap3A_918], %swap3A_921 {strides = array<i32>} : memref<16x2048xi32, #tpu.memory_space<vmem>>, vector<1x16xi32>,
      %swap3A_922 = arith.index_cast %scan3A_348 : i32 to index
      %swap3A_923 = arith.constant 1824 : index
      %swap3A_924 = tpu.vector_load %arg3[%swap3A_922, %swap3A_923] {strides = array<i32>} : memref<16x2048xi32, #tpu.memory_space<vmem>>, vector<1x16xi32>,
      %swap3A_925 = vector.shape_cast %swap3A_924 : vector<1x16xi32> to vector<16xi32>
      %swap3A_926 = vector.shape_cast %add3A_352 : vector<16xi32> to vector<1x16xi32>
      tpu.vector_store %arg3[%swap3A_922, %swap3A_923], %swap3A_926 {strides = array<i32>} : memref<16x2048xi32, #tpu.memory_space<vmem>>, vector<1x16xi32>,
      %swap3A_927 = arith.index_cast %scan3A_348 : i32 to index
      %swap3A_928 = arith.constant 1840 : index
      %swap3A_929 = tpu.vector_load %arg3[%swap3A_927, %swap3A_928] {strides = array<i32>} : memref<16x2048xi32, #tpu.memory_space<vmem>>, vector<1x16xi32>,
      %swap3A_930 = vector.shape_cast %swap3A_929 : vector<1x16xi32> to vector<16xi32>
      %swap3A_931 = vector.shape_cast %add3A_352 : vector<16xi32> to vector<1x16xi32>
      tpu.vector_store %arg3[%swap3A_927, %swap3A_928], %swap3A_931 {strides = array<i32>} : memref<16x2048xi32, #tpu.memory_space<vmem>>, vector<1x16xi32>,
      %swap3A_932 = arith.index_cast %scan3A_348 : i32 to index
      %swap3A_933 = arith.constant 1856 : index
      %swap3A_934 = tpu.vector_load %arg3[%swap3A_932, %swap3A_933] {strides = array<i32>} : memref<16x2048xi32, #tpu.memory_space<vmem>>, vector<1x16xi32>,
      %swap3A_935 = vector.shape_cast %swap3A_934 : vector<1x16xi32> to vector<16xi32>
      %swap3A_936 = vector.shape_cast %add3A_352 : vector<16xi32> to vector<1x16xi32>
      tpu.vector_store %arg3[%swap3A_932, %swap3A_933], %swap3A_936 {strides = array<i32>} : memref<16x2048xi32, #tpu.memory_space<vmem>>, vector<1x16xi32>,
      %swap3A_937 = arith.index_cast %scan3A_348 : i32 to index
      %swap3A_938 = arith.constant 1872 : index
      %swap3A_939 = tpu.vector_load %arg3[%swap3A_937, %swap3A_938] {strides = array<i32>} : memref<16x2048xi32, #tpu.memory_space<vmem>>, vector<1x16xi32>,
      %swap3A_940 = vector.shape_cast %swap3A_939 : vector<1x16xi32> to vector<16xi32>
      %swap3A_941 = vector.shape_cast %add3A_352 : vector<16xi32> to vector<1x16xi32>
      tpu.vector_store %arg3[%swap3A_937, %swap3A_938], %swap3A_941 {strides = array<i32>} : memref<16x2048xi32, #tpu.memory_space<vmem>>, vector<1x16xi32>,
      %swap3A_942 = arith.index_cast %scan3A_348 : i32 to index
      %swap3A_943 = arith.constant 1888 : index
      %swap3A_944 = tpu.vector_load %arg3[%swap3A_942, %swap3A_943] {strides = array<i32>} : memref<16x2048xi32, #tpu.memory_space<vmem>>, vector<1x16xi32>,
      %swap3A_945 = vector.shape_cast %swap3A_944 : vector<1x16xi32> to vector<16xi32>
      %swap3A_946 = vector.shape_cast %add3A_352 : vector<16xi32> to vector<1x16xi32>
      tpu.vector_store %arg3[%swap3A_942, %swap3A_943], %swap3A_946 {strides = array<i32>} : memref<16x2048xi32, #tpu.memory_space<vmem>>, vector<1x16xi32>,
      %swap3A_947 = arith.index_cast %scan3A_348 : i32 to index
      %swap3A_948 = arith.constant 1904 : index
      %swap3A_949 = tpu.vector_load %arg3[%swap3A_947, %swap3A_948] {strides = array<i32>} : memref<16x2048xi32, #tpu.memory_space<vmem>>, vector<1x16xi32>,
      %swap3A_950 = vector.shape_cast %swap3A_949 : vector<1x16xi32> to vector<16xi32>
      %swap3A_951 = vector.shape_cast %add3A_352 : vector<16xi32> to vector<1x16xi32>
      tpu.vector_store %arg3[%swap3A_947, %swap3A_948], %swap3A_951 {strides = array<i32>} : memref<16x2048xi32, #tpu.memory_space<vmem>>, vector<1x16xi32>,
      %swap3A_952 = arith.index_cast %scan3A_348 : i32 to index
      %swap3A_953 = arith.constant 1920 : index
      %swap3A_954 = tpu.vector_load %arg3[%swap3A_952, %swap3A_953] {strides = array<i32>} : memref<16x2048xi32, #tpu.memory_space<vmem>>, vector<1x16xi32>,
      %swap3A_955 = vector.shape_cast %swap3A_954 : vector<1x16xi32> to vector<16xi32>
      %swap3A_956 = vector.shape_cast %add3A_352 : vector<16xi32> to vector<1x16xi32>
      tpu.vector_store %arg3[%swap3A_952, %swap3A_953], %swap3A_956 {strides = array<i32>} : memref<16x2048xi32, #tpu.memory_space<vmem>>, vector<1x16xi32>,
      %swap3A_957 = arith.index_cast %scan3A_348 : i32 to index
      %swap3A_958 = arith.constant 1936 : index
      %swap3A_959 = tpu.vector_load %arg3[%swap3A_957, %swap3A_958] {strides = array<i32>} : memref<16x2048xi32, #tpu.memory_space<vmem>>, vector<1x16xi32>,
      %swap3A_960 = vector.shape_cast %swap3A_959 : vector<1x16xi32> to vector<16xi32>
      %swap3A_961 = vector.shape_cast %add3A_352 : vector<16xi32> to vector<1x16xi32>
      tpu.vector_store %arg3[%swap3A_957, %swap3A_958], %swap3A_961 {strides = array<i32>} : memref<16x2048xi32, #tpu.memory_space<vmem>>, vector<1x16xi32>,
      %swap3A_962 = arith.index_cast %scan3A_348 : i32 to index
      %swap3A_963 = arith.constant 1952 : index
      %swap3A_964 = tpu.vector_load %arg3[%swap3A_962, %swap3A_963] {strides = array<i32>} : memref<16x2048xi32, #tpu.memory_space<vmem>>, vector<1x16xi32>,
      %swap3A_965 = vector.shape_cast %swap3A_964 : vector<1x16xi32> to vector<16xi32>
      %swap3A_966 = vector.shape_cast %add3A_352 : vector<16xi32> to vector<1x16xi32>
      tpu.vector_store %arg3[%swap3A_962, %swap3A_963], %swap3A_966 {strides = array<i32>} : memref<16x2048xi32, #tpu.memory_space<vmem>>, vector<1x16xi32>,
      %swap3A_967 = arith.index_cast %scan3A_348 : i32 to index
      %swap3A_968 = arith.constant 1968 : index
      %swap3A_969 = tpu.vector_load %arg3[%swap3A_967, %swap3A_968] {strides = array<i32>} : memref<16x2048xi32, #tpu.memory_space<vmem>>, vector<1x16xi32>,
      %swap3A_970 = vector.shape_cast %swap3A_969 : vector<1x16xi32> to vector<16xi32>
      %swap3A_971 = vector.shape_cast %add3A_352 : vector<16xi32> to vector<1x16xi32>
      tpu.vector_store %arg3[%swap3A_967, %swap3A_968], %swap3A_971 {strides = array<i32>} : memref<16x2048xi32, #tpu.memory_space<vmem>>, vector<1x16xi32>,
      %swap3A_972 = arith.index_cast %scan3A_348 : i32 to index
      %swap3A_973 = arith.constant 1984 : index
      %swap3A_974 = tpu.vector_load %arg3[%swap3A_972, %swap3A_973] {strides = array<i32>} : memref<16x2048xi32, #tpu.memory_space<vmem>>, vector<1x16xi32>,
      %swap3A_975 = vector.shape_cast %swap3A_974 : vector<1x16xi32> to vector<16xi32>
      %swap3A_976 = vector.shape_cast %add3A_352 : vector<16xi32> to vector<1x16xi32>
      tpu.vector_store %arg3[%swap3A_972, %swap3A_973], %swap3A_976 {strides = array<i32>} : memref<16x2048xi32, #tpu.memory_space<vmem>>, vector<1x16xi32>,
      %swap3A_977 = arith.index_cast %scan3A_348 : i32 to index
      %swap3A_978 = arith.constant 2000 : index
      %swap3A_979 = tpu.vector_load %arg3[%swap3A_977, %swap3A_978] {strides = array<i32>} : memref<16x2048xi32, #tpu.memory_space<vmem>>, vector<1x16xi32>,
      %swap3A_980 = vector.shape_cast %swap3A_979 : vector<1x16xi32> to vector<16xi32>
      %swap3A_981 = vector.shape_cast %add3A_352 : vector<16xi32> to vector<1x16xi32>
      tpu.vector_store %arg3[%swap3A_977, %swap3A_978], %swap3A_981 {strides = array<i32>} : memref<16x2048xi32, #tpu.memory_space<vmem>>, vector<1x16xi32>,
      %swap3A_982 = arith.index_cast %scan3A_348 : i32 to index
      %swap3A_983 = arith.constant 2016 : index
      %swap3A_984 = tpu.vector_load %arg3[%swap3A_982, %swap3A_983] {strides = array<i32>} : memref<16x2048xi32, #tpu.memory_space<vmem>>, vector<1x16xi32>,
      %swap3A_985 = vector.shape_cast %swap3A_984 : vector<1x16xi32> to vector<16xi32>
      %swap3A_986 = vector.shape_cast %add3A_352 : vector<16xi32> to vector<1x16xi32>
      tpu.vector_store %arg3[%swap3A_982, %swap3A_983], %swap3A_986 {strides = array<i32>} : memref<16x2048xi32, #tpu.memory_space<vmem>>, vector<1x16xi32>,
      %swap3A_987 = arith.index_cast %scan3A_348 : i32 to index
      %swap3A_988 = arith.constant 2032 : index
      %swap3A_989 = tpu.vector_load %arg3[%swap3A_987, %swap3A_988] {strides = array<i32>} : memref<16x2048xi32, #tpu.memory_space<vmem>>, vector<1x16xi32>,
      %swap3A_990 = vector.shape_cast %swap3A_989 : vector<1x16xi32> to vector<16xi32>
      %swap3A_991 = vector.shape_cast %add3A_352 : vector<16xi32> to vector<1x16xi32>
      tpu.vector_store %arg3[%swap3A_987, %swap3A_988], %swap3A_991 {strides = array<i32>} : memref<16x2048xi32, #tpu.memory_space<vmem>>, vector<1x16xi32>,
    }
    %scan3A_8 = arith.constant 16 : i32
    %add3A_9 = arith.constant 0 : i32
    %add3A_10 = arith.addi %add3A_9, %add3A_4 : i32
    %dma_start3A = arith.constant 0 : i32
    %dma_start3A_11 = tpu.memref_slice %arg2[%add3A_10, %dma_start3A] : memref<16384x2048xi32, #tpu.memory_space<hbm>> -> memref<16x2048xi32, #tpu.memory_space<hbm>>
    %dma_start3A_12 = arith.constant 0 : i32
    %dma_start3A_13 = tpu.memref_slice %arg2[%add3A_10, %dma_start3A_12] : memref<16384x2048xi32, #tpu.memory_space<hbm>> -> memref<16x2048xi32, #tpu.memory_space<hbm>>
    tpu.enqueue_dma source(%arg3 : memref<16x2048xi32, #tpu.memory_space<vmem>>) target(%dma_start3A_13 : memref<16x2048xi32, #tpu.memory_space<hbm>>) target_semaphore(%arg5 : memref<!tpu.dma_semaphore, #tpu.memory_space<semaphore_mem>>)
    %add3A_14 = arith.constant 2048 : i32
    %add3A_15 = arith.addi %add3A_14, %add3A_4 : i32
    %dma_start3A_16 = arith.constant 0 : i32
    %dma_start3A_17 = tpu.memref_slice %arg2[%add3A_15, %dma_start3A_16] : memref<16384x2048xi32, #tpu.memory_space<hbm>> -> memref<16x2048xi32, #tpu.memory_space<hbm>>
    %dma_start3A_18 = arith.constant 0 : i32
    %dma_start3A_19 = tpu.memref_slice %arg2[%add3A_15, %dma_start3A_18] : memref<16384x2048xi32, #tpu.memory_space<hbm>> -> memref<16x2048xi32, #tpu.memory_space<hbm>>
    tpu.enqueue_dma source(%arg3 : memref<16x2048xi32, #tpu.memory_space<vmem>>) target(%dma_start3A_19 : memref<16x2048xi32, #tpu.memory_space<hbm>>) target_semaphore(%arg5 : memref<!tpu.dma_semaphore, #tpu.memory_space<semaphore_mem>>)
    %add3A_20 = arith.constant 4096 : i32
    %add3A_21 = arith.addi %add3A_20, %add3A_4 : i32
    %dma_start3A_22 = arith.constant 0 : i32
    %dma_start3A_23 = tpu.memref_slice %arg2[%add3A_21, %dma_start3A_22] : memref<16384x2048xi32, #tpu.memory_space<hbm>> -> memref<16x2048xi32, #tpu.memory_space<hbm>>
    %dma_start3A_24 = arith.constant 0 : i32
    %dma_start3A_25 = tpu.memref_slice %arg2[%add3A_21, %dma_start3A_24] : memref<16384x2048xi32, #tpu.memory_space<hbm>> -> memref<16x2048xi32, #tpu.memory_space<hbm>>
    tpu.enqueue_dma source(%arg3 : memref<16x2048xi32, #tpu.memory_space<vmem>>) target(%dma_start3A_25 : memref<16x2048xi32, #tpu.memory_space<hbm>>) target_semaphore(%arg5 : memref<!tpu.dma_semaphore, #tpu.memory_space<semaphore_mem>>)
    %add3A_26 = arith.constant 6144 : i32
    %add3A_27 = arith.addi %add3A_26, %add3A_4 : i32
    %dma_start3A_28 = arith.constant 0 : i32
    %dma_start3A_29 = tpu.memref_slice %arg2[%add3A_27, %dma_start3A_28] : memref<16384x2048xi32, #tpu.memory_space<hbm>> -> memref<16x2048xi32, #tpu.memory_space<hbm>>
    %dma_start3A_30 = arith.constant 0 : i32
    %dma_start3A_31 = tpu.memref_slice %arg2[%add3A_27, %dma_start3A_30] : memref<16384x2048xi32, #tpu.memory_space<hbm>> -> memref<16x2048xi32, #tpu.memory_space<hbm>>
    tpu.enqueue_dma source(%arg3 : memref<16x2048xi32, #tpu.memory_space<vmem>>) target(%dma_start3A_31 : memref<16x2048xi32, #tpu.memory_space<hbm>>) target_semaphore(%arg5 : memref<!tpu.dma_semaphore, #tpu.memory_space<semaphore_mem>>)
    %add3A_32 = arith.constant 8192 : i32
    %add3A_33 = arith.addi %add3A_32, %add3A_4 : i32
    %dma_start3A_34 = arith.constant 0 : i32
    %dma_start3A_35 = tpu.memref_slice %arg2[%add3A_33, %dma_start3A_34] : memref<16384x2048xi32, #tpu.memory_space<hbm>> -> memref<16x2048xi32, #tpu.memory_space<hbm>>
    %dma_start3A_36 = arith.constant 0 : i32
    %dma_start3A_37 = tpu.memref_slice %arg2[%add3A_33, %dma_start3A_36] : memref<16384x2048xi32, #tpu.memory_space<hbm>> -> memref<16x2048xi32, #tpu.memory_space<hbm>>
    tpu.enqueue_dma source(%arg3 : memref<16x2048xi32, #tpu.memory_space<vmem>>) target(%dma_start3A_37 : memref<16x2048xi32, #tpu.memory_space<hbm>>) target_semaphore(%arg5 : memref<!tpu.dma_semaphore, #tpu.memory_space<semaphore_mem>>)
    %add3A_38 = arith.constant 10240 : i32
    %add3A_39 = arith.addi %add3A_38, %add3A_4 : i32
    %dma_start3A_40 = arith.constant 0 : i32
    %dma_start3A_41 = tpu.memref_slice %arg2[%add3A_39, %dma_start3A_40] : memref<16384x2048xi32, #tpu.memory_space<hbm>> -> memref<16x2048xi32, #tpu.memory_space<hbm>>
    %dma_start3A_42 = arith.constant 0 : i32
    %dma_start3A_43 = tpu.memref_slice %arg2[%add3A_39, %dma_start3A_42] : memref<16384x2048xi32, #tpu.memory_space<hbm>> -> memref<16x2048xi32, #tpu.memory_space<hbm>>
    tpu.enqueue_dma source(%arg3 : memref<16x2048xi32, #tpu.memory_space<vmem>>) target(%dma_start3A_43 : memref<16x2048xi32, #tpu.memory_space<hbm>>) target_semaphore(%arg5 : memref<!tpu.dma_semaphore, #tpu.memory_space<semaphore_mem>>)
    %add3A_44 = arith.constant 12288 : i32
    %add3A_45 = arith.addi %add3A_44, %add3A_4 : i32
    %dma_start3A_46 = arith.constant 0 : i32
    %dma_start3A_47 = tpu.memref_slice %arg2[%add3A_45, %dma_start3A_46] : memref<16384x2048xi32, #tpu.memory_space<hbm>> -> memref<16x2048xi32, #tpu.memory_space<hbm>>
    %dma_start3A_48 = arith.constant 0 : i32
    %dma_start3A_49 = tpu.memref_slice %arg2[%add3A_45, %dma_start3A_48] : memref<16384x2048xi32, #tpu.memory_space<hbm>> -> memref<16x2048xi32, #tpu.memory_space<hbm>>
    tpu.enqueue_dma source(%arg3 : memref<16x2048xi32, #tpu.memory_space<vmem>>) target(%dma_start3A_49 : memref<16x2048xi32, #tpu.memory_space<hbm>>) target_semaphore(%arg5 : memref<!tpu.dma_semaphore, #tpu.memory_space<semaphore_mem>>)
    %add3A_50 = arith.constant 14336 : i32
    %add3A_51 = arith.addi %add3A_50, %add3A_4 : i32
    %dma_start3A_52 = arith.constant 0 : i32
    %dma_start3A_53 = tpu.memref_slice %arg2[%add3A_51, %dma_start3A_52] : memref<16384x2048xi32, #tpu.memory_space<hbm>> -> memref<16x2048xi32, #tpu.memory_space<hbm>>
    %dma_start3A_54 = arith.constant 0 : i32
    %dma_start3A_55 = tpu.memref_slice %arg2[%add3A_51, %dma_start3A_54] : memref<16384x2048xi32, #tpu.memory_space<hbm>> -> memref<16x2048xi32, #tpu.memory_space<hbm>>
    tpu.enqueue_dma source(%arg3 : memref<16x2048xi32, #tpu.memory_space<vmem>>) target(%dma_start3A_55 : memref<16x2048xi32, #tpu.memory_space<hbm>>) target_semaphore(%arg5 : memref<!tpu.dma_semaphore, #tpu.memory_space<semaphore_mem>>)
    %add3A_56 = arith.constant 16 : i32
    %add3A_57 = arith.addi %mul3A_2, %add3A_56 : i32
    %scan3A_58 = arith.constant 0 : i32
    %scan3A_59 = arith.constant 16 : i32
    %scan3A_60 = arith.addi %scan3A_58, %scan3A_59 : i32
    %scan3A_61 = arith.constant 1 : i32
    scf.for %scan3A_348 = %scan3A_58 to %scan3A_60 step %scan3A_61  : i32 {
      %broadcast_in_dim3A = arith.constant 0 : i32
      %broadcast_in_dim3A_349 = vector.broadcast %broadcast_in_dim3A : i32 to vector<16xi32>
      %add3A_350 = arith.addi %add3A_57, %scan3A_348 : i32
      %add3A_351 = vector.broadcast %add3A_350 : i32 to vector<16xi32>
      %add3A_352 = arith.addi %broadcast_in_dim3A_349, %add3A_351 : vector<16xi32>
      %swap3A = arith.index_cast %scan3A_348 : i32 to index
      %swap3A_353 = arith.constant 0 : index
      %swap3A_354 = tpu.vector_load %arg4[%swap3A, %swap3A_353] {strides = array<i32>} : memref<16x2048xi32, #tpu.memory_space<vmem>>, vector<1x16xi32>,
      %swap3A_355 = vector.shape_cast %swap3A_354 : vector<1x16xi32> to vector<16xi32>
      %swap3A_356 = vector.shape_cast %add3A_352 : vector<16xi32> to vector<1x16xi32>
      tpu.vector_store %arg4[%swap3A, %swap3A_353], %swap3A_356 {strides = array<i32>} : memref<16x2048xi32, #tpu.memory_space<vmem>>, vector<1x16xi32>,
      %swap3A_357 = arith.index_cast %scan3A_348 : i32 to index
      %swap3A_358 = arith.constant 16 : index
      %swap3A_359 = tpu.vector_load %arg4[%swap3A_357, %swap3A_358] {strides = array<i32>} : memref<16x2048xi32, #tpu.memory_space<vmem>>, vector<1x16xi32>,
      %swap3A_360 = vector.shape_cast %swap3A_359 : vector<1x16xi32> to vector<16xi32>
      %swap3A_361 = vector.shape_cast %add3A_352 : vector<16xi32> to vector<1x16xi32>
      tpu.vector_store %arg4[%swap3A_357, %swap3A_358], %swap3A_361 {strides = array<i32>} : memref<16x2048xi32, #tpu.memory_space<vmem>>, vector<1x16xi32>,
      %swap3A_362 = arith.index_cast %scan3A_348 : i32 to index
      %swap3A_363 = arith.constant 32 : index
      %swap3A_364 = tpu.vector_load %arg4[%swap3A_362, %swap3A_363] {strides = array<i32>} : memref<16x2048xi32, #tpu.memory_space<vmem>>, vector<1x16xi32>,
      %swap3A_365 = vector.shape_cast %swap3A_364 : vector<1x16xi32> to vector<16xi32>
      %swap3A_366 = vector.shape_cast %add3A_352 : vector<16xi32> to vector<1x16xi32>
      tpu.vector_store %arg4[%swap3A_362, %swap3A_363], %swap3A_366 {strides = array<i32>} : memref<16x2048xi32, #tpu.memory_space<vmem>>, vector<1x16xi32>,
      %swap3A_367 = arith.index_cast %scan3A_348 : i32 to index
      %swap3A_368 = arith.constant 48 : index
      %swap3A_369 = tpu.vector_load %arg4[%swap3A_367, %swap3A_368] {strides = array<i32>} : memref<16x2048xi32, #tpu.memory_space<vmem>>, vector<1x16xi32>,
      %swap3A_370 = vector.shape_cast %swap3A_369 : vector<1x16xi32> to vector<16xi32>
      %swap3A_371 = vector.shape_cast %add3A_352 : vector<16xi32> to vector<1x16xi32>
      tpu.vector_store %arg4[%swap3A_367, %swap3A_368], %swap3A_371 {strides = array<i32>} : memref<16x2048xi32, #tpu.memory_space<vmem>>, vector<1x16xi32>,
      %swap3A_372 = arith.index_cast %scan3A_348 : i32 to index
      %swap3A_373 = arith.constant 64 : index
      %swap3A_374 = tpu.vector_load %arg4[%swap3A_372, %swap3A_373] {strides = array<i32>} : memref<16x2048xi32, #tpu.memory_space<vmem>>, vector<1x16xi32>,
      %swap3A_375 = vector.shape_cast %swap3A_374 : vector<1x16xi32> to vector<16xi32>
      %swap3A_376 = vector.shape_cast %add3A_352 : vector<16xi32> to vector<1x16xi32>
      tpu.vector_store %arg4[%swap3A_372, %swap3A_373], %swap3A_376 {strides = array<i32>} : memref<16x2048xi32, #tpu.memory_space<vmem>>, vector<1x16xi32>,
      %swap3A_377 = arith.index_cast %scan3A_348 : i32 to index
      %swap3A_378 = arith.constant 80 : index
      %swap3A_379 = tpu.vector_load %arg4[%swap3A_377, %swap3A_378] {strides = array<i32>} : memref<16x2048xi32, #tpu.memory_space<vmem>>, vector<1x16xi32>,
      %swap3A_380 = vector.shape_cast %swap3A_379 : vector<1x16xi32> to vector<16xi32>
      %swap3A_381 = vector.shape_cast %add3A_352 : vector<16xi32> to vector<1x16xi32>
      tpu.vector_store %arg4[%swap3A_377, %swap3A_378], %swap3A_381 {strides = array<i32>} : memref<16x2048xi32, #tpu.memory_space<vmem>>, vector<1x16xi32>,
      %swap3A_382 = arith.index_cast %scan3A_348 : i32 to index
      %swap3A_383 = arith.constant 96 : index
      %swap3A_384 = tpu.vector_load %arg4[%swap3A_382, %swap3A_383] {strides = array<i32>} : memref<16x2048xi32, #tpu.memory_space<vmem>>, vector<1x16xi32>,
      %swap3A_385 = vector.shape_cast %swap3A_384 : vector<1x16xi32> to vector<16xi32>
      %swap3A_386 = vector.shape_cast %add3A_352 : vector<16xi32> to vector<1x16xi32>
      tpu.vector_store %arg4[%swap3A_382, %swap3A_383], %swap3A_386 {strides = array<i32>} : memref<16x2048xi32, #tpu.memory_space<vmem>>, vector<1x16xi32>,
      %swap3A_387 = arith.index_cast %scan3A_348 : i32 to index
      %swap3A_388 = arith.constant 112 : index
      %swap3A_389 = tpu.vector_load %arg4[%swap3A_387, %swap3A_388] {strides = array<i32>} : memref<16x2048xi32, #tpu.memory_space<vmem>>, vector<1x16xi32>,
      %swap3A_390 = vector.shape_cast %swap3A_389 : vector<1x16xi32> to vector<16xi32>
      %swap3A_391 = vector.shape_cast %add3A_352 : vector<16xi32> to vector<1x16xi32>
      tpu.vector_store %arg4[%swap3A_387, %swap3A_388], %swap3A_391 {strides = array<i32>} : memref<16x2048xi32, #tpu.memory_space<vmem>>, vector<1x16xi32>,
      %swap3A_392 = arith.index_cast %scan3A_348 : i32 to index
      %swap3A_393 = arith.constant 128 : index
      %swap3A_394 = tpu.vector_load %arg4[%swap3A_392, %swap3A_393] {strides = array<i32>} : memref<16x2048xi32, #tpu.memory_space<vmem>>, vector<1x16xi32>,
      %swap3A_395 = vector.shape_cast %swap3A_394 : vector<1x16xi32> to vector<16xi32>
      %swap3A_396 = vector.shape_cast %add3A_352 : vector<16xi32> to vector<1x16xi32>
      tpu.vector_store %arg4[%swap3A_392, %swap3A_393], %swap3A_396 {strides = array<i32>} : memref<16x2048xi32, #tpu.memory_space<vmem>>, vector<1x16xi32>,
      %swap3A_397 = arith.index_cast %scan3A_348 : i32 to index
      %swap3A_398 = arith.constant 144 : index
      %swap3A_399 = tpu.vector_load %arg4[%swap3A_397, %swap3A_398] {strides = array<i32>} : memref<16x2048xi32, #tpu.memory_space<vmem>>, vector<1x16xi32>,
      %swap3A_400 = vector.shape_cast %swap3A_399 : vector<1x16xi32> to vector<16xi32>
      %swap3A_401 = vector.shape_cast %add3A_352 : vector<16xi32> to vector<1x16xi32>
      tpu.vector_store %arg4[%swap3A_397, %swap3A_398], %swap3A_401 {strides = array<i32>} : memref<16x2048xi32, #tpu.memory_space<vmem>>, vector<1x16xi32>,
      %swap3A_402 = arith.index_cast %scan3A_348 : i32 to index
      %swap3A_403 = arith.constant 160 : index
      %swap3A_404 = tpu.vector_load %arg4[%swap3A_402, %swap3A_403] {strides = array<i32>} : memref<16x2048xi32, #tpu.memory_space<vmem>>, vector<1x16xi32>,
      %swap3A_405 = vector.shape_cast %swap3A_404 : vector<1x16xi32> to vector<16xi32>
      %swap3A_406 = vector.shape_cast %add3A_352 : vector<16xi32> to vector<1x16xi32>
      tpu.vector_store %arg4[%swap3A_402, %swap3A_403], %swap3A_406 {strides = array<i32>} : memref<16x2048xi32, #tpu.memory_space<vmem>>, vector<1x16xi32>,
      %swap3A_407 = arith.index_cast %scan3A_348 : i32 to index
      %swap3A_408 = arith.constant 176 : index
      %swap3A_409 = tpu.vector_load %arg4[%swap3A_407, %swap3A_408] {strides = array<i32>} : memref<16x2048xi32, #tpu.memory_space<vmem>>, vector<1x16xi32>,
      %swap3A_410 = vector.shape_cast %swap3A_409 : vector<1x16xi32> to vector<16xi32>
      %swap3A_411 = vector.shape_cast %add3A_352 : vector<16xi32> to vector<1x16xi32>
      tpu.vector_store %arg4[%swap3A_407, %swap3A_408], %swap3A_411 {strides = array<i32>} : memref<16x2048xi32, #tpu.memory_space<vmem>>, vector<1x16xi32>,
      %swap3A_412 = arith.index_cast %scan3A_348 : i32 to index
      %swap3A_413 = arith.constant 192 : index
      %swap3A_414 = tpu.vector_load %arg4[%swap3A_412, %swap3A_413] {strides = array<i32>} : memref<16x2048xi32, #tpu.memory_space<vmem>>, vector<1x16xi32>,
      %swap3A_415 = vector.shape_cast %swap3A_414 : vector<1x16xi32> to vector<16xi32>
      %swap3A_416 = vector.shape_cast %add3A_352 : vector<16xi32> to vector<1x16xi32>
      tpu.vector_store %arg4[%swap3A_412, %swap3A_413], %swap3A_416 {strides = array<i32>} : memref<16x2048xi32, #tpu.memory_space<vmem>>, vector<1x16xi32>,
      %swap3A_417 = arith.index_cast %scan3A_348 : i32 to index
      %swap3A_418 = arith.constant 208 : index
      %swap3A_419 = tpu.vector_load %arg4[%swap3A_417, %swap3A_418] {strides = array<i32>} : memref<16x2048xi32, #tpu.memory_space<vmem>>, vector<1x16xi32>,
      %swap3A_420 = vector.shape_cast %swap3A_419 : vector<1x16xi32> to vector<16xi32>
      %swap3A_421 = vector.shape_cast %add3A_352 : vector<16xi32> to vector<1x16xi32>
      tpu.vector_store %arg4[%swap3A_417, %swap3A_418], %swap3A_421 {strides = array<i32>} : memref<16x2048xi32, #tpu.memory_space<vmem>>, vector<1x16xi32>,
      %swap3A_422 = arith.index_cast %scan3A_348 : i32 to index
      %swap3A_423 = arith.constant 224 : index
      %swap3A_424 = tpu.vector_load %arg4[%swap3A_422, %swap3A_423] {strides = array<i32>} : memref<16x2048xi32, #tpu.memory_space<vmem>>, vector<1x16xi32>,
      %swap3A_425 = vector.shape_cast %swap3A_424 : vector<1x16xi32> to vector<16xi32>
      %swap3A_426 = vector.shape_cast %add3A_352 : vector<16xi32> to vector<1x16xi32>
      tpu.vector_store %arg4[%swap3A_422, %swap3A_423], %swap3A_426 {strides = array<i32>} : memref<16x2048xi32, #tpu.memory_space<vmem>>, vector<1x16xi32>,
      %swap3A_427 = arith.index_cast %scan3A_348 : i32 to index
      %swap3A_428 = arith.constant 240 : index
      %swap3A_429 = tpu.vector_load %arg4[%swap3A_427, %swap3A_428] {strides = array<i32>} : memref<16x2048xi32, #tpu.memory_space<vmem>>, vector<1x16xi32>,
      %swap3A_430 = vector.shape_cast %swap3A_429 : vector<1x16xi32> to vector<16xi32>
      %swap3A_431 = vector.shape_cast %add3A_352 : vector<16xi32> to vector<1x16xi32>
      tpu.vector_store %arg4[%swap3A_427, %swap3A_428], %swap3A_431 {strides = array<i32>} : memref<16x2048xi32, #tpu.memory_space<vmem>>, vector<1x16xi32>,
      %swap3A_432 = arith.index_cast %scan3A_348 : i32 to index
      %swap3A_433 = arith.constant 256 : index
      %swap3A_434 = tpu.vector_load %arg4[%swap3A_432, %swap3A_433] {strides = array<i32>} : memref<16x2048xi32, #tpu.memory_space<vmem>>, vector<1x16xi32>,
      %swap3A_435 = vector.shape_cast %swap3A_434 : vector<1x16xi32> to vector<16xi32>
      %swap3A_436 = vector.shape_cast %add3A_352 : vector<16xi32> to vector<1x16xi32>
      tpu.vector_store %arg4[%swap3A_432, %swap3A_433], %swap3A_436 {strides = array<i32>} : memref<16x2048xi32, #tpu.memory_space<vmem>>, vector<1x16xi32>,
      %swap3A_437 = arith.index_cast %scan3A_348 : i32 to index
      %swap3A_438 = arith.constant 272 : index
      %swap3A_439 = tpu.vector_load %arg4[%swap3A_437, %swap3A_438] {strides = array<i32>} : memref<16x2048xi32, #tpu.memory_space<vmem>>, vector<1x16xi32>,
      %swap3A_440 = vector.shape_cast %swap3A_439 : vector<1x16xi32> to vector<16xi32>
      %swap3A_441 = vector.shape_cast %add3A_352 : vector<16xi32> to vector<1x16xi32>
      tpu.vector_store %arg4[%swap3A_437, %swap3A_438], %swap3A_441 {strides = array<i32>} : memref<16x2048xi32, #tpu.memory_space<vmem>>, vector<1x16xi32>,
      %swap3A_442 = arith.index_cast %scan3A_348 : i32 to index
      %swap3A_443 = arith.constant 288 : index
      %swap3A_444 = tpu.vector_load %arg4[%swap3A_442, %swap3A_443] {strides = array<i32>} : memref<16x2048xi32, #tpu.memory_space<vmem>>, vector<1x16xi32>,
      %swap3A_445 = vector.shape_cast %swap3A_444 : vector<1x16xi32> to vector<16xi32>
      %swap3A_446 = vector.shape_cast %add3A_352 : vector<16xi32> to vector<1x16xi32>
      tpu.vector_store %arg4[%swap3A_442, %swap3A_443], %swap3A_446 {strides = array<i32>} : memref<16x2048xi32, #tpu.memory_space<vmem>>, vector<1x16xi32>,
      %swap3A_447 = arith.index_cast %scan3A_348 : i32 to index
      %swap3A_448 = arith.constant 304 : index
      %swap3A_449 = tpu.vector_load %arg4[%swap3A_447, %swap3A_448] {strides = array<i32>} : memref<16x2048xi32, #tpu.memory_space<vmem>>, vector<1x16xi32>,
      %swap3A_450 = vector.shape_cast %swap3A_449 : vector<1x16xi32> to vector<16xi32>
      %swap3A_451 = vector.shape_cast %add3A_352 : vector<16xi32> to vector<1x16xi32>
      tpu.vector_store %arg4[%swap3A_447, %swap3A_448], %swap3A_451 {strides = array<i32>} : memref<16x2048xi32, #tpu.memory_space<vmem>>, vector<1x16xi32>,
      %swap3A_452 = arith.index_cast %scan3A_348 : i32 to index
      %swap3A_453 = arith.constant 320 : index
      %swap3A_454 = tpu.vector_load %arg4[%swap3A_452, %swap3A_453] {strides = array<i32>} : memref<16x2048xi32, #tpu.memory_space<vmem>>, vector<1x16xi32>,
      %swap3A_455 = vector.shape_cast %swap3A_454 : vector<1x16xi32> to vector<16xi32>
      %swap3A_456 = vector.shape_cast %add3A_352 : vector<16xi32> to vector<1x16xi32>
      tpu.vector_store %arg4[%swap3A_452, %swap3A_453], %swap3A_456 {strides = array<i32>} : memref<16x2048xi32, #tpu.memory_space<vmem>>, vector<1x16xi32>,
      %swap3A_457 = arith.index_cast %scan3A_348 : i32 to index
      %swap3A_458 = arith.constant 336 : index
      %swap3A_459 = tpu.vector_load %arg4[%swap3A_457, %swap3A_458] {strides = array<i32>} : memref<16x2048xi32, #tpu.memory_space<vmem>>, vector<1x16xi32>,
      %swap3A_460 = vector.shape_cast %swap3A_459 : vector<1x16xi32> to vector<16xi32>
      %swap3A_461 = vector.shape_cast %add3A_352 : vector<16xi32> to vector<1x16xi32>
      tpu.vector_store %arg4[%swap3A_457, %swap3A_458], %swap3A_461 {strides = array<i32>} : memref<16x2048xi32, #tpu.memory_space<vmem>>, vector<1x16xi32>,
      %swap3A_462 = arith.index_cast %scan3A_348 : i32 to index
      %swap3A_463 = arith.constant 352 : index
      %swap3A_464 = tpu.vector_load %arg4[%swap3A_462, %swap3A_463] {strides = array<i32>} : memref<16x2048xi32, #tpu.memory_space<vmem>>, vector<1x16xi32>,
      %swap3A_465 = vector.shape_cast %swap3A_464 : vector<1x16xi32> to vector<16xi32>
      %swap3A_466 = vector.shape_cast %add3A_352 : vector<16xi32> to vector<1x16xi32>
      tpu.vector_store %arg4[%swap3A_462, %swap3A_463], %swap3A_466 {strides = array<i32>} : memref<16x2048xi32, #tpu.memory_space<vmem>>, vector<1x16xi32>,
      %swap3A_467 = arith.index_cast %scan3A_348 : i32 to index
      %swap3A_468 = arith.constant 368 : index
      %swap3A_469 = tpu.vector_load %arg4[%swap3A_467, %swap3A_468] {strides = array<i32>} : memref<16x2048xi32, #tpu.memory_space<vmem>>, vector<1x16xi32>,
      %swap3A_470 = vector.shape_cast %swap3A_469 : vector<1x16xi32> to vector<16xi32>
      %swap3A_471 = vector.shape_cast %add3A_352 : vector<16xi32> to vector<1x16xi32>
      tpu.vector_store %arg4[%swap3A_467, %swap3A_468], %swap3A_471 {strides = array<i32>} : memref<16x2048xi32, #tpu.memory_space<vmem>>, vector<1x16xi32>,
      %swap3A_472 = arith.index_cast %scan3A_348 : i32 to index
      %swap3A_473 = arith.constant 384 : index
      %swap3A_474 = tpu.vector_load %arg4[%swap3A_472, %swap3A_473] {strides = array<i32>} : memref<16x2048xi32, #tpu.memory_space<vmem>>, vector<1x16xi32>,
      %swap3A_475 = vector.shape_cast %swap3A_474 : vector<1x16xi32> to vector<16xi32>
      %swap3A_476 = vector.shape_cast %add3A_352 : vector<16xi32> to vector<1x16xi32>
      tpu.vector_store %arg4[%swap3A_472, %swap3A_473], %swap3A_476 {strides = array<i32>} : memref<16x2048xi32, #tpu.memory_space<vmem>>, vector<1x16xi32>,
      %swap3A_477 = arith.index_cast %scan3A_348 : i32 to index
      %swap3A_478 = arith.constant 400 : index
      %swap3A_479 = tpu.vector_load %arg4[%swap3A_477, %swap3A_478] {strides = array<i32>} : memref<16x2048xi32, #tpu.memory_space<vmem>>, vector<1x16xi32>,
      %swap3A_480 = vector.shape_cast %swap3A_479 : vector<1x16xi32> to vector<16xi32>
      %swap3A_481 = vector.shape_cast %add3A_352 : vector<16xi32> to vector<1x16xi32>
      tpu.vector_store %arg4[%swap3A_477, %swap3A_478], %swap3A_481 {strides = array<i32>} : memref<16x2048xi32, #tpu.memory_space<vmem>>, vector<1x16xi32>,
      %swap3A_482 = arith.index_cast %scan3A_348 : i32 to index
      %swap3A_483 = arith.constant 416 : index
      %swap3A_484 = tpu.vector_load %arg4[%swap3A_482, %swap3A_483] {strides = array<i32>} : memref<16x2048xi32, #tpu.memory_space<vmem>>, vector<1x16xi32>,
      %swap3A_485 = vector.shape_cast %swap3A_484 : vector<1x16xi32> to vector<16xi32>
      %swap3A_486 = vector.shape_cast %add3A_352 : vector<16xi32> to vector<1x16xi32>
      tpu.vector_store %arg4[%swap3A_482, %swap3A_483], %swap3A_486 {strides = array<i32>} : memref<16x2048xi32, #tpu.memory_space<vmem>>, vector<1x16xi32>,
      %swap3A_487 = arith.index_cast %scan3A_348 : i32 to index
      %swap3A_488 = arith.constant 432 : index
      %swap3A_489 = tpu.vector_load %arg4[%swap3A_487, %swap3A_488] {strides = array<i32>} : memref<16x2048xi32, #tpu.memory_space<vmem>>, vector<1x16xi32>,
      %swap3A_490 = vector.shape_cast %swap3A_489 : vector<1x16xi32> to vector<16xi32>
      %swap3A_491 = vector.shape_cast %add3A_352 : vector<16xi32> to vector<1x16xi32>
      tpu.vector_store %arg4[%swap3A_487, %swap3A_488], %swap3A_491 {strides = array<i32>} : memref<16x2048xi32, #tpu.memory_space<vmem>>, vector<1x16xi32>,
      %swap3A_492 = arith.index_cast %scan3A_348 : i32 to index
      %swap3A_493 = arith.constant 448 : index
      %swap3A_494 = tpu.vector_load %arg4[%swap3A_492, %swap3A_493] {strides = array<i32>} : memref<16x2048xi32, #tpu.memory_space<vmem>>, vector<1x16xi32>,
      %swap3A_495 = vector.shape_cast %swap3A_494 : vector<1x16xi32> to vector<16xi32>
      %swap3A_496 = vector.shape_cast %add3A_352 : vector<16xi32> to vector<1x16xi32>
      tpu.vector_store %arg4[%swap3A_492, %swap3A_493], %swap3A_496 {strides = array<i32>} : memref<16x2048xi32, #tpu.memory_space<vmem>>, vector<1x16xi32>,
      %swap3A_497 = arith.index_cast %scan3A_348 : i32 to index
      %swap3A_498 = arith.constant 464 : index
      %swap3A_499 = tpu.vector_load %arg4[%swap3A_497, %swap3A_498] {strides = array<i32>} : memref<16x2048xi32, #tpu.memory_space<vmem>>, vector<1x16xi32>,
      %swap3A_500 = vector.shape_cast %swap3A_499 : vector<1x16xi32> to vector<16xi32>
      %swap3A_501 = vector.shape_cast %add3A_352 : vector<16xi32> to vector<1x16xi32>
      tpu.vector_store %arg4[%swap3A_497, %swap3A_498], %swap3A_501 {strides = array<i32>} : memref<16x2048xi32, #tpu.memory_space<vmem>>, vector<1x16xi32>,
      %swap3A_502 = arith.index_cast %scan3A_348 : i32 to index
      %swap3A_503 = arith.constant 480 : index
      %swap3A_504 = tpu.vector_load %arg4[%swap3A_502, %swap3A_503] {strides = array<i32>} : memref<16x2048xi32, #tpu.memory_space<vmem>>, vector<1x16xi32>,
      %swap3A_505 = vector.shape_cast %swap3A_504 : vector<1x16xi32> to vector<16xi32>
      %swap3A_506 = vector.shape_cast %add3A_352 : vector<16xi32> to vector<1x16xi32>
      tpu.vector_store %arg4[%swap3A_502, %swap3A_503], %swap3A_506 {strides = array<i32>} : memref<16x2048xi32, #tpu.memory_space<vmem>>, vector<1x16xi32>,
      %swap3A_507 = arith.index_cast %scan3A_348 : i32 to index
      %swap3A_508 = arith.constant 496 : index
      %swap3A_509 = tpu.vector_load %arg4[%swap3A_507, %swap3A_508] {strides = array<i32>} : memref<16x2048xi32, #tpu.memory_space<vmem>>, vector<1x16xi32>,
      %swap3A_510 = vector.shape_cast %swap3A_509 : vector<1x16xi32> to vector<16xi32>
      %swap3A_511 = vector.shape_cast %add3A_352 : vector<16xi32> to vector<1x16xi32>
      tpu.vector_store %arg4[%swap3A_507, %swap3A_508], %swap3A_511 {strides = array<i32>} : memref<16x2048xi32, #tpu.memory_space<vmem>>, vector<1x16xi32>,
      %swap3A_512 = arith.index_cast %scan3A_348 : i32 to index
      %swap3A_513 = arith.constant 512 : index
      %swap3A_514 = tpu.vector_load %arg4[%swap3A_512, %swap3A_513] {strides = array<i32>} : memref<16x2048xi32, #tpu.memory_space<vmem>>, vector<1x16xi32>,
      %swap3A_515 = vector.shape_cast %swap3A_514 : vector<1x16xi32> to vector<16xi32>
      %swap3A_516 = vector.shape_cast %add3A_352 : vector<16xi32> to vector<1x16xi32>
      tpu.vector_store %arg4[%swap3A_512, %swap3A_513], %swap3A_516 {strides = array<i32>} : memref<16x2048xi32, #tpu.memory_space<vmem>>, vector<1x16xi32>,
      %swap3A_517 = arith.index_cast %scan3A_348 : i32 to index
      %swap3A_518 = arith.constant 528 : index
      %swap3A_519 = tpu.vector_load %arg4[%swap3A_517, %swap3A_518] {strides = array<i32>} : memref<16x2048xi32, #tpu.memory_space<vmem>>, vector<1x16xi32>,
      %swap3A_520 = vector.shape_cast %swap3A_519 : vector<1x16xi32> to vector<16xi32>
      %swap3A_521 = vector.shape_cast %add3A_352 : vector<16xi32> to vector<1x16xi32>
      tpu.vector_store %arg4[%swap3A_517, %swap3A_518], %swap3A_521 {strides = array<i32>} : memref<16x2048xi32, #tpu.memory_space<vmem>>, vector<1x16xi32>,
      %swap3A_522 = arith.index_cast %scan3A_348 : i32 to index
      %swap3A_523 = arith.constant 544 : index
      %swap3A_524 = tpu.vector_load %arg4[%swap3A_522, %swap3A_523] {strides = array<i32>} : memref<16x2048xi32, #tpu.memory_space<vmem>>, vector<1x16xi32>,
      %swap3A_525 = vector.shape_cast %swap3A_524 : vector<1x16xi32> to vector<16xi32>
      %swap3A_526 = vector.shape_cast %add3A_352 : vector<16xi32> to vector<1x16xi32>
      tpu.vector_store %arg4[%swap3A_522, %swap3A_523], %swap3A_526 {strides = array<i32>} : memref<16x2048xi32, #tpu.memory_space<vmem>>, vector<1x16xi32>,
      %swap3A_527 = arith.index_cast %scan3A_348 : i32 to index
      %swap3A_528 = arith.constant 560 : index
      %swap3A_529 = tpu.vector_load %arg4[%swap3A_527, %swap3A_528] {strides = array<i32>} : memref<16x2048xi32, #tpu.memory_space<vmem>>, vector<1x16xi32>,
      %swap3A_530 = vector.shape_cast %swap3A_529 : vector<1x16xi32> to vector<16xi32>
      %swap3A_531 = vector.shape_cast %add3A_352 : vector<16xi32> to vector<1x16xi32>
      tpu.vector_store %arg4[%swap3A_527, %swap3A_528], %swap3A_531 {strides = array<i32>} : memref<16x2048xi32, #tpu.memory_space<vmem>>, vector<1x16xi32>,
      %swap3A_532 = arith.index_cast %scan3A_348 : i32 to index
      %swap3A_533 = arith.constant 576 : index
      %swap3A_534 = tpu.vector_load %arg4[%swap3A_532, %swap3A_533] {strides = array<i32>} : memref<16x2048xi32, #tpu.memory_space<vmem>>, vector<1x16xi32>,
      %swap3A_535 = vector.shape_cast %swap3A_534 : vector<1x16xi32> to vector<16xi32>
      %swap3A_536 = vector.shape_cast %add3A_352 : vector<16xi32> to vector<1x16xi32>
      tpu.vector_store %arg4[%swap3A_532, %swap3A_533], %swap3A_536 {strides = array<i32>} : memref<16x2048xi32, #tpu.memory_space<vmem>>, vector<1x16xi32>,
      %swap3A_537 = arith.index_cast %scan3A_348 : i32 to index
      %swap3A_538 = arith.constant 592 : index
      %swap3A_539 = tpu.vector_load %arg4[%swap3A_537, %swap3A_538] {strides = array<i32>} : memref<16x2048xi32, #tpu.memory_space<vmem>>, vector<1x16xi32>,
      %swap3A_540 = vector.shape_cast %swap3A_539 : vector<1x16xi32> to vector<16xi32>
      %swap3A_541 = vector.shape_cast %add3A_352 : vector<16xi32> to vector<1x16xi32>
      tpu.vector_store %arg4[%swap3A_537, %swap3A_538], %swap3A_541 {strides = array<i32>} : memref<16x2048xi32, #tpu.memory_space<vmem>>, vector<1x16xi32>,
      %swap3A_542 = arith.index_cast %scan3A_348 : i32 to index
      %swap3A_543 = arith.constant 608 : index
      %swap3A_544 = tpu.vector_load %arg4[%swap3A_542, %swap3A_543] {strides = array<i32>} : memref<16x2048xi32, #tpu.memory_space<vmem>>, vector<1x16xi32>,
      %swap3A_545 = vector.shape_cast %swap3A_544 : vector<1x16xi32> to vector<16xi32>
      %swap3A_546 = vector.shape_cast %add3A_352 : vector<16xi32> to vector<1x16xi32>
      tpu.vector_store %arg4[%swap3A_542, %swap3A_543], %swap3A_546 {strides = array<i32>} : memref<16x2048xi32, #tpu.memory_space<vmem>>, vector<1x16xi32>,
      %swap3A_547 = arith.index_cast %scan3A_348 : i32 to index
      %swap3A_548 = arith.constant 624 : index
      %swap3A_549 = tpu.vector_load %arg4[%swap3A_547, %swap3A_548] {strides = array<i32>} : memref<16x2048xi32, #tpu.memory_space<vmem>>, vector<1x16xi32>,
      %swap3A_550 = vector.shape_cast %swap3A_549 : vector<1x16xi32> to vector<16xi32>
      %swap3A_551 = vector.shape_cast %add3A_352 : vector<16xi32> to vector<1x16xi32>
      tpu.vector_store %arg4[%swap3A_547, %swap3A_548], %swap3A_551 {strides = array<i32>} : memref<16x2048xi32, #tpu.memory_space<vmem>>, vector<1x16xi32>,
      %swap3A_552 = arith.index_cast %scan3A_348 : i32 to index
      %swap3A_553 = arith.constant 640 : index
      %swap3A_554 = tpu.vector_load %arg4[%swap3A_552, %swap3A_553] {strides = array<i32>} : memref<16x2048xi32, #tpu.memory_space<vmem>>, vector<1x16xi32>,
      %swap3A_555 = vector.shape_cast %swap3A_554 : vector<1x16xi32> to vector<16xi32>
      %swap3A_556 = vector.shape_cast %add3A_352 : vector<16xi32> to vector<1x16xi32>
      tpu.vector_store %arg4[%swap3A_552, %swap3A_553], %swap3A_556 {strides = array<i32>} : memref<16x2048xi32, #tpu.memory_space<vmem>>, vector<1x16xi32>,
      %swap3A_557 = arith.index_cast %scan3A_348 : i32 to index
      %swap3A_558 = arith.constant 656 : index
      %swap3A_559 = tpu.vector_load %arg4[%swap3A_557, %swap3A_558] {strides = array<i32>} : memref<16x2048xi32, #tpu.memory_space<vmem>>, vector<1x16xi32>,
      %swap3A_560 = vector.shape_cast %swap3A_559 : vector<1x16xi32> to vector<16xi32>
      %swap3A_561 = vector.shape_cast %add3A_352 : vector<16xi32> to vector<1x16xi32>
      tpu.vector_store %arg4[%swap3A_557, %swap3A_558], %swap3A_561 {strides = array<i32>} : memref<16x2048xi32, #tpu.memory_space<vmem>>, vector<1x16xi32>,
      %swap3A_562 = arith.index_cast %scan3A_348 : i32 to index
      %swap3A_563 = arith.constant 672 : index
      %swap3A_564 = tpu.vector_load %arg4[%swap3A_562, %swap3A_563] {strides = array<i32>} : memref<16x2048xi32, #tpu.memory_space<vmem>>, vector<1x16xi32>,
      %swap3A_565 = vector.shape_cast %swap3A_564 : vector<1x16xi32> to vector<16xi32>
      %swap3A_566 = vector.shape_cast %add3A_352 : vector<16xi32> to vector<1x16xi32>
      tpu.vector_store %arg4[%swap3A_562, %swap3A_563], %swap3A_566 {strides = array<i32>} : memref<16x2048xi32, #tpu.memory_space<vmem>>, vector<1x16xi32>,
      %swap3A_567 = arith.index_cast %scan3A_348 : i32 to index
      %swap3A_568 = arith.constant 688 : index
      %swap3A_569 = tpu.vector_load %arg4[%swap3A_567, %swap3A_568] {strides = array<i32>} : memref<16x2048xi32, #tpu.memory_space<vmem>>, vector<1x16xi32>,
      %swap3A_570 = vector.shape_cast %swap3A_569 : vector<1x16xi32> to vector<16xi32>
      %swap3A_571 = vector.shape_cast %add3A_352 : vector<16xi32> to vector<1x16xi32>
      tpu.vector_store %arg4[%swap3A_567, %swap3A_568], %swap3A_571 {strides = array<i32>} : memref<16x2048xi32, #tpu.memory_space<vmem>>, vector<1x16xi32>,
      %swap3A_572 = arith.index_cast %scan3A_348 : i32 to index
      %swap3A_573 = arith.constant 704 : index
      %swap3A_574 = tpu.vector_load %arg4[%swap3A_572, %swap3A_573] {strides = array<i32>} : memref<16x2048xi32, #tpu.memory_space<vmem>>, vector<1x16xi32>,
      %swap3A_575 = vector.shape_cast %swap3A_574 : vector<1x16xi32> to vector<16xi32>
      %swap3A_576 = vector.shape_cast %add3A_352 : vector<16xi32> to vector<1x16xi32>
      tpu.vector_store %arg4[%swap3A_572, %swap3A_573], %swap3A_576 {strides = array<i32>} : memref<16x2048xi32, #tpu.memory_space<vmem>>, vector<1x16xi32>,
      %swap3A_577 = arith.index_cast %scan3A_348 : i32 to index
      %swap3A_578 = arith.constant 720 : index
      %swap3A_579 = tpu.vector_load %arg4[%swap3A_577, %swap3A_578] {strides = array<i32>} : memref<16x2048xi32, #tpu.memory_space<vmem>>, vector<1x16xi32>,
      %swap3A_580 = vector.shape_cast %swap3A_579 : vector<1x16xi32> to vector<16xi32>
      %swap3A_581 = vector.shape_cast %add3A_352 : vector<16xi32> to vector<1x16xi32>
      tpu.vector_store %arg4[%swap3A_577, %swap3A_578], %swap3A_581 {strides = array<i32>} : memref<16x2048xi32, #tpu.memory_space<vmem>>, vector<1x16xi32>,
      %swap3A_582 = arith.index_cast %scan3A_348 : i32 to index
      %swap3A_583 = arith.constant 736 : index
      %swap3A_584 = tpu.vector_load %arg4[%swap3A_582, %swap3A_583] {strides = array<i32>} : memref<16x2048xi32, #tpu.memory_space<vmem>>, vector<1x16xi32>,
      %swap3A_585 = vector.shape_cast %swap3A_584 : vector<1x16xi32> to vector<16xi32>
      %swap3A_586 = vector.shape_cast %add3A_352 : vector<16xi32> to vector<1x16xi32>
      tpu.vector_store %arg4[%swap3A_582, %swap3A_583], %swap3A_586 {strides = array<i32>} : memref<16x2048xi32, #tpu.memory_space<vmem>>, vector<1x16xi32>,
      %swap3A_587 = arith.index_cast %scan3A_348 : i32 to index
      %swap3A_588 = arith.constant 752 : index
      %swap3A_589 = tpu.vector_load %arg4[%swap3A_587, %swap3A_588] {strides = array<i32>} : memref<16x2048xi32, #tpu.memory_space<vmem>>, vector<1x16xi32>,
      %swap3A_590 = vector.shape_cast %swap3A_589 : vector<1x16xi32> to vector<16xi32>
      %swap3A_591 = vector.shape_cast %add3A_352 : vector<16xi32> to vector<1x16xi32>
      tpu.vector_store %arg4[%swap3A_587, %swap3A_588], %swap3A_591 {strides = array<i32>} : memref<16x2048xi32, #tpu.memory_space<vmem>>, vector<1x16xi32>,
      %swap3A_592 = arith.index_cast %scan3A_348 : i32 to index
      %swap3A_593 = arith.constant 768 : index
      %swap3A_594 = tpu.vector_load %arg4[%swap3A_592, %swap3A_593] {strides = array<i32>} : memref<16x2048xi32, #tpu.memory_space<vmem>>, vector<1x16xi32>,
      %swap3A_595 = vector.shape_cast %swap3A_594 : vector<1x16xi32> to vector<16xi32>
      %swap3A_596 = vector.shape_cast %add3A_352 : vector<16xi32> to vector<1x16xi32>
      tpu.vector_store %arg4[%swap3A_592, %swap3A_593], %swap3A_596 {strides = array<i32>} : memref<16x2048xi32, #tpu.memory_space<vmem>>, vector<1x16xi32>,
      %swap3A_597 = arith.index_cast %scan3A_348 : i32 to index
      %swap3A_598 = arith.constant 784 : index
      %swap3A_599 = tpu.vector_load %arg4[%swap3A_597, %swap3A_598] {strides = array<i32>} : memref<16x2048xi32, #tpu.memory_space<vmem>>, vector<1x16xi32>,
      %swap3A_600 = vector.shape_cast %swap3A_599 : vector<1x16xi32> to vector<16xi32>
      %swap3A_601 = vector.shape_cast %add3A_352 : vector<16xi32> to vector<1x16xi32>
      tpu.vector_store %arg4[%swap3A_597, %swap3A_598], %swap3A_601 {strides = array<i32>} : memref<16x2048xi32, #tpu.memory_space<vmem>>, vector<1x16xi32>,
      %swap3A_602 = arith.index_cast %scan3A_348 : i32 to index
      %swap3A_603 = arith.constant 800 : index
      %swap3A_604 = tpu.vector_load %arg4[%swap3A_602, %swap3A_603] {strides = array<i32>} : memref<16x2048xi32, #tpu.memory_space<vmem>>, vector<1x16xi32>,
      %swap3A_605 = vector.shape_cast %swap3A_604 : vector<1x16xi32> to vector<16xi32>
      %swap3A_606 = vector.shape_cast %add3A_352 : vector<16xi32> to vector<1x16xi32>
      tpu.vector_store %arg4[%swap3A_602, %swap3A_603], %swap3A_606 {strides = array<i32>} : memref<16x2048xi32, #tpu.memory_space<vmem>>, vector<1x16xi32>,
      %swap3A_607 = arith.index_cast %scan3A_348 : i32 to index
      %swap3A_608 = arith.constant 816 : index
      %swap3A_609 = tpu.vector_load %arg4[%swap3A_607, %swap3A_608] {strides = array<i32>} : memref<16x2048xi32, #tpu.memory_space<vmem>>, vector<1x16xi32>,
      %swap3A_610 = vector.shape_cast %swap3A_609 : vector<1x16xi32> to vector<16xi32>
      %swap3A_611 = vector.shape_cast %add3A_352 : vector<16xi32> to vector<1x16xi32>
      tpu.vector_store %arg4[%swap3A_607, %swap3A_608], %swap3A_611 {strides = array<i32>} : memref<16x2048xi32, #tpu.memory_space<vmem>>, vector<1x16xi32>,
      %swap3A_612 = arith.index_cast %scan3A_348 : i32 to index
      %swap3A_613 = arith.constant 832 : index
      %swap3A_614 = tpu.vector_load %arg4[%swap3A_612, %swap3A_613] {strides = array<i32>} : memref<16x2048xi32, #tpu.memory_space<vmem>>, vector<1x16xi32>,
      %swap3A_615 = vector.shape_cast %swap3A_614 : vector<1x16xi32> to vector<16xi32>
      %swap3A_616 = vector.shape_cast %add3A_352 : vector<16xi32> to vector<1x16xi32>
      tpu.vector_store %arg4[%swap3A_612, %swap3A_613], %swap3A_616 {strides = array<i32>} : memref<16x2048xi32, #tpu.memory_space<vmem>>, vector<1x16xi32>,
      %swap3A_617 = arith.index_cast %scan3A_348 : i32 to index
      %swap3A_618 = arith.constant 848 : index
      %swap3A_619 = tpu.vector_load %arg4[%swap3A_617, %swap3A_618] {strides = array<i32>} : memref<16x2048xi32, #tpu.memory_space<vmem>>, vector<1x16xi32>,
      %swap3A_620 = vector.shape_cast %swap3A_619 : vector<1x16xi32> to vector<16xi32>
      %swap3A_621 = vector.shape_cast %add3A_352 : vector<16xi32> to vector<1x16xi32>
      tpu.vector_store %arg4[%swap3A_617, %swap3A_618], %swap3A_621 {strides = array<i32>} : memref<16x2048xi32, #tpu.memory_space<vmem>>, vector<1x16xi32>,
      %swap3A_622 = arith.index_cast %scan3A_348 : i32 to index
      %swap3A_623 = arith.constant 864 : index
      %swap3A_624 = tpu.vector_load %arg4[%swap3A_622, %swap3A_623] {strides = array<i32>} : memref<16x2048xi32, #tpu.memory_space<vmem>>, vector<1x16xi32>,
      %swap3A_625 = vector.shape_cast %swap3A_624 : vector<1x16xi32> to vector<16xi32>
      %swap3A_626 = vector.shape_cast %add3A_352 : vector<16xi32> to vector<1x16xi32>
      tpu.vector_store %arg4[%swap3A_622, %swap3A_623], %swap3A_626 {strides = array<i32>} : memref<16x2048xi32, #tpu.memory_space<vmem>>, vector<1x16xi32>,
      %swap3A_627 = arith.index_cast %scan3A_348 : i32 to index
      %swap3A_628 = arith.constant 880 : index
      %swap3A_629 = tpu.vector_load %arg4[%swap3A_627, %swap3A_628] {strides = array<i32>} : memref<16x2048xi32, #tpu.memory_space<vmem>>, vector<1x16xi32>,
      %swap3A_630 = vector.shape_cast %swap3A_629 : vector<1x16xi32> to vector<16xi32>
      %swap3A_631 = vector.shape_cast %add3A_352 : vector<16xi32> to vector<1x16xi32>
      tpu.vector_store %arg4[%swap3A_627, %swap3A_628], %swap3A_631 {strides = array<i32>} : memref<16x2048xi32, #tpu.memory_space<vmem>>, vector<1x16xi32>,
      %swap3A_632 = arith.index_cast %scan3A_348 : i32 to index
      %swap3A_633 = arith.constant 896 : index
      %swap3A_634 = tpu.vector_load %arg4[%swap3A_632, %swap3A_633] {strides = array<i32>} : memref<16x2048xi32, #tpu.memory_space<vmem>>, vector<1x16xi32>,
      %swap3A_635 = vector.shape_cast %swap3A_634 : vector<1x16xi32> to vector<16xi32>
      %swap3A_636 = vector.shape_cast %add3A_352 : vector<16xi32> to vector<1x16xi32>
      tpu.vector_store %arg4[%swap3A_632, %swap3A_633], %swap3A_636 {strides = array<i32>} : memref<16x2048xi32, #tpu.memory_space<vmem>>, vector<1x16xi32>,
      %swap3A_637 = arith.index_cast %scan3A_348 : i32 to index
      %swap3A_638 = arith.constant 912 : index
      %swap3A_639 = tpu.vector_load %arg4[%swap3A_637, %swap3A_638] {strides = array<i32>} : memref<16x2048xi32, #tpu.memory_space<vmem>>, vector<1x16xi32>,
      %swap3A_640 = vector.shape_cast %swap3A_639 : vector<1x16xi32> to vector<16xi32>
      %swap3A_641 = vector.shape_cast %add3A_352 : vector<16xi32> to vector<1x16xi32>
      tpu.vector_store %arg4[%swap3A_637, %swap3A_638], %swap3A_641 {strides = array<i32>} : memref<16x2048xi32, #tpu.memory_space<vmem>>, vector<1x16xi32>,
      %swap3A_642 = arith.index_cast %scan3A_348 : i32 to index
      %swap3A_643 = arith.constant 928 : index
      %swap3A_644 = tpu.vector_load %arg4[%swap3A_642, %swap3A_643] {strides = array<i32>} : memref<16x2048xi32, #tpu.memory_space<vmem>>, vector<1x16xi32>,
      %swap3A_645 = vector.shape_cast %swap3A_644 : vector<1x16xi32> to vector<16xi32>
      %swap3A_646 = vector.shape_cast %add3A_352 : vector<16xi32> to vector<1x16xi32>
      tpu.vector_store %arg4[%swap3A_642, %swap3A_643], %swap3A_646 {strides = array<i32>} : memref<16x2048xi32, #tpu.memory_space<vmem>>, vector<1x16xi32>,
      %swap3A_647 = arith.index_cast %scan3A_348 : i32 to index
      %swap3A_648 = arith.constant 944 : index
      %swap3A_649 = tpu.vector_load %arg4[%swap3A_647, %swap3A_648] {strides = array<i32>} : memref<16x2048xi32, #tpu.memory_space<vmem>>, vector<1x16xi32>,
      %swap3A_650 = vector.shape_cast %swap3A_649 : vector<1x16xi32> to vector<16xi32>
      %swap3A_651 = vector.shape_cast %add3A_352 : vector<16xi32> to vector<1x16xi32>
      tpu.vector_store %arg4[%swap3A_647, %swap3A_648], %swap3A_651 {strides = array<i32>} : memref<16x2048xi32, #tpu.memory_space<vmem>>, vector<1x16xi32>,
      %swap3A_652 = arith.index_cast %scan3A_348 : i32 to index
      %swap3A_653 = arith.constant 960 : index
      %swap3A_654 = tpu.vector_load %arg4[%swap3A_652, %swap3A_653] {strides = array<i32>} : memref<16x2048xi32, #tpu.memory_space<vmem>>, vector<1x16xi32>,
      %swap3A_655 = vector.shape_cast %swap3A_654 : vector<1x16xi32> to vector<16xi32>
      %swap3A_656 = vector.shape_cast %add3A_352 : vector<16xi32> to vector<1x16xi32>
      tpu.vector_store %arg4[%swap3A_652, %swap3A_653], %swap3A_656 {strides = array<i32>} : memref<16x2048xi32, #tpu.memory_space<vmem>>, vector<1x16xi32>,
      %swap3A_657 = arith.index_cast %scan3A_348 : i32 to index
      %swap3A_658 = arith.constant 976 : index
      %swap3A_659 = tpu.vector_load %arg4[%swap3A_657, %swap3A_658] {strides = array<i32>} : memref<16x2048xi32, #tpu.memory_space<vmem>>, vector<1x16xi32>,
      %swap3A_660 = vector.shape_cast %swap3A_659 : vector<1x16xi32> to vector<16xi32>
      %swap3A_661 = vector.shape_cast %add3A_352 : vector<16xi32> to vector<1x16xi32>
      tpu.vector_store %arg4[%swap3A_657, %swap3A_658], %swap3A_661 {strides = array<i32>} : memref<16x2048xi32, #tpu.memory_space<vmem>>, vector<1x16xi32>,
      %swap3A_662 = arith.index_cast %scan3A_348 : i32 to index
      %swap3A_663 = arith.constant 992 : index
      %swap3A_664 = tpu.vector_load %arg4[%swap3A_662, %swap3A_663] {strides = array<i32>} : memref<16x2048xi32, #tpu.memory_space<vmem>>, vector<1x16xi32>,
      %swap3A_665 = vector.shape_cast %swap3A_664 : vector<1x16xi32> to vector<16xi32>
      %swap3A_666 = vector.shape_cast %add3A_352 : vector<16xi32> to vector<1x16xi32>
      tpu.vector_store %arg4[%swap3A_662, %swap3A_663], %swap3A_666 {strides = array<i32>} : memref<16x2048xi32, #tpu.memory_space<vmem>>, vector<1x16xi32>,
      %swap3A_667 = arith.index_cast %scan3A_348 : i32 to index
      %swap3A_668 = arith.constant 1008 : index
      %swap3A_669 = tpu.vector_load %arg4[%swap3A_667, %swap3A_668] {strides = array<i32>} : memref<16x2048xi32, #tpu.memory_space<vmem>>, vector<1x16xi32>,
      %swap3A_670 = vector.shape_cast %swap3A_669 : vector<1x16xi32> to vector<16xi32>
      %swap3A_671 = vector.shape_cast %add3A_352 : vector<16xi32> to vector<1x16xi32>
      tpu.vector_store %arg4[%swap3A_667, %swap3A_668], %swap3A_671 {strides = array<i32>} : memref<16x2048xi32, #tpu.memory_space<vmem>>, vector<1x16xi32>,
      %swap3A_672 = arith.index_cast %scan3A_348 : i32 to index
      %swap3A_673 = arith.constant 1024 : index
      %swap3A_674 = tpu.vector_load %arg4[%swap3A_672, %swap3A_673] {strides = array<i32>} : memref<16x2048xi32, #tpu.memory_space<vmem>>, vector<1x16xi32>,
      %swap3A_675 = vector.shape_cast %swap3A_674 : vector<1x16xi32> to vector<16xi32>
      %swap3A_676 = vector.shape_cast %add3A_352 : vector<16xi32> to vector<1x16xi32>
      tpu.vector_store %arg4[%swap3A_672, %swap3A_673], %swap3A_676 {strides = array<i32>} : memref<16x2048xi32, #tpu.memory_space<vmem>>, vector<1x16xi32>,
      %swap3A_677 = arith.index_cast %scan3A_348 : i32 to index
      %swap3A_678 = arith.constant 1040 : index
      %swap3A_679 = tpu.vector_load %arg4[%swap3A_677, %swap3A_678] {strides = array<i32>} : memref<16x2048xi32, #tpu.memory_space<vmem>>, vector<1x16xi32>,
      %swap3A_680 = vector.shape_cast %swap3A_679 : vector<1x16xi32> to vector<16xi32>
      %swap3A_681 = vector.shape_cast %add3A_352 : vector<16xi32> to vector<1x16xi32>
      tpu.vector_store %arg4[%swap3A_677, %swap3A_678], %swap3A_681 {strides = array<i32>} : memref<16x2048xi32, #tpu.memory_space<vmem>>, vector<1x16xi32>,
      %swap3A_682 = arith.index_cast %scan3A_348 : i32 to index
      %swap3A_683 = arith.constant 1056 : index
      %swap3A_684 = tpu.vector_load %arg4[%swap3A_682, %swap3A_683] {strides = array<i32>} : memref<16x2048xi32, #tpu.memory_space<vmem>>, vector<1x16xi32>,
      %swap3A_685 = vector.shape_cast %swap3A_684 : vector<1x16xi32> to vector<16xi32>
      %swap3A_686 = vector.shape_cast %add3A_352 : vector<16xi32> to vector<1x16xi32>
      tpu.vector_store %arg4[%swap3A_682, %swap3A_683], %swap3A_686 {strides = array<i32>} : memref<16x2048xi32, #tpu.memory_space<vmem>>, vector<1x16xi32>,
      %swap3A_687 = arith.index_cast %scan3A_348 : i32 to index
      %swap3A_688 = arith.constant 1072 : index
      %swap3A_689 = tpu.vector_load %arg4[%swap3A_687, %swap3A_688] {strides = array<i32>} : memref<16x2048xi32, #tpu.memory_space<vmem>>, vector<1x16xi32>,
      %swap3A_690 = vector.shape_cast %swap3A_689 : vector<1x16xi32> to vector<16xi32>
      %swap3A_691 = vector.shape_cast %add3A_352 : vector<16xi32> to vector<1x16xi32>
      tpu.vector_store %arg4[%swap3A_687, %swap3A_688], %swap3A_691 {strides = array<i32>} : memref<16x2048xi32, #tpu.memory_space<vmem>>, vector<1x16xi32>,
      %swap3A_692 = arith.index_cast %scan3A_348 : i32 to index
      %swap3A_693 = arith.constant 1088 : index
      %swap3A_694 = tpu.vector_load %arg4[%swap3A_692, %swap3A_693] {strides = array<i32>} : memref<16x2048xi32, #tpu.memory_space<vmem>>, vector<1x16xi32>,
      %swap3A_695 = vector.shape_cast %swap3A_694 : vector<1x16xi32> to vector<16xi32>
      %swap3A_696 = vector.shape_cast %add3A_352 : vector<16xi32> to vector<1x16xi32>
      tpu.vector_store %arg4[%swap3A_692, %swap3A_693], %swap3A_696 {strides = array<i32>} : memref<16x2048xi32, #tpu.memory_space<vmem>>, vector<1x16xi32>,
      %swap3A_697 = arith.index_cast %scan3A_348 : i32 to index
      %swap3A_698 = arith.constant 1104 : index
      %swap3A_699 = tpu.vector_load %arg4[%swap3A_697, %swap3A_698] {strides = array<i32>} : memref<16x2048xi32, #tpu.memory_space<vmem>>, vector<1x16xi32>,
      %swap3A_700 = vector.shape_cast %swap3A_699 : vector<1x16xi32> to vector<16xi32>
      %swap3A_701 = vector.shape_cast %add3A_352 : vector<16xi32> to vector<1x16xi32>
      tpu.vector_store %arg4[%swap3A_697, %swap3A_698], %swap3A_701 {strides = array<i32>} : memref<16x2048xi32, #tpu.memory_space<vmem>>, vector<1x16xi32>,
      %swap3A_702 = arith.index_cast %scan3A_348 : i32 to index
      %swap3A_703 = arith.constant 1120 : index
      %swap3A_704 = tpu.vector_load %arg4[%swap3A_702, %swap3A_703] {strides = array<i32>} : memref<16x2048xi32, #tpu.memory_space<vmem>>, vector<1x16xi32>,
      %swap3A_705 = vector.shape_cast %swap3A_704 : vector<1x16xi32> to vector<16xi32>
      %swap3A_706 = vector.shape_cast %add3A_352 : vector<16xi32> to vector<1x16xi32>
      tpu.vector_store %arg4[%swap3A_702, %swap3A_703], %swap3A_706 {strides = array<i32>} : memref<16x2048xi32, #tpu.memory_space<vmem>>, vector<1x16xi32>,
      %swap3A_707 = arith.index_cast %scan3A_348 : i32 to index
      %swap3A_708 = arith.constant 1136 : index
      %swap3A_709 = tpu.vector_load %arg4[%swap3A_707, %swap3A_708] {strides = array<i32>} : memref<16x2048xi32, #tpu.memory_space<vmem>>, vector<1x16xi32>,
      %swap3A_710 = vector.shape_cast %swap3A_709 : vector<1x16xi32> to vector<16xi32>
      %swap3A_711 = vector.shape_cast %add3A_352 : vector<16xi32> to vector<1x16xi32>
      tpu.vector_store %arg4[%swap3A_707, %swap3A_708], %swap3A_711 {strides = array<i32>} : memref<16x2048xi32, #tpu.memory_space<vmem>>, vector<1x16xi32>,
      %swap3A_712 = arith.index_cast %scan3A_348 : i32 to index
      %swap3A_713 = arith.constant 1152 : index
      %swap3A_714 = tpu.vector_load %arg4[%swap3A_712, %swap3A_713] {strides = array<i32>} : memref<16x2048xi32, #tpu.memory_space<vmem>>, vector<1x16xi32>,
      %swap3A_715 = vector.shape_cast %swap3A_714 : vector<1x16xi32> to vector<16xi32>
      %swap3A_716 = vector.shape_cast %add3A_352 : vector<16xi32> to vector<1x16xi32>
      tpu.vector_store %arg4[%swap3A_712, %swap3A_713], %swap3A_716 {strides = array<i32>} : memref<16x2048xi32, #tpu.memory_space<vmem>>, vector<1x16xi32>,
      %swap3A_717 = arith.index_cast %scan3A_348 : i32 to index
      %swap3A_718 = arith.constant 1168 : index
      %swap3A_719 = tpu.vector_load %arg4[%swap3A_717, %swap3A_718] {strides = array<i32>} : memref<16x2048xi32, #tpu.memory_space<vmem>>, vector<1x16xi32>,
      %swap3A_720 = vector.shape_cast %swap3A_719 : vector<1x16xi32> to vector<16xi32>
      %swap3A_721 = vector.shape_cast %add3A_352 : vector<16xi32> to vector<1x16xi32>
      tpu.vector_store %arg4[%swap3A_717, %swap3A_718], %swap3A_721 {strides = array<i32>} : memref<16x2048xi32, #tpu.memory_space<vmem>>, vector<1x16xi32>,
      %swap3A_722 = arith.index_cast %scan3A_348 : i32 to index
      %swap3A_723 = arith.constant 1184 : index
      %swap3A_724 = tpu.vector_load %arg4[%swap3A_722, %swap3A_723] {strides = array<i32>} : memref<16x2048xi32, #tpu.memory_space<vmem>>, vector<1x16xi32>,
      %swap3A_725 = vector.shape_cast %swap3A_724 : vector<1x16xi32> to vector<16xi32>
      %swap3A_726 = vector.shape_cast %add3A_352 : vector<16xi32> to vector<1x16xi32>
      tpu.vector_store %arg4[%swap3A_722, %swap3A_723], %swap3A_726 {strides = array<i32>} : memref<16x2048xi32, #tpu.memory_space<vmem>>, vector<1x16xi32>,
      %swap3A_727 = arith.index_cast %scan3A_348 : i32 to index
      %swap3A_728 = arith.constant 1200 : index
      %swap3A_729 = tpu.vector_load %arg4[%swap3A_727, %swap3A_728] {strides = array<i32>} : memref<16x2048xi32, #tpu.memory_space<vmem>>, vector<1x16xi32>,
      %swap3A_730 = vector.shape_cast %swap3A_729 : vector<1x16xi32> to vector<16xi32>
      %swap3A_731 = vector.shape_cast %add3A_352 : vector<16xi32> to vector<1x16xi32>
      tpu.vector_store %arg4[%swap3A_727, %swap3A_728], %swap3A_731 {strides = array<i32>} : memref<16x2048xi32, #tpu.memory_space<vmem>>, vector<1x16xi32>,
      %swap3A_732 = arith.index_cast %scan3A_348 : i32 to index
      %swap3A_733 = arith.constant 1216 : index
      %swap3A_734 = tpu.vector_load %arg4[%swap3A_732, %swap3A_733] {strides = array<i32>} : memref<16x2048xi32, #tpu.memory_space<vmem>>, vector<1x16xi32>,
      %swap3A_735 = vector.shape_cast %swap3A_734 : vector<1x16xi32> to vector<16xi32>
      %swap3A_736 = vector.shape_cast %add3A_352 : vector<16xi32> to vector<1x16xi32>
      tpu.vector_store %arg4[%swap3A_732, %swap3A_733], %swap3A_736 {strides = array<i32>} : memref<16x2048xi32, #tpu.memory_space<vmem>>, vector<1x16xi32>,
      %swap3A_737 = arith.index_cast %scan3A_348 : i32 to index
      %swap3A_738 = arith.constant 1232 : index
      %swap3A_739 = tpu.vector_load %arg4[%swap3A_737, %swap3A_738] {strides = array<i32>} : memref<16x2048xi32, #tpu.memory_space<vmem>>, vector<1x16xi32>,
      %swap3A_740 = vector.shape_cast %swap3A_739 : vector<1x16xi32> to vector<16xi32>
      %swap3A_741 = vector.shape_cast %add3A_352 : vector<16xi32> to vector<1x16xi32>
      tpu.vector_store %arg4[%swap3A_737, %swap3A_738], %swap3A_741 {strides = array<i32>} : memref<16x2048xi32, #tpu.memory_space<vmem>>, vector<1x16xi32>,
      %swap3A_742 = arith.index_cast %scan3A_348 : i32 to index
      %swap3A_743 = arith.constant 1248 : index
      %swap3A_744 = tpu.vector_load %arg4[%swap3A_742, %swap3A_743] {strides = array<i32>} : memref<16x2048xi32, #tpu.memory_space<vmem>>, vector<1x16xi32>,
      %swap3A_745 = vector.shape_cast %swap3A_744 : vector<1x16xi32> to vector<16xi32>
      %swap3A_746 = vector.shape_cast %add3A_352 : vector<16xi32> to vector<1x16xi32>
      tpu.vector_store %arg4[%swap3A_742, %swap3A_743], %swap3A_746 {strides = array<i32>} : memref<16x2048xi32, #tpu.memory_space<vmem>>, vector<1x16xi32>,
      %swap3A_747 = arith.index_cast %scan3A_348 : i32 to index
      %swap3A_748 = arith.constant 1264 : index
      %swap3A_749 = tpu.vector_load %arg4[%swap3A_747, %swap3A_748] {strides = array<i32>} : memref<16x2048xi32, #tpu.memory_space<vmem>>, vector<1x16xi32>,
      %swap3A_750 = vector.shape_cast %swap3A_749 : vector<1x16xi32> to vector<16xi32>
      %swap3A_751 = vector.shape_cast %add3A_352 : vector<16xi32> to vector<1x16xi32>
      tpu.vector_store %arg4[%swap3A_747, %swap3A_748], %swap3A_751 {strides = array<i32>} : memref<16x2048xi32, #tpu.memory_space<vmem>>, vector<1x16xi32>,
      %swap3A_752 = arith.index_cast %scan3A_348 : i32 to index
      %swap3A_753 = arith.constant 1280 : index
      %swap3A_754 = tpu.vector_load %arg4[%swap3A_752, %swap3A_753] {strides = array<i32>} : memref<16x2048xi32, #tpu.memory_space<vmem>>, vector<1x16xi32>,
      %swap3A_755 = vector.shape_cast %swap3A_754 : vector<1x16xi32> to vector<16xi32>
      %swap3A_756 = vector.shape_cast %add3A_352 : vector<16xi32> to vector<1x16xi32>
      tpu.vector_store %arg4[%swap3A_752, %swap3A_753], %swap3A_756 {strides = array<i32>} : memref<16x2048xi32, #tpu.memory_space<vmem>>, vector<1x16xi32>,
      %swap3A_757 = arith.index_cast %scan3A_348 : i32 to index
      %swap3A_758 = arith.constant 1296 : index
      %swap3A_759 = tpu.vector_load %arg4[%swap3A_757, %swap3A_758] {strides = array<i32>} : memref<16x2048xi32, #tpu.memory_space<vmem>>, vector<1x16xi32>,
      %swap3A_760 = vector.shape_cast %swap3A_759 : vector<1x16xi32> to vector<16xi32>
      %swap3A_761 = vector.shape_cast %add3A_352 : vector<16xi32> to vector<1x16xi32>
      tpu.vector_store %arg4[%swap3A_757, %swap3A_758], %swap3A_761 {strides = array<i32>} : memref<16x2048xi32, #tpu.memory_space<vmem>>, vector<1x16xi32>,
      %swap3A_762 = arith.index_cast %scan3A_348 : i32 to index
      %swap3A_763 = arith.constant 1312 : index
      %swap3A_764 = tpu.vector_load %arg4[%swap3A_762, %swap3A_763] {strides = array<i32>} : memref<16x2048xi32, #tpu.memory_space<vmem>>, vector<1x16xi32>,
      %swap3A_765 = vector.shape_cast %swap3A_764 : vector<1x16xi32> to vector<16xi32>
      %swap3A_766 = vector.shape_cast %add3A_352 : vector<16xi32> to vector<1x16xi32>
      tpu.vector_store %arg4[%swap3A_762, %swap3A_763], %swap3A_766 {strides = array<i32>} : memref<16x2048xi32, #tpu.memory_space<vmem>>, vector<1x16xi32>,
      %swap3A_767 = arith.index_cast %scan3A_348 : i32 to index
      %swap3A_768 = arith.constant 1328 : index
      %swap3A_769 = tpu.vector_load %arg4[%swap3A_767, %swap3A_768] {strides = array<i32>} : memref<16x2048xi32, #tpu.memory_space<vmem>>, vector<1x16xi32>,
      %swap3A_770 = vector.shape_cast %swap3A_769 : vector<1x16xi32> to vector<16xi32>
      %swap3A_771 = vector.shape_cast %add3A_352 : vector<16xi32> to vector<1x16xi32>
      tpu.vector_store %arg4[%swap3A_767, %swap3A_768], %swap3A_771 {strides = array<i32>} : memref<16x2048xi32, #tpu.memory_space<vmem>>, vector<1x16xi32>,
      %swap3A_772 = arith.index_cast %scan3A_348 : i32 to index
      %swap3A_773 = arith.constant 1344 : index
      %swap3A_774 = tpu.vector_load %arg4[%swap3A_772, %swap3A_773] {strides = array<i32>} : memref<16x2048xi32, #tpu.memory_space<vmem>>, vector<1x16xi32>,
      %swap3A_775 = vector.shape_cast %swap3A_774 : vector<1x16xi32> to vector<16xi32>
      %swap3A_776 = vector.shape_cast %add3A_352 : vector<16xi32> to vector<1x16xi32>
      tpu.vector_store %arg4[%swap3A_772, %swap3A_773], %swap3A_776 {strides = array<i32>} : memref<16x2048xi32, #tpu.memory_space<vmem>>, vector<1x16xi32>,
      %swap3A_777 = arith.index_cast %scan3A_348 : i32 to index
      %swap3A_778 = arith.constant 1360 : index
      %swap3A_779 = tpu.vector_load %arg4[%swap3A_777, %swap3A_778] {strides = array<i32>} : memref<16x2048xi32, #tpu.memory_space<vmem>>, vector<1x16xi32>,
      %swap3A_780 = vector.shape_cast %swap3A_779 : vector<1x16xi32> to vector<16xi32>
      %swap3A_781 = vector.shape_cast %add3A_352 : vector<16xi32> to vector<1x16xi32>
      tpu.vector_store %arg4[%swap3A_777, %swap3A_778], %swap3A_781 {strides = array<i32>} : memref<16x2048xi32, #tpu.memory_space<vmem>>, vector<1x16xi32>,
      %swap3A_782 = arith.index_cast %scan3A_348 : i32 to index
      %swap3A_783 = arith.constant 1376 : index
      %swap3A_784 = tpu.vector_load %arg4[%swap3A_782, %swap3A_783] {strides = array<i32>} : memref<16x2048xi32, #tpu.memory_space<vmem>>, vector<1x16xi32>,
      %swap3A_785 = vector.shape_cast %swap3A_784 : vector<1x16xi32> to vector<16xi32>
      %swap3A_786 = vector.shape_cast %add3A_352 : vector<16xi32> to vector<1x16xi32>
      tpu.vector_store %arg4[%swap3A_782, %swap3A_783], %swap3A_786 {strides = array<i32>} : memref<16x2048xi32, #tpu.memory_space<vmem>>, vector<1x16xi32>,
      %swap3A_787 = arith.index_cast %scan3A_348 : i32 to index
      %swap3A_788 = arith.constant 1392 : index
      %swap3A_789 = tpu.vector_load %arg4[%swap3A_787, %swap3A_788] {strides = array<i32>} : memref<16x2048xi32, #tpu.memory_space<vmem>>, vector<1x16xi32>,
      %swap3A_790 = vector.shape_cast %swap3A_789 : vector<1x16xi32> to vector<16xi32>
      %swap3A_791 = vector.shape_cast %add3A_352 : vector<16xi32> to vector<1x16xi32>
      tpu.vector_store %arg4[%swap3A_787, %swap3A_788], %swap3A_791 {strides = array<i32>} : memref<16x2048xi32, #tpu.memory_space<vmem>>, vector<1x16xi32>,
      %swap3A_792 = arith.index_cast %scan3A_348 : i32 to index
      %swap3A_793 = arith.constant 1408 : index
      %swap3A_794 = tpu.vector_load %arg4[%swap3A_792, %swap3A_793] {strides = array<i32>} : memref<16x2048xi32, #tpu.memory_space<vmem>>, vector<1x16xi32>,
      %swap3A_795 = vector.shape_cast %swap3A_794 : vector<1x16xi32> to vector<16xi32>
      %swap3A_796 = vector.shape_cast %add3A_352 : vector<16xi32> to vector<1x16xi32>
      tpu.vector_store %arg4[%swap3A_792, %swap3A_793], %swap3A_796 {strides = array<i32>} : memref<16x2048xi32, #tpu.memory_space<vmem>>, vector<1x16xi32>,
      %swap3A_797 = arith.index_cast %scan3A_348 : i32 to index
      %swap3A_798 = arith.constant 1424 : index
      %swap3A_799 = tpu.vector_load %arg4[%swap3A_797, %swap3A_798] {strides = array<i32>} : memref<16x2048xi32, #tpu.memory_space<vmem>>, vector<1x16xi32>,
      %swap3A_800 = vector.shape_cast %swap3A_799 : vector<1x16xi32> to vector<16xi32>
      %swap3A_801 = vector.shape_cast %add3A_352 : vector<16xi32> to vector<1x16xi32>
      tpu.vector_store %arg4[%swap3A_797, %swap3A_798], %swap3A_801 {strides = array<i32>} : memref<16x2048xi32, #tpu.memory_space<vmem>>, vector<1x16xi32>,
      %swap3A_802 = arith.index_cast %scan3A_348 : i32 to index
      %swap3A_803 = arith.constant 1440 : index
      %swap3A_804 = tpu.vector_load %arg4[%swap3A_802, %swap3A_803] {strides = array<i32>} : memref<16x2048xi32, #tpu.memory_space<vmem>>, vector<1x16xi32>,
      %swap3A_805 = vector.shape_cast %swap3A_804 : vector<1x16xi32> to vector<16xi32>
      %swap3A_806 = vector.shape_cast %add3A_352 : vector<16xi32> to vector<1x16xi32>
      tpu.vector_store %arg4[%swap3A_802, %swap3A_803], %swap3A_806 {strides = array<i32>} : memref<16x2048xi32, #tpu.memory_space<vmem>>, vector<1x16xi32>,
      %swap3A_807 = arith.index_cast %scan3A_348 : i32 to index
      %swap3A_808 = arith.constant 1456 : index
      %swap3A_809 = tpu.vector_load %arg4[%swap3A_807, %swap3A_808] {strides = array<i32>} : memref<16x2048xi32, #tpu.memory_space<vmem>>, vector<1x16xi32>,
      %swap3A_810 = vector.shape_cast %swap3A_809 : vector<1x16xi32> to vector<16xi32>
      %swap3A_811 = vector.shape_cast %add3A_352 : vector<16xi32> to vector<1x16xi32>
      tpu.vector_store %arg4[%swap3A_807, %swap3A_808], %swap3A_811 {strides = array<i32>} : memref<16x2048xi32, #tpu.memory_space<vmem>>, vector<1x16xi32>,
      %swap3A_812 = arith.index_cast %scan3A_348 : i32 to index
      %swap3A_813 = arith.constant 1472 : index
      %swap3A_814 = tpu.vector_load %arg4[%swap3A_812, %swap3A_813] {strides = array<i32>} : memref<16x2048xi32, #tpu.memory_space<vmem>>, vector<1x16xi32>,
      %swap3A_815 = vector.shape_cast %swap3A_814 : vector<1x16xi32> to vector<16xi32>
      %swap3A_816 = vector.shape_cast %add3A_352 : vector<16xi32> to vector<1x16xi32>
      tpu.vector_store %arg4[%swap3A_812, %swap3A_813], %swap3A_816 {strides = array<i32>} : memref<16x2048xi32, #tpu.memory_space<vmem>>, vector<1x16xi32>,
      %swap3A_817 = arith.index_cast %scan3A_348 : i32 to index
      %swap3A_818 = arith.constant 1488 : index
      %swap3A_819 = tpu.vector_load %arg4[%swap3A_817, %swap3A_818] {strides = array<i32>} : memref<16x2048xi32, #tpu.memory_space<vmem>>, vector<1x16xi32>,
      %swap3A_820 = vector.shape_cast %swap3A_819 : vector<1x16xi32> to vector<16xi32>
      %swap3A_821 = vector.shape_cast %add3A_352 : vector<16xi32> to vector<1x16xi32>
      tpu.vector_store %arg4[%swap3A_817, %swap3A_818], %swap3A_821 {strides = array<i32>} : memref<16x2048xi32, #tpu.memory_space<vmem>>, vector<1x16xi32>,
      %swap3A_822 = arith.index_cast %scan3A_348 : i32 to index
      %swap3A_823 = arith.constant 1504 : index
      %swap3A_824 = tpu.vector_load %arg4[%swap3A_822, %swap3A_823] {strides = array<i32>} : memref<16x2048xi32, #tpu.memory_space<vmem>>, vector<1x16xi32>,
      %swap3A_825 = vector.shape_cast %swap3A_824 : vector<1x16xi32> to vector<16xi32>
      %swap3A_826 = vector.shape_cast %add3A_352 : vector<16xi32> to vector<1x16xi32>
      tpu.vector_store %arg4[%swap3A_822, %swap3A_823], %swap3A_826 {strides = array<i32>} : memref<16x2048xi32, #tpu.memory_space<vmem>>, vector<1x16xi32>,
      %swap3A_827 = arith.index_cast %scan3A_348 : i32 to index
      %swap3A_828 = arith.constant 1520 : index
      %swap3A_829 = tpu.vector_load %arg4[%swap3A_827, %swap3A_828] {strides = array<i32>} : memref<16x2048xi32, #tpu.memory_space<vmem>>, vector<1x16xi32>,
      %swap3A_830 = vector.shape_cast %swap3A_829 : vector<1x16xi32> to vector<16xi32>
      %swap3A_831 = vector.shape_cast %add3A_352 : vector<16xi32> to vector<1x16xi32>
      tpu.vector_store %arg4[%swap3A_827, %swap3A_828], %swap3A_831 {strides = array<i32>} : memref<16x2048xi32, #tpu.memory_space<vmem>>, vector<1x16xi32>,
      %swap3A_832 = arith.index_cast %scan3A_348 : i32 to index
      %swap3A_833 = arith.constant 1536 : index
      %swap3A_834 = tpu.vector_load %arg4[%swap3A_832, %swap3A_833] {strides = array<i32>} : memref<16x2048xi32, #tpu.memory_space<vmem>>, vector<1x16xi32>,
      %swap3A_835 = vector.shape_cast %swap3A_834 : vector<1x16xi32> to vector<16xi32>
      %swap3A_836 = vector.shape_cast %add3A_352 : vector<16xi32> to vector<1x16xi32>
      tpu.vector_store %arg4[%swap3A_832, %swap3A_833], %swap3A_836 {strides = array<i32>} : memref<16x2048xi32, #tpu.memory_space<vmem>>, vector<1x16xi32>,
      %swap3A_837 = arith.index_cast %scan3A_348 : i32 to index
      %swap3A_838 = arith.constant 1552 : index
      %swap3A_839 = tpu.vector_load %arg4[%swap3A_837, %swap3A_838] {strides = array<i32>} : memref<16x2048xi32, #tpu.memory_space<vmem>>, vector<1x16xi32>,
      %swap3A_840 = vector.shape_cast %swap3A_839 : vector<1x16xi32> to vector<16xi32>
      %swap3A_841 = vector.shape_cast %add3A_352 : vector<16xi32> to vector<1x16xi32>
      tpu.vector_store %arg4[%swap3A_837, %swap3A_838], %swap3A_841 {strides = array<i32>} : memref<16x2048xi32, #tpu.memory_space<vmem>>, vector<1x16xi32>,
      %swap3A_842 = arith.index_cast %scan3A_348 : i32 to index
      %swap3A_843 = arith.constant 1568 : index
      %swap3A_844 = tpu.vector_load %arg4[%swap3A_842, %swap3A_843] {strides = array<i32>} : memref<16x2048xi32, #tpu.memory_space<vmem>>, vector<1x16xi32>,
      %swap3A_845 = vector.shape_cast %swap3A_844 : vector<1x16xi32> to vector<16xi32>
      %swap3A_846 = vector.shape_cast %add3A_352 : vector<16xi32> to vector<1x16xi32>
      tpu.vector_store %arg4[%swap3A_842, %swap3A_843], %swap3A_846 {strides = array<i32>} : memref<16x2048xi32, #tpu.memory_space<vmem>>, vector<1x16xi32>,
      %swap3A_847 = arith.index_cast %scan3A_348 : i32 to index
      %swap3A_848 = arith.constant 1584 : index
      %swap3A_849 = tpu.vector_load %arg4[%swap3A_847, %swap3A_848] {strides = array<i32>} : memref<16x2048xi32, #tpu.memory_space<vmem>>, vector<1x16xi32>,
      %swap3A_850 = vector.shape_cast %swap3A_849 : vector<1x16xi32> to vector<16xi32>
      %swap3A_851 = vector.shape_cast %add3A_352 : vector<16xi32> to vector<1x16xi32>
      tpu.vector_store %arg4[%swap3A_847, %swap3A_848], %swap3A_851 {strides = array<i32>} : memref<16x2048xi32, #tpu.memory_space<vmem>>, vector<1x16xi32>,
      %swap3A_852 = arith.index_cast %scan3A_348 : i32 to index
      %swap3A_853 = arith.constant 1600 : index
      %swap3A_854 = tpu.vector_load %arg4[%swap3A_852, %swap3A_853] {strides = array<i32>} : memref<16x2048xi32, #tpu.memory_space<vmem>>, vector<1x16xi32>,
      %swap3A_855 = vector.shape_cast %swap3A_854 : vector<1x16xi32> to vector<16xi32>
      %swap3A_856 = vector.shape_cast %add3A_352 : vector<16xi32> to vector<1x16xi32>
      tpu.vector_store %arg4[%swap3A_852, %swap3A_853], %swap3A_856 {strides = array<i32>} : memref<16x2048xi32, #tpu.memory_space<vmem>>, vector<1x16xi32>,
      %swap3A_857 = arith.index_cast %scan3A_348 : i32 to index
      %swap3A_858 = arith.constant 1616 : index
      %swap3A_859 = tpu.vector_load %arg4[%swap3A_857, %swap3A_858] {strides = array<i32>} : memref<16x2048xi32, #tpu.memory_space<vmem>>, vector<1x16xi32>,
      %swap3A_860 = vector.shape_cast %swap3A_859 : vector<1x16xi32> to vector<16xi32>
      %swap3A_861 = vector.shape_cast %add3A_352 : vector<16xi32> to vector<1x16xi32>
      tpu.vector_store %arg4[%swap3A_857, %swap3A_858], %swap3A_861 {strides = array<i32>} : memref<16x2048xi32, #tpu.memory_space<vmem>>, vector<1x16xi32>,
      %swap3A_862 = arith.index_cast %scan3A_348 : i32 to index
      %swap3A_863 = arith.constant 1632 : index
      %swap3A_864 = tpu.vector_load %arg4[%swap3A_862, %swap3A_863] {strides = array<i32>} : memref<16x2048xi32, #tpu.memory_space<vmem>>, vector<1x16xi32>,
      %swap3A_865 = vector.shape_cast %swap3A_864 : vector<1x16xi32> to vector<16xi32>
      %swap3A_866 = vector.shape_cast %add3A_352 : vector<16xi32> to vector<1x16xi32>
      tpu.vector_store %arg4[%swap3A_862, %swap3A_863], %swap3A_866 {strides = array<i32>} : memref<16x2048xi32, #tpu.memory_space<vmem>>, vector<1x16xi32>,
      %swap3A_867 = arith.index_cast %scan3A_348 : i32 to index
      %swap3A_868 = arith.constant 1648 : index
      %swap3A_869 = tpu.vector_load %arg4[%swap3A_867, %swap3A_868] {strides = array<i32>} : memref<16x2048xi32, #tpu.memory_space<vmem>>, vector<1x16xi32>,
      %swap3A_870 = vector.shape_cast %swap3A_869 : vector<1x16xi32> to vector<16xi32>
      %swap3A_871 = vector.shape_cast %add3A_352 : vector<16xi32> to vector<1x16xi32>
      tpu.vector_store %arg4[%swap3A_867, %swap3A_868], %swap3A_871 {strides = array<i32>} : memref<16x2048xi32, #tpu.memory_space<vmem>>, vector<1x16xi32>,
      %swap3A_872 = arith.index_cast %scan3A_348 : i32 to index
      %swap3A_873 = arith.constant 1664 : index
      %swap3A_874 = tpu.vector_load %arg4[%swap3A_872, %swap3A_873] {strides = array<i32>} : memref<16x2048xi32, #tpu.memory_space<vmem>>, vector<1x16xi32>,
      %swap3A_875 = vector.shape_cast %swap3A_874 : vector<1x16xi32> to vector<16xi32>
      %swap3A_876 = vector.shape_cast %add3A_352 : vector<16xi32> to vector<1x16xi32>
      tpu.vector_store %arg4[%swap3A_872, %swap3A_873], %swap3A_876 {strides = array<i32>} : memref<16x2048xi32, #tpu.memory_space<vmem>>, vector<1x16xi32>,
      %swap3A_877 = arith.index_cast %scan3A_348 : i32 to index
      %swap3A_878 = arith.constant 1680 : index
      %swap3A_879 = tpu.vector_load %arg4[%swap3A_877, %swap3A_878] {strides = array<i32>} : memref<16x2048xi32, #tpu.memory_space<vmem>>, vector<1x16xi32>,
      %swap3A_880 = vector.shape_cast %swap3A_879 : vector<1x16xi32> to vector<16xi32>
      %swap3A_881 = vector.shape_cast %add3A_352 : vector<16xi32> to vector<1x16xi32>
      tpu.vector_store %arg4[%swap3A_877, %swap3A_878], %swap3A_881 {strides = array<i32>} : memref<16x2048xi32, #tpu.memory_space<vmem>>, vector<1x16xi32>,
      %swap3A_882 = arith.index_cast %scan3A_348 : i32 to index
      %swap3A_883 = arith.constant 1696 : index
      %swap3A_884 = tpu.vector_load %arg4[%swap3A_882, %swap3A_883] {strides = array<i32>} : memref<16x2048xi32, #tpu.memory_space<vmem>>, vector<1x16xi32>,
      %swap3A_885 = vector.shape_cast %swap3A_884 : vector<1x16xi32> to vector<16xi32>
      %swap3A_886 = vector.shape_cast %add3A_352 : vector<16xi32> to vector<1x16xi32>
      tpu.vector_store %arg4[%swap3A_882, %swap3A_883], %swap3A_886 {strides = array<i32>} : memref<16x2048xi32, #tpu.memory_space<vmem>>, vector<1x16xi32>,
      %swap3A_887 = arith.index_cast %scan3A_348 : i32 to index
      %swap3A_888 = arith.constant 1712 : index
      %swap3A_889 = tpu.vector_load %arg4[%swap3A_887, %swap3A_888] {strides = array<i32>} : memref<16x2048xi32, #tpu.memory_space<vmem>>, vector<1x16xi32>,
      %swap3A_890 = vector.shape_cast %swap3A_889 : vector<1x16xi32> to vector<16xi32>
      %swap3A_891 = vector.shape_cast %add3A_352 : vector<16xi32> to vector<1x16xi32>
      tpu.vector_store %arg4[%swap3A_887, %swap3A_888], %swap3A_891 {strides = array<i32>} : memref<16x2048xi32, #tpu.memory_space<vmem>>, vector<1x16xi32>,
      %swap3A_892 = arith.index_cast %scan3A_348 : i32 to index
      %swap3A_893 = arith.constant 1728 : index
      %swap3A_894 = tpu.vector_load %arg4[%swap3A_892, %swap3A_893] {strides = array<i32>} : memref<16x2048xi32, #tpu.memory_space<vmem>>, vector<1x16xi32>,
      %swap3A_895 = vector.shape_cast %swap3A_894 : vector<1x16xi32> to vector<16xi32>
      %swap3A_896 = vector.shape_cast %add3A_352 : vector<16xi32> to vector<1x16xi32>
      tpu.vector_store %arg4[%swap3A_892, %swap3A_893], %swap3A_896 {strides = array<i32>} : memref<16x2048xi32, #tpu.memory_space<vmem>>, vector<1x16xi32>,
      %swap3A_897 = arith.index_cast %scan3A_348 : i32 to index
      %swap3A_898 = arith.constant 1744 : index
      %swap3A_899 = tpu.vector_load %arg4[%swap3A_897, %swap3A_898] {strides = array<i32>} : memref<16x2048xi32, #tpu.memory_space<vmem>>, vector<1x16xi32>,
      %swap3A_900 = vector.shape_cast %swap3A_899 : vector<1x16xi32> to vector<16xi32>
      %swap3A_901 = vector.shape_cast %add3A_352 : vector<16xi32> to vector<1x16xi32>
      tpu.vector_store %arg4[%swap3A_897, %swap3A_898], %swap3A_901 {strides = array<i32>} : memref<16x2048xi32, #tpu.memory_space<vmem>>, vector<1x16xi32>,
      %swap3A_902 = arith.index_cast %scan3A_348 : i32 to index
      %swap3A_903 = arith.constant 1760 : index
      %swap3A_904 = tpu.vector_load %arg4[%swap3A_902, %swap3A_903] {strides = array<i32>} : memref<16x2048xi32, #tpu.memory_space<vmem>>, vector<1x16xi32>,
      %swap3A_905 = vector.shape_cast %swap3A_904 : vector<1x16xi32> to vector<16xi32>
      %swap3A_906 = vector.shape_cast %add3A_352 : vector<16xi32> to vector<1x16xi32>
      tpu.vector_store %arg4[%swap3A_902, %swap3A_903], %swap3A_906 {strides = array<i32>} : memref<16x2048xi32, #tpu.memory_space<vmem>>, vector<1x16xi32>,
      %swap3A_907 = arith.index_cast %scan3A_348 : i32 to index
      %swap3A_908 = arith.constant 1776 : index
      %swap3A_909 = tpu.vector_load %arg4[%swap3A_907, %swap3A_908] {strides = array<i32>} : memref<16x2048xi32, #tpu.memory_space<vmem>>, vector<1x16xi32>,
      %swap3A_910 = vector.shape_cast %swap3A_909 : vector<1x16xi32> to vector<16xi32>
      %swap3A_911 = vector.shape_cast %add3A_352 : vector<16xi32> to vector<1x16xi32>
      tpu.vector_store %arg4[%swap3A_907, %swap3A_908], %swap3A_911 {strides = array<i32>} : memref<16x2048xi32, #tpu.memory_space<vmem>>, vector<1x16xi32>,
      %swap3A_912 = arith.index_cast %scan3A_348 : i32 to index
      %swap3A_913 = arith.constant 1792 : index
      %swap3A_914 = tpu.vector_load %arg4[%swap3A_912, %swap3A_913] {strides = array<i32>} : memref<16x2048xi32, #tpu.memory_space<vmem>>, vector<1x16xi32>,
      %swap3A_915 = vector.shape_cast %swap3A_914 : vector<1x16xi32> to vector<16xi32>
      %swap3A_916 = vector.shape_cast %add3A_352 : vector<16xi32> to vector<1x16xi32>
      tpu.vector_store %arg4[%swap3A_912, %swap3A_913], %swap3A_916 {strides = array<i32>} : memref<16x2048xi32, #tpu.memory_space<vmem>>, vector<1x16xi32>,
      %swap3A_917 = arith.index_cast %scan3A_348 : i32 to index
      %swap3A_918 = arith.constant 1808 : index
      %swap3A_919 = tpu.vector_load %arg4[%swap3A_917, %swap3A_918] {strides = array<i32>} : memref<16x2048xi32, #tpu.memory_space<vmem>>, vector<1x16xi32>,
      %swap3A_920 = vector.shape_cast %swap3A_919 : vector<1x16xi32> to vector<16xi32>
      %swap3A_921 = vector.shape_cast %add3A_352 : vector<16xi32> to vector<1x16xi32>
      tpu.vector_store %arg4[%swap3A_917, %swap3A_918], %swap3A_921 {strides = array<i32>} : memref<16x2048xi32, #tpu.memory_space<vmem>>, vector<1x16xi32>,
      %swap3A_922 = arith.index_cast %scan3A_348 : i32 to index
      %swap3A_923 = arith.constant 1824 : index
      %swap3A_924 = tpu.vector_load %arg4[%swap3A_922, %swap3A_923] {strides = array<i32>} : memref<16x2048xi32, #tpu.memory_space<vmem>>, vector<1x16xi32>,
      %swap3A_925 = vector.shape_cast %swap3A_924 : vector<1x16xi32> to vector<16xi32>
      %swap3A_926 = vector.shape_cast %add3A_352 : vector<16xi32> to vector<1x16xi32>
      tpu.vector_store %arg4[%swap3A_922, %swap3A_923], %swap3A_926 {strides = array<i32>} : memref<16x2048xi32, #tpu.memory_space<vmem>>, vector<1x16xi32>,
      %swap3A_927 = arith.index_cast %scan3A_348 : i32 to index
      %swap3A_928 = arith.constant 1840 : index
      %swap3A_929 = tpu.vector_load %arg4[%swap3A_927, %swap3A_928] {strides = array<i32>} : memref<16x2048xi32, #tpu.memory_space<vmem>>, vector<1x16xi32>,
      %swap3A_930 = vector.shape_cast %swap3A_929 : vector<1x16xi32> to vector<16xi32>
      %swap3A_931 = vector.shape_cast %add3A_352 : vector<16xi32> to vector<1x16xi32>
      tpu.vector_store %arg4[%swap3A_927, %swap3A_928], %swap3A_931 {strides = array<i32>} : memref<16x2048xi32, #tpu.memory_space<vmem>>, vector<1x16xi32>,
      %swap3A_932 = arith.index_cast %scan3A_348 : i32 to index
      %swap3A_933 = arith.constant 1856 : index
      %swap3A_934 = tpu.vector_load %arg4[%swap3A_932, %swap3A_933] {strides = array<i32>} : memref<16x2048xi32, #tpu.memory_space<vmem>>, vector<1x16xi32>,
      %swap3A_935 = vector.shape_cast %swap3A_934 : vector<1x16xi32> to vector<16xi32>
      %swap3A_936 = vector.shape_cast %add3A_352 : vector<16xi32> to vector<1x16xi32>
      tpu.vector_store %arg4[%swap3A_932, %swap3A_933], %swap3A_936 {strides = array<i32>} : memref<16x2048xi32, #tpu.memory_space<vmem>>, vector<1x16xi32>,
      %swap3A_937 = arith.index_cast %scan3A_348 : i32 to index
      %swap3A_938 = arith.constant 1872 : index
      %swap3A_939 = tpu.vector_load %arg4[%swap3A_937, %swap3A_938] {strides = array<i32>} : memref<16x2048xi32, #tpu.memory_space<vmem>>, vector<1x16xi32>,
      %swap3A_940 = vector.shape_cast %swap3A_939 : vector<1x16xi32> to vector<16xi32>
      %swap3A_941 = vector.shape_cast %add3A_352 : vector<16xi32> to vector<1x16xi32>
      tpu.vector_store %arg4[%swap3A_937, %swap3A_938], %swap3A_941 {strides = array<i32>} : memref<16x2048xi32, #tpu.memory_space<vmem>>, vector<1x16xi32>,
      %swap3A_942 = arith.index_cast %scan3A_348 : i32 to index
      %swap3A_943 = arith.constant 1888 : index
      %swap3A_944 = tpu.vector_load %arg4[%swap3A_942, %swap3A_943] {strides = array<i32>} : memref<16x2048xi32, #tpu.memory_space<vmem>>, vector<1x16xi32>,
      %swap3A_945 = vector.shape_cast %swap3A_944 : vector<1x16xi32> to vector<16xi32>
      %swap3A_946 = vector.shape_cast %add3A_352 : vector<16xi32> to vector<1x16xi32>
      tpu.vector_store %arg4[%swap3A_942, %swap3A_943], %swap3A_946 {strides = array<i32>} : memref<16x2048xi32, #tpu.memory_space<vmem>>, vector<1x16xi32>,
      %swap3A_947 = arith.index_cast %scan3A_348 : i32 to index
      %swap3A_948 = arith.constant 1904 : index
      %swap3A_949 = tpu.vector_load %arg4[%swap3A_947, %swap3A_948] {strides = array<i32>} : memref<16x2048xi32, #tpu.memory_space<vmem>>, vector<1x16xi32>,
      %swap3A_950 = vector.shape_cast %swap3A_949 : vector<1x16xi32> to vector<16xi32>
      %swap3A_951 = vector.shape_cast %add3A_352 : vector<16xi32> to vector<1x16xi32>
      tpu.vector_store %arg4[%swap3A_947, %swap3A_948], %swap3A_951 {strides = array<i32>} : memref<16x2048xi32, #tpu.memory_space<vmem>>, vector<1x16xi32>,
      %swap3A_952 = arith.index_cast %scan3A_348 : i32 to index
      %swap3A_953 = arith.constant 1920 : index
      %swap3A_954 = tpu.vector_load %arg4[%swap3A_952, %swap3A_953] {strides = array<i32>} : memref<16x2048xi32, #tpu.memory_space<vmem>>, vector<1x16xi32>,
      %swap3A_955 = vector.shape_cast %swap3A_954 : vector<1x16xi32> to vector<16xi32>
      %swap3A_956 = vector.shape_cast %add3A_352 : vector<16xi32> to vector<1x16xi32>
      tpu.vector_store %arg4[%swap3A_952, %swap3A_953], %swap3A_956 {strides = array<i32>} : memref<16x2048xi32, #tpu.memory_space<vmem>>, vector<1x16xi32>,
      %swap3A_957 = arith.index_cast %scan3A_348 : i32 to index
      %swap3A_958 = arith.constant 1936 : index
      %swap3A_959 = tpu.vector_load %arg4[%swap3A_957, %swap3A_958] {strides = array<i32>} : memref<16x2048xi32, #tpu.memory_space<vmem>>, vector<1x16xi32>,
      %swap3A_960 = vector.shape_cast %swap3A_959 : vector<1x16xi32> to vector<16xi32>
      %swap3A_961 = vector.shape_cast %add3A_352 : vector<16xi32> to vector<1x16xi32>
      tpu.vector_store %arg4[%swap3A_957, %swap3A_958], %swap3A_961 {strides = array<i32>} : memref<16x2048xi32, #tpu.memory_space<vmem>>, vector<1x16xi32>,
      %swap3A_962 = arith.index_cast %scan3A_348 : i32 to index
      %swap3A_963 = arith.constant 1952 : index
      %swap3A_964 = tpu.vector_load %arg4[%swap3A_962, %swap3A_963] {strides = array<i32>} : memref<16x2048xi32, #tpu.memory_space<vmem>>, vector<1x16xi32>,
      %swap3A_965 = vector.shape_cast %swap3A_964 : vector<1x16xi32> to vector<16xi32>
      %swap3A_966 = vector.shape_cast %add3A_352 : vector<16xi32> to vector<1x16xi32>
      tpu.vector_store %arg4[%swap3A_962, %swap3A_963], %swap3A_966 {strides = array<i32>} : memref<16x2048xi32, #tpu.memory_space<vmem>>, vector<1x16xi32>,
      %swap3A_967 = arith.index_cast %scan3A_348 : i32 to index
      %swap3A_968 = arith.constant 1968 : index
      %swap3A_969 = tpu.vector_load %arg4[%swap3A_967, %swap3A_968] {strides = array<i32>} : memref<16x2048xi32, #tpu.memory_space<vmem>>, vector<1x16xi32>,
      %swap3A_970 = vector.shape_cast %swap3A_969 : vector<1x16xi32> to vector<16xi32>
      %swap3A_971 = vector.shape_cast %add3A_352 : vector<16xi32> to vector<1x16xi32>
      tpu.vector_store %arg4[%swap3A_967, %swap3A_968], %swap3A_971 {strides = array<i32>} : memref<16x2048xi32, #tpu.memory_space<vmem>>, vector<1x16xi32>,
      %swap3A_972 = arith.index_cast %scan3A_348 : i32 to index
      %swap3A_973 = arith.constant 1984 : index
      %swap3A_974 = tpu.vector_load %arg4[%swap3A_972, %swap3A_973] {strides = array<i32>} : memref<16x2048xi32, #tpu.memory_space<vmem>>, vector<1x16xi32>,
      %swap3A_975 = vector.shape_cast %swap3A_974 : vector<1x16xi32> to vector<16xi32>
      %swap3A_976 = vector.shape_cast %add3A_352 : vector<16xi32> to vector<1x16xi32>
      tpu.vector_store %arg4[%swap3A_972, %swap3A_973], %swap3A_976 {strides = array<i32>} : memref<16x2048xi32, #tpu.memory_space<vmem>>, vector<1x16xi32>,
      %swap3A_977 = arith.index_cast %scan3A_348 : i32 to index
      %swap3A_978 = arith.constant 2000 : index
      %swap3A_979 = tpu.vector_load %arg4[%swap3A_977, %swap3A_978] {strides = array<i32>} : memref<16x2048xi32, #tpu.memory_space<vmem>>, vector<1x16xi32>,
      %swap3A_980 = vector.shape_cast %swap3A_979 : vector<1x16xi32> to vector<16xi32>
      %swap3A_981 = vector.shape_cast %add3A_352 : vector<16xi32> to vector<1x16xi32>
      tpu.vector_store %arg4[%swap3A_977, %swap3A_978], %swap3A_981 {strides = array<i32>} : memref<16x2048xi32, #tpu.memory_space<vmem>>, vector<1x16xi32>,
      %swap3A_982 = arith.index_cast %scan3A_348 : i32 to index
      %swap3A_983 = arith.constant 2016 : index
      %swap3A_984 = tpu.vector_load %arg4[%swap3A_982, %swap3A_983] {strides = array<i32>} : memref<16x2048xi32, #tpu.memory_space<vmem>>, vector<1x16xi32>,
      %swap3A_985 = vector.shape_cast %swap3A_984 : vector<1x16xi32> to vector<16xi32>
      %swap3A_986 = vector.shape_cast %add3A_352 : vector<16xi32> to vector<1x16xi32>
      tpu.vector_store %arg4[%swap3A_982, %swap3A_983], %swap3A_986 {strides = array<i32>} : memref<16x2048xi32, #tpu.memory_space<vmem>>, vector<1x16xi32>,
      %swap3A_987 = arith.index_cast %scan3A_348 : i32 to index
      %swap3A_988 = arith.constant 2032 : index
      %swap3A_989 = tpu.vector_load %arg4[%swap3A_987, %swap3A_988] {strides = array<i32>} : memref<16x2048xi32, #tpu.memory_space<vmem>>, vector<1x16xi32>,
      %swap3A_990 = vector.shape_cast %swap3A_989 : vector<1x16xi32> to vector<16xi32>
      %swap3A_991 = vector.shape_cast %add3A_352 : vector<16xi32> to vector<1x16xi32>
      tpu.vector_store %arg4[%swap3A_987, %swap3A_988], %swap3A_991 {strides = array<i32>} : memref<16x2048xi32, #tpu.memory_space<vmem>>, vector<1x16xi32>,
    }
    %scan3A_62 = arith.constant 16 : i32
    %add3A_63 = arith.constant 0 : i32
    %add3A_64 = arith.addi %add3A_63, %add3A_57 : i32
    %dma_start3A_65 = arith.constant 0 : i32
    %dma_start3A_66 = tpu.memref_slice %arg2[%add3A_64, %dma_start3A_65] : memref<16384x2048xi32, #tpu.memory_space<hbm>> -> memref<16x2048xi32, #tpu.memory_space<hbm>>
    %dma_start3A_67 = arith.constant 0 : i32
    %dma_start3A_68 = tpu.memref_slice %arg2[%add3A_64, %dma_start3A_67] : memref<16384x2048xi32, #tpu.memory_space<hbm>> -> memref<16x2048xi32, #tpu.memory_space<hbm>>
    tpu.enqueue_dma source(%arg4 : memref<16x2048xi32, #tpu.memory_space<vmem>>) target(%dma_start3A_68 : memref<16x2048xi32, #tpu.memory_space<hbm>>) target_semaphore(%arg6 : memref<!tpu.dma_semaphore, #tpu.memory_space<semaphore_mem>>)
    %add3A_69 = arith.constant 2048 : i32
    %add3A_70 = arith.addi %add3A_69, %add3A_57 : i32
    %dma_start3A_71 = arith.constant 0 : i32
    %dma_start3A_72 = tpu.memref_slice %arg2[%add3A_70, %dma_start3A_71] : memref<16384x2048xi32, #tpu.memory_space<hbm>> -> memref<16x2048xi32, #tpu.memory_space<hbm>>
    %dma_start3A_73 = arith.constant 0 : i32
    %dma_start3A_74 = tpu.memref_slice %arg2[%add3A_70, %dma_start3A_73] : memref<16384x2048xi32, #tpu.memory_space<hbm>> -> memref<16x2048xi32, #tpu.memory_space<hbm>>
    tpu.enqueue_dma source(%arg4 : memref<16x2048xi32, #tpu.memory_space<vmem>>) target(%dma_start3A_74 : memref<16x2048xi32, #tpu.memory_space<hbm>>) target_semaphore(%arg6 : memref<!tpu.dma_semaphore, #tpu.memory_space<semaphore_mem>>)
    %add3A_75 = arith.constant 4096 : i32
    %add3A_76 = arith.addi %add3A_75, %add3A_57 : i32
    %dma_start3A_77 = arith.constant 0 : i32
    %dma_start3A_78 = tpu.memref_slice %arg2[%add3A_76, %dma_start3A_77] : memref<16384x2048xi32, #tpu.memory_space<hbm>> -> memref<16x2048xi32, #tpu.memory_space<hbm>>
    %dma_start3A_79 = arith.constant 0 : i32
    %dma_start3A_80 = tpu.memref_slice %arg2[%add3A_76, %dma_start3A_79] : memref<16384x2048xi32, #tpu.memory_space<hbm>> -> memref<16x2048xi32, #tpu.memory_space<hbm>>
    tpu.enqueue_dma source(%arg4 : memref<16x2048xi32, #tpu.memory_space<vmem>>) target(%dma_start3A_80 : memref<16x2048xi32, #tpu.memory_space<hbm>>) target_semaphore(%arg6 : memref<!tpu.dma_semaphore, #tpu.memory_space<semaphore_mem>>)
    %add3A_81 = arith.constant 6144 : i32
    %add3A_82 = arith.addi %add3A_81, %add3A_57 : i32
    %dma_start3A_83 = arith.constant 0 : i32
    %dma_start3A_84 = tpu.memref_slice %arg2[%add3A_82, %dma_start3A_83] : memref<16384x2048xi32, #tpu.memory_space<hbm>> -> memref<16x2048xi32, #tpu.memory_space<hbm>>
    %dma_start3A_85 = arith.constant 0 : i32
    %dma_start3A_86 = tpu.memref_slice %arg2[%add3A_82, %dma_start3A_85] : memref<16384x2048xi32, #tpu.memory_space<hbm>> -> memref<16x2048xi32, #tpu.memory_space<hbm>>
    tpu.enqueue_dma source(%arg4 : memref<16x2048xi32, #tpu.memory_space<vmem>>) target(%dma_start3A_86 : memref<16x2048xi32, #tpu.memory_space<hbm>>) target_semaphore(%arg6 : memref<!tpu.dma_semaphore, #tpu.memory_space<semaphore_mem>>)
    %add3A_87 = arith.constant 8192 : i32
    %add3A_88 = arith.addi %add3A_87, %add3A_57 : i32
    %dma_start3A_89 = arith.constant 0 : i32
    %dma_start3A_90 = tpu.memref_slice %arg2[%add3A_88, %dma_start3A_89] : memref<16384x2048xi32, #tpu.memory_space<hbm>> -> memref<16x2048xi32, #tpu.memory_space<hbm>>
    %dma_start3A_91 = arith.constant 0 : i32
    %dma_start3A_92 = tpu.memref_slice %arg2[%add3A_88, %dma_start3A_91] : memref<16384x2048xi32, #tpu.memory_space<hbm>> -> memref<16x2048xi32, #tpu.memory_space<hbm>>
    tpu.enqueue_dma source(%arg4 : memref<16x2048xi32, #tpu.memory_space<vmem>>) target(%dma_start3A_92 : memref<16x2048xi32, #tpu.memory_space<hbm>>) target_semaphore(%arg6 : memref<!tpu.dma_semaphore, #tpu.memory_space<semaphore_mem>>)
    %add3A_93 = arith.constant 10240 : i32
    %add3A_94 = arith.addi %add3A_93, %add3A_57 : i32
    %dma_start3A_95 = arith.constant 0 : i32
    %dma_start3A_96 = tpu.memref_slice %arg2[%add3A_94, %dma_start3A_95] : memref<16384x2048xi32, #tpu.memory_space<hbm>> -> memref<16x2048xi32, #tpu.memory_space<hbm>>
    %dma_start3A_97 = arith.constant 0 : i32
    %dma_start3A_98 = tpu.memref_slice %arg2[%add3A_94, %dma_start3A_97] : memref<16384x2048xi32, #tpu.memory_space<hbm>> -> memref<16x2048xi32, #tpu.memory_space<hbm>>
    tpu.enqueue_dma source(%arg4 : memref<16x2048xi32, #tpu.memory_space<vmem>>) target(%dma_start3A_98 : memref<16x2048xi32, #tpu.memory_space<hbm>>) target_semaphore(%arg6 : memref<!tpu.dma_semaphore, #tpu.memory_space<semaphore_mem>>)
    %add3A_99 = arith.constant 12288 : i32
    %add3A_100 = arith.addi %add3A_99, %add3A_57 : i32
    %dma_start3A_101 = arith.constant 0 : i32
    %dma_start3A_102 = tpu.memref_slice %arg2[%add3A_100, %dma_start3A_101] : memref<16384x2048xi32, #tpu.memory_space<hbm>> -> memref<16x2048xi32, #tpu.memory_space<hbm>>
    %dma_start3A_103 = arith.constant 0 : i32
    %dma_start3A_104 = tpu.memref_slice %arg2[%add3A_100, %dma_start3A_103] : memref<16384x2048xi32, #tpu.memory_space<hbm>> -> memref<16x2048xi32, #tpu.memory_space<hbm>>
    tpu.enqueue_dma source(%arg4 : memref<16x2048xi32, #tpu.memory_space<vmem>>) target(%dma_start3A_104 : memref<16x2048xi32, #tpu.memory_space<hbm>>) target_semaphore(%arg6 : memref<!tpu.dma_semaphore, #tpu.memory_space<semaphore_mem>>)
    %add3A_105 = arith.constant 14336 : i32
    %add3A_106 = arith.addi %add3A_105, %add3A_57 : i32
    %dma_start3A_107 = arith.constant 0 : i32
    %dma_start3A_108 = tpu.memref_slice %arg2[%add3A_106, %dma_start3A_107] : memref<16384x2048xi32, #tpu.memory_space<hbm>> -> memref<16x2048xi32, #tpu.memory_space<hbm>>
    %dma_start3A_109 = arith.constant 0 : i32
    %dma_start3A_110 = tpu.memref_slice %arg2[%add3A_106, %dma_start3A_109] : memref<16384x2048xi32, #tpu.memory_space<hbm>> -> memref<16x2048xi32, #tpu.memory_space<hbm>>
    tpu.enqueue_dma source(%arg4 : memref<16x2048xi32, #tpu.memory_space<vmem>>) target(%dma_start3A_110 : memref<16x2048xi32, #tpu.memory_space<hbm>>) target_semaphore(%arg6 : memref<!tpu.dma_semaphore, #tpu.memory_space<semaphore_mem>>)
    %dma_wait3A = arith.constant 0 : i32
    %dma_wait3A_111 = tpu.memref_slice %arg2[%add3A_10, %dma_wait3A] : memref<16384x2048xi32, #tpu.memory_space<hbm>> -> memref<16x2048xi32, #tpu.memory_space<hbm>>
    %dma_wait3A_112 = arith.constant 0 : i32
    %dma_wait3A_113 = tpu.memref_slice %arg2[%add3A_10, %dma_wait3A_112] : memref<16384x2048xi32, #tpu.memory_space<hbm>> -> memref<16x2048xi32, #tpu.memory_space<hbm>>
    tpu.wait_dma2 semaphore(%arg5 : memref<!tpu.dma_semaphore, #tpu.memory_space<semaphore_mem>>) src(%arg3 : memref<16x2048xi32, #tpu.memory_space<vmem>>) dst(%dma_wait3A_113 : memref<16x2048xi32, #tpu.memory_space<hbm>>)
    %dma_wait3A_114 = arith.constant 0 : i32
    %dma_wait3A_115 = tpu.memref_slice %arg2[%add3A_15, %dma_wait3A_114] : memref<16384x2048xi32, #tpu.memory_space<hbm>> -> memref<16x2048xi32, #tpu.memory_space<hbm>>
    %dma_wait3A_116 = arith.constant 0 : i32
    %dma_wait3A_117 = tpu.memref_slice %arg2[%add3A_15, %dma_wait3A_116] : memref<16384x2048xi32, #tpu.memory_space<hbm>> -> memref<16x2048xi32, #tpu.memory_space<hbm>>
    tpu.wait_dma2 semaphore(%arg5 : memref<!tpu.dma_semaphore, #tpu.memory_space<semaphore_mem>>) src(%arg3 : memref<16x2048xi32, #tpu.memory_space<vmem>>) dst(%dma_wait3A_117 : memref<16x2048xi32, #tpu.memory_space<hbm>>)
    %dma_wait3A_118 = arith.constant 0 : i32
    %dma_wait3A_119 = tpu.memref_slice %arg2[%add3A_21, %dma_wait3A_118] : memref<16384x2048xi32, #tpu.memory_space<hbm>> -> memref<16x2048xi32, #tpu.memory_space<hbm>>
    %dma_wait3A_120 = arith.constant 0 : i32
    %dma_wait3A_121 = tpu.memref_slice %arg2[%add3A_21, %dma_wait3A_120] : memref<16384x2048xi32, #tpu.memory_space<hbm>> -> memref<16x2048xi32, #tpu.memory_space<hbm>>
    tpu.wait_dma2 semaphore(%arg5 : memref<!tpu.dma_semaphore, #tpu.memory_space<semaphore_mem>>) src(%arg3 : memref<16x2048xi32, #tpu.memory_space<vmem>>) dst(%dma_wait3A_121 : memref<16x2048xi32, #tpu.memory_space<hbm>>)
    %dma_wait3A_122 = arith.constant 0 : i32
    %dma_wait3A_123 = tpu.memref_slice %arg2[%add3A_27, %dma_wait3A_122] : memref<16384x2048xi32, #tpu.memory_space<hbm>> -> memref<16x2048xi32, #tpu.memory_space<hbm>>
    %dma_wait3A_124 = arith.constant 0 : i32
    %dma_wait3A_125 = tpu.memref_slice %arg2[%add3A_27, %dma_wait3A_124] : memref<16384x2048xi32, #tpu.memory_space<hbm>> -> memref<16x2048xi32, #tpu.memory_space<hbm>>
    tpu.wait_dma2 semaphore(%arg5 : memref<!tpu.dma_semaphore, #tpu.memory_space<semaphore_mem>>) src(%arg3 : memref<16x2048xi32, #tpu.memory_space<vmem>>) dst(%dma_wait3A_125 : memref<16x2048xi32, #tpu.memory_space<hbm>>)
    %dma_wait3A_126 = arith.constant 0 : i32
    %dma_wait3A_127 = tpu.memref_slice %arg2[%add3A_33, %dma_wait3A_126] : memref<16384x2048xi32, #tpu.memory_space<hbm>> -> memref<16x2048xi32, #tpu.memory_space<hbm>>
    %dma_wait3A_128 = arith.constant 0 : i32
    %dma_wait3A_129 = tpu.memref_slice %arg2[%add3A_33, %dma_wait3A_128] : memref<16384x2048xi32, #tpu.memory_space<hbm>> -> memref<16x2048xi32, #tpu.memory_space<hbm>>
    tpu.wait_dma2 semaphore(%arg5 : memref<!tpu.dma_semaphore, #tpu.memory_space<semaphore_mem>>) src(%arg3 : memref<16x2048xi32, #tpu.memory_space<vmem>>) dst(%dma_wait3A_129 : memref<16x2048xi32, #tpu.memory_space<hbm>>)
    %dma_wait3A_130 = arith.constant 0 : i32
    %dma_wait3A_131 = tpu.memref_slice %arg2[%add3A_39, %dma_wait3A_130] : memref<16384x2048xi32, #tpu.memory_space<hbm>> -> memref<16x2048xi32, #tpu.memory_space<hbm>>
    %dma_wait3A_132 = arith.constant 0 : i32
    %dma_wait3A_133 = tpu.memref_slice %arg2[%add3A_39, %dma_wait3A_132] : memref<16384x2048xi32, #tpu.memory_space<hbm>> -> memref<16x2048xi32, #tpu.memory_space<hbm>>
    tpu.wait_dma2 semaphore(%arg5 : memref<!tpu.dma_semaphore, #tpu.memory_space<semaphore_mem>>) src(%arg3 : memref<16x2048xi32, #tpu.memory_space<vmem>>) dst(%dma_wait3A_133 : memref<16x2048xi32, #tpu.memory_space<hbm>>)
    %dma_wait3A_134 = arith.constant 0 : i32
    %dma_wait3A_135 = tpu.memref_slice %arg2[%add3A_45, %dma_wait3A_134] : memref<16384x2048xi32, #tpu.memory_space<hbm>> -> memref<16x2048xi32, #tpu.memory_space<hbm>>
    %dma_wait3A_136 = arith.constant 0 : i32
    %dma_wait3A_137 = tpu.memref_slice %arg2[%add3A_45, %dma_wait3A_136] : memref<16384x2048xi32, #tpu.memory_space<hbm>> -> memref<16x2048xi32, #tpu.memory_space<hbm>>
    tpu.wait_dma2 semaphore(%arg5 : memref<!tpu.dma_semaphore, #tpu.memory_space<semaphore_mem>>) src(%arg3 : memref<16x2048xi32, #tpu.memory_space<vmem>>) dst(%dma_wait3A_137 : memref<16x2048xi32, #tpu.memory_space<hbm>>)
    %dma_wait3A_138 = arith.constant 0 : i32
    %dma_wait3A_139 = tpu.memref_slice %arg2[%add3A_51, %dma_wait3A_138] : memref<16384x2048xi32, #tpu.memory_space<hbm>> -> memref<16x2048xi32, #tpu.memory_space<hbm>>
    %dma_wait3A_140 = arith.constant 0 : i32
    %dma_wait3A_141 = tpu.memref_slice %arg2[%add3A_51, %dma_wait3A_140] : memref<16384x2048xi32, #tpu.memory_space<hbm>> -> memref<16x2048xi32, #tpu.memory_space<hbm>>
    tpu.wait_dma2 semaphore(%arg5 : memref<!tpu.dma_semaphore, #tpu.memory_space<semaphore_mem>>) src(%arg3 : memref<16x2048xi32, #tpu.memory_space<vmem>>) dst(%dma_wait3A_141 : memref<16x2048xi32, #tpu.memory_space<hbm>>)
    %add3A_142 = arith.constant 32 : i32
    %add3A_143 = arith.addi %mul3A_2, %add3A_142 : i32
    %scan3A_144 = arith.constant 0 : i32
    %scan3A_145 = arith.constant 16 : i32
    %scan3A_146 = arith.addi %scan3A_144, %scan3A_145 : i32
    %scan3A_147 = arith.constant 1 : i32
    scf.for %scan3A_348 = %scan3A_144 to %scan3A_146 step %scan3A_147  : i32 {
      %broadcast_in_dim3A = arith.constant 0 : i32
      %broadcast_in_dim3A_349 = vector.broadcast %broadcast_in_dim3A : i32 to vector<16xi32>
      %add3A_350 = arith.addi %add3A_143, %scan3A_348 : i32
      %add3A_351 = vector.broadcast %add3A_350 : i32 to vector<16xi32>
      %add3A_352 = arith.addi %broadcast_in_dim3A_349, %add3A_351 : vector<16xi32>
      %swap3A = arith.index_cast %scan3A_348 : i32 to index
      %swap3A_353 = arith.constant 0 : index
      %swap3A_354 = tpu.vector_load %arg3[%swap3A, %swap3A_353] {strides = array<i32>} : memref<16x2048xi32, #tpu.memory_space<vmem>>, vector<1x16xi32>,
      %swap3A_355 = vector.shape_cast %swap3A_354 : vector<1x16xi32> to vector<16xi32>
      %swap3A_356 = vector.shape_cast %add3A_352 : vector<16xi32> to vector<1x16xi32>
      tpu.vector_store %arg3[%swap3A, %swap3A_353], %swap3A_356 {strides = array<i32>} : memref<16x2048xi32, #tpu.memory_space<vmem>>, vector<1x16xi32>,
      %swap3A_357 = arith.index_cast %scan3A_348 : i32 to index
      %swap3A_358 = arith.constant 16 : index
      %swap3A_359 = tpu.vector_load %arg3[%swap3A_357, %swap3A_358] {strides = array<i32>} : memref<16x2048xi32, #tpu.memory_space<vmem>>, vector<1x16xi32>,
      %swap3A_360 = vector.shape_cast %swap3A_359 : vector<1x16xi32> to vector<16xi32>
      %swap3A_361 = vector.shape_cast %add3A_352 : vector<16xi32> to vector<1x16xi32>
      tpu.vector_store %arg3[%swap3A_357, %swap3A_358], %swap3A_361 {strides = array<i32>} : memref<16x2048xi32, #tpu.memory_space<vmem>>, vector<1x16xi32>,
      %swap3A_362 = arith.index_cast %scan3A_348 : i32 to index
      %swap3A_363 = arith.constant 32 : index
      %swap3A_364 = tpu.vector_load %arg3[%swap3A_362, %swap3A_363] {strides = array<i32>} : memref<16x2048xi32, #tpu.memory_space<vmem>>, vector<1x16xi32>,
      %swap3A_365 = vector.shape_cast %swap3A_364 : vector<1x16xi32> to vector<16xi32>
      %swap3A_366 = vector.shape_cast %add3A_352 : vector<16xi32> to vector<1x16xi32>
      tpu.vector_store %arg3[%swap3A_362, %swap3A_363], %swap3A_366 {strides = array<i32>} : memref<16x2048xi32, #tpu.memory_space<vmem>>, vector<1x16xi32>,
      %swap3A_367 = arith.index_cast %scan3A_348 : i32 to index
      %swap3A_368 = arith.constant 48 : index
      %swap3A_369 = tpu.vector_load %arg3[%swap3A_367, %swap3A_368] {strides = array<i32>} : memref<16x2048xi32, #tpu.memory_space<vmem>>, vector<1x16xi32>,
      %swap3A_370 = vector.shape_cast %swap3A_369 : vector<1x16xi32> to vector<16xi32>
      %swap3A_371 = vector.shape_cast %add3A_352 : vector<16xi32> to vector<1x16xi32>
      tpu.vector_store %arg3[%swap3A_367, %swap3A_368], %swap3A_371 {strides = array<i32>} : memref<16x2048xi32, #tpu.memory_space<vmem>>, vector<1x16xi32>,
      %swap3A_372 = arith.index_cast %scan3A_348 : i32 to index
      %swap3A_373 = arith.constant 64 : index
      %swap3A_374 = tpu.vector_load %arg3[%swap3A_372, %swap3A_373] {strides = array<i32>} : memref<16x2048xi32, #tpu.memory_space<vmem>>, vector<1x16xi32>,
      %swap3A_375 = vector.shape_cast %swap3A_374 : vector<1x16xi32> to vector<16xi32>
      %swap3A_376 = vector.shape_cast %add3A_352 : vector<16xi32> to vector<1x16xi32>
      tpu.vector_store %arg3[%swap3A_372, %swap3A_373], %swap3A_376 {strides = array<i32>} : memref<16x2048xi32, #tpu.memory_space<vmem>>, vector<1x16xi32>,
      %swap3A_377 = arith.index_cast %scan3A_348 : i32 to index
      %swap3A_378 = arith.constant 80 : index
      %swap3A_379 = tpu.vector_load %arg3[%swap3A_377, %swap3A_378] {strides = array<i32>} : memref<16x2048xi32, #tpu.memory_space<vmem>>, vector<1x16xi32>,
      %swap3A_380 = vector.shape_cast %swap3A_379 : vector<1x16xi32> to vector<16xi32>
      %swap3A_381 = vector.shape_cast %add3A_352 : vector<16xi32> to vector<1x16xi32>
      tpu.vector_store %arg3[%swap3A_377, %swap3A_378], %swap3A_381 {strides = array<i32>} : memref<16x2048xi32, #tpu.memory_space<vmem>>, vector<1x16xi32>,
      %swap3A_382 = arith.index_cast %scan3A_348 : i32 to index
      %swap3A_383 = arith.constant 96 : index
      %swap3A_384 = tpu.vector_load %arg3[%swap3A_382, %swap3A_383] {strides = array<i32>} : memref<16x2048xi32, #tpu.memory_space<vmem>>, vector<1x16xi32>,
      %swap3A_385 = vector.shape_cast %swap3A_384 : vector<1x16xi32> to vector<16xi32>
      %swap3A_386 = vector.shape_cast %add3A_352 : vector<16xi32> to vector<1x16xi32>
      tpu.vector_store %arg3[%swap3A_382, %swap3A_383], %swap3A_386 {strides = array<i32>} : memref<16x2048xi32, #tpu.memory_space<vmem>>, vector<1x16xi32>,
      %swap3A_387 = arith.index_cast %scan3A_348 : i32 to index
      %swap3A_388 = arith.constant 112 : index
      %swap3A_389 = tpu.vector_load %arg3[%swap3A_387, %swap3A_388] {strides = array<i32>} : memref<16x2048xi32, #tpu.memory_space<vmem>>, vector<1x16xi32>,
      %swap3A_390 = vector.shape_cast %swap3A_389 : vector<1x16xi32> to vector<16xi32>
      %swap3A_391 = vector.shape_cast %add3A_352 : vector<16xi32> to vector<1x16xi32>
      tpu.vector_store %arg3[%swap3A_387, %swap3A_388], %swap3A_391 {strides = array<i32>} : memref<16x2048xi32, #tpu.memory_space<vmem>>, vector<1x16xi32>,
      %swap3A_392 = arith.index_cast %scan3A_348 : i32 to index
      %swap3A_393 = arith.constant 128 : index
      %swap3A_394 = tpu.vector_load %arg3[%swap3A_392, %swap3A_393] {strides = array<i32>} : memref<16x2048xi32, #tpu.memory_space<vmem>>, vector<1x16xi32>,
      %swap3A_395 = vector.shape_cast %swap3A_394 : vector<1x16xi32> to vector<16xi32>
      %swap3A_396 = vector.shape_cast %add3A_352 : vector<16xi32> to vector<1x16xi32>
      tpu.vector_store %arg3[%swap3A_392, %swap3A_393], %swap3A_396 {strides = array<i32>} : memref<16x2048xi32, #tpu.memory_space<vmem>>, vector<1x16xi32>,
      %swap3A_397 = arith.index_cast %scan3A_348 : i32 to index
      %swap3A_398 = arith.constant 144 : index
      %swap3A_399 = tpu.vector_load %arg3[%swap3A_397, %swap3A_398] {strides = array<i32>} : memref<16x2048xi32, #tpu.memory_space<vmem>>, vector<1x16xi32>,
      %swap3A_400 = vector.shape_cast %swap3A_399 : vector<1x16xi32> to vector<16xi32>
      %swap3A_401 = vector.shape_cast %add3A_352 : vector<16xi32> to vector<1x16xi32>
      tpu.vector_store %arg3[%swap3A_397, %swap3A_398], %swap3A_401 {strides = array<i32>} : memref<16x2048xi32, #tpu.memory_space<vmem>>, vector<1x16xi32>,
      %swap3A_402 = arith.index_cast %scan3A_348 : i32 to index
      %swap3A_403 = arith.constant 160 : index
      %swap3A_404 = tpu.vector_load %arg3[%swap3A_402, %swap3A_403] {strides = array<i32>} : memref<16x2048xi32, #tpu.memory_space<vmem>>, vector<1x16xi32>,
      %swap3A_405 = vector.shape_cast %swap3A_404 : vector<1x16xi32> to vector<16xi32>
      %swap3A_406 = vector.shape_cast %add3A_352 : vector<16xi32> to vector<1x16xi32>
      tpu.vector_store %arg3[%swap3A_402, %swap3A_403], %swap3A_406 {strides = array<i32>} : memref<16x2048xi32, #tpu.memory_space<vmem>>, vector<1x16xi32>,
      %swap3A_407 = arith.index_cast %scan3A_348 : i32 to index
      %swap3A_408 = arith.constant 176 : index
      %swap3A_409 = tpu.vector_load %arg3[%swap3A_407, %swap3A_408] {strides = array<i32>} : memref<16x2048xi32, #tpu.memory_space<vmem>>, vector<1x16xi32>,
      %swap3A_410 = vector.shape_cast %swap3A_409 : vector<1x16xi32> to vector<16xi32>
      %swap3A_411 = vector.shape_cast %add3A_352 : vector<16xi32> to vector<1x16xi32>
      tpu.vector_store %arg3[%swap3A_407, %swap3A_408], %swap3A_411 {strides = array<i32>} : memref<16x2048xi32, #tpu.memory_space<vmem>>, vector<1x16xi32>,
      %swap3A_412 = arith.index_cast %scan3A_348 : i32 to index
      %swap3A_413 = arith.constant 192 : index
      %swap3A_414 = tpu.vector_load %arg3[%swap3A_412, %swap3A_413] {strides = array<i32>} : memref<16x2048xi32, #tpu.memory_space<vmem>>, vector<1x16xi32>,
      %swap3A_415 = vector.shape_cast %swap3A_414 : vector<1x16xi32> to vector<16xi32>
      %swap3A_416 = vector.shape_cast %add3A_352 : vector<16xi32> to vector<1x16xi32>
      tpu.vector_store %arg3[%swap3A_412, %swap3A_413], %swap3A_416 {strides = array<i32>} : memref<16x2048xi32, #tpu.memory_space<vmem>>, vector<1x16xi32>,
      %swap3A_417 = arith.index_cast %scan3A_348 : i32 to index
      %swap3A_418 = arith.constant 208 : index
      %swap3A_419 = tpu.vector_load %arg3[%swap3A_417, %swap3A_418] {strides = array<i32>} : memref<16x2048xi32, #tpu.memory_space<vmem>>, vector<1x16xi32>,
      %swap3A_420 = vector.shape_cast %swap3A_419 : vector<1x16xi32> to vector<16xi32>
      %swap3A_421 = vector.shape_cast %add3A_352 : vector<16xi32> to vector<1x16xi32>
      tpu.vector_store %arg3[%swap3A_417, %swap3A_418], %swap3A_421 {strides = array<i32>} : memref<16x2048xi32, #tpu.memory_space<vmem>>, vector<1x16xi32>,
      %swap3A_422 = arith.index_cast %scan3A_348 : i32 to index
      %swap3A_423 = arith.constant 224 : index
      %swap3A_424 = tpu.vector_load %arg3[%swap3A_422, %swap3A_423] {strides = array<i32>} : memref<16x2048xi32, #tpu.memory_space<vmem>>, vector<1x16xi32>,
      %swap3A_425 = vector.shape_cast %swap3A_424 : vector<1x16xi32> to vector<16xi32>
      %swap3A_426 = vector.shape_cast %add3A_352 : vector<16xi32> to vector<1x16xi32>
      tpu.vector_store %arg3[%swap3A_422, %swap3A_423], %swap3A_426 {strides = array<i32>} : memref<16x2048xi32, #tpu.memory_space<vmem>>, vector<1x16xi32>,
      %swap3A_427 = arith.index_cast %scan3A_348 : i32 to index
      %swap3A_428 = arith.constant 240 : index
      %swap3A_429 = tpu.vector_load %arg3[%swap3A_427, %swap3A_428] {strides = array<i32>} : memref<16x2048xi32, #tpu.memory_space<vmem>>, vector<1x16xi32>,
      %swap3A_430 = vector.shape_cast %swap3A_429 : vector<1x16xi32> to vector<16xi32>
      %swap3A_431 = vector.shape_cast %add3A_352 : vector<16xi32> to vector<1x16xi32>
      tpu.vector_store %arg3[%swap3A_427, %swap3A_428], %swap3A_431 {strides = array<i32>} : memref<16x2048xi32, #tpu.memory_space<vmem>>, vector<1x16xi32>,
      %swap3A_432 = arith.index_cast %scan3A_348 : i32 to index
      %swap3A_433 = arith.constant 256 : index
      %swap3A_434 = tpu.vector_load %arg3[%swap3A_432, %swap3A_433] {strides = array<i32>} : memref<16x2048xi32, #tpu.memory_space<vmem>>, vector<1x16xi32>,
      %swap3A_435 = vector.shape_cast %swap3A_434 : vector<1x16xi32> to vector<16xi32>
      %swap3A_436 = vector.shape_cast %add3A_352 : vector<16xi32> to vector<1x16xi32>
      tpu.vector_store %arg3[%swap3A_432, %swap3A_433], %swap3A_436 {strides = array<i32>} : memref<16x2048xi32, #tpu.memory_space<vmem>>, vector<1x16xi32>,
      %swap3A_437 = arith.index_cast %scan3A_348 : i32 to index
      %swap3A_438 = arith.constant 272 : index
      %swap3A_439 = tpu.vector_load %arg3[%swap3A_437, %swap3A_438] {strides = array<i32>} : memref<16x2048xi32, #tpu.memory_space<vmem>>, vector<1x16xi32>,
      %swap3A_440 = vector.shape_cast %swap3A_439 : vector<1x16xi32> to vector<16xi32>
      %swap3A_441 = vector.shape_cast %add3A_352 : vector<16xi32> to vector<1x16xi32>
      tpu.vector_store %arg3[%swap3A_437, %swap3A_438], %swap3A_441 {strides = array<i32>} : memref<16x2048xi32, #tpu.memory_space<vmem>>, vector<1x16xi32>,
      %swap3A_442 = arith.index_cast %scan3A_348 : i32 to index
      %swap3A_443 = arith.constant 288 : index
      %swap3A_444 = tpu.vector_load %arg3[%swap3A_442, %swap3A_443] {strides = array<i32>} : memref<16x2048xi32, #tpu.memory_space<vmem>>, vector<1x16xi32>,
      %swap3A_445 = vector.shape_cast %swap3A_444 : vector<1x16xi32> to vector<16xi32>
      %swap3A_446 = vector.shape_cast %add3A_352 : vector<16xi32> to vector<1x16xi32>
      tpu.vector_store %arg3[%swap3A_442, %swap3A_443], %swap3A_446 {strides = array<i32>} : memref<16x2048xi32, #tpu.memory_space<vmem>>, vector<1x16xi32>,
      %swap3A_447 = arith.index_cast %scan3A_348 : i32 to index
      %swap3A_448 = arith.constant 304 : index
      %swap3A_449 = tpu.vector_load %arg3[%swap3A_447, %swap3A_448] {strides = array<i32>} : memref<16x2048xi32, #tpu.memory_space<vmem>>, vector<1x16xi32>,
      %swap3A_450 = vector.shape_cast %swap3A_449 : vector<1x16xi32> to vector<16xi32>
      %swap3A_451 = vector.shape_cast %add3A_352 : vector<16xi32> to vector<1x16xi32>
      tpu.vector_store %arg3[%swap3A_447, %swap3A_448], %swap3A_451 {strides = array<i32>} : memref<16x2048xi32, #tpu.memory_space<vmem>>, vector<1x16xi32>,
      %swap3A_452 = arith.index_cast %scan3A_348 : i32 to index
      %swap3A_453 = arith.constant 320 : index
      %swap3A_454 = tpu.vector_load %arg3[%swap3A_452, %swap3A_453] {strides = array<i32>} : memref<16x2048xi32, #tpu.memory_space<vmem>>, vector<1x16xi32>,
      %swap3A_455 = vector.shape_cast %swap3A_454 : vector<1x16xi32> to vector<16xi32>
      %swap3A_456 = vector.shape_cast %add3A_352 : vector<16xi32> to vector<1x16xi32>
      tpu.vector_store %arg3[%swap3A_452, %swap3A_453], %swap3A_456 {strides = array<i32>} : memref<16x2048xi32, #tpu.memory_space<vmem>>, vector<1x16xi32>,
      %swap3A_457 = arith.index_cast %scan3A_348 : i32 to index
      %swap3A_458 = arith.constant 336 : index
      %swap3A_459 = tpu.vector_load %arg3[%swap3A_457, %swap3A_458] {strides = array<i32>} : memref<16x2048xi32, #tpu.memory_space<vmem>>, vector<1x16xi32>,
      %swap3A_460 = vector.shape_cast %swap3A_459 : vector<1x16xi32> to vector<16xi32>
      %swap3A_461 = vector.shape_cast %add3A_352 : vector<16xi32> to vector<1x16xi32>
      tpu.vector_store %arg3[%swap3A_457, %swap3A_458], %swap3A_461 {strides = array<i32>} : memref<16x2048xi32, #tpu.memory_space<vmem>>, vector<1x16xi32>,
      %swap3A_462 = arith.index_cast %scan3A_348 : i32 to index
      %swap3A_463 = arith.constant 352 : index
      %swap3A_464 = tpu.vector_load %arg3[%swap3A_462, %swap3A_463] {strides = array<i32>} : memref<16x2048xi32, #tpu.memory_space<vmem>>, vector<1x16xi32>,
      %swap3A_465 = vector.shape_cast %swap3A_464 : vector<1x16xi32> to vector<16xi32>
      %swap3A_466 = vector.shape_cast %add3A_352 : vector<16xi32> to vector<1x16xi32>
      tpu.vector_store %arg3[%swap3A_462, %swap3A_463], %swap3A_466 {strides = array<i32>} : memref<16x2048xi32, #tpu.memory_space<vmem>>, vector<1x16xi32>,
      %swap3A_467 = arith.index_cast %scan3A_348 : i32 to index
      %swap3A_468 = arith.constant 368 : index
      %swap3A_469 = tpu.vector_load %arg3[%swap3A_467, %swap3A_468] {strides = array<i32>} : memref<16x2048xi32, #tpu.memory_space<vmem>>, vector<1x16xi32>,
      %swap3A_470 = vector.shape_cast %swap3A_469 : vector<1x16xi32> to vector<16xi32>
      %swap3A_471 = vector.shape_cast %add3A_352 : vector<16xi32> to vector<1x16xi32>
      tpu.vector_store %arg3[%swap3A_467, %swap3A_468], %swap3A_471 {strides = array<i32>} : memref<16x2048xi32, #tpu.memory_space<vmem>>, vector<1x16xi32>,
      %swap3A_472 = arith.index_cast %scan3A_348 : i32 to index
      %swap3A_473 = arith.constant 384 : index
      %swap3A_474 = tpu.vector_load %arg3[%swap3A_472, %swap3A_473] {strides = array<i32>} : memref<16x2048xi32, #tpu.memory_space<vmem>>, vector<1x16xi32>,
      %swap3A_475 = vector.shape_cast %swap3A_474 : vector<1x16xi32> to vector<16xi32>
      %swap3A_476 = vector.shape_cast %add3A_352 : vector<16xi32> to vector<1x16xi32>
      tpu.vector_store %arg3[%swap3A_472, %swap3A_473], %swap3A_476 {strides = array<i32>} : memref<16x2048xi32, #tpu.memory_space<vmem>>, vector<1x16xi32>,
      %swap3A_477 = arith.index_cast %scan3A_348 : i32 to index
      %swap3A_478 = arith.constant 400 : index
      %swap3A_479 = tpu.vector_load %arg3[%swap3A_477, %swap3A_478] {strides = array<i32>} : memref<16x2048xi32, #tpu.memory_space<vmem>>, vector<1x16xi32>,
      %swap3A_480 = vector.shape_cast %swap3A_479 : vector<1x16xi32> to vector<16xi32>
      %swap3A_481 = vector.shape_cast %add3A_352 : vector<16xi32> to vector<1x16xi32>
      tpu.vector_store %arg3[%swap3A_477, %swap3A_478], %swap3A_481 {strides = array<i32>} : memref<16x2048xi32, #tpu.memory_space<vmem>>, vector<1x16xi32>,
      %swap3A_482 = arith.index_cast %scan3A_348 : i32 to index
      %swap3A_483 = arith.constant 416 : index
      %swap3A_484 = tpu.vector_load %arg3[%swap3A_482, %swap3A_483] {strides = array<i32>} : memref<16x2048xi32, #tpu.memory_space<vmem>>, vector<1x16xi32>,
      %swap3A_485 = vector.shape_cast %swap3A_484 : vector<1x16xi32> to vector<16xi32>
      %swap3A_486 = vector.shape_cast %add3A_352 : vector<16xi32> to vector<1x16xi32>
      tpu.vector_store %arg3[%swap3A_482, %swap3A_483], %swap3A_486 {strides = array<i32>} : memref<16x2048xi32, #tpu.memory_space<vmem>>, vector<1x16xi32>,
      %swap3A_487 = arith.index_cast %scan3A_348 : i32 to index
      %swap3A_488 = arith.constant 432 : index
      %swap3A_489 = tpu.vector_load %arg3[%swap3A_487, %swap3A_488] {strides = array<i32>} : memref<16x2048xi32, #tpu.memory_space<vmem>>, vector<1x16xi32>,
      %swap3A_490 = vector.shape_cast %swap3A_489 : vector<1x16xi32> to vector<16xi32>
      %swap3A_491 = vector.shape_cast %add3A_352 : vector<16xi32> to vector<1x16xi32>
      tpu.vector_store %arg3[%swap3A_487, %swap3A_488], %swap3A_491 {strides = array<i32>} : memref<16x2048xi32, #tpu.memory_space<vmem>>, vector<1x16xi32>,
      %swap3A_492 = arith.index_cast %scan3A_348 : i32 to index
      %swap3A_493 = arith.constant 448 : index
      %swap3A_494 = tpu.vector_load %arg3[%swap3A_492, %swap3A_493] {strides = array<i32>} : memref<16x2048xi32, #tpu.memory_space<vmem>>, vector<1x16xi32>,
      %swap3A_495 = vector.shape_cast %swap3A_494 : vector<1x16xi32> to vector<16xi32>
      %swap3A_496 = vector.shape_cast %add3A_352 : vector<16xi32> to vector<1x16xi32>
      tpu.vector_store %arg3[%swap3A_492, %swap3A_493], %swap3A_496 {strides = array<i32>} : memref<16x2048xi32, #tpu.memory_space<vmem>>, vector<1x16xi32>,
      %swap3A_497 = arith.index_cast %scan3A_348 : i32 to index
      %swap3A_498 = arith.constant 464 : index
      %swap3A_499 = tpu.vector_load %arg3[%swap3A_497, %swap3A_498] {strides = array<i32>} : memref<16x2048xi32, #tpu.memory_space<vmem>>, vector<1x16xi32>,
      %swap3A_500 = vector.shape_cast %swap3A_499 : vector<1x16xi32> to vector<16xi32>
      %swap3A_501 = vector.shape_cast %add3A_352 : vector<16xi32> to vector<1x16xi32>
      tpu.vector_store %arg3[%swap3A_497, %swap3A_498], %swap3A_501 {strides = array<i32>} : memref<16x2048xi32, #tpu.memory_space<vmem>>, vector<1x16xi32>,
      %swap3A_502 = arith.index_cast %scan3A_348 : i32 to index
      %swap3A_503 = arith.constant 480 : index
      %swap3A_504 = tpu.vector_load %arg3[%swap3A_502, %swap3A_503] {strides = array<i32>} : memref<16x2048xi32, #tpu.memory_space<vmem>>, vector<1x16xi32>,
      %swap3A_505 = vector.shape_cast %swap3A_504 : vector<1x16xi32> to vector<16xi32>
      %swap3A_506 = vector.shape_cast %add3A_352 : vector<16xi32> to vector<1x16xi32>
      tpu.vector_store %arg3[%swap3A_502, %swap3A_503], %swap3A_506 {strides = array<i32>} : memref<16x2048xi32, #tpu.memory_space<vmem>>, vector<1x16xi32>,
      %swap3A_507 = arith.index_cast %scan3A_348 : i32 to index
      %swap3A_508 = arith.constant 496 : index
      %swap3A_509 = tpu.vector_load %arg3[%swap3A_507, %swap3A_508] {strides = array<i32>} : memref<16x2048xi32, #tpu.memory_space<vmem>>, vector<1x16xi32>,
      %swap3A_510 = vector.shape_cast %swap3A_509 : vector<1x16xi32> to vector<16xi32>
      %swap3A_511 = vector.shape_cast %add3A_352 : vector<16xi32> to vector<1x16xi32>
      tpu.vector_store %arg3[%swap3A_507, %swap3A_508], %swap3A_511 {strides = array<i32>} : memref<16x2048xi32, #tpu.memory_space<vmem>>, vector<1x16xi32>,
      %swap3A_512 = arith.index_cast %scan3A_348 : i32 to index
      %swap3A_513 = arith.constant 512 : index
      %swap3A_514 = tpu.vector_load %arg3[%swap3A_512, %swap3A_513] {strides = array<i32>} : memref<16x2048xi32, #tpu.memory_space<vmem>>, vector<1x16xi32>,
      %swap3A_515 = vector.shape_cast %swap3A_514 : vector<1x16xi32> to vector<16xi32>
      %swap3A_516 = vector.shape_cast %add3A_352 : vector<16xi32> to vector<1x16xi32>
      tpu.vector_store %arg3[%swap3A_512, %swap3A_513], %swap3A_516 {strides = array<i32>} : memref<16x2048xi32, #tpu.memory_space<vmem>>, vector<1x16xi32>,
      %swap3A_517 = arith.index_cast %scan3A_348 : i32 to index
      %swap3A_518 = arith.constant 528 : index
      %swap3A_519 = tpu.vector_load %arg3[%swap3A_517, %swap3A_518] {strides = array<i32>} : memref<16x2048xi32, #tpu.memory_space<vmem>>, vector<1x16xi32>,
      %swap3A_520 = vector.shape_cast %swap3A_519 : vector<1x16xi32> to vector<16xi32>
      %swap3A_521 = vector.shape_cast %add3A_352 : vector<16xi32> to vector<1x16xi32>
      tpu.vector_store %arg3[%swap3A_517, %swap3A_518], %swap3A_521 {strides = array<i32>} : memref<16x2048xi32, #tpu.memory_space<vmem>>, vector<1x16xi32>,
      %swap3A_522 = arith.index_cast %scan3A_348 : i32 to index
      %swap3A_523 = arith.constant 544 : index
      %swap3A_524 = tpu.vector_load %arg3[%swap3A_522, %swap3A_523] {strides = array<i32>} : memref<16x2048xi32, #tpu.memory_space<vmem>>, vector<1x16xi32>,
      %swap3A_525 = vector.shape_cast %swap3A_524 : vector<1x16xi32> to vector<16xi32>
      %swap3A_526 = vector.shape_cast %add3A_352 : vector<16xi32> to vector<1x16xi32>
      tpu.vector_store %arg3[%swap3A_522, %swap3A_523], %swap3A_526 {strides = array<i32>} : memref<16x2048xi32, #tpu.memory_space<vmem>>, vector<1x16xi32>,
      %swap3A_527 = arith.index_cast %scan3A_348 : i32 to index
      %swap3A_528 = arith.constant 560 : index
      %swap3A_529 = tpu.vector_load %arg3[%swap3A_527, %swap3A_528] {strides = array<i32>} : memref<16x2048xi32, #tpu.memory_space<vmem>>, vector<1x16xi32>,
      %swap3A_530 = vector.shape_cast %swap3A_529 : vector<1x16xi32> to vector<16xi32>
      %swap3A_531 = vector.shape_cast %add3A_352 : vector<16xi32> to vector<1x16xi32>
      tpu.vector_store %arg3[%swap3A_527, %swap3A_528], %swap3A_531 {strides = array<i32>} : memref<16x2048xi32, #tpu.memory_space<vmem>>, vector<1x16xi32>,
      %swap3A_532 = arith.index_cast %scan3A_348 : i32 to index
      %swap3A_533 = arith.constant 576 : index
      %swap3A_534 = tpu.vector_load %arg3[%swap3A_532, %swap3A_533] {strides = array<i32>} : memref<16x2048xi32, #tpu.memory_space<vmem>>, vector<1x16xi32>,
      %swap3A_535 = vector.shape_cast %swap3A_534 : vector<1x16xi32> to vector<16xi32>
      %swap3A_536 = vector.shape_cast %add3A_352 : vector<16xi32> to vector<1x16xi32>
      tpu.vector_store %arg3[%swap3A_532, %swap3A_533], %swap3A_536 {strides = array<i32>} : memref<16x2048xi32, #tpu.memory_space<vmem>>, vector<1x16xi32>,
      %swap3A_537 = arith.index_cast %scan3A_348 : i32 to index
      %swap3A_538 = arith.constant 592 : index
      %swap3A_539 = tpu.vector_load %arg3[%swap3A_537, %swap3A_538] {strides = array<i32>} : memref<16x2048xi32, #tpu.memory_space<vmem>>, vector<1x16xi32>,
      %swap3A_540 = vector.shape_cast %swap3A_539 : vector<1x16xi32> to vector<16xi32>
      %swap3A_541 = vector.shape_cast %add3A_352 : vector<16xi32> to vector<1x16xi32>
      tpu.vector_store %arg3[%swap3A_537, %swap3A_538], %swap3A_541 {strides = array<i32>} : memref<16x2048xi32, #tpu.memory_space<vmem>>, vector<1x16xi32>,
      %swap3A_542 = arith.index_cast %scan3A_348 : i32 to index
      %swap3A_543 = arith.constant 608 : index
      %swap3A_544 = tpu.vector_load %arg3[%swap3A_542, %swap3A_543] {strides = array<i32>} : memref<16x2048xi32, #tpu.memory_space<vmem>>, vector<1x16xi32>,
      %swap3A_545 = vector.shape_cast %swap3A_544 : vector<1x16xi32> to vector<16xi32>
      %swap3A_546 = vector.shape_cast %add3A_352 : vector<16xi32> to vector<1x16xi32>
      tpu.vector_store %arg3[%swap3A_542, %swap3A_543], %swap3A_546 {strides = array<i32>} : memref<16x2048xi32, #tpu.memory_space<vmem>>, vector<1x16xi32>,
      %swap3A_547 = arith.index_cast %scan3A_348 : i32 to index
      %swap3A_548 = arith.constant 624 : index
      %swap3A_549 = tpu.vector_load %arg3[%swap3A_547, %swap3A_548] {strides = array<i32>} : memref<16x2048xi32, #tpu.memory_space<vmem>>, vector<1x16xi32>,
      %swap3A_550 = vector.shape_cast %swap3A_549 : vector<1x16xi32> to vector<16xi32>
      %swap3A_551 = vector.shape_cast %add3A_352 : vector<16xi32> to vector<1x16xi32>
      tpu.vector_store %arg3[%swap3A_547, %swap3A_548], %swap3A_551 {strides = array<i32>} : memref<16x2048xi32, #tpu.memory_space<vmem>>, vector<1x16xi32>,
      %swap3A_552 = arith.index_cast %scan3A_348 : i32 to index
      %swap3A_553 = arith.constant 640 : index
      %swap3A_554 = tpu.vector_load %arg3[%swap3A_552, %swap3A_553] {strides = array<i32>} : memref<16x2048xi32, #tpu.memory_space<vmem>>, vector<1x16xi32>,
      %swap3A_555 = vector.shape_cast %swap3A_554 : vector<1x16xi32> to vector<16xi32>
      %swap3A_556 = vector.shape_cast %add3A_352 : vector<16xi32> to vector<1x16xi32>
      tpu.vector_store %arg3[%swap3A_552, %swap3A_553], %swap3A_556 {strides = array<i32>} : memref<16x2048xi32, #tpu.memory_space<vmem>>, vector<1x16xi32>,
      %swap3A_557 = arith.index_cast %scan3A_348 : i32 to index
      %swap3A_558 = arith.constant 656 : index
      %swap3A_559 = tpu.vector_load %arg3[%swap3A_557, %swap3A_558] {strides = array<i32>} : memref<16x2048xi32, #tpu.memory_space<vmem>>, vector<1x16xi32>,
      %swap3A_560 = vector.shape_cast %swap3A_559 : vector<1x16xi32> to vector<16xi32>
      %swap3A_561 = vector.shape_cast %add3A_352 : vector<16xi32> to vector<1x16xi32>
      tpu.vector_store %arg3[%swap3A_557, %swap3A_558], %swap3A_561 {strides = array<i32>} : memref<16x2048xi32, #tpu.memory_space<vmem>>, vector<1x16xi32>,
      %swap3A_562 = arith.index_cast %scan3A_348 : i32 to index
      %swap3A_563 = arith.constant 672 : index
      %swap3A_564 = tpu.vector_load %arg3[%swap3A_562, %swap3A_563] {strides = array<i32>} : memref<16x2048xi32, #tpu.memory_space<vmem>>, vector<1x16xi32>,
      %swap3A_565 = vector.shape_cast %swap3A_564 : vector<1x16xi32> to vector<16xi32>
      %swap3A_566 = vector.shape_cast %add3A_352 : vector<16xi32> to vector<1x16xi32>
      tpu.vector_store %arg3[%swap3A_562, %swap3A_563], %swap3A_566 {strides = array<i32>} : memref<16x2048xi32, #tpu.memory_space<vmem>>, vector<1x16xi32>,
      %swap3A_567 = arith.index_cast %scan3A_348 : i32 to index
      %swap3A_568 = arith.constant 688 : index
      %swap3A_569 = tpu.vector_load %arg3[%swap3A_567, %swap3A_568] {strides = array<i32>} : memref<16x2048xi32, #tpu.memory_space<vmem>>, vector<1x16xi32>,
      %swap3A_570 = vector.shape_cast %swap3A_569 : vector<1x16xi32> to vector<16xi32>
      %swap3A_571 = vector.shape_cast %add3A_352 : vector<16xi32> to vector<1x16xi32>
      tpu.vector_store %arg3[%swap3A_567, %swap3A_568], %swap3A_571 {strides = array<i32>} : memref<16x2048xi32, #tpu.memory_space<vmem>>, vector<1x16xi32>,
      %swap3A_572 = arith.index_cast %scan3A_348 : i32 to index
      %swap3A_573 = arith.constant 704 : index
      %swap3A_574 = tpu.vector_load %arg3[%swap3A_572, %swap3A_573] {strides = array<i32>} : memref<16x2048xi32, #tpu.memory_space<vmem>>, vector<1x16xi32>,
      %swap3A_575 = vector.shape_cast %swap3A_574 : vector<1x16xi32> to vector<16xi32>
      %swap3A_576 = vector.shape_cast %add3A_352 : vector<16xi32> to vector<1x16xi32>
      tpu.vector_store %arg3[%swap3A_572, %swap3A_573], %swap3A_576 {strides = array<i32>} : memref<16x2048xi32, #tpu.memory_space<vmem>>, vector<1x16xi32>,
      %swap3A_577 = arith.index_cast %scan3A_348 : i32 to index
      %swap3A_578 = arith.constant 720 : index
      %swap3A_579 = tpu.vector_load %arg3[%swap3A_577, %swap3A_578] {strides = array<i32>} : memref<16x2048xi32, #tpu.memory_space<vmem>>, vector<1x16xi32>,
      %swap3A_580 = vector.shape_cast %swap3A_579 : vector<1x16xi32> to vector<16xi32>
      %swap3A_581 = vector.shape_cast %add3A_352 : vector<16xi32> to vector<1x16xi32>
      tpu.vector_store %arg3[%swap3A_577, %swap3A_578], %swap3A_581 {strides = array<i32>} : memref<16x2048xi32, #tpu.memory_space<vmem>>, vector<1x16xi32>,
      %swap3A_582 = arith.index_cast %scan3A_348 : i32 to index
      %swap3A_583 = arith.constant 736 : index
      %swap3A_584 = tpu.vector_load %arg3[%swap3A_582, %swap3A_583] {strides = array<i32>} : memref<16x2048xi32, #tpu.memory_space<vmem>>, vector<1x16xi32>,
      %swap3A_585 = vector.shape_cast %swap3A_584 : vector<1x16xi32> to vector<16xi32>
      %swap3A_586 = vector.shape_cast %add3A_352 : vector<16xi32> to vector<1x16xi32>
      tpu.vector_store %arg3[%swap3A_582, %swap3A_583], %swap3A_586 {strides = array<i32>} : memref<16x2048xi32, #tpu.memory_space<vmem>>, vector<1x16xi32>,
      %swap3A_587 = arith.index_cast %scan3A_348 : i32 to index
      %swap3A_588 = arith.constant 752 : index
      %swap3A_589 = tpu.vector_load %arg3[%swap3A_587, %swap3A_588] {strides = array<i32>} : memref<16x2048xi32, #tpu.memory_space<vmem>>, vector<1x16xi32>,
      %swap3A_590 = vector.shape_cast %swap3A_589 : vector<1x16xi32> to vector<16xi32>
      %swap3A_591 = vector.shape_cast %add3A_352 : vector<16xi32> to vector<1x16xi32>
      tpu.vector_store %arg3[%swap3A_587, %swap3A_588], %swap3A_591 {strides = array<i32>} : memref<16x2048xi32, #tpu.memory_space<vmem>>, vector<1x16xi32>,
      %swap3A_592 = arith.index_cast %scan3A_348 : i32 to index
      %swap3A_593 = arith.constant 768 : index
      %swap3A_594 = tpu.vector_load %arg3[%swap3A_592, %swap3A_593] {strides = array<i32>} : memref<16x2048xi32, #tpu.memory_space<vmem>>, vector<1x16xi32>,
      %swap3A_595 = vector.shape_cast %swap3A_594 : vector<1x16xi32> to vector<16xi32>
      %swap3A_596 = vector.shape_cast %add3A_352 : vector<16xi32> to vector<1x16xi32>
      tpu.vector_store %arg3[%swap3A_592, %swap3A_593], %swap3A_596 {strides = array<i32>} : memref<16x2048xi32, #tpu.memory_space<vmem>>, vector<1x16xi32>,
      %swap3A_597 = arith.index_cast %scan3A_348 : i32 to index
      %swap3A_598 = arith.constant 784 : index
      %swap3A_599 = tpu.vector_load %arg3[%swap3A_597, %swap3A_598] {strides = array<i32>} : memref<16x2048xi32, #tpu.memory_space<vmem>>, vector<1x16xi32>,
      %swap3A_600 = vector.shape_cast %swap3A_599 : vector<1x16xi32> to vector<16xi32>
      %swap3A_601 = vector.shape_cast %add3A_352 : vector<16xi32> to vector<1x16xi32>
      tpu.vector_store %arg3[%swap3A_597, %swap3A_598], %swap3A_601 {strides = array<i32>} : memref<16x2048xi32, #tpu.memory_space<vmem>>, vector<1x16xi32>,
      %swap3A_602 = arith.index_cast %scan3A_348 : i32 to index
      %swap3A_603 = arith.constant 800 : index
      %swap3A_604 = tpu.vector_load %arg3[%swap3A_602, %swap3A_603] {strides = array<i32>} : memref<16x2048xi32, #tpu.memory_space<vmem>>, vector<1x16xi32>,
      %swap3A_605 = vector.shape_cast %swap3A_604 : vector<1x16xi32> to vector<16xi32>
      %swap3A_606 = vector.shape_cast %add3A_352 : vector<16xi32> to vector<1x16xi32>
      tpu.vector_store %arg3[%swap3A_602, %swap3A_603], %swap3A_606 {strides = array<i32>} : memref<16x2048xi32, #tpu.memory_space<vmem>>, vector<1x16xi32>,
      %swap3A_607 = arith.index_cast %scan3A_348 : i32 to index
      %swap3A_608 = arith.constant 816 : index
      %swap3A_609 = tpu.vector_load %arg3[%swap3A_607, %swap3A_608] {strides = array<i32>} : memref<16x2048xi32, #tpu.memory_space<vmem>>, vector<1x16xi32>,
      %swap3A_610 = vector.shape_cast %swap3A_609 : vector<1x16xi32> to vector<16xi32>
      %swap3A_611 = vector.shape_cast %add3A_352 : vector<16xi32> to vector<1x16xi32>
      tpu.vector_store %arg3[%swap3A_607, %swap3A_608], %swap3A_611 {strides = array<i32>} : memref<16x2048xi32, #tpu.memory_space<vmem>>, vector<1x16xi32>,
      %swap3A_612 = arith.index_cast %scan3A_348 : i32 to index
      %swap3A_613 = arith.constant 832 : index
      %swap3A_614 = tpu.vector_load %arg3[%swap3A_612, %swap3A_613] {strides = array<i32>} : memref<16x2048xi32, #tpu.memory_space<vmem>>, vector<1x16xi32>,
      %swap3A_615 = vector.shape_cast %swap3A_614 : vector<1x16xi32> to vector<16xi32>
      %swap3A_616 = vector.shape_cast %add3A_352 : vector<16xi32> to vector<1x16xi32>
      tpu.vector_store %arg3[%swap3A_612, %swap3A_613], %swap3A_616 {strides = array<i32>} : memref<16x2048xi32, #tpu.memory_space<vmem>>, vector<1x16xi32>,
      %swap3A_617 = arith.index_cast %scan3A_348 : i32 to index
      %swap3A_618 = arith.constant 848 : index
      %swap3A_619 = tpu.vector_load %arg3[%swap3A_617, %swap3A_618] {strides = array<i32>} : memref<16x2048xi32, #tpu.memory_space<vmem>>, vector<1x16xi32>,
      %swap3A_620 = vector.shape_cast %swap3A_619 : vector<1x16xi32> to vector<16xi32>
      %swap3A_621 = vector.shape_cast %add3A_352 : vector<16xi32> to vector<1x16xi32>
      tpu.vector_store %arg3[%swap3A_617, %swap3A_618], %swap3A_621 {strides = array<i32>} : memref<16x2048xi32, #tpu.memory_space<vmem>>, vector<1x16xi32>,
      %swap3A_622 = arith.index_cast %scan3A_348 : i32 to index
      %swap3A_623 = arith.constant 864 : index
      %swap3A_624 = tpu.vector_load %arg3[%swap3A_622, %swap3A_623] {strides = array<i32>} : memref<16x2048xi32, #tpu.memory_space<vmem>>, vector<1x16xi32>,
      %swap3A_625 = vector.shape_cast %swap3A_624 : vector<1x16xi32> to vector<16xi32>
      %swap3A_626 = vector.shape_cast %add3A_352 : vector<16xi32> to vector<1x16xi32>
      tpu.vector_store %arg3[%swap3A_622, %swap3A_623], %swap3A_626 {strides = array<i32>} : memref<16x2048xi32, #tpu.memory_space<vmem>>, vector<1x16xi32>,
      %swap3A_627 = arith.index_cast %scan3A_348 : i32 to index
      %swap3A_628 = arith.constant 880 : index
      %swap3A_629 = tpu.vector_load %arg3[%swap3A_627, %swap3A_628] {strides = array<i32>} : memref<16x2048xi32, #tpu.memory_space<vmem>>, vector<1x16xi32>,
      %swap3A_630 = vector.shape_cast %swap3A_629 : vector<1x16xi32> to vector<16xi32>
      %swap3A_631 = vector.shape_cast %add3A_352 : vector<16xi32> to vector<1x16xi32>
      tpu.vector_store %arg3[%swap3A_627, %swap3A_628], %swap3A_631 {strides = array<i32>} : memref<16x2048xi32, #tpu.memory_space<vmem>>, vector<1x16xi32>,
      %swap3A_632 = arith.index_cast %scan3A_348 : i32 to index
      %swap3A_633 = arith.constant 896 : index
      %swap3A_634 = tpu.vector_load %arg3[%swap3A_632, %swap3A_633] {strides = array<i32>} : memref<16x2048xi32, #tpu.memory_space<vmem>>, vector<1x16xi32>,
      %swap3A_635 = vector.shape_cast %swap3A_634 : vector<1x16xi32> to vector<16xi32>
      %swap3A_636 = vector.shape_cast %add3A_352 : vector<16xi32> to vector<1x16xi32>
      tpu.vector_store %arg3[%swap3A_632, %swap3A_633], %swap3A_636 {strides = array<i32>} : memref<16x2048xi32, #tpu.memory_space<vmem>>, vector<1x16xi32>,
      %swap3A_637 = arith.index_cast %scan3A_348 : i32 to index
      %swap3A_638 = arith.constant 912 : index
      %swap3A_639 = tpu.vector_load %arg3[%swap3A_637, %swap3A_638] {strides = array<i32>} : memref<16x2048xi32, #tpu.memory_space<vmem>>, vector<1x16xi32>,
      %swap3A_640 = vector.shape_cast %swap3A_639 : vector<1x16xi32> to vector<16xi32>
      %swap3A_641 = vector.shape_cast %add3A_352 : vector<16xi32> to vector<1x16xi32>
      tpu.vector_store %arg3[%swap3A_637, %swap3A_638], %swap3A_641 {strides = array<i32>} : memref<16x2048xi32, #tpu.memory_space<vmem>>, vector<1x16xi32>,
      %swap3A_642 = arith.index_cast %scan3A_348 : i32 to index
      %swap3A_643 = arith.constant 928 : index
      %swap3A_644 = tpu.vector_load %arg3[%swap3A_642, %swap3A_643] {strides = array<i32>} : memref<16x2048xi32, #tpu.memory_space<vmem>>, vector<1x16xi32>,
      %swap3A_645 = vector.shape_cast %swap3A_644 : vector<1x16xi32> to vector<16xi32>
      %swap3A_646 = vector.shape_cast %add3A_352 : vector<16xi32> to vector<1x16xi32>
      tpu.vector_store %arg3[%swap3A_642, %swap3A_643], %swap3A_646 {strides = array<i32>} : memref<16x2048xi32, #tpu.memory_space<vmem>>, vector<1x16xi32>,
      %swap3A_647 = arith.index_cast %scan3A_348 : i32 to index
      %swap3A_648 = arith.constant 944 : index
      %swap3A_649 = tpu.vector_load %arg3[%swap3A_647, %swap3A_648] {strides = array<i32>} : memref<16x2048xi32, #tpu.memory_space<vmem>>, vector<1x16xi32>,
      %swap3A_650 = vector.shape_cast %swap3A_649 : vector<1x16xi32> to vector<16xi32>
      %swap3A_651 = vector.shape_cast %add3A_352 : vector<16xi32> to vector<1x16xi32>
      tpu.vector_store %arg3[%swap3A_647, %swap3A_648], %swap3A_651 {strides = array<i32>} : memref<16x2048xi32, #tpu.memory_space<vmem>>, vector<1x16xi32>,
      %swap3A_652 = arith.index_cast %scan3A_348 : i32 to index
      %swap3A_653 = arith.constant 960 : index
      %swap3A_654 = tpu.vector_load %arg3[%swap3A_652, %swap3A_653] {strides = array<i32>} : memref<16x2048xi32, #tpu.memory_space<vmem>>, vector<1x16xi32>,
      %swap3A_655 = vector.shape_cast %swap3A_654 : vector<1x16xi32> to vector<16xi32>
      %swap3A_656 = vector.shape_cast %add3A_352 : vector<16xi32> to vector<1x16xi32>
      tpu.vector_store %arg3[%swap3A_652, %swap3A_653], %swap3A_656 {strides = array<i32>} : memref<16x2048xi32, #tpu.memory_space<vmem>>, vector<1x16xi32>,
      %swap3A_657 = arith.index_cast %scan3A_348 : i32 to index
      %swap3A_658 = arith.constant 976 : index
      %swap3A_659 = tpu.vector_load %arg3[%swap3A_657, %swap3A_658] {strides = array<i32>} : memref<16x2048xi32, #tpu.memory_space<vmem>>, vector<1x16xi32>,
      %swap3A_660 = vector.shape_cast %swap3A_659 : vector<1x16xi32> to vector<16xi32>
      %swap3A_661 = vector.shape_cast %add3A_352 : vector<16xi32> to vector<1x16xi32>
      tpu.vector_store %arg3[%swap3A_657, %swap3A_658], %swap3A_661 {strides = array<i32>} : memref<16x2048xi32, #tpu.memory_space<vmem>>, vector<1x16xi32>,
      %swap3A_662 = arith.index_cast %scan3A_348 : i32 to index
      %swap3A_663 = arith.constant 992 : index
      %swap3A_664 = tpu.vector_load %arg3[%swap3A_662, %swap3A_663] {strides = array<i32>} : memref<16x2048xi32, #tpu.memory_space<vmem>>, vector<1x16xi32>,
      %swap3A_665 = vector.shape_cast %swap3A_664 : vector<1x16xi32> to vector<16xi32>
      %swap3A_666 = vector.shape_cast %add3A_352 : vector<16xi32> to vector<1x16xi32>
      tpu.vector_store %arg3[%swap3A_662, %swap3A_663], %swap3A_666 {strides = array<i32>} : memref<16x2048xi32, #tpu.memory_space<vmem>>, vector<1x16xi32>,
      %swap3A_667 = arith.index_cast %scan3A_348 : i32 to index
      %swap3A_668 = arith.constant 1008 : index
      %swap3A_669 = tpu.vector_load %arg3[%swap3A_667, %swap3A_668] {strides = array<i32>} : memref<16x2048xi32, #tpu.memory_space<vmem>>, vector<1x16xi32>,
      %swap3A_670 = vector.shape_cast %swap3A_669 : vector<1x16xi32> to vector<16xi32>
      %swap3A_671 = vector.shape_cast %add3A_352 : vector<16xi32> to vector<1x16xi32>
      tpu.vector_store %arg3[%swap3A_667, %swap3A_668], %swap3A_671 {strides = array<i32>} : memref<16x2048xi32, #tpu.memory_space<vmem>>, vector<1x16xi32>,
      %swap3A_672 = arith.index_cast %scan3A_348 : i32 to index
      %swap3A_673 = arith.constant 1024 : index
      %swap3A_674 = tpu.vector_load %arg3[%swap3A_672, %swap3A_673] {strides = array<i32>} : memref<16x2048xi32, #tpu.memory_space<vmem>>, vector<1x16xi32>,
      %swap3A_675 = vector.shape_cast %swap3A_674 : vector<1x16xi32> to vector<16xi32>
      %swap3A_676 = vector.shape_cast %add3A_352 : vector<16xi32> to vector<1x16xi32>
      tpu.vector_store %arg3[%swap3A_672, %swap3A_673], %swap3A_676 {strides = array<i32>} : memref<16x2048xi32, #tpu.memory_space<vmem>>, vector<1x16xi32>,
      %swap3A_677 = arith.index_cast %scan3A_348 : i32 to index
      %swap3A_678 = arith.constant 1040 : index
      %swap3A_679 = tpu.vector_load %arg3[%swap3A_677, %swap3A_678] {strides = array<i32>} : memref<16x2048xi32, #tpu.memory_space<vmem>>, vector<1x16xi32>,
      %swap3A_680 = vector.shape_cast %swap3A_679 : vector<1x16xi32> to vector<16xi32>
      %swap3A_681 = vector.shape_cast %add3A_352 : vector<16xi32> to vector<1x16xi32>
      tpu.vector_store %arg3[%swap3A_677, %swap3A_678], %swap3A_681 {strides = array<i32>} : memref<16x2048xi32, #tpu.memory_space<vmem>>, vector<1x16xi32>,
      %swap3A_682 = arith.index_cast %scan3A_348 : i32 to index
      %swap3A_683 = arith.constant 1056 : index
      %swap3A_684 = tpu.vector_load %arg3[%swap3A_682, %swap3A_683] {strides = array<i32>} : memref<16x2048xi32, #tpu.memory_space<vmem>>, vector<1x16xi32>,
      %swap3A_685 = vector.shape_cast %swap3A_684 : vector<1x16xi32> to vector<16xi32>
      %swap3A_686 = vector.shape_cast %add3A_352 : vector<16xi32> to vector<1x16xi32>
      tpu.vector_store %arg3[%swap3A_682, %swap3A_683], %swap3A_686 {strides = array<i32>} : memref<16x2048xi32, #tpu.memory_space<vmem>>, vector<1x16xi32>,
      %swap3A_687 = arith.index_cast %scan3A_348 : i32 to index
      %swap3A_688 = arith.constant 1072 : index
      %swap3A_689 = tpu.vector_load %arg3[%swap3A_687, %swap3A_688] {strides = array<i32>} : memref<16x2048xi32, #tpu.memory_space<vmem>>, vector<1x16xi32>,
      %swap3A_690 = vector.shape_cast %swap3A_689 : vector<1x16xi32> to vector<16xi32>
      %swap3A_691 = vector.shape_cast %add3A_352 : vector<16xi32> to vector<1x16xi32>
      tpu.vector_store %arg3[%swap3A_687, %swap3A_688], %swap3A_691 {strides = array<i32>} : memref<16x2048xi32, #tpu.memory_space<vmem>>, vector<1x16xi32>,
      %swap3A_692 = arith.index_cast %scan3A_348 : i32 to index
      %swap3A_693 = arith.constant 1088 : index
      %swap3A_694 = tpu.vector_load %arg3[%swap3A_692, %swap3A_693] {strides = array<i32>} : memref<16x2048xi32, #tpu.memory_space<vmem>>, vector<1x16xi32>,
      %swap3A_695 = vector.shape_cast %swap3A_694 : vector<1x16xi32> to vector<16xi32>
      %swap3A_696 = vector.shape_cast %add3A_352 : vector<16xi32> to vector<1x16xi32>
      tpu.vector_store %arg3[%swap3A_692, %swap3A_693], %swap3A_696 {strides = array<i32>} : memref<16x2048xi32, #tpu.memory_space<vmem>>, vector<1x16xi32>,
      %swap3A_697 = arith.index_cast %scan3A_348 : i32 to index
      %swap3A_698 = arith.constant 1104 : index
      %swap3A_699 = tpu.vector_load %arg3[%swap3A_697, %swap3A_698] {strides = array<i32>} : memref<16x2048xi32, #tpu.memory_space<vmem>>, vector<1x16xi32>,
      %swap3A_700 = vector.shape_cast %swap3A_699 : vector<1x16xi32> to vector<16xi32>
      %swap3A_701 = vector.shape_cast %add3A_352 : vector<16xi32> to vector<1x16xi32>
      tpu.vector_store %arg3[%swap3A_697, %swap3A_698], %swap3A_701 {strides = array<i32>} : memref<16x2048xi32, #tpu.memory_space<vmem>>, vector<1x16xi32>,
      %swap3A_702 = arith.index_cast %scan3A_348 : i32 to index
      %swap3A_703 = arith.constant 1120 : index
      %swap3A_704 = tpu.vector_load %arg3[%swap3A_702, %swap3A_703] {strides = array<i32>} : memref<16x2048xi32, #tpu.memory_space<vmem>>, vector<1x16xi32>,
      %swap3A_705 = vector.shape_cast %swap3A_704 : vector<1x16xi32> to vector<16xi32>
      %swap3A_706 = vector.shape_cast %add3A_352 : vector<16xi32> to vector<1x16xi32>
      tpu.vector_store %arg3[%swap3A_702, %swap3A_703], %swap3A_706 {strides = array<i32>} : memref<16x2048xi32, #tpu.memory_space<vmem>>, vector<1x16xi32>,
      %swap3A_707 = arith.index_cast %scan3A_348 : i32 to index
      %swap3A_708 = arith.constant 1136 : index
      %swap3A_709 = tpu.vector_load %arg3[%swap3A_707, %swap3A_708] {strides = array<i32>} : memref<16x2048xi32, #tpu.memory_space<vmem>>, vector<1x16xi32>,
      %swap3A_710 = vector.shape_cast %swap3A_709 : vector<1x16xi32> to vector<16xi32>
      %swap3A_711 = vector.shape_cast %add3A_352 : vector<16xi32> to vector<1x16xi32>
      tpu.vector_store %arg3[%swap3A_707, %swap3A_708], %swap3A_711 {strides = array<i32>} : memref<16x2048xi32, #tpu.memory_space<vmem>>, vector<1x16xi32>,
      %swap3A_712 = arith.index_cast %scan3A_348 : i32 to index
      %swap3A_713 = arith.constant 1152 : index
      %swap3A_714 = tpu.vector_load %arg3[%swap3A_712, %swap3A_713] {strides = array<i32>} : memref<16x2048xi32, #tpu.memory_space<vmem>>, vector<1x16xi32>,
      %swap3A_715 = vector.shape_cast %swap3A_714 : vector<1x16xi32> to vector<16xi32>
      %swap3A_716 = vector.shape_cast %add3A_352 : vector<16xi32> to vector<1x16xi32>
      tpu.vector_store %arg3[%swap3A_712, %swap3A_713], %swap3A_716 {strides = array<i32>} : memref<16x2048xi32, #tpu.memory_space<vmem>>, vector<1x16xi32>,
      %swap3A_717 = arith.index_cast %scan3A_348 : i32 to index
      %swap3A_718 = arith.constant 1168 : index
      %swap3A_719 = tpu.vector_load %arg3[%swap3A_717, %swap3A_718] {strides = array<i32>} : memref<16x2048xi32, #tpu.memory_space<vmem>>, vector<1x16xi32>,
      %swap3A_720 = vector.shape_cast %swap3A_719 : vector<1x16xi32> to vector<16xi32>
      %swap3A_721 = vector.shape_cast %add3A_352 : vector<16xi32> to vector<1x16xi32>
      tpu.vector_store %arg3[%swap3A_717, %swap3A_718], %swap3A_721 {strides = array<i32>} : memref<16x2048xi32, #tpu.memory_space<vmem>>, vector<1x16xi32>,
      %swap3A_722 = arith.index_cast %scan3A_348 : i32 to index
      %swap3A_723 = arith.constant 1184 : index
      %swap3A_724 = tpu.vector_load %arg3[%swap3A_722, %swap3A_723] {strides = array<i32>} : memref<16x2048xi32, #tpu.memory_space<vmem>>, vector<1x16xi32>,
      %swap3A_725 = vector.shape_cast %swap3A_724 : vector<1x16xi32> to vector<16xi32>
      %swap3A_726 = vector.shape_cast %add3A_352 : vector<16xi32> to vector<1x16xi32>
      tpu.vector_store %arg3[%swap3A_722, %swap3A_723], %swap3A_726 {strides = array<i32>} : memref<16x2048xi32, #tpu.memory_space<vmem>>, vector<1x16xi32>,
      %swap3A_727 = arith.index_cast %scan3A_348 : i32 to index
      %swap3A_728 = arith.constant 1200 : index
      %swap3A_729 = tpu.vector_load %arg3[%swap3A_727, %swap3A_728] {strides = array<i32>} : memref<16x2048xi32, #tpu.memory_space<vmem>>, vector<1x16xi32>,
      %swap3A_730 = vector.shape_cast %swap3A_729 : vector<1x16xi32> to vector<16xi32>
      %swap3A_731 = vector.shape_cast %add3A_352 : vector<16xi32> to vector<1x16xi32>
      tpu.vector_store %arg3[%swap3A_727, %swap3A_728], %swap3A_731 {strides = array<i32>} : memref<16x2048xi32, #tpu.memory_space<vmem>>, vector<1x16xi32>,
      %swap3A_732 = arith.index_cast %scan3A_348 : i32 to index
      %swap3A_733 = arith.constant 1216 : index
      %swap3A_734 = tpu.vector_load %arg3[%swap3A_732, %swap3A_733] {strides = array<i32>} : memref<16x2048xi32, #tpu.memory_space<vmem>>, vector<1x16xi32>,
      %swap3A_735 = vector.shape_cast %swap3A_734 : vector<1x16xi32> to vector<16xi32>
      %swap3A_736 = vector.shape_cast %add3A_352 : vector<16xi32> to vector<1x16xi32>
      tpu.vector_store %arg3[%swap3A_732, %swap3A_733], %swap3A_736 {strides = array<i32>} : memref<16x2048xi32, #tpu.memory_space<vmem>>, vector<1x16xi32>,
      %swap3A_737 = arith.index_cast %scan3A_348 : i32 to index
      %swap3A_738 = arith.constant 1232 : index
      %swap3A_739 = tpu.vector_load %arg3[%swap3A_737, %swap3A_738] {strides = array<i32>} : memref<16x2048xi32, #tpu.memory_space<vmem>>, vector<1x16xi32>,
      %swap3A_740 = vector.shape_cast %swap3A_739 : vector<1x16xi32> to vector<16xi32>
      %swap3A_741 = vector.shape_cast %add3A_352 : vector<16xi32> to vector<1x16xi32>
      tpu.vector_store %arg3[%swap3A_737, %swap3A_738], %swap3A_741 {strides = array<i32>} : memref<16x2048xi32, #tpu.memory_space<vmem>>, vector<1x16xi32>,
      %swap3A_742 = arith.index_cast %scan3A_348 : i32 to index
      %swap3A_743 = arith.constant 1248 : index
      %swap3A_744 = tpu.vector_load %arg3[%swap3A_742, %swap3A_743] {strides = array<i32>} : memref<16x2048xi32, #tpu.memory_space<vmem>>, vector<1x16xi32>,
      %swap3A_745 = vector.shape_cast %swap3A_744 : vector<1x16xi32> to vector<16xi32>
      %swap3A_746 = vector.shape_cast %add3A_352 : vector<16xi32> to vector<1x16xi32>
      tpu.vector_store %arg3[%swap3A_742, %swap3A_743], %swap3A_746 {strides = array<i32>} : memref<16x2048xi32, #tpu.memory_space<vmem>>, vector<1x16xi32>,
      %swap3A_747 = arith.index_cast %scan3A_348 : i32 to index
      %swap3A_748 = arith.constant 1264 : index
      %swap3A_749 = tpu.vector_load %arg3[%swap3A_747, %swap3A_748] {strides = array<i32>} : memref<16x2048xi32, #tpu.memory_space<vmem>>, vector<1x16xi32>,
      %swap3A_750 = vector.shape_cast %swap3A_749 : vector<1x16xi32> to vector<16xi32>
      %swap3A_751 = vector.shape_cast %add3A_352 : vector<16xi32> to vector<1x16xi32>
      tpu.vector_store %arg3[%swap3A_747, %swap3A_748], %swap3A_751 {strides = array<i32>} : memref<16x2048xi32, #tpu.memory_space<vmem>>, vector<1x16xi32>,
      %swap3A_752 = arith.index_cast %scan3A_348 : i32 to index
      %swap3A_753 = arith.constant 1280 : index
      %swap3A_754 = tpu.vector_load %arg3[%swap3A_752, %swap3A_753] {strides = array<i32>} : memref<16x2048xi32, #tpu.memory_space<vmem>>, vector<1x16xi32>,
      %swap3A_755 = vector.shape_cast %swap3A_754 : vector<1x16xi32> to vector<16xi32>
      %swap3A_756 = vector.shape_cast %add3A_352 : vector<16xi32> to vector<1x16xi32>
      tpu.vector_store %arg3[%swap3A_752, %swap3A_753], %swap3A_756 {strides = array<i32>} : memref<16x2048xi32, #tpu.memory_space<vmem>>, vector<1x16xi32>,
      %swap3A_757 = arith.index_cast %scan3A_348 : i32 to index
      %swap3A_758 = arith.constant 1296 : index
      %swap3A_759 = tpu.vector_load %arg3[%swap3A_757, %swap3A_758] {strides = array<i32>} : memref<16x2048xi32, #tpu.memory_space<vmem>>, vector<1x16xi32>,
      %swap3A_760 = vector.shape_cast %swap3A_759 : vector<1x16xi32> to vector<16xi32>
      %swap3A_761 = vector.shape_cast %add3A_352 : vector<16xi32> to vector<1x16xi32>
      tpu.vector_store %arg3[%swap3A_757, %swap3A_758], %swap3A_761 {strides = array<i32>} : memref<16x2048xi32, #tpu.memory_space<vmem>>, vector<1x16xi32>,
      %swap3A_762 = arith.index_cast %scan3A_348 : i32 to index
      %swap3A_763 = arith.constant 1312 : index
      %swap3A_764 = tpu.vector_load %arg3[%swap3A_762, %swap3A_763] {strides = array<i32>} : memref<16x2048xi32, #tpu.memory_space<vmem>>, vector<1x16xi32>,
      %swap3A_765 = vector.shape_cast %swap3A_764 : vector<1x16xi32> to vector<16xi32>
      %swap3A_766 = vector.shape_cast %add3A_352 : vector<16xi32> to vector<1x16xi32>
      tpu.vector_store %arg3[%swap3A_762, %swap3A_763], %swap3A_766 {strides = array<i32>} : memref<16x2048xi32, #tpu.memory_space<vmem>>, vector<1x16xi32>,
      %swap3A_767 = arith.index_cast %scan3A_348 : i32 to index
      %swap3A_768 = arith.constant 1328 : index
      %swap3A_769 = tpu.vector_load %arg3[%swap3A_767, %swap3A_768] {strides = array<i32>} : memref<16x2048xi32, #tpu.memory_space<vmem>>, vector<1x16xi32>,
      %swap3A_770 = vector.shape_cast %swap3A_769 : vector<1x16xi32> to vector<16xi32>
      %swap3A_771 = vector.shape_cast %add3A_352 : vector<16xi32> to vector<1x16xi32>
      tpu.vector_store %arg3[%swap3A_767, %swap3A_768], %swap3A_771 {strides = array<i32>} : memref<16x2048xi32, #tpu.memory_space<vmem>>, vector<1x16xi32>,
      %swap3A_772 = arith.index_cast %scan3A_348 : i32 to index
      %swap3A_773 = arith.constant 1344 : index
      %swap3A_774 = tpu.vector_load %arg3[%swap3A_772, %swap3A_773] {strides = array<i32>} : memref<16x2048xi32, #tpu.memory_space<vmem>>, vector<1x16xi32>,
      %swap3A_775 = vector.shape_cast %swap3A_774 : vector<1x16xi32> to vector<16xi32>
      %swap3A_776 = vector.shape_cast %add3A_352 : vector<16xi32> to vector<1x16xi32>
      tpu.vector_store %arg3[%swap3A_772, %swap3A_773], %swap3A_776 {strides = array<i32>} : memref<16x2048xi32, #tpu.memory_space<vmem>>, vector<1x16xi32>,
      %swap3A_777 = arith.index_cast %scan3A_348 : i32 to index
      %swap3A_778 = arith.constant 1360 : index
      %swap3A_779 = tpu.vector_load %arg3[%swap3A_777, %swap3A_778] {strides = array<i32>} : memref<16x2048xi32, #tpu.memory_space<vmem>>, vector<1x16xi32>,
      %swap3A_780 = vector.shape_cast %swap3A_779 : vector<1x16xi32> to vector<16xi32>
      %swap3A_781 = vector.shape_cast %add3A_352 : vector<16xi32> to vector<1x16xi32>
      tpu.vector_store %arg3[%swap3A_777, %swap3A_778], %swap3A_781 {strides = array<i32>} : memref<16x2048xi32, #tpu.memory_space<vmem>>, vector<1x16xi32>,
      %swap3A_782 = arith.index_cast %scan3A_348 : i32 to index
      %swap3A_783 = arith.constant 1376 : index
      %swap3A_784 = tpu.vector_load %arg3[%swap3A_782, %swap3A_783] {strides = array<i32>} : memref<16x2048xi32, #tpu.memory_space<vmem>>, vector<1x16xi32>,
      %swap3A_785 = vector.shape_cast %swap3A_784 : vector<1x16xi32> to vector<16xi32>
      %swap3A_786 = vector.shape_cast %add3A_352 : vector<16xi32> to vector<1x16xi32>
      tpu.vector_store %arg3[%swap3A_782, %swap3A_783], %swap3A_786 {strides = array<i32>} : memref<16x2048xi32, #tpu.memory_space<vmem>>, vector<1x16xi32>,
      %swap3A_787 = arith.index_cast %scan3A_348 : i32 to index
      %swap3A_788 = arith.constant 1392 : index
      %swap3A_789 = tpu.vector_load %arg3[%swap3A_787, %swap3A_788] {strides = array<i32>} : memref<16x2048xi32, #tpu.memory_space<vmem>>, vector<1x16xi32>,
      %swap3A_790 = vector.shape_cast %swap3A_789 : vector<1x16xi32> to vector<16xi32>
      %swap3A_791 = vector.shape_cast %add3A_352 : vector<16xi32> to vector<1x16xi32>
      tpu.vector_store %arg3[%swap3A_787, %swap3A_788], %swap3A_791 {strides = array<i32>} : memref<16x2048xi32, #tpu.memory_space<vmem>>, vector<1x16xi32>,
      %swap3A_792 = arith.index_cast %scan3A_348 : i32 to index
      %swap3A_793 = arith.constant 1408 : index
      %swap3A_794 = tpu.vector_load %arg3[%swap3A_792, %swap3A_793] {strides = array<i32>} : memref<16x2048xi32, #tpu.memory_space<vmem>>, vector<1x16xi32>,
      %swap3A_795 = vector.shape_cast %swap3A_794 : vector<1x16xi32> to vector<16xi32>
      %swap3A_796 = vector.shape_cast %add3A_352 : vector<16xi32> to vector<1x16xi32>
      tpu.vector_store %arg3[%swap3A_792, %swap3A_793], %swap3A_796 {strides = array<i32>} : memref<16x2048xi32, #tpu.memory_space<vmem>>, vector<1x16xi32>,
      %swap3A_797 = arith.index_cast %scan3A_348 : i32 to index
      %swap3A_798 = arith.constant 1424 : index
      %swap3A_799 = tpu.vector_load %arg3[%swap3A_797, %swap3A_798] {strides = array<i32>} : memref<16x2048xi32, #tpu.memory_space<vmem>>, vector<1x16xi32>,
      %swap3A_800 = vector.shape_cast %swap3A_799 : vector<1x16xi32> to vector<16xi32>
      %swap3A_801 = vector.shape_cast %add3A_352 : vector<16xi32> to vector<1x16xi32>
      tpu.vector_store %arg3[%swap3A_797, %swap3A_798], %swap3A_801 {strides = array<i32>} : memref<16x2048xi32, #tpu.memory_space<vmem>>, vector<1x16xi32>,
      %swap3A_802 = arith.index_cast %scan3A_348 : i32 to index
      %swap3A_803 = arith.constant 1440 : index
      %swap3A_804 = tpu.vector_load %arg3[%swap3A_802, %swap3A_803] {strides = array<i32>} : memref<16x2048xi32, #tpu.memory_space<vmem>>, vector<1x16xi32>,
      %swap3A_805 = vector.shape_cast %swap3A_804 : vector<1x16xi32> to vector<16xi32>
      %swap3A_806 = vector.shape_cast %add3A_352 : vector<16xi32> to vector<1x16xi32>
      tpu.vector_store %arg3[%swap3A_802, %swap3A_803], %swap3A_806 {strides = array<i32>} : memref<16x2048xi32, #tpu.memory_space<vmem>>, vector<1x16xi32>,
      %swap3A_807 = arith.index_cast %scan3A_348 : i32 to index
      %swap3A_808 = arith.constant 1456 : index
      %swap3A_809 = tpu.vector_load %arg3[%swap3A_807, %swap3A_808] {strides = array<i32>} : memref<16x2048xi32, #tpu.memory_space<vmem>>, vector<1x16xi32>,
      %swap3A_810 = vector.shape_cast %swap3A_809 : vector<1x16xi32> to vector<16xi32>
      %swap3A_811 = vector.shape_cast %add3A_352 : vector<16xi32> to vector<1x16xi32>
      tpu.vector_store %arg3[%swap3A_807, %swap3A_808], %swap3A_811 {strides = array<i32>} : memref<16x2048xi32, #tpu.memory_space<vmem>>, vector<1x16xi32>,
      %swap3A_812 = arith.index_cast %scan3A_348 : i32 to index
      %swap3A_813 = arith.constant 1472 : index
      %swap3A_814 = tpu.vector_load %arg3[%swap3A_812, %swap3A_813] {strides = array<i32>} : memref<16x2048xi32, #tpu.memory_space<vmem>>, vector<1x16xi32>,
      %swap3A_815 = vector.shape_cast %swap3A_814 : vector<1x16xi32> to vector<16xi32>
      %swap3A_816 = vector.shape_cast %add3A_352 : vector<16xi32> to vector<1x16xi32>
      tpu.vector_store %arg3[%swap3A_812, %swap3A_813], %swap3A_816 {strides = array<i32>} : memref<16x2048xi32, #tpu.memory_space<vmem>>, vector<1x16xi32>,
      %swap3A_817 = arith.index_cast %scan3A_348 : i32 to index
      %swap3A_818 = arith.constant 1488 : index
      %swap3A_819 = tpu.vector_load %arg3[%swap3A_817, %swap3A_818] {strides = array<i32>} : memref<16x2048xi32, #tpu.memory_space<vmem>>, vector<1x16xi32>,
      %swap3A_820 = vector.shape_cast %swap3A_819 : vector<1x16xi32> to vector<16xi32>
      %swap3A_821 = vector.shape_cast %add3A_352 : vector<16xi32> to vector<1x16xi32>
      tpu.vector_store %arg3[%swap3A_817, %swap3A_818], %swap3A_821 {strides = array<i32>} : memref<16x2048xi32, #tpu.memory_space<vmem>>, vector<1x16xi32>,
      %swap3A_822 = arith.index_cast %scan3A_348 : i32 to index
      %swap3A_823 = arith.constant 1504 : index
      %swap3A_824 = tpu.vector_load %arg3[%swap3A_822, %swap3A_823] {strides = array<i32>} : memref<16x2048xi32, #tpu.memory_space<vmem>>, vector<1x16xi32>,
      %swap3A_825 = vector.shape_cast %swap3A_824 : vector<1x16xi32> to vector<16xi32>
      %swap3A_826 = vector.shape_cast %add3A_352 : vector<16xi32> to vector<1x16xi32>
      tpu.vector_store %arg3[%swap3A_822, %swap3A_823], %swap3A_826 {strides = array<i32>} : memref<16x2048xi32, #tpu.memory_space<vmem>>, vector<1x16xi32>,
      %swap3A_827 = arith.index_cast %scan3A_348 : i32 to index
      %swap3A_828 = arith.constant 1520 : index
      %swap3A_829 = tpu.vector_load %arg3[%swap3A_827, %swap3A_828] {strides = array<i32>} : memref<16x2048xi32, #tpu.memory_space<vmem>>, vector<1x16xi32>,
      %swap3A_830 = vector.shape_cast %swap3A_829 : vector<1x16xi32> to vector<16xi32>
      %swap3A_831 = vector.shape_cast %add3A_352 : vector<16xi32> to vector<1x16xi32>
      tpu.vector_store %arg3[%swap3A_827, %swap3A_828], %swap3A_831 {strides = array<i32>} : memref<16x2048xi32, #tpu.memory_space<vmem>>, vector<1x16xi32>,
      %swap3A_832 = arith.index_cast %scan3A_348 : i32 to index
      %swap3A_833 = arith.constant 1536 : index
      %swap3A_834 = tpu.vector_load %arg3[%swap3A_832, %swap3A_833] {strides = array<i32>} : memref<16x2048xi32, #tpu.memory_space<vmem>>, vector<1x16xi32>,
      %swap3A_835 = vector.shape_cast %swap3A_834 : vector<1x16xi32> to vector<16xi32>
      %swap3A_836 = vector.shape_cast %add3A_352 : vector<16xi32> to vector<1x16xi32>
      tpu.vector_store %arg3[%swap3A_832, %swap3A_833], %swap3A_836 {strides = array<i32>} : memref<16x2048xi32, #tpu.memory_space<vmem>>, vector<1x16xi32>,
      %swap3A_837 = arith.index_cast %scan3A_348 : i32 to index
      %swap3A_838 = arith.constant 1552 : index
      %swap3A_839 = tpu.vector_load %arg3[%swap3A_837, %swap3A_838] {strides = array<i32>} : memref<16x2048xi32, #tpu.memory_space<vmem>>, vector<1x16xi32>,
      %swap3A_840 = vector.shape_cast %swap3A_839 : vector<1x16xi32> to vector<16xi32>
      %swap3A_841 = vector.shape_cast %add3A_352 : vector<16xi32> to vector<1x16xi32>
      tpu.vector_store %arg3[%swap3A_837, %swap3A_838], %swap3A_841 {strides = array<i32>} : memref<16x2048xi32, #tpu.memory_space<vmem>>, vector<1x16xi32>,
      %swap3A_842 = arith.index_cast %scan3A_348 : i32 to index
      %swap3A_843 = arith.constant 1568 : index
      %swap3A_844 = tpu.vector_load %arg3[%swap3A_842, %swap3A_843] {strides = array<i32>} : memref<16x2048xi32, #tpu.memory_space<vmem>>, vector<1x16xi32>,
      %swap3A_845 = vector.shape_cast %swap3A_844 : vector<1x16xi32> to vector<16xi32>
      %swap3A_846 = vector.shape_cast %add3A_352 : vector<16xi32> to vector<1x16xi32>
      tpu.vector_store %arg3[%swap3A_842, %swap3A_843], %swap3A_846 {strides = array<i32>} : memref<16x2048xi32, #tpu.memory_space<vmem>>, vector<1x16xi32>,
      %swap3A_847 = arith.index_cast %scan3A_348 : i32 to index
      %swap3A_848 = arith.constant 1584 : index
      %swap3A_849 = tpu.vector_load %arg3[%swap3A_847, %swap3A_848] {strides = array<i32>} : memref<16x2048xi32, #tpu.memory_space<vmem>>, vector<1x16xi32>,
      %swap3A_850 = vector.shape_cast %swap3A_849 : vector<1x16xi32> to vector<16xi32>
      %swap3A_851 = vector.shape_cast %add3A_352 : vector<16xi32> to vector<1x16xi32>
      tpu.vector_store %arg3[%swap3A_847, %swap3A_848], %swap3A_851 {strides = array<i32>} : memref<16x2048xi32, #tpu.memory_space<vmem>>, vector<1x16xi32>,
      %swap3A_852 = arith.index_cast %scan3A_348 : i32 to index
      %swap3A_853 = arith.constant 1600 : index
      %swap3A_854 = tpu.vector_load %arg3[%swap3A_852, %swap3A_853] {strides = array<i32>} : memref<16x2048xi32, #tpu.memory_space<vmem>>, vector<1x16xi32>,
      %swap3A_855 = vector.shape_cast %swap3A_854 : vector<1x16xi32> to vector<16xi32>
      %swap3A_856 = vector.shape_cast %add3A_352 : vector<16xi32> to vector<1x16xi32>
      tpu.vector_store %arg3[%swap3A_852, %swap3A_853], %swap3A_856 {strides = array<i32>} : memref<16x2048xi32, #tpu.memory_space<vmem>>, vector<1x16xi32>,
      %swap3A_857 = arith.index_cast %scan3A_348 : i32 to index
      %swap3A_858 = arith.constant 1616 : index
      %swap3A_859 = tpu.vector_load %arg3[%swap3A_857, %swap3A_858] {strides = array<i32>} : memref<16x2048xi32, #tpu.memory_space<vmem>>, vector<1x16xi32>,
      %swap3A_860 = vector.shape_cast %swap3A_859 : vector<1x16xi32> to vector<16xi32>
      %swap3A_861 = vector.shape_cast %add3A_352 : vector<16xi32> to vector<1x16xi32>
      tpu.vector_store %arg3[%swap3A_857, %swap3A_858], %swap3A_861 {strides = array<i32>} : memref<16x2048xi32, #tpu.memory_space<vmem>>, vector<1x16xi32>,
      %swap3A_862 = arith.index_cast %scan3A_348 : i32 to index
      %swap3A_863 = arith.constant 1632 : index
      %swap3A_864 = tpu.vector_load %arg3[%swap3A_862, %swap3A_863] {strides = array<i32>} : memref<16x2048xi32, #tpu.memory_space<vmem>>, vector<1x16xi32>,
      %swap3A_865 = vector.shape_cast %swap3A_864 : vector<1x16xi32> to vector<16xi32>
      %swap3A_866 = vector.shape_cast %add3A_352 : vector<16xi32> to vector<1x16xi32>
      tpu.vector_store %arg3[%swap3A_862, %swap3A_863], %swap3A_866 {strides = array<i32>} : memref<16x2048xi32, #tpu.memory_space<vmem>>, vector<1x16xi32>,
      %swap3A_867 = arith.index_cast %scan3A_348 : i32 to index
      %swap3A_868 = arith.constant 1648 : index
      %swap3A_869 = tpu.vector_load %arg3[%swap3A_867, %swap3A_868] {strides = array<i32>} : memref<16x2048xi32, #tpu.memory_space<vmem>>, vector<1x16xi32>,
      %swap3A_870 = vector.shape_cast %swap3A_869 : vector<1x16xi32> to vector<16xi32>
      %swap3A_871 = vector.shape_cast %add3A_352 : vector<16xi32> to vector<1x16xi32>
      tpu.vector_store %arg3[%swap3A_867, %swap3A_868], %swap3A_871 {strides = array<i32>} : memref<16x2048xi32, #tpu.memory_space<vmem>>, vector<1x16xi32>,
      %swap3A_872 = arith.index_cast %scan3A_348 : i32 to index
      %swap3A_873 = arith.constant 1664 : index
      %swap3A_874 = tpu.vector_load %arg3[%swap3A_872, %swap3A_873] {strides = array<i32>} : memref<16x2048xi32, #tpu.memory_space<vmem>>, vector<1x16xi32>,
      %swap3A_875 = vector.shape_cast %swap3A_874 : vector<1x16xi32> to vector<16xi32>
      %swap3A_876 = vector.shape_cast %add3A_352 : vector<16xi32> to vector<1x16xi32>
      tpu.vector_store %arg3[%swap3A_872, %swap3A_873], %swap3A_876 {strides = array<i32>} : memref<16x2048xi32, #tpu.memory_space<vmem>>, vector<1x16xi32>,
      %swap3A_877 = arith.index_cast %scan3A_348 : i32 to index
      %swap3A_878 = arith.constant 1680 : index
      %swap3A_879 = tpu.vector_load %arg3[%swap3A_877, %swap3A_878] {strides = array<i32>} : memref<16x2048xi32, #tpu.memory_space<vmem>>, vector<1x16xi32>,
      %swap3A_880 = vector.shape_cast %swap3A_879 : vector<1x16xi32> to vector<16xi32>
      %swap3A_881 = vector.shape_cast %add3A_352 : vector<16xi32> to vector<1x16xi32>
      tpu.vector_store %arg3[%swap3A_877, %swap3A_878], %swap3A_881 {strides = array<i32>} : memref<16x2048xi32, #tpu.memory_space<vmem>>, vector<1x16xi32>,
      %swap3A_882 = arith.index_cast %scan3A_348 : i32 to index
      %swap3A_883 = arith.constant 1696 : index
      %swap3A_884 = tpu.vector_load %arg3[%swap3A_882, %swap3A_883] {strides = array<i32>} : memref<16x2048xi32, #tpu.memory_space<vmem>>, vector<1x16xi32>,
      %swap3A_885 = vector.shape_cast %swap3A_884 : vector<1x16xi32> to vector<16xi32>
      %swap3A_886 = vector.shape_cast %add3A_352 : vector<16xi32> to vector<1x16xi32>
      tpu.vector_store %arg3[%swap3A_882, %swap3A_883], %swap3A_886 {strides = array<i32>} : memref<16x2048xi32, #tpu.memory_space<vmem>>, vector<1x16xi32>,
      %swap3A_887 = arith.index_cast %scan3A_348 : i32 to index
      %swap3A_888 = arith.constant 1712 : index
      %swap3A_889 = tpu.vector_load %arg3[%swap3A_887, %swap3A_888] {strides = array<i32>} : memref<16x2048xi32, #tpu.memory_space<vmem>>, vector<1x16xi32>,
      %swap3A_890 = vector.shape_cast %swap3A_889 : vector<1x16xi32> to vector<16xi32>
      %swap3A_891 = vector.shape_cast %add3A_352 : vector<16xi32> to vector<1x16xi32>
      tpu.vector_store %arg3[%swap3A_887, %swap3A_888], %swap3A_891 {strides = array<i32>} : memref<16x2048xi32, #tpu.memory_space<vmem>>, vector<1x16xi32>,
      %swap3A_892 = arith.index_cast %scan3A_348 : i32 to index
      %swap3A_893 = arith.constant 1728 : index
      %swap3A_894 = tpu.vector_load %arg3[%swap3A_892, %swap3A_893] {strides = array<i32>} : memref<16x2048xi32, #tpu.memory_space<vmem>>, vector<1x16xi32>,
      %swap3A_895 = vector.shape_cast %swap3A_894 : vector<1x16xi32> to vector<16xi32>
      %swap3A_896 = vector.shape_cast %add3A_352 : vector<16xi32> to vector<1x16xi32>
      tpu.vector_store %arg3[%swap3A_892, %swap3A_893], %swap3A_896 {strides = array<i32>} : memref<16x2048xi32, #tpu.memory_space<vmem>>, vector<1x16xi32>,
      %swap3A_897 = arith.index_cast %scan3A_348 : i32 to index
      %swap3A_898 = arith.constant 1744 : index
      %swap3A_899 = tpu.vector_load %arg3[%swap3A_897, %swap3A_898] {strides = array<i32>} : memref<16x2048xi32, #tpu.memory_space<vmem>>, vector<1x16xi32>,
      %swap3A_900 = vector.shape_cast %swap3A_899 : vector<1x16xi32> to vector<16xi32>
      %swap3A_901 = vector.shape_cast %add3A_352 : vector<16xi32> to vector<1x16xi32>
      tpu.vector_store %arg3[%swap3A_897, %swap3A_898], %swap3A_901 {strides = array<i32>} : memref<16x2048xi32, #tpu.memory_space<vmem>>, vector<1x16xi32>,
      %swap3A_902 = arith.index_cast %scan3A_348 : i32 to index
      %swap3A_903 = arith.constant 1760 : index
      %swap3A_904 = tpu.vector_load %arg3[%swap3A_902, %swap3A_903] {strides = array<i32>} : memref<16x2048xi32, #tpu.memory_space<vmem>>, vector<1x16xi32>,
      %swap3A_905 = vector.shape_cast %swap3A_904 : vector<1x16xi32> to vector<16xi32>
      %swap3A_906 = vector.shape_cast %add3A_352 : vector<16xi32> to vector<1x16xi32>
      tpu.vector_store %arg3[%swap3A_902, %swap3A_903], %swap3A_906 {strides = array<i32>} : memref<16x2048xi32, #tpu.memory_space<vmem>>, vector<1x16xi32>,
      %swap3A_907 = arith.index_cast %scan3A_348 : i32 to index
      %swap3A_908 = arith.constant 1776 : index
      %swap3A_909 = tpu.vector_load %arg3[%swap3A_907, %swap3A_908] {strides = array<i32>} : memref<16x2048xi32, #tpu.memory_space<vmem>>, vector<1x16xi32>,
      %swap3A_910 = vector.shape_cast %swap3A_909 : vector<1x16xi32> to vector<16xi32>
      %swap3A_911 = vector.shape_cast %add3A_352 : vector<16xi32> to vector<1x16xi32>
      tpu.vector_store %arg3[%swap3A_907, %swap3A_908], %swap3A_911 {strides = array<i32>} : memref<16x2048xi32, #tpu.memory_space<vmem>>, vector<1x16xi32>,
      %swap3A_912 = arith.index_cast %scan3A_348 : i32 to index
      %swap3A_913 = arith.constant 1792 : index
      %swap3A_914 = tpu.vector_load %arg3[%swap3A_912, %swap3A_913] {strides = array<i32>} : memref<16x2048xi32, #tpu.memory_space<vmem>>, vector<1x16xi32>,
      %swap3A_915 = vector.shape_cast %swap3A_914 : vector<1x16xi32> to vector<16xi32>
      %swap3A_916 = vector.shape_cast %add3A_352 : vector<16xi32> to vector<1x16xi32>
      tpu.vector_store %arg3[%swap3A_912, %swap3A_913], %swap3A_916 {strides = array<i32>} : memref<16x2048xi32, #tpu.memory_space<vmem>>, vector<1x16xi32>,
      %swap3A_917 = arith.index_cast %scan3A_348 : i32 to index
      %swap3A_918 = arith.constant 1808 : index
      %swap3A_919 = tpu.vector_load %arg3[%swap3A_917, %swap3A_918] {strides = array<i32>} : memref<16x2048xi32, #tpu.memory_space<vmem>>, vector<1x16xi32>,
      %swap3A_920 = vector.shape_cast %swap3A_919 : vector<1x16xi32> to vector<16xi32>
      %swap3A_921 = vector.shape_cast %add3A_352 : vector<16xi32> to vector<1x16xi32>
      tpu.vector_store %arg3[%swap3A_917, %swap3A_918], %swap3A_921 {strides = array<i32>} : memref<16x2048xi32, #tpu.memory_space<vmem>>, vector<1x16xi32>,
      %swap3A_922 = arith.index_cast %scan3A_348 : i32 to index
      %swap3A_923 = arith.constant 1824 : index
      %swap3A_924 = tpu.vector_load %arg3[%swap3A_922, %swap3A_923] {strides = array<i32>} : memref<16x2048xi32, #tpu.memory_space<vmem>>, vector<1x16xi32>,
      %swap3A_925 = vector.shape_cast %swap3A_924 : vector<1x16xi32> to vector<16xi32>
      %swap3A_926 = vector.shape_cast %add3A_352 : vector<16xi32> to vector<1x16xi32>
      tpu.vector_store %arg3[%swap3A_922, %swap3A_923], %swap3A_926 {strides = array<i32>} : memref<16x2048xi32, #tpu.memory_space<vmem>>, vector<1x16xi32>,
      %swap3A_927 = arith.index_cast %scan3A_348 : i32 to index
      %swap3A_928 = arith.constant 1840 : index
      %swap3A_929 = tpu.vector_load %arg3[%swap3A_927, %swap3A_928] {strides = array<i32>} : memref<16x2048xi32, #tpu.memory_space<vmem>>, vector<1x16xi32>,
      %swap3A_930 = vector.shape_cast %swap3A_929 : vector<1x16xi32> to vector<16xi32>
      %swap3A_931 = vector.shape_cast %add3A_352 : vector<16xi32> to vector<1x16xi32>
      tpu.vector_store %arg3[%swap3A_927, %swap3A_928], %swap3A_931 {strides = array<i32>} : memref<16x2048xi32, #tpu.memory_space<vmem>>, vector<1x16xi32>,
      %swap3A_932 = arith.index_cast %scan3A_348 : i32 to index
      %swap3A_933 = arith.constant 1856 : index
      %swap3A_934 = tpu.vector_load %arg3[%swap3A_932, %swap3A_933] {strides = array<i32>} : memref<16x2048xi32, #tpu.memory_space<vmem>>, vector<1x16xi32>,
      %swap3A_935 = vector.shape_cast %swap3A_934 : vector<1x16xi32> to vector<16xi32>
      %swap3A_936 = vector.shape_cast %add3A_352 : vector<16xi32> to vector<1x16xi32>
      tpu.vector_store %arg3[%swap3A_932, %swap3A_933], %swap3A_936 {strides = array<i32>} : memref<16x2048xi32, #tpu.memory_space<vmem>>, vector<1x16xi32>,
      %swap3A_937 = arith.index_cast %scan3A_348 : i32 to index
      %swap3A_938 = arith.constant 1872 : index
      %swap3A_939 = tpu.vector_load %arg3[%swap3A_937, %swap3A_938] {strides = array<i32>} : memref<16x2048xi32, #tpu.memory_space<vmem>>, vector<1x16xi32>,
      %swap3A_940 = vector.shape_cast %swap3A_939 : vector<1x16xi32> to vector<16xi32>
      %swap3A_941 = vector.shape_cast %add3A_352 : vector<16xi32> to vector<1x16xi32>
      tpu.vector_store %arg3[%swap3A_937, %swap3A_938], %swap3A_941 {strides = array<i32>} : memref<16x2048xi32, #tpu.memory_space<vmem>>, vector<1x16xi32>,
      %swap3A_942 = arith.index_cast %scan3A_348 : i32 to index
      %swap3A_943 = arith.constant 1888 : index
      %swap3A_944 = tpu.vector_load %arg3[%swap3A_942, %swap3A_943] {strides = array<i32>} : memref<16x2048xi32, #tpu.memory_space<vmem>>, vector<1x16xi32>,
      %swap3A_945 = vector.shape_cast %swap3A_944 : vector<1x16xi32> to vector<16xi32>
      %swap3A_946 = vector.shape_cast %add3A_352 : vector<16xi32> to vector<1x16xi32>
      tpu.vector_store %arg3[%swap3A_942, %swap3A_943], %swap3A_946 {strides = array<i32>} : memref<16x2048xi32, #tpu.memory_space<vmem>>, vector<1x16xi32>,
      %swap3A_947 = arith.index_cast %scan3A_348 : i32 to index
      %swap3A_948 = arith.constant 1904 : index
      %swap3A_949 = tpu.vector_load %arg3[%swap3A_947, %swap3A_948] {strides = array<i32>} : memref<16x2048xi32, #tpu.memory_space<vmem>>, vector<1x16xi32>,
      %swap3A_950 = vector.shape_cast %swap3A_949 : vector<1x16xi32> to vector<16xi32>
      %swap3A_951 = vector.shape_cast %add3A_352 : vector<16xi32> to vector<1x16xi32>
      tpu.vector_store %arg3[%swap3A_947, %swap3A_948], %swap3A_951 {strides = array<i32>} : memref<16x2048xi32, #tpu.memory_space<vmem>>, vector<1x16xi32>,
      %swap3A_952 = arith.index_cast %scan3A_348 : i32 to index
      %swap3A_953 = arith.constant 1920 : index
      %swap3A_954 = tpu.vector_load %arg3[%swap3A_952, %swap3A_953] {strides = array<i32>} : memref<16x2048xi32, #tpu.memory_space<vmem>>, vector<1x16xi32>,
      %swap3A_955 = vector.shape_cast %swap3A_954 : vector<1x16xi32> to vector<16xi32>
      %swap3A_956 = vector.shape_cast %add3A_352 : vector<16xi32> to vector<1x16xi32>
      tpu.vector_store %arg3[%swap3A_952, %swap3A_953], %swap3A_956 {strides = array<i32>} : memref<16x2048xi32, #tpu.memory_space<vmem>>, vector<1x16xi32>,
      %swap3A_957 = arith.index_cast %scan3A_348 : i32 to index
      %swap3A_958 = arith.constant 1936 : index
      %swap3A_959 = tpu.vector_load %arg3[%swap3A_957, %swap3A_958] {strides = array<i32>} : memref<16x2048xi32, #tpu.memory_space<vmem>>, vector<1x16xi32>,
      %swap3A_960 = vector.shape_cast %swap3A_959 : vector<1x16xi32> to vector<16xi32>
      %swap3A_961 = vector.shape_cast %add3A_352 : vector<16xi32> to vector<1x16xi32>
      tpu.vector_store %arg3[%swap3A_957, %swap3A_958], %swap3A_961 {strides = array<i32>} : memref<16x2048xi32, #tpu.memory_space<vmem>>, vector<1x16xi32>,
      %swap3A_962 = arith.index_cast %scan3A_348 : i32 to index
      %swap3A_963 = arith.constant 1952 : index
      %swap3A_964 = tpu.vector_load %arg3[%swap3A_962, %swap3A_963] {strides = array<i32>} : memref<16x2048xi32, #tpu.memory_space<vmem>>, vector<1x16xi32>,
      %swap3A_965 = vector.shape_cast %swap3A_964 : vector<1x16xi32> to vector<16xi32>
      %swap3A_966 = vector.shape_cast %add3A_352 : vector<16xi32> to vector<1x16xi32>
      tpu.vector_store %arg3[%swap3A_962, %swap3A_963], %swap3A_966 {strides = array<i32>} : memref<16x2048xi32, #tpu.memory_space<vmem>>, vector<1x16xi32>,
      %swap3A_967 = arith.index_cast %scan3A_348 : i32 to index
      %swap3A_968 = arith.constant 1968 : index
      %swap3A_969 = tpu.vector_load %arg3[%swap3A_967, %swap3A_968] {strides = array<i32>} : memref<16x2048xi32, #tpu.memory_space<vmem>>, vector<1x16xi32>,
      %swap3A_970 = vector.shape_cast %swap3A_969 : vector<1x16xi32> to vector<16xi32>
      %swap3A_971 = vector.shape_cast %add3A_352 : vector<16xi32> to vector<1x16xi32>
      tpu.vector_store %arg3[%swap3A_967, %swap3A_968], %swap3A_971 {strides = array<i32>} : memref<16x2048xi32, #tpu.memory_space<vmem>>, vector<1x16xi32>,
      %swap3A_972 = arith.index_cast %scan3A_348 : i32 to index
      %swap3A_973 = arith.constant 1984 : index
      %swap3A_974 = tpu.vector_load %arg3[%swap3A_972, %swap3A_973] {strides = array<i32>} : memref<16x2048xi32, #tpu.memory_space<vmem>>, vector<1x16xi32>,
      %swap3A_975 = vector.shape_cast %swap3A_974 : vector<1x16xi32> to vector<16xi32>
      %swap3A_976 = vector.shape_cast %add3A_352 : vector<16xi32> to vector<1x16xi32>
      tpu.vector_store %arg3[%swap3A_972, %swap3A_973], %swap3A_976 {strides = array<i32>} : memref<16x2048xi32, #tpu.memory_space<vmem>>, vector<1x16xi32>,
      %swap3A_977 = arith.index_cast %scan3A_348 : i32 to index
      %swap3A_978 = arith.constant 2000 : index
      %swap3A_979 = tpu.vector_load %arg3[%swap3A_977, %swap3A_978] {strides = array<i32>} : memref<16x2048xi32, #tpu.memory_space<vmem>>, vector<1x16xi32>,
      %swap3A_980 = vector.shape_cast %swap3A_979 : vector<1x16xi32> to vector<16xi32>
      %swap3A_981 = vector.shape_cast %add3A_352 : vector<16xi32> to vector<1x16xi32>
      tpu.vector_store %arg3[%swap3A_977, %swap3A_978], %swap3A_981 {strides = array<i32>} : memref<16x2048xi32, #tpu.memory_space<vmem>>, vector<1x16xi32>,
      %swap3A_982 = arith.index_cast %scan3A_348 : i32 to index
      %swap3A_983 = arith.constant 2016 : index
      %swap3A_984 = tpu.vector_load %arg3[%swap3A_982, %swap3A_983] {strides = array<i32>} : memref<16x2048xi32, #tpu.memory_space<vmem>>, vector<1x16xi32>,
      %swap3A_985 = vector.shape_cast %swap3A_984 : vector<1x16xi32> to vector<16xi32>
      %swap3A_986 = vector.shape_cast %add3A_352 : vector<16xi32> to vector<1x16xi32>
      tpu.vector_store %arg3[%swap3A_982, %swap3A_983], %swap3A_986 {strides = array<i32>} : memref<16x2048xi32, #tpu.memory_space<vmem>>, vector<1x16xi32>,
      %swap3A_987 = arith.index_cast %scan3A_348 : i32 to index
      %swap3A_988 = arith.constant 2032 : index
      %swap3A_989 = tpu.vector_load %arg3[%swap3A_987, %swap3A_988] {strides = array<i32>} : memref<16x2048xi32, #tpu.memory_space<vmem>>, vector<1x16xi32>,
      %swap3A_990 = vector.shape_cast %swap3A_989 : vector<1x16xi32> to vector<16xi32>
      %swap3A_991 = vector.shape_cast %add3A_352 : vector<16xi32> to vector<1x16xi32>
      tpu.vector_store %arg3[%swap3A_987, %swap3A_988], %swap3A_991 {strides = array<i32>} : memref<16x2048xi32, #tpu.memory_space<vmem>>, vector<1x16xi32>,
    }
    %scan3A_148 = arith.constant 16 : i32
    %add3A_149 = arith.constant 0 : i32
    %add3A_150 = arith.addi %add3A_149, %add3A_143 : i32
    %dma_start3A_151 = arith.constant 0 : i32
    %dma_start3A_152 = tpu.memref_slice %arg2[%add3A_150, %dma_start3A_151] : memref<16384x2048xi32, #tpu.memory_space<hbm>> -> memref<16x2048xi32, #tpu.memory_space<hbm>>
    %dma_start3A_153 = arith.constant 0 : i32
    %dma_start3A_154 = tpu.memref_slice %arg2[%add3A_150, %dma_start3A_153] : memref<16384x2048xi32, #tpu.memory_space<hbm>> -> memref<16x2048xi32, #tpu.memory_space<hbm>>
    tpu.enqueue_dma source(%arg3 : memref<16x2048xi32, #tpu.memory_space<vmem>>) target(%dma_start3A_154 : memref<16x2048xi32, #tpu.memory_space<hbm>>) target_semaphore(%arg5 : memref<!tpu.dma_semaphore, #tpu.memory_space<semaphore_mem>>)
    %add3A_155 = arith.constant 2048 : i32
    %add3A_156 = arith.addi %add3A_155, %add3A_143 : i32
    %dma_start3A_157 = arith.constant 0 : i32
    %dma_start3A_158 = tpu.memref_slice %arg2[%add3A_156, %dma_start3A_157] : memref<16384x2048xi32, #tpu.memory_space<hbm>> -> memref<16x2048xi32, #tpu.memory_space<hbm>>
    %dma_start3A_159 = arith.constant 0 : i32
    %dma_start3A_160 = tpu.memref_slice %arg2[%add3A_156, %dma_start3A_159] : memref<16384x2048xi32, #tpu.memory_space<hbm>> -> memref<16x2048xi32, #tpu.memory_space<hbm>>
    tpu.enqueue_dma source(%arg3 : memref<16x2048xi32, #tpu.memory_space<vmem>>) target(%dma_start3A_160 : memref<16x2048xi32, #tpu.memory_space<hbm>>) target_semaphore(%arg5 : memref<!tpu.dma_semaphore, #tpu.memory_space<semaphore_mem>>)
    %add3A_161 = arith.constant 4096 : i32
    %add3A_162 = arith.addi %add3A_161, %add3A_143 : i32
    %dma_start3A_163 = arith.constant 0 : i32
    %dma_start3A_164 = tpu.memref_slice %arg2[%add3A_162, %dma_start3A_163] : memref<16384x2048xi32, #tpu.memory_space<hbm>> -> memref<16x2048xi32, #tpu.memory_space<hbm>>
    %dma_start3A_165 = arith.constant 0 : i32
    %dma_start3A_166 = tpu.memref_slice %arg2[%add3A_162, %dma_start3A_165] : memref<16384x2048xi32, #tpu.memory_space<hbm>> -> memref<16x2048xi32, #tpu.memory_space<hbm>>
    tpu.enqueue_dma source(%arg3 : memref<16x2048xi32, #tpu.memory_space<vmem>>) target(%dma_start3A_166 : memref<16x2048xi32, #tpu.memory_space<hbm>>) target_semaphore(%arg5 : memref<!tpu.dma_semaphore, #tpu.memory_space<semaphore_mem>>)
    %add3A_167 = arith.constant 6144 : i32
    %add3A_168 = arith.addi %add3A_167, %add3A_143 : i32
    %dma_start3A_169 = arith.constant 0 : i32
    %dma_start3A_170 = tpu.memref_slice %arg2[%add3A_168, %dma_start3A_169] : memref<16384x2048xi32, #tpu.memory_space<hbm>> -> memref<16x2048xi32, #tpu.memory_space<hbm>>
    %dma_start3A_171 = arith.constant 0 : i32
    %dma_start3A_172 = tpu.memref_slice %arg2[%add3A_168, %dma_start3A_171] : memref<16384x2048xi32, #tpu.memory_space<hbm>> -> memref<16x2048xi32, #tpu.memory_space<hbm>>
    tpu.enqueue_dma source(%arg3 : memref<16x2048xi32, #tpu.memory_space<vmem>>) target(%dma_start3A_172 : memref<16x2048xi32, #tpu.memory_space<hbm>>) target_semaphore(%arg5 : memref<!tpu.dma_semaphore, #tpu.memory_space<semaphore_mem>>)
    %add3A_173 = arith.constant 8192 : i32
    %add3A_174 = arith.addi %add3A_173, %add3A_143 : i32
    %dma_start3A_175 = arith.constant 0 : i32
    %dma_start3A_176 = tpu.memref_slice %arg2[%add3A_174, %dma_start3A_175] : memref<16384x2048xi32, #tpu.memory_space<hbm>> -> memref<16x2048xi32, #tpu.memory_space<hbm>>
    %dma_start3A_177 = arith.constant 0 : i32
    %dma_start3A_178 = tpu.memref_slice %arg2[%add3A_174, %dma_start3A_177] : memref<16384x2048xi32, #tpu.memory_space<hbm>> -> memref<16x2048xi32, #tpu.memory_space<hbm>>
    tpu.enqueue_dma source(%arg3 : memref<16x2048xi32, #tpu.memory_space<vmem>>) target(%dma_start3A_178 : memref<16x2048xi32, #tpu.memory_space<hbm>>) target_semaphore(%arg5 : memref<!tpu.dma_semaphore, #tpu.memory_space<semaphore_mem>>)
    %add3A_179 = arith.constant 10240 : i32
    %add3A_180 = arith.addi %add3A_179, %add3A_143 : i32
    %dma_start3A_181 = arith.constant 0 : i32
    %dma_start3A_182 = tpu.memref_slice %arg2[%add3A_180, %dma_start3A_181] : memref<16384x2048xi32, #tpu.memory_space<hbm>> -> memref<16x2048xi32, #tpu.memory_space<hbm>>
    %dma_start3A_183 = arith.constant 0 : i32
    %dma_start3A_184 = tpu.memref_slice %arg2[%add3A_180, %dma_start3A_183] : memref<16384x2048xi32, #tpu.memory_space<hbm>> -> memref<16x2048xi32, #tpu.memory_space<hbm>>
    tpu.enqueue_dma source(%arg3 : memref<16x2048xi32, #tpu.memory_space<vmem>>) target(%dma_start3A_184 : memref<16x2048xi32, #tpu.memory_space<hbm>>) target_semaphore(%arg5 : memref<!tpu.dma_semaphore, #tpu.memory_space<semaphore_mem>>)
    %add3A_185 = arith.constant 12288 : i32
    %add3A_186 = arith.addi %add3A_185, %add3A_143 : i32
    %dma_start3A_187 = arith.constant 0 : i32
    %dma_start3A_188 = tpu.memref_slice %arg2[%add3A_186, %dma_start3A_187] : memref<16384x2048xi32, #tpu.memory_space<hbm>> -> memref<16x2048xi32, #tpu.memory_space<hbm>>
    %dma_start3A_189 = arith.constant 0 : i32
    %dma_start3A_190 = tpu.memref_slice %arg2[%add3A_186, %dma_start3A_189] : memref<16384x2048xi32, #tpu.memory_space<hbm>> -> memref<16x2048xi32, #tpu.memory_space<hbm>>
    tpu.enqueue_dma source(%arg3 : memref<16x2048xi32, #tpu.memory_space<vmem>>) target(%dma_start3A_190 : memref<16x2048xi32, #tpu.memory_space<hbm>>) target_semaphore(%arg5 : memref<!tpu.dma_semaphore, #tpu.memory_space<semaphore_mem>>)
    %add3A_191 = arith.constant 14336 : i32
    %add3A_192 = arith.addi %add3A_191, %add3A_143 : i32
    %dma_start3A_193 = arith.constant 0 : i32
    %dma_start3A_194 = tpu.memref_slice %arg2[%add3A_192, %dma_start3A_193] : memref<16384x2048xi32, #tpu.memory_space<hbm>> -> memref<16x2048xi32, #tpu.memory_space<hbm>>
    %dma_start3A_195 = arith.constant 0 : i32
    %dma_start3A_196 = tpu.memref_slice %arg2[%add3A_192, %dma_start3A_195] : memref<16384x2048xi32, #tpu.memory_space<hbm>> -> memref<16x2048xi32, #tpu.memory_space<hbm>>
    tpu.enqueue_dma source(%arg3 : memref<16x2048xi32, #tpu.memory_space<vmem>>) target(%dma_start3A_196 : memref<16x2048xi32, #tpu.memory_space<hbm>>) target_semaphore(%arg5 : memref<!tpu.dma_semaphore, #tpu.memory_space<semaphore_mem>>)
    %dma_wait3A_197 = arith.constant 0 : i32
    %dma_wait3A_198 = tpu.memref_slice %arg2[%add3A_64, %dma_wait3A_197] : memref<16384x2048xi32, #tpu.memory_space<hbm>> -> memref<16x2048xi32, #tpu.memory_space<hbm>>
    %dma_wait3A_199 = arith.constant 0 : i32
    %dma_wait3A_200 = tpu.memref_slice %arg2[%add3A_64, %dma_wait3A_199] : memref<16384x2048xi32, #tpu.memory_space<hbm>> -> memref<16x2048xi32, #tpu.memory_space<hbm>>
    tpu.wait_dma2 semaphore(%arg6 : memref<!tpu.dma_semaphore, #tpu.memory_space<semaphore_mem>>) src(%arg4 : memref<16x2048xi32, #tpu.memory_space<vmem>>) dst(%dma_wait3A_200 : memref<16x2048xi32, #tpu.memory_space<hbm>>)
    %dma_wait3A_201 = arith.constant 0 : i32
    %dma_wait3A_202 = tpu.memref_slice %arg2[%add3A_70, %dma_wait3A_201] : memref<16384x2048xi32, #tpu.memory_space<hbm>> -> memref<16x2048xi32, #tpu.memory_space<hbm>>
    %dma_wait3A_203 = arith.constant 0 : i32
    %dma_wait3A_204 = tpu.memref_slice %arg2[%add3A_70, %dma_wait3A_203] : memref<16384x2048xi32, #tpu.memory_space<hbm>> -> memref<16x2048xi32, #tpu.memory_space<hbm>>
    tpu.wait_dma2 semaphore(%arg6 : memref<!tpu.dma_semaphore, #tpu.memory_space<semaphore_mem>>) src(%arg4 : memref<16x2048xi32, #tpu.memory_space<vmem>>) dst(%dma_wait3A_204 : memref<16x2048xi32, #tpu.memory_space<hbm>>)
    %dma_wait3A_205 = arith.constant 0 : i32
    %dma_wait3A_206 = tpu.memref_slice %arg2[%add3A_76, %dma_wait3A_205] : memref<16384x2048xi32, #tpu.memory_space<hbm>> -> memref<16x2048xi32, #tpu.memory_space<hbm>>
    %dma_wait3A_207 = arith.constant 0 : i32
    %dma_wait3A_208 = tpu.memref_slice %arg2[%add3A_76, %dma_wait3A_207] : memref<16384x2048xi32, #tpu.memory_space<hbm>> -> memref<16x2048xi32, #tpu.memory_space<hbm>>
    tpu.wait_dma2 semaphore(%arg6 : memref<!tpu.dma_semaphore, #tpu.memory_space<semaphore_mem>>) src(%arg4 : memref<16x2048xi32, #tpu.memory_space<vmem>>) dst(%dma_wait3A_208 : memref<16x2048xi32, #tpu.memory_space<hbm>>)
    %dma_wait3A_209 = arith.constant 0 : i32
    %dma_wait3A_210 = tpu.memref_slice %arg2[%add3A_82, %dma_wait3A_209] : memref<16384x2048xi32, #tpu.memory_space<hbm>> -> memref<16x2048xi32, #tpu.memory_space<hbm>>
    %dma_wait3A_211 = arith.constant 0 : i32
    %dma_wait3A_212 = tpu.memref_slice %arg2[%add3A_82, %dma_wait3A_211] : memref<16384x2048xi32, #tpu.memory_space<hbm>> -> memref<16x2048xi32, #tpu.memory_space<hbm>>
    tpu.wait_dma2 semaphore(%arg6 : memref<!tpu.dma_semaphore, #tpu.memory_space<semaphore_mem>>) src(%arg4 : memref<16x2048xi32, #tpu.memory_space<vmem>>) dst(%dma_wait3A_212 : memref<16x2048xi32, #tpu.memory_space<hbm>>)
    %dma_wait3A_213 = arith.constant 0 : i32
    %dma_wait3A_214 = tpu.memref_slice %arg2[%add3A_88, %dma_wait3A_213] : memref<16384x2048xi32, #tpu.memory_space<hbm>> -> memref<16x2048xi32, #tpu.memory_space<hbm>>
    %dma_wait3A_215 = arith.constant 0 : i32
    %dma_wait3A_216 = tpu.memref_slice %arg2[%add3A_88, %dma_wait3A_215] : memref<16384x2048xi32, #tpu.memory_space<hbm>> -> memref<16x2048xi32, #tpu.memory_space<hbm>>
    tpu.wait_dma2 semaphore(%arg6 : memref<!tpu.dma_semaphore, #tpu.memory_space<semaphore_mem>>) src(%arg4 : memref<16x2048xi32, #tpu.memory_space<vmem>>) dst(%dma_wait3A_216 : memref<16x2048xi32, #tpu.memory_space<hbm>>)
    %dma_wait3A_217 = arith.constant 0 : i32
    %dma_wait3A_218 = tpu.memref_slice %arg2[%add3A_94, %dma_wait3A_217] : memref<16384x2048xi32, #tpu.memory_space<hbm>> -> memref<16x2048xi32, #tpu.memory_space<hbm>>
    %dma_wait3A_219 = arith.constant 0 : i32
    %dma_wait3A_220 = tpu.memref_slice %arg2[%add3A_94, %dma_wait3A_219] : memref<16384x2048xi32, #tpu.memory_space<hbm>> -> memref<16x2048xi32, #tpu.memory_space<hbm>>
    tpu.wait_dma2 semaphore(%arg6 : memref<!tpu.dma_semaphore, #tpu.memory_space<semaphore_mem>>) src(%arg4 : memref<16x2048xi32, #tpu.memory_space<vmem>>) dst(%dma_wait3A_220 : memref<16x2048xi32, #tpu.memory_space<hbm>>)
    %dma_wait3A_221 = arith.constant 0 : i32
    %dma_wait3A_222 = tpu.memref_slice %arg2[%add3A_100, %dma_wait3A_221] : memref<16384x2048xi32, #tpu.memory_space<hbm>> -> memref<16x2048xi32, #tpu.memory_space<hbm>>
    %dma_wait3A_223 = arith.constant 0 : i32
    %dma_wait3A_224 = tpu.memref_slice %arg2[%add3A_100, %dma_wait3A_223] : memref<16384x2048xi32, #tpu.memory_space<hbm>> -> memref<16x2048xi32, #tpu.memory_space<hbm>>
    tpu.wait_dma2 semaphore(%arg6 : memref<!tpu.dma_semaphore, #tpu.memory_space<semaphore_mem>>) src(%arg4 : memref<16x2048xi32, #tpu.memory_space<vmem>>) dst(%dma_wait3A_224 : memref<16x2048xi32, #tpu.memory_space<hbm>>)
    %dma_wait3A_225 = arith.constant 0 : i32
    %dma_wait3A_226 = tpu.memref_slice %arg2[%add3A_106, %dma_wait3A_225] : memref<16384x2048xi32, #tpu.memory_space<hbm>> -> memref<16x2048xi32, #tpu.memory_space<hbm>>
    %dma_wait3A_227 = arith.constant 0 : i32
    %dma_wait3A_228 = tpu.memref_slice %arg2[%add3A_106, %dma_wait3A_227] : memref<16384x2048xi32, #tpu.memory_space<hbm>> -> memref<16x2048xi32, #tpu.memory_space<hbm>>
    tpu.wait_dma2 semaphore(%arg6 : memref<!tpu.dma_semaphore, #tpu.memory_space<semaphore_mem>>) src(%arg4 : memref<16x2048xi32, #tpu.memory_space<vmem>>) dst(%dma_wait3A_228 : memref<16x2048xi32, #tpu.memory_space<hbm>>)
    %add3A_229 = arith.constant 48 : i32
    %add3A_230 = arith.addi %mul3A_2, %add3A_229 : i32
    %scan3A_231 = arith.constant 0 : i32
    %scan3A_232 = arith.constant 16 : i32
    %scan3A_233 = arith.addi %scan3A_231, %scan3A_232 : i32
    %scan3A_234 = arith.constant 1 : i32
    scf.for %scan3A_348 = %scan3A_231 to %scan3A_233 step %scan3A_234  : i32 {
      %broadcast_in_dim3A = arith.constant 0 : i32
      %broadcast_in_dim3A_349 = vector.broadcast %broadcast_in_dim3A : i32 to vector<16xi32>
      %add3A_350 = arith.addi %add3A_230, %scan3A_348 : i32
      %add3A_351 = vector.broadcast %add3A_350 : i32 to vector<16xi32>
      %add3A_352 = arith.addi %broadcast_in_dim3A_349, %add3A_351 : vector<16xi32>
      %swap3A = arith.index_cast %scan3A_348 : i32 to index
      %swap3A_353 = arith.constant 0 : index
      %swap3A_354 = tpu.vector_load %arg4[%swap3A, %swap3A_353] {strides = array<i32>} : memref<16x2048xi32, #tpu.memory_space<vmem>>, vector<1x16xi32>,
      %swap3A_355 = vector.shape_cast %swap3A_354 : vector<1x16xi32> to vector<16xi32>
      %swap3A_356 = vector.shape_cast %add3A_352 : vector<16xi32> to vector<1x16xi32>
      tpu.vector_store %arg4[%swap3A, %swap3A_353], %swap3A_356 {strides = array<i32>} : memref<16x2048xi32, #tpu.memory_space<vmem>>, vector<1x16xi32>,
      %swap3A_357 = arith.index_cast %scan3A_348 : i32 to index
      %swap3A_358 = arith.constant 16 : index
      %swap3A_359 = tpu.vector_load %arg4[%swap3A_357, %swap3A_358] {strides = array<i32>} : memref<16x2048xi32, #tpu.memory_space<vmem>>, vector<1x16xi32>,
      %swap3A_360 = vector.shape_cast %swap3A_359 : vector<1x16xi32> to vector<16xi32>
      %swap3A_361 = vector.shape_cast %add3A_352 : vector<16xi32> to vector<1x16xi32>
      tpu.vector_store %arg4[%swap3A_357, %swap3A_358], %swap3A_361 {strides = array<i32>} : memref<16x2048xi32, #tpu.memory_space<vmem>>, vector<1x16xi32>,
      %swap3A_362 = arith.index_cast %scan3A_348 : i32 to index
      %swap3A_363 = arith.constant 32 : index
      %swap3A_364 = tpu.vector_load %arg4[%swap3A_362, %swap3A_363] {strides = array<i32>} : memref<16x2048xi32, #tpu.memory_space<vmem>>, vector<1x16xi32>,
      %swap3A_365 = vector.shape_cast %swap3A_364 : vector<1x16xi32> to vector<16xi32>
      %swap3A_366 = vector.shape_cast %add3A_352 : vector<16xi32> to vector<1x16xi32>
      tpu.vector_store %arg4[%swap3A_362, %swap3A_363], %swap3A_366 {strides = array<i32>} : memref<16x2048xi32, #tpu.memory_space<vmem>>, vector<1x16xi32>,
      %swap3A_367 = arith.index_cast %scan3A_348 : i32 to index
      %swap3A_368 = arith.constant 48 : index
      %swap3A_369 = tpu.vector_load %arg4[%swap3A_367, %swap3A_368] {strides = array<i32>} : memref<16x2048xi32, #tpu.memory_space<vmem>>, vector<1x16xi32>,
      %swap3A_370 = vector.shape_cast %swap3A_369 : vector<1x16xi32> to vector<16xi32>
      %swap3A_371 = vector.shape_cast %add3A_352 : vector<16xi32> to vector<1x16xi32>
      tpu.vector_store %arg4[%swap3A_367, %swap3A_368], %swap3A_371 {strides = array<i32>} : memref<16x2048xi32, #tpu.memory_space<vmem>>, vector<1x16xi32>,
      %swap3A_372 = arith.index_cast %scan3A_348 : i32 to index
      %swap3A_373 = arith.constant 64 : index
      %swap3A_374 = tpu.vector_load %arg4[%swap3A_372, %swap3A_373] {strides = array<i32>} : memref<16x2048xi32, #tpu.memory_space<vmem>>, vector<1x16xi32>,
      %swap3A_375 = vector.shape_cast %swap3A_374 : vector<1x16xi32> to vector<16xi32>
      %swap3A_376 = vector.shape_cast %add3A_352 : vector<16xi32> to vector<1x16xi32>
      tpu.vector_store %arg4[%swap3A_372, %swap3A_373], %swap3A_376 {strides = array<i32>} : memref<16x2048xi32, #tpu.memory_space<vmem>>, vector<1x16xi32>,
      %swap3A_377 = arith.index_cast %scan3A_348 : i32 to index
      %swap3A_378 = arith.constant 80 : index
      %swap3A_379 = tpu.vector_load %arg4[%swap3A_377, %swap3A_378] {strides = array<i32>} : memref<16x2048xi32, #tpu.memory_space<vmem>>, vector<1x16xi32>,
      %swap3A_380 = vector.shape_cast %swap3A_379 : vector<1x16xi32> to vector<16xi32>
      %swap3A_381 = vector.shape_cast %add3A_352 : vector<16xi32> to vector<1x16xi32>
      tpu.vector_store %arg4[%swap3A_377, %swap3A_378], %swap3A_381 {strides = array<i32>} : memref<16x2048xi32, #tpu.memory_space<vmem>>, vector<1x16xi32>,
      %swap3A_382 = arith.index_cast %scan3A_348 : i32 to index
      %swap3A_383 = arith.constant 96 : index
      %swap3A_384 = tpu.vector_load %arg4[%swap3A_382, %swap3A_383] {strides = array<i32>} : memref<16x2048xi32, #tpu.memory_space<vmem>>, vector<1x16xi32>,
      %swap3A_385 = vector.shape_cast %swap3A_384 : vector<1x16xi32> to vector<16xi32>
      %swap3A_386 = vector.shape_cast %add3A_352 : vector<16xi32> to vector<1x16xi32>
      tpu.vector_store %arg4[%swap3A_382, %swap3A_383], %swap3A_386 {strides = array<i32>} : memref<16x2048xi32, #tpu.memory_space<vmem>>, vector<1x16xi32>,
      %swap3A_387 = arith.index_cast %scan3A_348 : i32 to index
      %swap3A_388 = arith.constant 112 : index
      %swap3A_389 = tpu.vector_load %arg4[%swap3A_387, %swap3A_388] {strides = array<i32>} : memref<16x2048xi32, #tpu.memory_space<vmem>>, vector<1x16xi32>,
      %swap3A_390 = vector.shape_cast %swap3A_389 : vector<1x16xi32> to vector<16xi32>
      %swap3A_391 = vector.shape_cast %add3A_352 : vector<16xi32> to vector<1x16xi32>
      tpu.vector_store %arg4[%swap3A_387, %swap3A_388], %swap3A_391 {strides = array<i32>} : memref<16x2048xi32, #tpu.memory_space<vmem>>, vector<1x16xi32>,
      %swap3A_392 = arith.index_cast %scan3A_348 : i32 to index
      %swap3A_393 = arith.constant 128 : index
      %swap3A_394 = tpu.vector_load %arg4[%swap3A_392, %swap3A_393] {strides = array<i32>} : memref<16x2048xi32, #tpu.memory_space<vmem>>, vector<1x16xi32>,
      %swap3A_395 = vector.shape_cast %swap3A_394 : vector<1x16xi32> to vector<16xi32>
      %swap3A_396 = vector.shape_cast %add3A_352 : vector<16xi32> to vector<1x16xi32>
      tpu.vector_store %arg4[%swap3A_392, %swap3A_393], %swap3A_396 {strides = array<i32>} : memref<16x2048xi32, #tpu.memory_space<vmem>>, vector<1x16xi32>,
      %swap3A_397 = arith.index_cast %scan3A_348 : i32 to index
      %swap3A_398 = arith.constant 144 : index
      %swap3A_399 = tpu.vector_load %arg4[%swap3A_397, %swap3A_398] {strides = array<i32>} : memref<16x2048xi32, #tpu.memory_space<vmem>>, vector<1x16xi32>,
      %swap3A_400 = vector.shape_cast %swap3A_399 : vector<1x16xi32> to vector<16xi32>
      %swap3A_401 = vector.shape_cast %add3A_352 : vector<16xi32> to vector<1x16xi32>
      tpu.vector_store %arg4[%swap3A_397, %swap3A_398], %swap3A_401 {strides = array<i32>} : memref<16x2048xi32, #tpu.memory_space<vmem>>, vector<1x16xi32>,
      %swap3A_402 = arith.index_cast %scan3A_348 : i32 to index
      %swap3A_403 = arith.constant 160 : index
      %swap3A_404 = tpu.vector_load %arg4[%swap3A_402, %swap3A_403] {strides = array<i32>} : memref<16x2048xi32, #tpu.memory_space<vmem>>, vector<1x16xi32>,
      %swap3A_405 = vector.shape_cast %swap3A_404 : vector<1x16xi32> to vector<16xi32>
      %swap3A_406 = vector.shape_cast %add3A_352 : vector<16xi32> to vector<1x16xi32>
      tpu.vector_store %arg4[%swap3A_402, %swap3A_403], %swap3A_406 {strides = array<i32>} : memref<16x2048xi32, #tpu.memory_space<vmem>>, vector<1x16xi32>,
      %swap3A_407 = arith.index_cast %scan3A_348 : i32 to index
      %swap3A_408 = arith.constant 176 : index
      %swap3A_409 = tpu.vector_load %arg4[%swap3A_407, %swap3A_408] {strides = array<i32>} : memref<16x2048xi32, #tpu.memory_space<vmem>>, vector<1x16xi32>,
      %swap3A_410 = vector.shape_cast %swap3A_409 : vector<1x16xi32> to vector<16xi32>
      %swap3A_411 = vector.shape_cast %add3A_352 : vector<16xi32> to vector<1x16xi32>
      tpu.vector_store %arg4[%swap3A_407, %swap3A_408], %swap3A_411 {strides = array<i32>} : memref<16x2048xi32, #tpu.memory_space<vmem>>, vector<1x16xi32>,
      %swap3A_412 = arith.index_cast %scan3A_348 : i32 to index
      %swap3A_413 = arith.constant 192 : index
      %swap3A_414 = tpu.vector_load %arg4[%swap3A_412, %swap3A_413] {strides = array<i32>} : memref<16x2048xi32, #tpu.memory_space<vmem>>, vector<1x16xi32>,
      %swap3A_415 = vector.shape_cast %swap3A_414 : vector<1x16xi32> to vector<16xi32>
      %swap3A_416 = vector.shape_cast %add3A_352 : vector<16xi32> to vector<1x16xi32>
      tpu.vector_store %arg4[%swap3A_412, %swap3A_413], %swap3A_416 {strides = array<i32>} : memref<16x2048xi32, #tpu.memory_space<vmem>>, vector<1x16xi32>,
      %swap3A_417 = arith.index_cast %scan3A_348 : i32 to index
      %swap3A_418 = arith.constant 208 : index
      %swap3A_419 = tpu.vector_load %arg4[%swap3A_417, %swap3A_418] {strides = array<i32>} : memref<16x2048xi32, #tpu.memory_space<vmem>>, vector<1x16xi32>,
      %swap3A_420 = vector.shape_cast %swap3A_419 : vector<1x16xi32> to vector<16xi32>
      %swap3A_421 = vector.shape_cast %add3A_352 : vector<16xi32> to vector<1x16xi32>
      tpu.vector_store %arg4[%swap3A_417, %swap3A_418], %swap3A_421 {strides = array<i32>} : memref<16x2048xi32, #tpu.memory_space<vmem>>, vector<1x16xi32>,
      %swap3A_422 = arith.index_cast %scan3A_348 : i32 to index
      %swap3A_423 = arith.constant 224 : index
      %swap3A_424 = tpu.vector_load %arg4[%swap3A_422, %swap3A_423] {strides = array<i32>} : memref<16x2048xi32, #tpu.memory_space<vmem>>, vector<1x16xi32>,
      %swap3A_425 = vector.shape_cast %swap3A_424 : vector<1x16xi32> to vector<16xi32>
      %swap3A_426 = vector.shape_cast %add3A_352 : vector<16xi32> to vector<1x16xi32>
      tpu.vector_store %arg4[%swap3A_422, %swap3A_423], %swap3A_426 {strides = array<i32>} : memref<16x2048xi32, #tpu.memory_space<vmem>>, vector<1x16xi32>,
      %swap3A_427 = arith.index_cast %scan3A_348 : i32 to index
      %swap3A_428 = arith.constant 240 : index
      %swap3A_429 = tpu.vector_load %arg4[%swap3A_427, %swap3A_428] {strides = array<i32>} : memref<16x2048xi32, #tpu.memory_space<vmem>>, vector<1x16xi32>,
      %swap3A_430 = vector.shape_cast %swap3A_429 : vector<1x16xi32> to vector<16xi32>
      %swap3A_431 = vector.shape_cast %add3A_352 : vector<16xi32> to vector<1x16xi32>
      tpu.vector_store %arg4[%swap3A_427, %swap3A_428], %swap3A_431 {strides = array<i32>} : memref<16x2048xi32, #tpu.memory_space<vmem>>, vector<1x16xi32>,
      %swap3A_432 = arith.index_cast %scan3A_348 : i32 to index
      %swap3A_433 = arith.constant 256 : index
      %swap3A_434 = tpu.vector_load %arg4[%swap3A_432, %swap3A_433] {strides = array<i32>} : memref<16x2048xi32, #tpu.memory_space<vmem>>, vector<1x16xi32>,
      %swap3A_435 = vector.shape_cast %swap3A_434 : vector<1x16xi32> to vector<16xi32>
      %swap3A_436 = vector.shape_cast %add3A_352 : vector<16xi32> to vector<1x16xi32>
      tpu.vector_store %arg4[%swap3A_432, %swap3A_433], %swap3A_436 {strides = array<i32>} : memref<16x2048xi32, #tpu.memory_space<vmem>>, vector<1x16xi32>,
      %swap3A_437 = arith.index_cast %scan3A_348 : i32 to index
      %swap3A_438 = arith.constant 272 : index
      %swap3A_439 = tpu.vector_load %arg4[%swap3A_437, %swap3A_438] {strides = array<i32>} : memref<16x2048xi32, #tpu.memory_space<vmem>>, vector<1x16xi32>,
      %swap3A_440 = vector.shape_cast %swap3A_439 : vector<1x16xi32> to vector<16xi32>
      %swap3A_441 = vector.shape_cast %add3A_352 : vector<16xi32> to vector<1x16xi32>
      tpu.vector_store %arg4[%swap3A_437, %swap3A_438], %swap3A_441 {strides = array<i32>} : memref<16x2048xi32, #tpu.memory_space<vmem>>, vector<1x16xi32>,
      %swap3A_442 = arith.index_cast %scan3A_348 : i32 to index
      %swap3A_443 = arith.constant 288 : index
      %swap3A_444 = tpu.vector_load %arg4[%swap3A_442, %swap3A_443] {strides = array<i32>} : memref<16x2048xi32, #tpu.memory_space<vmem>>, vector<1x16xi32>,
      %swap3A_445 = vector.shape_cast %swap3A_444 : vector<1x16xi32> to vector<16xi32>
      %swap3A_446 = vector.shape_cast %add3A_352 : vector<16xi32> to vector<1x16xi32>
      tpu.vector_store %arg4[%swap3A_442, %swap3A_443], %swap3A_446 {strides = array<i32>} : memref<16x2048xi32, #tpu.memory_space<vmem>>, vector<1x16xi32>,
      %swap3A_447 = arith.index_cast %scan3A_348 : i32 to index
      %swap3A_448 = arith.constant 304 : index
      %swap3A_449 = tpu.vector_load %arg4[%swap3A_447, %swap3A_448] {strides = array<i32>} : memref<16x2048xi32, #tpu.memory_space<vmem>>, vector<1x16xi32>,
      %swap3A_450 = vector.shape_cast %swap3A_449 : vector<1x16xi32> to vector<16xi32>
      %swap3A_451 = vector.shape_cast %add3A_352 : vector<16xi32> to vector<1x16xi32>
      tpu.vector_store %arg4[%swap3A_447, %swap3A_448], %swap3A_451 {strides = array<i32>} : memref<16x2048xi32, #tpu.memory_space<vmem>>, vector<1x16xi32>,
      %swap3A_452 = arith.index_cast %scan3A_348 : i32 to index
      %swap3A_453 = arith.constant 320 : index
      %swap3A_454 = tpu.vector_load %arg4[%swap3A_452, %swap3A_453] {strides = array<i32>} : memref<16x2048xi32, #tpu.memory_space<vmem>>, vector<1x16xi32>,
      %swap3A_455 = vector.shape_cast %swap3A_454 : vector<1x16xi32> to vector<16xi32>
      %swap3A_456 = vector.shape_cast %add3A_352 : vector<16xi32> to vector<1x16xi32>
      tpu.vector_store %arg4[%swap3A_452, %swap3A_453], %swap3A_456 {strides = array<i32>} : memref<16x2048xi32, #tpu.memory_space<vmem>>, vector<1x16xi32>,
      %swap3A_457 = arith.index_cast %scan3A_348 : i32 to index
      %swap3A_458 = arith.constant 336 : index
      %swap3A_459 = tpu.vector_load %arg4[%swap3A_457, %swap3A_458] {strides = array<i32>} : memref<16x2048xi32, #tpu.memory_space<vmem>>, vector<1x16xi32>,
      %swap3A_460 = vector.shape_cast %swap3A_459 : vector<1x16xi32> to vector<16xi32>
      %swap3A_461 = vector.shape_cast %add3A_352 : vector<16xi32> to vector<1x16xi32>
      tpu.vector_store %arg4[%swap3A_457, %swap3A_458], %swap3A_461 {strides = array<i32>} : memref<16x2048xi32, #tpu.memory_space<vmem>>, vector<1x16xi32>,
      %swap3A_462 = arith.index_cast %scan3A_348 : i32 to index
      %swap3A_463 = arith.constant 352 : index
      %swap3A_464 = tpu.vector_load %arg4[%swap3A_462, %swap3A_463] {strides = array<i32>} : memref<16x2048xi32, #tpu.memory_space<vmem>>, vector<1x16xi32>,
      %swap3A_465 = vector.shape_cast %swap3A_464 : vector<1x16xi32> to vector<16xi32>
      %swap3A_466 = vector.shape_cast %add3A_352 : vector<16xi32> to vector<1x16xi32>
      tpu.vector_store %arg4[%swap3A_462, %swap3A_463], %swap3A_466 {strides = array<i32>} : memref<16x2048xi32, #tpu.memory_space<vmem>>, vector<1x16xi32>,
      %swap3A_467 = arith.index_cast %scan3A_348 : i32 to index
      %swap3A_468 = arith.constant 368 : index
      %swap3A_469 = tpu.vector_load %arg4[%swap3A_467, %swap3A_468] {strides = array<i32>} : memref<16x2048xi32, #tpu.memory_space<vmem>>, vector<1x16xi32>,
      %swap3A_470 = vector.shape_cast %swap3A_469 : vector<1x16xi32> to vector<16xi32>
      %swap3A_471 = vector.shape_cast %add3A_352 : vector<16xi32> to vector<1x16xi32>
      tpu.vector_store %arg4[%swap3A_467, %swap3A_468], %swap3A_471 {strides = array<i32>} : memref<16x2048xi32, #tpu.memory_space<vmem>>, vector<1x16xi32>,
      %swap3A_472 = arith.index_cast %scan3A_348 : i32 to index
      %swap3A_473 = arith.constant 384 : index
      %swap3A_474 = tpu.vector_load %arg4[%swap3A_472, %swap3A_473] {strides = array<i32>} : memref<16x2048xi32, #tpu.memory_space<vmem>>, vector<1x16xi32>,
      %swap3A_475 = vector.shape_cast %swap3A_474 : vector<1x16xi32> to vector<16xi32>
      %swap3A_476 = vector.shape_cast %add3A_352 : vector<16xi32> to vector<1x16xi32>
      tpu.vector_store %arg4[%swap3A_472, %swap3A_473], %swap3A_476 {strides = array<i32>} : memref<16x2048xi32, #tpu.memory_space<vmem>>, vector<1x16xi32>,
      %swap3A_477 = arith.index_cast %scan3A_348 : i32 to index
      %swap3A_478 = arith.constant 400 : index
      %swap3A_479 = tpu.vector_load %arg4[%swap3A_477, %swap3A_478] {strides = array<i32>} : memref<16x2048xi32, #tpu.memory_space<vmem>>, vector<1x16xi32>,
      %swap3A_480 = vector.shape_cast %swap3A_479 : vector<1x16xi32> to vector<16xi32>
      %swap3A_481 = vector.shape_cast %add3A_352 : vector<16xi32> to vector<1x16xi32>
      tpu.vector_store %arg4[%swap3A_477, %swap3A_478], %swap3A_481 {strides = array<i32>} : memref<16x2048xi32, #tpu.memory_space<vmem>>, vector<1x16xi32>,
      %swap3A_482 = arith.index_cast %scan3A_348 : i32 to index
      %swap3A_483 = arith.constant 416 : index
      %swap3A_484 = tpu.vector_load %arg4[%swap3A_482, %swap3A_483] {strides = array<i32>} : memref<16x2048xi32, #tpu.memory_space<vmem>>, vector<1x16xi32>,
      %swap3A_485 = vector.shape_cast %swap3A_484 : vector<1x16xi32> to vector<16xi32>
      %swap3A_486 = vector.shape_cast %add3A_352 : vector<16xi32> to vector<1x16xi32>
      tpu.vector_store %arg4[%swap3A_482, %swap3A_483], %swap3A_486 {strides = array<i32>} : memref<16x2048xi32, #tpu.memory_space<vmem>>, vector<1x16xi32>,
      %swap3A_487 = arith.index_cast %scan3A_348 : i32 to index
      %swap3A_488 = arith.constant 432 : index
      %swap3A_489 = tpu.vector_load %arg4[%swap3A_487, %swap3A_488] {strides = array<i32>} : memref<16x2048xi32, #tpu.memory_space<vmem>>, vector<1x16xi32>,
      %swap3A_490 = vector.shape_cast %swap3A_489 : vector<1x16xi32> to vector<16xi32>
      %swap3A_491 = vector.shape_cast %add3A_352 : vector<16xi32> to vector<1x16xi32>
      tpu.vector_store %arg4[%swap3A_487, %swap3A_488], %swap3A_491 {strides = array<i32>} : memref<16x2048xi32, #tpu.memory_space<vmem>>, vector<1x16xi32>,
      %swap3A_492 = arith.index_cast %scan3A_348 : i32 to index
      %swap3A_493 = arith.constant 448 : index
      %swap3A_494 = tpu.vector_load %arg4[%swap3A_492, %swap3A_493] {strides = array<i32>} : memref<16x2048xi32, #tpu.memory_space<vmem>>, vector<1x16xi32>,
      %swap3A_495 = vector.shape_cast %swap3A_494 : vector<1x16xi32> to vector<16xi32>
      %swap3A_496 = vector.shape_cast %add3A_352 : vector<16xi32> to vector<1x16xi32>
      tpu.vector_store %arg4[%swap3A_492, %swap3A_493], %swap3A_496 {strides = array<i32>} : memref<16x2048xi32, #tpu.memory_space<vmem>>, vector<1x16xi32>,
      %swap3A_497 = arith.index_cast %scan3A_348 : i32 to index
      %swap3A_498 = arith.constant 464 : index
      %swap3A_499 = tpu.vector_load %arg4[%swap3A_497, %swap3A_498] {strides = array<i32>} : memref<16x2048xi32, #tpu.memory_space<vmem>>, vector<1x16xi32>,
      %swap3A_500 = vector.shape_cast %swap3A_499 : vector<1x16xi32> to vector<16xi32>
      %swap3A_501 = vector.shape_cast %add3A_352 : vector<16xi32> to vector<1x16xi32>
      tpu.vector_store %arg4[%swap3A_497, %swap3A_498], %swap3A_501 {strides = array<i32>} : memref<16x2048xi32, #tpu.memory_space<vmem>>, vector<1x16xi32>,
      %swap3A_502 = arith.index_cast %scan3A_348 : i32 to index
      %swap3A_503 = arith.constant 480 : index
      %swap3A_504 = tpu.vector_load %arg4[%swap3A_502, %swap3A_503] {strides = array<i32>} : memref<16x2048xi32, #tpu.memory_space<vmem>>, vector<1x16xi32>,
      %swap3A_505 = vector.shape_cast %swap3A_504 : vector<1x16xi32> to vector<16xi32>
      %swap3A_506 = vector.shape_cast %add3A_352 : vector<16xi32> to vector<1x16xi32>
      tpu.vector_store %arg4[%swap3A_502, %swap3A_503], %swap3A_506 {strides = array<i32>} : memref<16x2048xi32, #tpu.memory_space<vmem>>, vector<1x16xi32>,
      %swap3A_507 = arith.index_cast %scan3A_348 : i32 to index
      %swap3A_508 = arith.constant 496 : index
      %swap3A_509 = tpu.vector_load %arg4[%swap3A_507, %swap3A_508] {strides = array<i32>} : memref<16x2048xi32, #tpu.memory_space<vmem>>, vector<1x16xi32>,
      %swap3A_510 = vector.shape_cast %swap3A_509 : vector<1x16xi32> to vector<16xi32>
      %swap3A_511 = vector.shape_cast %add3A_352 : vector<16xi32> to vector<1x16xi32>
      tpu.vector_store %arg4[%swap3A_507, %swap3A_508], %swap3A_511 {strides = array<i32>} : memref<16x2048xi32, #tpu.memory_space<vmem>>, vector<1x16xi32>,
      %swap3A_512 = arith.index_cast %scan3A_348 : i32 to index
      %swap3A_513 = arith.constant 512 : index
      %swap3A_514 = tpu.vector_load %arg4[%swap3A_512, %swap3A_513] {strides = array<i32>} : memref<16x2048xi32, #tpu.memory_space<vmem>>, vector<1x16xi32>,
      %swap3A_515 = vector.shape_cast %swap3A_514 : vector<1x16xi32> to vector<16xi32>
      %swap3A_516 = vector.shape_cast %add3A_352 : vector<16xi32> to vector<1x16xi32>
      tpu.vector_store %arg4[%swap3A_512, %swap3A_513], %swap3A_516 {strides = array<i32>} : memref<16x2048xi32, #tpu.memory_space<vmem>>, vector<1x16xi32>,
      %swap3A_517 = arith.index_cast %scan3A_348 : i32 to index
      %swap3A_518 = arith.constant 528 : index
      %swap3A_519 = tpu.vector_load %arg4[%swap3A_517, %swap3A_518] {strides = array<i32>} : memref<16x2048xi32, #tpu.memory_space<vmem>>, vector<1x16xi32>,
      %swap3A_520 = vector.shape_cast %swap3A_519 : vector<1x16xi32> to vector<16xi32>
      %swap3A_521 = vector.shape_cast %add3A_352 : vector<16xi32> to vector<1x16xi32>
      tpu.vector_store %arg4[%swap3A_517, %swap3A_518], %swap3A_521 {strides = array<i32>} : memref<16x2048xi32, #tpu.memory_space<vmem>>, vector<1x16xi32>,
      %swap3A_522 = arith.index_cast %scan3A_348 : i32 to index
      %swap3A_523 = arith.constant 544 : index
      %swap3A_524 = tpu.vector_load %arg4[%swap3A_522, %swap3A_523] {strides = array<i32>} : memref<16x2048xi32, #tpu.memory_space<vmem>>, vector<1x16xi32>,
      %swap3A_525 = vector.shape_cast %swap3A_524 : vector<1x16xi32> to vector<16xi32>
      %swap3A_526 = vector.shape_cast %add3A_352 : vector<16xi32> to vector<1x16xi32>
      tpu.vector_store %arg4[%swap3A_522, %swap3A_523], %swap3A_526 {strides = array<i32>} : memref<16x2048xi32, #tpu.memory_space<vmem>>, vector<1x16xi32>,
      %swap3A_527 = arith.index_cast %scan3A_348 : i32 to index
      %swap3A_528 = arith.constant 560 : index
      %swap3A_529 = tpu.vector_load %arg4[%swap3A_527, %swap3A_528] {strides = array<i32>} : memref<16x2048xi32, #tpu.memory_space<vmem>>, vector<1x16xi32>,
      %swap3A_530 = vector.shape_cast %swap3A_529 : vector<1x16xi32> to vector<16xi32>
      %swap3A_531 = vector.shape_cast %add3A_352 : vector<16xi32> to vector<1x16xi32>
      tpu.vector_store %arg4[%swap3A_527, %swap3A_528], %swap3A_531 {strides = array<i32>} : memref<16x2048xi32, #tpu.memory_space<vmem>>, vector<1x16xi32>,
      %swap3A_532 = arith.index_cast %scan3A_348 : i32 to index
      %swap3A_533 = arith.constant 576 : index
      %swap3A_534 = tpu.vector_load %arg4[%swap3A_532, %swap3A_533] {strides = array<i32>} : memref<16x2048xi32, #tpu.memory_space<vmem>>, vector<1x16xi32>,
      %swap3A_535 = vector.shape_cast %swap3A_534 : vector<1x16xi32> to vector<16xi32>
      %swap3A_536 = vector.shape_cast %add3A_352 : vector<16xi32> to vector<1x16xi32>
      tpu.vector_store %arg4[%swap3A_532, %swap3A_533], %swap3A_536 {strides = array<i32>} : memref<16x2048xi32, #tpu.memory_space<vmem>>, vector<1x16xi32>,
      %swap3A_537 = arith.index_cast %scan3A_348 : i32 to index
      %swap3A_538 = arith.constant 592 : index
      %swap3A_539 = tpu.vector_load %arg4[%swap3A_537, %swap3A_538] {strides = array<i32>} : memref<16x2048xi32, #tpu.memory_space<vmem>>, vector<1x16xi32>,
      %swap3A_540 = vector.shape_cast %swap3A_539 : vector<1x16xi32> to vector<16xi32>
      %swap3A_541 = vector.shape_cast %add3A_352 : vector<16xi32> to vector<1x16xi32>
      tpu.vector_store %arg4[%swap3A_537, %swap3A_538], %swap3A_541 {strides = array<i32>} : memref<16x2048xi32, #tpu.memory_space<vmem>>, vector<1x16xi32>,
      %swap3A_542 = arith.index_cast %scan3A_348 : i32 to index
      %swap3A_543 = arith.constant 608 : index
      %swap3A_544 = tpu.vector_load %arg4[%swap3A_542, %swap3A_543] {strides = array<i32>} : memref<16x2048xi32, #tpu.memory_space<vmem>>, vector<1x16xi32>,
      %swap3A_545 = vector.shape_cast %swap3A_544 : vector<1x16xi32> to vector<16xi32>
      %swap3A_546 = vector.shape_cast %add3A_352 : vector<16xi32> to vector<1x16xi32>
      tpu.vector_store %arg4[%swap3A_542, %swap3A_543], %swap3A_546 {strides = array<i32>} : memref<16x2048xi32, #tpu.memory_space<vmem>>, vector<1x16xi32>,
      %swap3A_547 = arith.index_cast %scan3A_348 : i32 to index
      %swap3A_548 = arith.constant 624 : index
      %swap3A_549 = tpu.vector_load %arg4[%swap3A_547, %swap3A_548] {strides = array<i32>} : memref<16x2048xi32, #tpu.memory_space<vmem>>, vector<1x16xi32>,
      %swap3A_550 = vector.shape_cast %swap3A_549 : vector<1x16xi32> to vector<16xi32>
      %swap3A_551 = vector.shape_cast %add3A_352 : vector<16xi32> to vector<1x16xi32>
      tpu.vector_store %arg4[%swap3A_547, %swap3A_548], %swap3A_551 {strides = array<i32>} : memref<16x2048xi32, #tpu.memory_space<vmem>>, vector<1x16xi32>,
      %swap3A_552 = arith.index_cast %scan3A_348 : i32 to index
      %swap3A_553 = arith.constant 640 : index
      %swap3A_554 = tpu.vector_load %arg4[%swap3A_552, %swap3A_553] {strides = array<i32>} : memref<16x2048xi32, #tpu.memory_space<vmem>>, vector<1x16xi32>,
      %swap3A_555 = vector.shape_cast %swap3A_554 : vector<1x16xi32> to vector<16xi32>
      %swap3A_556 = vector.shape_cast %add3A_352 : vector<16xi32> to vector<1x16xi32>
      tpu.vector_store %arg4[%swap3A_552, %swap3A_553], %swap3A_556 {strides = array<i32>} : memref<16x2048xi32, #tpu.memory_space<vmem>>, vector<1x16xi32>,
      %swap3A_557 = arith.index_cast %scan3A_348 : i32 to index
      %swap3A_558 = arith.constant 656 : index
      %swap3A_559 = tpu.vector_load %arg4[%swap3A_557, %swap3A_558] {strides = array<i32>} : memref<16x2048xi32, #tpu.memory_space<vmem>>, vector<1x16xi32>,
      %swap3A_560 = vector.shape_cast %swap3A_559 : vector<1x16xi32> to vector<16xi32>
      %swap3A_561 = vector.shape_cast %add3A_352 : vector<16xi32> to vector<1x16xi32>
      tpu.vector_store %arg4[%swap3A_557, %swap3A_558], %swap3A_561 {strides = array<i32>} : memref<16x2048xi32, #tpu.memory_space<vmem>>, vector<1x16xi32>,
      %swap3A_562 = arith.index_cast %scan3A_348 : i32 to index
      %swap3A_563 = arith.constant 672 : index
      %swap3A_564 = tpu.vector_load %arg4[%swap3A_562, %swap3A_563] {strides = array<i32>} : memref<16x2048xi32, #tpu.memory_space<vmem>>, vector<1x16xi32>,
      %swap3A_565 = vector.shape_cast %swap3A_564 : vector<1x16xi32> to vector<16xi32>
      %swap3A_566 = vector.shape_cast %add3A_352 : vector<16xi32> to vector<1x16xi32>
      tpu.vector_store %arg4[%swap3A_562, %swap3A_563], %swap3A_566 {strides = array<i32>} : memref<16x2048xi32, #tpu.memory_space<vmem>>, vector<1x16xi32>,
      %swap3A_567 = arith.index_cast %scan3A_348 : i32 to index
      %swap3A_568 = arith.constant 688 : index
      %swap3A_569 = tpu.vector_load %arg4[%swap3A_567, %swap3A_568] {strides = array<i32>} : memref<16x2048xi32, #tpu.memory_space<vmem>>, vector<1x16xi32>,
      %swap3A_570 = vector.shape_cast %swap3A_569 : vector<1x16xi32> to vector<16xi32>
      %swap3A_571 = vector.shape_cast %add3A_352 : vector<16xi32> to vector<1x16xi32>
      tpu.vector_store %arg4[%swap3A_567, %swap3A_568], %swap3A_571 {strides = array<i32>} : memref<16x2048xi32, #tpu.memory_space<vmem>>, vector<1x16xi32>,
      %swap3A_572 = arith.index_cast %scan3A_348 : i32 to index
      %swap3A_573 = arith.constant 704 : index
      %swap3A_574 = tpu.vector_load %arg4[%swap3A_572, %swap3A_573] {strides = array<i32>} : memref<16x2048xi32, #tpu.memory_space<vmem>>, vector<1x16xi32>,
      %swap3A_575 = vector.shape_cast %swap3A_574 : vector<1x16xi32> to vector<16xi32>
      %swap3A_576 = vector.shape_cast %add3A_352 : vector<16xi32> to vector<1x16xi32>
      tpu.vector_store %arg4[%swap3A_572, %swap3A_573], %swap3A_576 {strides = array<i32>} : memref<16x2048xi32, #tpu.memory_space<vmem>>, vector<1x16xi32>,
      %swap3A_577 = arith.index_cast %scan3A_348 : i32 to index
      %swap3A_578 = arith.constant 720 : index
      %swap3A_579 = tpu.vector_load %arg4[%swap3A_577, %swap3A_578] {strides = array<i32>} : memref<16x2048xi32, #tpu.memory_space<vmem>>, vector<1x16xi32>,
      %swap3A_580 = vector.shape_cast %swap3A_579 : vector<1x16xi32> to vector<16xi32>
      %swap3A_581 = vector.shape_cast %add3A_352 : vector<16xi32> to vector<1x16xi32>
      tpu.vector_store %arg4[%swap3A_577, %swap3A_578], %swap3A_581 {strides = array<i32>} : memref<16x2048xi32, #tpu.memory_space<vmem>>, vector<1x16xi32>,
      %swap3A_582 = arith.index_cast %scan3A_348 : i32 to index
      %swap3A_583 = arith.constant 736 : index
      %swap3A_584 = tpu.vector_load %arg4[%swap3A_582, %swap3A_583] {strides = array<i32>} : memref<16x2048xi32, #tpu.memory_space<vmem>>, vector<1x16xi32>,
      %swap3A_585 = vector.shape_cast %swap3A_584 : vector<1x16xi32> to vector<16xi32>
      %swap3A_586 = vector.shape_cast %add3A_352 : vector<16xi32> to vector<1x16xi32>
      tpu.vector_store %arg4[%swap3A_582, %swap3A_583], %swap3A_586 {strides = array<i32>} : memref<16x2048xi32, #tpu.memory_space<vmem>>, vector<1x16xi32>,
      %swap3A_587 = arith.index_cast %scan3A_348 : i32 to index
      %swap3A_588 = arith.constant 752 : index
      %swap3A_589 = tpu.vector_load %arg4[%swap3A_587, %swap3A_588] {strides = array<i32>} : memref<16x2048xi32, #tpu.memory_space<vmem>>, vector<1x16xi32>,
      %swap3A_590 = vector.shape_cast %swap3A_589 : vector<1x16xi32> to vector<16xi32>
      %swap3A_591 = vector.shape_cast %add3A_352 : vector<16xi32> to vector<1x16xi32>
      tpu.vector_store %arg4[%swap3A_587, %swap3A_588], %swap3A_591 {strides = array<i32>} : memref<16x2048xi32, #tpu.memory_space<vmem>>, vector<1x16xi32>,
      %swap3A_592 = arith.index_cast %scan3A_348 : i32 to index
      %swap3A_593 = arith.constant 768 : index
      %swap3A_594 = tpu.vector_load %arg4[%swap3A_592, %swap3A_593] {strides = array<i32>} : memref<16x2048xi32, #tpu.memory_space<vmem>>, vector<1x16xi32>,
      %swap3A_595 = vector.shape_cast %swap3A_594 : vector<1x16xi32> to vector<16xi32>
      %swap3A_596 = vector.shape_cast %add3A_352 : vector<16xi32> to vector<1x16xi32>
      tpu.vector_store %arg4[%swap3A_592, %swap3A_593], %swap3A_596 {strides = array<i32>} : memref<16x2048xi32, #tpu.memory_space<vmem>>, vector<1x16xi32>,
      %swap3A_597 = arith.index_cast %scan3A_348 : i32 to index
      %swap3A_598 = arith.constant 784 : index
      %swap3A_599 = tpu.vector_load %arg4[%swap3A_597, %swap3A_598] {strides = array<i32>} : memref<16x2048xi32, #tpu.memory_space<vmem>>, vector<1x16xi32>,
      %swap3A_600 = vector.shape_cast %swap3A_599 : vector<1x16xi32> to vector<16xi32>
      %swap3A_601 = vector.shape_cast %add3A_352 : vector<16xi32> to vector<1x16xi32>
      tpu.vector_store %arg4[%swap3A_597, %swap3A_598], %swap3A_601 {strides = array<i32>} : memref<16x2048xi32, #tpu.memory_space<vmem>>, vector<1x16xi32>,
      %swap3A_602 = arith.index_cast %scan3A_348 : i32 to index
      %swap3A_603 = arith.constant 800 : index
      %swap3A_604 = tpu.vector_load %arg4[%swap3A_602, %swap3A_603] {strides = array<i32>} : memref<16x2048xi32, #tpu.memory_space<vmem>>, vector<1x16xi32>,
      %swap3A_605 = vector.shape_cast %swap3A_604 : vector<1x16xi32> to vector<16xi32>
      %swap3A_606 = vector.shape_cast %add3A_352 : vector<16xi32> to vector<1x16xi32>
      tpu.vector_store %arg4[%swap3A_602, %swap3A_603], %swap3A_606 {strides = array<i32>} : memref<16x2048xi32, #tpu.memory_space<vmem>>, vector<1x16xi32>,
      %swap3A_607 = arith.index_cast %scan3A_348 : i32 to index
      %swap3A_608 = arith.constant 816 : index
      %swap3A_609 = tpu.vector_load %arg4[%swap3A_607, %swap3A_608] {strides = array<i32>} : memref<16x2048xi32, #tpu.memory_space<vmem>>, vector<1x16xi32>,
      %swap3A_610 = vector.shape_cast %swap3A_609 : vector<1x16xi32> to vector<16xi32>
      %swap3A_611 = vector.shape_cast %add3A_352 : vector<16xi32> to vector<1x16xi32>
      tpu.vector_store %arg4[%swap3A_607, %swap3A_608], %swap3A_611 {strides = array<i32>} : memref<16x2048xi32, #tpu.memory_space<vmem>>, vector<1x16xi32>,
      %swap3A_612 = arith.index_cast %scan3A_348 : i32 to index
      %swap3A_613 = arith.constant 832 : index
      %swap3A_614 = tpu.vector_load %arg4[%swap3A_612, %swap3A_613] {strides = array<i32>} : memref<16x2048xi32, #tpu.memory_space<vmem>>, vector<1x16xi32>,
      %swap3A_615 = vector.shape_cast %swap3A_614 : vector<1x16xi32> to vector<16xi32>
      %swap3A_616 = vector.shape_cast %add3A_352 : vector<16xi32> to vector<1x16xi32>
      tpu.vector_store %arg4[%swap3A_612, %swap3A_613], %swap3A_616 {strides = array<i32>} : memref<16x2048xi32, #tpu.memory_space<vmem>>, vector<1x16xi32>,
      %swap3A_617 = arith.index_cast %scan3A_348 : i32 to index
      %swap3A_618 = arith.constant 848 : index
      %swap3A_619 = tpu.vector_load %arg4[%swap3A_617, %swap3A_618] {strides = array<i32>} : memref<16x2048xi32, #tpu.memory_space<vmem>>, vector<1x16xi32>,
      %swap3A_620 = vector.shape_cast %swap3A_619 : vector<1x16xi32> to vector<16xi32>
      %swap3A_621 = vector.shape_cast %add3A_352 : vector<16xi32> to vector<1x16xi32>
      tpu.vector_store %arg4[%swap3A_617, %swap3A_618], %swap3A_621 {strides = array<i32>} : memref<16x2048xi32, #tpu.memory_space<vmem>>, vector<1x16xi32>,
      %swap3A_622 = arith.index_cast %scan3A_348 : i32 to index
      %swap3A_623 = arith.constant 864 : index
      %swap3A_624 = tpu.vector_load %arg4[%swap3A_622, %swap3A_623] {strides = array<i32>} : memref<16x2048xi32, #tpu.memory_space<vmem>>, vector<1x16xi32>,
      %swap3A_625 = vector.shape_cast %swap3A_624 : vector<1x16xi32> to vector<16xi32>
      %swap3A_626 = vector.shape_cast %add3A_352 : vector<16xi32> to vector<1x16xi32>
      tpu.vector_store %arg4[%swap3A_622, %swap3A_623], %swap3A_626 {strides = array<i32>} : memref<16x2048xi32, #tpu.memory_space<vmem>>, vector<1x16xi32>,
      %swap3A_627 = arith.index_cast %scan3A_348 : i32 to index
      %swap3A_628 = arith.constant 880 : index
      %swap3A_629 = tpu.vector_load %arg4[%swap3A_627, %swap3A_628] {strides = array<i32>} : memref<16x2048xi32, #tpu.memory_space<vmem>>, vector<1x16xi32>,
      %swap3A_630 = vector.shape_cast %swap3A_629 : vector<1x16xi32> to vector<16xi32>
      %swap3A_631 = vector.shape_cast %add3A_352 : vector<16xi32> to vector<1x16xi32>
      tpu.vector_store %arg4[%swap3A_627, %swap3A_628], %swap3A_631 {strides = array<i32>} : memref<16x2048xi32, #tpu.memory_space<vmem>>, vector<1x16xi32>,
      %swap3A_632 = arith.index_cast %scan3A_348 : i32 to index
      %swap3A_633 = arith.constant 896 : index
      %swap3A_634 = tpu.vector_load %arg4[%swap3A_632, %swap3A_633] {strides = array<i32>} : memref<16x2048xi32, #tpu.memory_space<vmem>>, vector<1x16xi32>,
      %swap3A_635 = vector.shape_cast %swap3A_634 : vector<1x16xi32> to vector<16xi32>
      %swap3A_636 = vector.shape_cast %add3A_352 : vector<16xi32> to vector<1x16xi32>
      tpu.vector_store %arg4[%swap3A_632, %swap3A_633], %swap3A_636 {strides = array<i32>} : memref<16x2048xi32, #tpu.memory_space<vmem>>, vector<1x16xi32>,
      %swap3A_637 = arith.index_cast %scan3A_348 : i32 to index
      %swap3A_638 = arith.constant 912 : index
      %swap3A_639 = tpu.vector_load %arg4[%swap3A_637, %swap3A_638] {strides = array<i32>} : memref<16x2048xi32, #tpu.memory_space<vmem>>, vector<1x16xi32>,
      %swap3A_640 = vector.shape_cast %swap3A_639 : vector<1x16xi32> to vector<16xi32>
      %swap3A_641 = vector.shape_cast %add3A_352 : vector<16xi32> to vector<1x16xi32>
      tpu.vector_store %arg4[%swap3A_637, %swap3A_638], %swap3A_641 {strides = array<i32>} : memref<16x2048xi32, #tpu.memory_space<vmem>>, vector<1x16xi32>,
      %swap3A_642 = arith.index_cast %scan3A_348 : i32 to index
      %swap3A_643 = arith.constant 928 : index
      %swap3A_644 = tpu.vector_load %arg4[%swap3A_642, %swap3A_643] {strides = array<i32>} : memref<16x2048xi32, #tpu.memory_space<vmem>>, vector<1x16xi32>,
      %swap3A_645 = vector.shape_cast %swap3A_644 : vector<1x16xi32> to vector<16xi32>
      %swap3A_646 = vector.shape_cast %add3A_352 : vector<16xi32> to vector<1x16xi32>
      tpu.vector_store %arg4[%swap3A_642, %swap3A_643], %swap3A_646 {strides = array<i32>} : memref<16x2048xi32, #tpu.memory_space<vmem>>, vector<1x16xi32>,
      %swap3A_647 = arith.index_cast %scan3A_348 : i32 to index
      %swap3A_648 = arith.constant 944 : index
      %swap3A_649 = tpu.vector_load %arg4[%swap3A_647, %swap3A_648] {strides = array<i32>} : memref<16x2048xi32, #tpu.memory_space<vmem>>, vector<1x16xi32>,
      %swap3A_650 = vector.shape_cast %swap3A_649 : vector<1x16xi32> to vector<16xi32>
      %swap3A_651 = vector.shape_cast %add3A_352 : vector<16xi32> to vector<1x16xi32>
      tpu.vector_store %arg4[%swap3A_647, %swap3A_648], %swap3A_651 {strides = array<i32>} : memref<16x2048xi32, #tpu.memory_space<vmem>>, vector<1x16xi32>,
      %swap3A_652 = arith.index_cast %scan3A_348 : i32 to index
      %swap3A_653 = arith.constant 960 : index
      %swap3A_654 = tpu.vector_load %arg4[%swap3A_652, %swap3A_653] {strides = array<i32>} : memref<16x2048xi32, #tpu.memory_space<vmem>>, vector<1x16xi32>,
      %swap3A_655 = vector.shape_cast %swap3A_654 : vector<1x16xi32> to vector<16xi32>
      %swap3A_656 = vector.shape_cast %add3A_352 : vector<16xi32> to vector<1x16xi32>
      tpu.vector_store %arg4[%swap3A_652, %swap3A_653], %swap3A_656 {strides = array<i32>} : memref<16x2048xi32, #tpu.memory_space<vmem>>, vector<1x16xi32>,
      %swap3A_657 = arith.index_cast %scan3A_348 : i32 to index
      %swap3A_658 = arith.constant 976 : index
      %swap3A_659 = tpu.vector_load %arg4[%swap3A_657, %swap3A_658] {strides = array<i32>} : memref<16x2048xi32, #tpu.memory_space<vmem>>, vector<1x16xi32>,
      %swap3A_660 = vector.shape_cast %swap3A_659 : vector<1x16xi32> to vector<16xi32>
      %swap3A_661 = vector.shape_cast %add3A_352 : vector<16xi32> to vector<1x16xi32>
      tpu.vector_store %arg4[%swap3A_657, %swap3A_658], %swap3A_661 {strides = array<i32>} : memref<16x2048xi32, #tpu.memory_space<vmem>>, vector<1x16xi32>,
      %swap3A_662 = arith.index_cast %scan3A_348 : i32 to index
      %swap3A_663 = arith.constant 992 : index
      %swap3A_664 = tpu.vector_load %arg4[%swap3A_662, %swap3A_663] {strides = array<i32>} : memref<16x2048xi32, #tpu.memory_space<vmem>>, vector<1x16xi32>,
      %swap3A_665 = vector.shape_cast %swap3A_664 : vector<1x16xi32> to vector<16xi32>
      %swap3A_666 = vector.shape_cast %add3A_352 : vector<16xi32> to vector<1x16xi32>
      tpu.vector_store %arg4[%swap3A_662, %swap3A_663], %swap3A_666 {strides = array<i32>} : memref<16x2048xi32, #tpu.memory_space<vmem>>, vector<1x16xi32>,
      %swap3A_667 = arith.index_cast %scan3A_348 : i32 to index
      %swap3A_668 = arith.constant 1008 : index
      %swap3A_669 = tpu.vector_load %arg4[%swap3A_667, %swap3A_668] {strides = array<i32>} : memref<16x2048xi32, #tpu.memory_space<vmem>>, vector<1x16xi32>,
      %swap3A_670 = vector.shape_cast %swap3A_669 : vector<1x16xi32> to vector<16xi32>
      %swap3A_671 = vector.shape_cast %add3A_352 : vector<16xi32> to vector<1x16xi32>
      tpu.vector_store %arg4[%swap3A_667, %swap3A_668], %swap3A_671 {strides = array<i32>} : memref<16x2048xi32, #tpu.memory_space<vmem>>, vector<1x16xi32>,
      %swap3A_672 = arith.index_cast %scan3A_348 : i32 to index
      %swap3A_673 = arith.constant 1024 : index
      %swap3A_674 = tpu.vector_load %arg4[%swap3A_672, %swap3A_673] {strides = array<i32>} : memref<16x2048xi32, #tpu.memory_space<vmem>>, vector<1x16xi32>,
      %swap3A_675 = vector.shape_cast %swap3A_674 : vector<1x16xi32> to vector<16xi32>
      %swap3A_676 = vector.shape_cast %add3A_352 : vector<16xi32> to vector<1x16xi32>
      tpu.vector_store %arg4[%swap3A_672, %swap3A_673], %swap3A_676 {strides = array<i32>} : memref<16x2048xi32, #tpu.memory_space<vmem>>, vector<1x16xi32>,
      %swap3A_677 = arith.index_cast %scan3A_348 : i32 to index
      %swap3A_678 = arith.constant 1040 : index
      %swap3A_679 = tpu.vector_load %arg4[%swap3A_677, %swap3A_678] {strides = array<i32>} : memref<16x2048xi32, #tpu.memory_space<vmem>>, vector<1x16xi32>,
      %swap3A_680 = vector.shape_cast %swap3A_679 : vector<1x16xi32> to vector<16xi32>
      %swap3A_681 = vector.shape_cast %add3A_352 : vector<16xi32> to vector<1x16xi32>
      tpu.vector_store %arg4[%swap3A_677, %swap3A_678], %swap3A_681 {strides = array<i32>} : memref<16x2048xi32, #tpu.memory_space<vmem>>, vector<1x16xi32>,
      %swap3A_682 = arith.index_cast %scan3A_348 : i32 to index
      %swap3A_683 = arith.constant 1056 : index
      %swap3A_684 = tpu.vector_load %arg4[%swap3A_682, %swap3A_683] {strides = array<i32>} : memref<16x2048xi32, #tpu.memory_space<vmem>>, vector<1x16xi32>,
      %swap3A_685 = vector.shape_cast %swap3A_684 : vector<1x16xi32> to vector<16xi32>
      %swap3A_686 = vector.shape_cast %add3A_352 : vector<16xi32> to vector<1x16xi32>
      tpu.vector_store %arg4[%swap3A_682, %swap3A_683], %swap3A_686 {strides = array<i32>} : memref<16x2048xi32, #tpu.memory_space<vmem>>, vector<1x16xi32>,
      %swap3A_687 = arith.index_cast %scan3A_348 : i32 to index
      %swap3A_688 = arith.constant 1072 : index
      %swap3A_689 = tpu.vector_load %arg4[%swap3A_687, %swap3A_688] {strides = array<i32>} : memref<16x2048xi32, #tpu.memory_space<vmem>>, vector<1x16xi32>,
      %swap3A_690 = vector.shape_cast %swap3A_689 : vector<1x16xi32> to vector<16xi32>
      %swap3A_691 = vector.shape_cast %add3A_352 : vector<16xi32> to vector<1x16xi32>
      tpu.vector_store %arg4[%swap3A_687, %swap3A_688], %swap3A_691 {strides = array<i32>} : memref<16x2048xi32, #tpu.memory_space<vmem>>, vector<1x16xi32>,
      %swap3A_692 = arith.index_cast %scan3A_348 : i32 to index
      %swap3A_693 = arith.constant 1088 : index
      %swap3A_694 = tpu.vector_load %arg4[%swap3A_692, %swap3A_693] {strides = array<i32>} : memref<16x2048xi32, #tpu.memory_space<vmem>>, vector<1x16xi32>,
      %swap3A_695 = vector.shape_cast %swap3A_694 : vector<1x16xi32> to vector<16xi32>
      %swap3A_696 = vector.shape_cast %add3A_352 : vector<16xi32> to vector<1x16xi32>
      tpu.vector_store %arg4[%swap3A_692, %swap3A_693], %swap3A_696 {strides = array<i32>} : memref<16x2048xi32, #tpu.memory_space<vmem>>, vector<1x16xi32>,
      %swap3A_697 = arith.index_cast %scan3A_348 : i32 to index
      %swap3A_698 = arith.constant 1104 : index
      %swap3A_699 = tpu.vector_load %arg4[%swap3A_697, %swap3A_698] {strides = array<i32>} : memref<16x2048xi32, #tpu.memory_space<vmem>>, vector<1x16xi32>,
      %swap3A_700 = vector.shape_cast %swap3A_699 : vector<1x16xi32> to vector<16xi32>
      %swap3A_701 = vector.shape_cast %add3A_352 : vector<16xi32> to vector<1x16xi32>
      tpu.vector_store %arg4[%swap3A_697, %swap3A_698], %swap3A_701 {strides = array<i32>} : memref<16x2048xi32, #tpu.memory_space<vmem>>, vector<1x16xi32>,
      %swap3A_702 = arith.index_cast %scan3A_348 : i32 to index
      %swap3A_703 = arith.constant 1120 : index
      %swap3A_704 = tpu.vector_load %arg4[%swap3A_702, %swap3A_703] {strides = array<i32>} : memref<16x2048xi32, #tpu.memory_space<vmem>>, vector<1x16xi32>,
      %swap3A_705 = vector.shape_cast %swap3A_704 : vector<1x16xi32> to vector<16xi32>
      %swap3A_706 = vector.shape_cast %add3A_352 : vector<16xi32> to vector<1x16xi32>
      tpu.vector_store %arg4[%swap3A_702, %swap3A_703], %swap3A_706 {strides = array<i32>} : memref<16x2048xi32, #tpu.memory_space<vmem>>, vector<1x16xi32>,
      %swap3A_707 = arith.index_cast %scan3A_348 : i32 to index
      %swap3A_708 = arith.constant 1136 : index
      %swap3A_709 = tpu.vector_load %arg4[%swap3A_707, %swap3A_708] {strides = array<i32>} : memref<16x2048xi32, #tpu.memory_space<vmem>>, vector<1x16xi32>,
      %swap3A_710 = vector.shape_cast %swap3A_709 : vector<1x16xi32> to vector<16xi32>
      %swap3A_711 = vector.shape_cast %add3A_352 : vector<16xi32> to vector<1x16xi32>
      tpu.vector_store %arg4[%swap3A_707, %swap3A_708], %swap3A_711 {strides = array<i32>} : memref<16x2048xi32, #tpu.memory_space<vmem>>, vector<1x16xi32>,
      %swap3A_712 = arith.index_cast %scan3A_348 : i32 to index
      %swap3A_713 = arith.constant 1152 : index
      %swap3A_714 = tpu.vector_load %arg4[%swap3A_712, %swap3A_713] {strides = array<i32>} : memref<16x2048xi32, #tpu.memory_space<vmem>>, vector<1x16xi32>,
      %swap3A_715 = vector.shape_cast %swap3A_714 : vector<1x16xi32> to vector<16xi32>
      %swap3A_716 = vector.shape_cast %add3A_352 : vector<16xi32> to vector<1x16xi32>
      tpu.vector_store %arg4[%swap3A_712, %swap3A_713], %swap3A_716 {strides = array<i32>} : memref<16x2048xi32, #tpu.memory_space<vmem>>, vector<1x16xi32>,
      %swap3A_717 = arith.index_cast %scan3A_348 : i32 to index
      %swap3A_718 = arith.constant 1168 : index
      %swap3A_719 = tpu.vector_load %arg4[%swap3A_717, %swap3A_718] {strides = array<i32>} : memref<16x2048xi32, #tpu.memory_space<vmem>>, vector<1x16xi32>,
      %swap3A_720 = vector.shape_cast %swap3A_719 : vector<1x16xi32> to vector<16xi32>
      %swap3A_721 = vector.shape_cast %add3A_352 : vector<16xi32> to vector<1x16xi32>
      tpu.vector_store %arg4[%swap3A_717, %swap3A_718], %swap3A_721 {strides = array<i32>} : memref<16x2048xi32, #tpu.memory_space<vmem>>, vector<1x16xi32>,
      %swap3A_722 = arith.index_cast %scan3A_348 : i32 to index
      %swap3A_723 = arith.constant 1184 : index
      %swap3A_724 = tpu.vector_load %arg4[%swap3A_722, %swap3A_723] {strides = array<i32>} : memref<16x2048xi32, #tpu.memory_space<vmem>>, vector<1x16xi32>,
      %swap3A_725 = vector.shape_cast %swap3A_724 : vector<1x16xi32> to vector<16xi32>
      %swap3A_726 = vector.shape_cast %add3A_352 : vector<16xi32> to vector<1x16xi32>
      tpu.vector_store %arg4[%swap3A_722, %swap3A_723], %swap3A_726 {strides = array<i32>} : memref<16x2048xi32, #tpu.memory_space<vmem>>, vector<1x16xi32>,
      %swap3A_727 = arith.index_cast %scan3A_348 : i32 to index
      %swap3A_728 = arith.constant 1200 : index
      %swap3A_729 = tpu.vector_load %arg4[%swap3A_727, %swap3A_728] {strides = array<i32>} : memref<16x2048xi32, #tpu.memory_space<vmem>>, vector<1x16xi32>,
      %swap3A_730 = vector.shape_cast %swap3A_729 : vector<1x16xi32> to vector<16xi32>
      %swap3A_731 = vector.shape_cast %add3A_352 : vector<16xi32> to vector<1x16xi32>
      tpu.vector_store %arg4[%swap3A_727, %swap3A_728], %swap3A_731 {strides = array<i32>} : memref<16x2048xi32, #tpu.memory_space<vmem>>, vector<1x16xi32>,
      %swap3A_732 = arith.index_cast %scan3A_348 : i32 to index
      %swap3A_733 = arith.constant 1216 : index
      %swap3A_734 = tpu.vector_load %arg4[%swap3A_732, %swap3A_733] {strides = array<i32>} : memref<16x2048xi32, #tpu.memory_space<vmem>>, vector<1x16xi32>,
      %swap3A_735 = vector.shape_cast %swap3A_734 : vector<1x16xi32> to vector<16xi32>
      %swap3A_736 = vector.shape_cast %add3A_352 : vector<16xi32> to vector<1x16xi32>
      tpu.vector_store %arg4[%swap3A_732, %swap3A_733], %swap3A_736 {strides = array<i32>} : memref<16x2048xi32, #tpu.memory_space<vmem>>, vector<1x16xi32>,
      %swap3A_737 = arith.index_cast %scan3A_348 : i32 to index
      %swap3A_738 = arith.constant 1232 : index
      %swap3A_739 = tpu.vector_load %arg4[%swap3A_737, %swap3A_738] {strides = array<i32>} : memref<16x2048xi32, #tpu.memory_space<vmem>>, vector<1x16xi32>,
      %swap3A_740 = vector.shape_cast %swap3A_739 : vector<1x16xi32> to vector<16xi32>
      %swap3A_741 = vector.shape_cast %add3A_352 : vector<16xi32> to vector<1x16xi32>
      tpu.vector_store %arg4[%swap3A_737, %swap3A_738], %swap3A_741 {strides = array<i32>} : memref<16x2048xi32, #tpu.memory_space<vmem>>, vector<1x16xi32>,
      %swap3A_742 = arith.index_cast %scan3A_348 : i32 to index
      %swap3A_743 = arith.constant 1248 : index
      %swap3A_744 = tpu.vector_load %arg4[%swap3A_742, %swap3A_743] {strides = array<i32>} : memref<16x2048xi32, #tpu.memory_space<vmem>>, vector<1x16xi32>,
      %swap3A_745 = vector.shape_cast %swap3A_744 : vector<1x16xi32> to vector<16xi32>
      %swap3A_746 = vector.shape_cast %add3A_352 : vector<16xi32> to vector<1x16xi32>
      tpu.vector_store %arg4[%swap3A_742, %swap3A_743], %swap3A_746 {strides = array<i32>} : memref<16x2048xi32, #tpu.memory_space<vmem>>, vector<1x16xi32>,
      %swap3A_747 = arith.index_cast %scan3A_348 : i32 to index
      %swap3A_748 = arith.constant 1264 : index
      %swap3A_749 = tpu.vector_load %arg4[%swap3A_747, %swap3A_748] {strides = array<i32>} : memref<16x2048xi32, #tpu.memory_space<vmem>>, vector<1x16xi32>,
      %swap3A_750 = vector.shape_cast %swap3A_749 : vector<1x16xi32> to vector<16xi32>
      %swap3A_751 = vector.shape_cast %add3A_352 : vector<16xi32> to vector<1x16xi32>
      tpu.vector_store %arg4[%swap3A_747, %swap3A_748], %swap3A_751 {strides = array<i32>} : memref<16x2048xi32, #tpu.memory_space<vmem>>, vector<1x16xi32>,
      %swap3A_752 = arith.index_cast %scan3A_348 : i32 to index
      %swap3A_753 = arith.constant 1280 : index
      %swap3A_754 = tpu.vector_load %arg4[%swap3A_752, %swap3A_753] {strides = array<i32>} : memref<16x2048xi32, #tpu.memory_space<vmem>>, vector<1x16xi32>,
      %swap3A_755 = vector.shape_cast %swap3A_754 : vector<1x16xi32> to vector<16xi32>
      %swap3A_756 = vector.shape_cast %add3A_352 : vector<16xi32> to vector<1x16xi32>
      tpu.vector_store %arg4[%swap3A_752, %swap3A_753], %swap3A_756 {strides = array<i32>} : memref<16x2048xi32, #tpu.memory_space<vmem>>, vector<1x16xi32>,
      %swap3A_757 = arith.index_cast %scan3A_348 : i32 to index
      %swap3A_758 = arith.constant 1296 : index
      %swap3A_759 = tpu.vector_load %arg4[%swap3A_757, %swap3A_758] {strides = array<i32>} : memref<16x2048xi32, #tpu.memory_space<vmem>>, vector<1x16xi32>,
      %swap3A_760 = vector.shape_cast %swap3A_759 : vector<1x16xi32> to vector<16xi32>
      %swap3A_761 = vector.shape_cast %add3A_352 : vector<16xi32> to vector<1x16xi32>
      tpu.vector_store %arg4[%swap3A_757, %swap3A_758], %swap3A_761 {strides = array<i32>} : memref<16x2048xi32, #tpu.memory_space<vmem>>, vector<1x16xi32>,
      %swap3A_762 = arith.index_cast %scan3A_348 : i32 to index
      %swap3A_763 = arith.constant 1312 : index
      %swap3A_764 = tpu.vector_load %arg4[%swap3A_762, %swap3A_763] {strides = array<i32>} : memref<16x2048xi32, #tpu.memory_space<vmem>>, vector<1x16xi32>,
      %swap3A_765 = vector.shape_cast %swap3A_764 : vector<1x16xi32> to vector<16xi32>
      %swap3A_766 = vector.shape_cast %add3A_352 : vector<16xi32> to vector<1x16xi32>
      tpu.vector_store %arg4[%swap3A_762, %swap3A_763], %swap3A_766 {strides = array<i32>} : memref<16x2048xi32, #tpu.memory_space<vmem>>, vector<1x16xi32>,
      %swap3A_767 = arith.index_cast %scan3A_348 : i32 to index
      %swap3A_768 = arith.constant 1328 : index
      %swap3A_769 = tpu.vector_load %arg4[%swap3A_767, %swap3A_768] {strides = array<i32>} : memref<16x2048xi32, #tpu.memory_space<vmem>>, vector<1x16xi32>,
      %swap3A_770 = vector.shape_cast %swap3A_769 : vector<1x16xi32> to vector<16xi32>
      %swap3A_771 = vector.shape_cast %add3A_352 : vector<16xi32> to vector<1x16xi32>
      tpu.vector_store %arg4[%swap3A_767, %swap3A_768], %swap3A_771 {strides = array<i32>} : memref<16x2048xi32, #tpu.memory_space<vmem>>, vector<1x16xi32>,
      %swap3A_772 = arith.index_cast %scan3A_348 : i32 to index
      %swap3A_773 = arith.constant 1344 : index
      %swap3A_774 = tpu.vector_load %arg4[%swap3A_772, %swap3A_773] {strides = array<i32>} : memref<16x2048xi32, #tpu.memory_space<vmem>>, vector<1x16xi32>,
      %swap3A_775 = vector.shape_cast %swap3A_774 : vector<1x16xi32> to vector<16xi32>
      %swap3A_776 = vector.shape_cast %add3A_352 : vector<16xi32> to vector<1x16xi32>
      tpu.vector_store %arg4[%swap3A_772, %swap3A_773], %swap3A_776 {strides = array<i32>} : memref<16x2048xi32, #tpu.memory_space<vmem>>, vector<1x16xi32>,
      %swap3A_777 = arith.index_cast %scan3A_348 : i32 to index
      %swap3A_778 = arith.constant 1360 : index
      %swap3A_779 = tpu.vector_load %arg4[%swap3A_777, %swap3A_778] {strides = array<i32>} : memref<16x2048xi32, #tpu.memory_space<vmem>>, vector<1x16xi32>,
      %swap3A_780 = vector.shape_cast %swap3A_779 : vector<1x16xi32> to vector<16xi32>
      %swap3A_781 = vector.shape_cast %add3A_352 : vector<16xi32> to vector<1x16xi32>
      tpu.vector_store %arg4[%swap3A_777, %swap3A_778], %swap3A_781 {strides = array<i32>} : memref<16x2048xi32, #tpu.memory_space<vmem>>, vector<1x16xi32>,
      %swap3A_782 = arith.index_cast %scan3A_348 : i32 to index
      %swap3A_783 = arith.constant 1376 : index
      %swap3A_784 = tpu.vector_load %arg4[%swap3A_782, %swap3A_783] {strides = array<i32>} : memref<16x2048xi32, #tpu.memory_space<vmem>>, vector<1x16xi32>,
      %swap3A_785 = vector.shape_cast %swap3A_784 : vector<1x16xi32> to vector<16xi32>
      %swap3A_786 = vector.shape_cast %add3A_352 : vector<16xi32> to vector<1x16xi32>
      tpu.vector_store %arg4[%swap3A_782, %swap3A_783], %swap3A_786 {strides = array<i32>} : memref<16x2048xi32, #tpu.memory_space<vmem>>, vector<1x16xi32>,
      %swap3A_787 = arith.index_cast %scan3A_348 : i32 to index
      %swap3A_788 = arith.constant 1392 : index
      %swap3A_789 = tpu.vector_load %arg4[%swap3A_787, %swap3A_788] {strides = array<i32>} : memref<16x2048xi32, #tpu.memory_space<vmem>>, vector<1x16xi32>,
      %swap3A_790 = vector.shape_cast %swap3A_789 : vector<1x16xi32> to vector<16xi32>
      %swap3A_791 = vector.shape_cast %add3A_352 : vector<16xi32> to vector<1x16xi32>
      tpu.vector_store %arg4[%swap3A_787, %swap3A_788], %swap3A_791 {strides = array<i32>} : memref<16x2048xi32, #tpu.memory_space<vmem>>, vector<1x16xi32>,
      %swap3A_792 = arith.index_cast %scan3A_348 : i32 to index
      %swap3A_793 = arith.constant 1408 : index
      %swap3A_794 = tpu.vector_load %arg4[%swap3A_792, %swap3A_793] {strides = array<i32>} : memref<16x2048xi32, #tpu.memory_space<vmem>>, vector<1x16xi32>,
      %swap3A_795 = vector.shape_cast %swap3A_794 : vector<1x16xi32> to vector<16xi32>
      %swap3A_796 = vector.shape_cast %add3A_352 : vector<16xi32> to vector<1x16xi32>
      tpu.vector_store %arg4[%swap3A_792, %swap3A_793], %swap3A_796 {strides = array<i32>} : memref<16x2048xi32, #tpu.memory_space<vmem>>, vector<1x16xi32>,
      %swap3A_797 = arith.index_cast %scan3A_348 : i32 to index
      %swap3A_798 = arith.constant 1424 : index
      %swap3A_799 = tpu.vector_load %arg4[%swap3A_797, %swap3A_798] {strides = array<i32>} : memref<16x2048xi32, #tpu.memory_space<vmem>>, vector<1x16xi32>,
      %swap3A_800 = vector.shape_cast %swap3A_799 : vector<1x16xi32> to vector<16xi32>
      %swap3A_801 = vector.shape_cast %add3A_352 : vector<16xi32> to vector<1x16xi32>
      tpu.vector_store %arg4[%swap3A_797, %swap3A_798], %swap3A_801 {strides = array<i32>} : memref<16x2048xi32, #tpu.memory_space<vmem>>, vector<1x16xi32>,
      %swap3A_802 = arith.index_cast %scan3A_348 : i32 to index
      %swap3A_803 = arith.constant 1440 : index
      %swap3A_804 = tpu.vector_load %arg4[%swap3A_802, %swap3A_803] {strides = array<i32>} : memref<16x2048xi32, #tpu.memory_space<vmem>>, vector<1x16xi32>,
      %swap3A_805 = vector.shape_cast %swap3A_804 : vector<1x16xi32> to vector<16xi32>
      %swap3A_806 = vector.shape_cast %add3A_352 : vector<16xi32> to vector<1x16xi32>
      tpu.vector_store %arg4[%swap3A_802, %swap3A_803], %swap3A_806 {strides = array<i32>} : memref<16x2048xi32, #tpu.memory_space<vmem>>, vector<1x16xi32>,
      %swap3A_807 = arith.index_cast %scan3A_348 : i32 to index
      %swap3A_808 = arith.constant 1456 : index
      %swap3A_809 = tpu.vector_load %arg4[%swap3A_807, %swap3A_808] {strides = array<i32>} : memref<16x2048xi32, #tpu.memory_space<vmem>>, vector<1x16xi32>,
      %swap3A_810 = vector.shape_cast %swap3A_809 : vector<1x16xi32> to vector<16xi32>
      %swap3A_811 = vector.shape_cast %add3A_352 : vector<16xi32> to vector<1x16xi32>
      tpu.vector_store %arg4[%swap3A_807, %swap3A_808], %swap3A_811 {strides = array<i32>} : memref<16x2048xi32, #tpu.memory_space<vmem>>, vector<1x16xi32>,
      %swap3A_812 = arith.index_cast %scan3A_348 : i32 to index
      %swap3A_813 = arith.constant 1472 : index
      %swap3A_814 = tpu.vector_load %arg4[%swap3A_812, %swap3A_813] {strides = array<i32>} : memref<16x2048xi32, #tpu.memory_space<vmem>>, vector<1x16xi32>,
      %swap3A_815 = vector.shape_cast %swap3A_814 : vector<1x16xi32> to vector<16xi32>
      %swap3A_816 = vector.shape_cast %add3A_352 : vector<16xi32> to vector<1x16xi32>
      tpu.vector_store %arg4[%swap3A_812, %swap3A_813], %swap3A_816 {strides = array<i32>} : memref<16x2048xi32, #tpu.memory_space<vmem>>, vector<1x16xi32>,
      %swap3A_817 = arith.index_cast %scan3A_348 : i32 to index
      %swap3A_818 = arith.constant 1488 : index
      %swap3A_819 = tpu.vector_load %arg4[%swap3A_817, %swap3A_818] {strides = array<i32>} : memref<16x2048xi32, #tpu.memory_space<vmem>>, vector<1x16xi32>,
      %swap3A_820 = vector.shape_cast %swap3A_819 : vector<1x16xi32> to vector<16xi32>
      %swap3A_821 = vector.shape_cast %add3A_352 : vector<16xi32> to vector<1x16xi32>
      tpu.vector_store %arg4[%swap3A_817, %swap3A_818], %swap3A_821 {strides = array<i32>} : memref<16x2048xi32, #tpu.memory_space<vmem>>, vector<1x16xi32>,
      %swap3A_822 = arith.index_cast %scan3A_348 : i32 to index
      %swap3A_823 = arith.constant 1504 : index
      %swap3A_824 = tpu.vector_load %arg4[%swap3A_822, %swap3A_823] {strides = array<i32>} : memref<16x2048xi32, #tpu.memory_space<vmem>>, vector<1x16xi32>,
      %swap3A_825 = vector.shape_cast %swap3A_824 : vector<1x16xi32> to vector<16xi32>
      %swap3A_826 = vector.shape_cast %add3A_352 : vector<16xi32> to vector<1x16xi32>
      tpu.vector_store %arg4[%swap3A_822, %swap3A_823], %swap3A_826 {strides = array<i32>} : memref<16x2048xi32, #tpu.memory_space<vmem>>, vector<1x16xi32>,
      %swap3A_827 = arith.index_cast %scan3A_348 : i32 to index
      %swap3A_828 = arith.constant 1520 : index
      %swap3A_829 = tpu.vector_load %arg4[%swap3A_827, %swap3A_828] {strides = array<i32>} : memref<16x2048xi32, #tpu.memory_space<vmem>>, vector<1x16xi32>,
      %swap3A_830 = vector.shape_cast %swap3A_829 : vector<1x16xi32> to vector<16xi32>
      %swap3A_831 = vector.shape_cast %add3A_352 : vector<16xi32> to vector<1x16xi32>
      tpu.vector_store %arg4[%swap3A_827, %swap3A_828], %swap3A_831 {strides = array<i32>} : memref<16x2048xi32, #tpu.memory_space<vmem>>, vector<1x16xi32>,
      %swap3A_832 = arith.index_cast %scan3A_348 : i32 to index
      %swap3A_833 = arith.constant 1536 : index
      %swap3A_834 = tpu.vector_load %arg4[%swap3A_832, %swap3A_833] {strides = array<i32>} : memref<16x2048xi32, #tpu.memory_space<vmem>>, vector<1x16xi32>,
      %swap3A_835 = vector.shape_cast %swap3A_834 : vector<1x16xi32> to vector<16xi32>
      %swap3A_836 = vector.shape_cast %add3A_352 : vector<16xi32> to vector<1x16xi32>
      tpu.vector_store %arg4[%swap3A_832, %swap3A_833], %swap3A_836 {strides = array<i32>} : memref<16x2048xi32, #tpu.memory_space<vmem>>, vector<1x16xi32>,
      %swap3A_837 = arith.index_cast %scan3A_348 : i32 to index
      %swap3A_838 = arith.constant 1552 : index
      %swap3A_839 = tpu.vector_load %arg4[%swap3A_837, %swap3A_838] {strides = array<i32>} : memref<16x2048xi32, #tpu.memory_space<vmem>>, vector<1x16xi32>,
      %swap3A_840 = vector.shape_cast %swap3A_839 : vector<1x16xi32> to vector<16xi32>
      %swap3A_841 = vector.shape_cast %add3A_352 : vector<16xi32> to vector<1x16xi32>
      tpu.vector_store %arg4[%swap3A_837, %swap3A_838], %swap3A_841 {strides = array<i32>} : memref<16x2048xi32, #tpu.memory_space<vmem>>, vector<1x16xi32>,
      %swap3A_842 = arith.index_cast %scan3A_348 : i32 to index
      %swap3A_843 = arith.constant 1568 : index
      %swap3A_844 = tpu.vector_load %arg4[%swap3A_842, %swap3A_843] {strides = array<i32>} : memref<16x2048xi32, #tpu.memory_space<vmem>>, vector<1x16xi32>,
      %swap3A_845 = vector.shape_cast %swap3A_844 : vector<1x16xi32> to vector<16xi32>
      %swap3A_846 = vector.shape_cast %add3A_352 : vector<16xi32> to vector<1x16xi32>
      tpu.vector_store %arg4[%swap3A_842, %swap3A_843], %swap3A_846 {strides = array<i32>} : memref<16x2048xi32, #tpu.memory_space<vmem>>, vector<1x16xi32>,
      %swap3A_847 = arith.index_cast %scan3A_348 : i32 to index
      %swap3A_848 = arith.constant 1584 : index
      %swap3A_849 = tpu.vector_load %arg4[%swap3A_847, %swap3A_848] {strides = array<i32>} : memref<16x2048xi32, #tpu.memory_space<vmem>>, vector<1x16xi32>,
      %swap3A_850 = vector.shape_cast %swap3A_849 : vector<1x16xi32> to vector<16xi32>
      %swap3A_851 = vector.shape_cast %add3A_352 : vector<16xi32> to vector<1x16xi32>
      tpu.vector_store %arg4[%swap3A_847, %swap3A_848], %swap3A_851 {strides = array<i32>} : memref<16x2048xi32, #tpu.memory_space<vmem>>, vector<1x16xi32>,
      %swap3A_852 = arith.index_cast %scan3A_348 : i32 to index
      %swap3A_853 = arith.constant 1600 : index
      %swap3A_854 = tpu.vector_load %arg4[%swap3A_852, %swap3A_853] {strides = array<i32>} : memref<16x2048xi32, #tpu.memory_space<vmem>>, vector<1x16xi32>,
      %swap3A_855 = vector.shape_cast %swap3A_854 : vector<1x16xi32> to vector<16xi32>
      %swap3A_856 = vector.shape_cast %add3A_352 : vector<16xi32> to vector<1x16xi32>
      tpu.vector_store %arg4[%swap3A_852, %swap3A_853], %swap3A_856 {strides = array<i32>} : memref<16x2048xi32, #tpu.memory_space<vmem>>, vector<1x16xi32>,
      %swap3A_857 = arith.index_cast %scan3A_348 : i32 to index
      %swap3A_858 = arith.constant 1616 : index
      %swap3A_859 = tpu.vector_load %arg4[%swap3A_857, %swap3A_858] {strides = array<i32>} : memref<16x2048xi32, #tpu.memory_space<vmem>>, vector<1x16xi32>,
      %swap3A_860 = vector.shape_cast %swap3A_859 : vector<1x16xi32> to vector<16xi32>
      %swap3A_861 = vector.shape_cast %add3A_352 : vector<16xi32> to vector<1x16xi32>
      tpu.vector_store %arg4[%swap3A_857, %swap3A_858], %swap3A_861 {strides = array<i32>} : memref<16x2048xi32, #tpu.memory_space<vmem>>, vector<1x16xi32>,
      %swap3A_862 = arith.index_cast %scan3A_348 : i32 to index
      %swap3A_863 = arith.constant 1632 : index
      %swap3A_864 = tpu.vector_load %arg4[%swap3A_862, %swap3A_863] {strides = array<i32>} : memref<16x2048xi32, #tpu.memory_space<vmem>>, vector<1x16xi32>,
      %swap3A_865 = vector.shape_cast %swap3A_864 : vector<1x16xi32> to vector<16xi32>
      %swap3A_866 = vector.shape_cast %add3A_352 : vector<16xi32> to vector<1x16xi32>
      tpu.vector_store %arg4[%swap3A_862, %swap3A_863], %swap3A_866 {strides = array<i32>} : memref<16x2048xi32, #tpu.memory_space<vmem>>, vector<1x16xi32>,
      %swap3A_867 = arith.index_cast %scan3A_348 : i32 to index
      %swap3A_868 = arith.constant 1648 : index
      %swap3A_869 = tpu.vector_load %arg4[%swap3A_867, %swap3A_868] {strides = array<i32>} : memref<16x2048xi32, #tpu.memory_space<vmem>>, vector<1x16xi32>,
      %swap3A_870 = vector.shape_cast %swap3A_869 : vector<1x16xi32> to vector<16xi32>
      %swap3A_871 = vector.shape_cast %add3A_352 : vector<16xi32> to vector<1x16xi32>
      tpu.vector_store %arg4[%swap3A_867, %swap3A_868], %swap3A_871 {strides = array<i32>} : memref<16x2048xi32, #tpu.memory_space<vmem>>, vector<1x16xi32>,
      %swap3A_872 = arith.index_cast %scan3A_348 : i32 to index
      %swap3A_873 = arith.constant 1664 : index
      %swap3A_874 = tpu.vector_load %arg4[%swap3A_872, %swap3A_873] {strides = array<i32>} : memref<16x2048xi32, #tpu.memory_space<vmem>>, vector<1x16xi32>,
      %swap3A_875 = vector.shape_cast %swap3A_874 : vector<1x16xi32> to vector<16xi32>
      %swap3A_876 = vector.shape_cast %add3A_352 : vector<16xi32> to vector<1x16xi32>
      tpu.vector_store %arg4[%swap3A_872, %swap3A_873], %swap3A_876 {strides = array<i32>} : memref<16x2048xi32, #tpu.memory_space<vmem>>, vector<1x16xi32>,
      %swap3A_877 = arith.index_cast %scan3A_348 : i32 to index
      %swap3A_878 = arith.constant 1680 : index
      %swap3A_879 = tpu.vector_load %arg4[%swap3A_877, %swap3A_878] {strides = array<i32>} : memref<16x2048xi32, #tpu.memory_space<vmem>>, vector<1x16xi32>,
      %swap3A_880 = vector.shape_cast %swap3A_879 : vector<1x16xi32> to vector<16xi32>
      %swap3A_881 = vector.shape_cast %add3A_352 : vector<16xi32> to vector<1x16xi32>
      tpu.vector_store %arg4[%swap3A_877, %swap3A_878], %swap3A_881 {strides = array<i32>} : memref<16x2048xi32, #tpu.memory_space<vmem>>, vector<1x16xi32>,
      %swap3A_882 = arith.index_cast %scan3A_348 : i32 to index
      %swap3A_883 = arith.constant 1696 : index
      %swap3A_884 = tpu.vector_load %arg4[%swap3A_882, %swap3A_883] {strides = array<i32>} : memref<16x2048xi32, #tpu.memory_space<vmem>>, vector<1x16xi32>,
      %swap3A_885 = vector.shape_cast %swap3A_884 : vector<1x16xi32> to vector<16xi32>
      %swap3A_886 = vector.shape_cast %add3A_352 : vector<16xi32> to vector<1x16xi32>
      tpu.vector_store %arg4[%swap3A_882, %swap3A_883], %swap3A_886 {strides = array<i32>} : memref<16x2048xi32, #tpu.memory_space<vmem>>, vector<1x16xi32>,
      %swap3A_887 = arith.index_cast %scan3A_348 : i32 to index
      %swap3A_888 = arith.constant 1712 : index
      %swap3A_889 = tpu.vector_load %arg4[%swap3A_887, %swap3A_888] {strides = array<i32>} : memref<16x2048xi32, #tpu.memory_space<vmem>>, vector<1x16xi32>,
      %swap3A_890 = vector.shape_cast %swap3A_889 : vector<1x16xi32> to vector<16xi32>
      %swap3A_891 = vector.shape_cast %add3A_352 : vector<16xi32> to vector<1x16xi32>
      tpu.vector_store %arg4[%swap3A_887, %swap3A_888], %swap3A_891 {strides = array<i32>} : memref<16x2048xi32, #tpu.memory_space<vmem>>, vector<1x16xi32>,
      %swap3A_892 = arith.index_cast %scan3A_348 : i32 to index
      %swap3A_893 = arith.constant 1728 : index
      %swap3A_894 = tpu.vector_load %arg4[%swap3A_892, %swap3A_893] {strides = array<i32>} : memref<16x2048xi32, #tpu.memory_space<vmem>>, vector<1x16xi32>,
      %swap3A_895 = vector.shape_cast %swap3A_894 : vector<1x16xi32> to vector<16xi32>
      %swap3A_896 = vector.shape_cast %add3A_352 : vector<16xi32> to vector<1x16xi32>
      tpu.vector_store %arg4[%swap3A_892, %swap3A_893], %swap3A_896 {strides = array<i32>} : memref<16x2048xi32, #tpu.memory_space<vmem>>, vector<1x16xi32>,
      %swap3A_897 = arith.index_cast %scan3A_348 : i32 to index
      %swap3A_898 = arith.constant 1744 : index
      %swap3A_899 = tpu.vector_load %arg4[%swap3A_897, %swap3A_898] {strides = array<i32>} : memref<16x2048xi32, #tpu.memory_space<vmem>>, vector<1x16xi32>,
      %swap3A_900 = vector.shape_cast %swap3A_899 : vector<1x16xi32> to vector<16xi32>
      %swap3A_901 = vector.shape_cast %add3A_352 : vector<16xi32> to vector<1x16xi32>
      tpu.vector_store %arg4[%swap3A_897, %swap3A_898], %swap3A_901 {strides = array<i32>} : memref<16x2048xi32, #tpu.memory_space<vmem>>, vector<1x16xi32>,
      %swap3A_902 = arith.index_cast %scan3A_348 : i32 to index
      %swap3A_903 = arith.constant 1760 : index
      %swap3A_904 = tpu.vector_load %arg4[%swap3A_902, %swap3A_903] {strides = array<i32>} : memref<16x2048xi32, #tpu.memory_space<vmem>>, vector<1x16xi32>,
      %swap3A_905 = vector.shape_cast %swap3A_904 : vector<1x16xi32> to vector<16xi32>
      %swap3A_906 = vector.shape_cast %add3A_352 : vector<16xi32> to vector<1x16xi32>
      tpu.vector_store %arg4[%swap3A_902, %swap3A_903], %swap3A_906 {strides = array<i32>} : memref<16x2048xi32, #tpu.memory_space<vmem>>, vector<1x16xi32>,
      %swap3A_907 = arith.index_cast %scan3A_348 : i32 to index
      %swap3A_908 = arith.constant 1776 : index
      %swap3A_909 = tpu.vector_load %arg4[%swap3A_907, %swap3A_908] {strides = array<i32>} : memref<16x2048xi32, #tpu.memory_space<vmem>>, vector<1x16xi32>,
      %swap3A_910 = vector.shape_cast %swap3A_909 : vector<1x16xi32> to vector<16xi32>
      %swap3A_911 = vector.shape_cast %add3A_352 : vector<16xi32> to vector<1x16xi32>
      tpu.vector_store %arg4[%swap3A_907, %swap3A_908], %swap3A_911 {strides = array<i32>} : memref<16x2048xi32, #tpu.memory_space<vmem>>, vector<1x16xi32>,
      %swap3A_912 = arith.index_cast %scan3A_348 : i32 to index
      %swap3A_913 = arith.constant 1792 : index
      %swap3A_914 = tpu.vector_load %arg4[%swap3A_912, %swap3A_913] {strides = array<i32>} : memref<16x2048xi32, #tpu.memory_space<vmem>>, vector<1x16xi32>,
      %swap3A_915 = vector.shape_cast %swap3A_914 : vector<1x16xi32> to vector<16xi32>
      %swap3A_916 = vector.shape_cast %add3A_352 : vector<16xi32> to vector<1x16xi32>
      tpu.vector_store %arg4[%swap3A_912, %swap3A_913], %swap3A_916 {strides = array<i32>} : memref<16x2048xi32, #tpu.memory_space<vmem>>, vector<1x16xi32>,
      %swap3A_917 = arith.index_cast %scan3A_348 : i32 to index
      %swap3A_918 = arith.constant 1808 : index
      %swap3A_919 = tpu.vector_load %arg4[%swap3A_917, %swap3A_918] {strides = array<i32>} : memref<16x2048xi32, #tpu.memory_space<vmem>>, vector<1x16xi32>,
      %swap3A_920 = vector.shape_cast %swap3A_919 : vector<1x16xi32> to vector<16xi32>
      %swap3A_921 = vector.shape_cast %add3A_352 : vector<16xi32> to vector<1x16xi32>
      tpu.vector_store %arg4[%swap3A_917, %swap3A_918], %swap3A_921 {strides = array<i32>} : memref<16x2048xi32, #tpu.memory_space<vmem>>, vector<1x16xi32>,
      %swap3A_922 = arith.index_cast %scan3A_348 : i32 to index
      %swap3A_923 = arith.constant 1824 : index
      %swap3A_924 = tpu.vector_load %arg4[%swap3A_922, %swap3A_923] {strides = array<i32>} : memref<16x2048xi32, #tpu.memory_space<vmem>>, vector<1x16xi32>,
      %swap3A_925 = vector.shape_cast %swap3A_924 : vector<1x16xi32> to vector<16xi32>
      %swap3A_926 = vector.shape_cast %add3A_352 : vector<16xi32> to vector<1x16xi32>
      tpu.vector_store %arg4[%swap3A_922, %swap3A_923], %swap3A_926 {strides = array<i32>} : memref<16x2048xi32, #tpu.memory_space<vmem>>, vector<1x16xi32>,
      %swap3A_927 = arith.index_cast %scan3A_348 : i32 to index
      %swap3A_928 = arith.constant 1840 : index
      %swap3A_929 = tpu.vector_load %arg4[%swap3A_927, %swap3A_928] {strides = array<i32>} : memref<16x2048xi32, #tpu.memory_space<vmem>>, vector<1x16xi32>,
      %swap3A_930 = vector.shape_cast %swap3A_929 : vector<1x16xi32> to vector<16xi32>
      %swap3A_931 = vector.shape_cast %add3A_352 : vector<16xi32> to vector<1x16xi32>
      tpu.vector_store %arg4[%swap3A_927, %swap3A_928], %swap3A_931 {strides = array<i32>} : memref<16x2048xi32, #tpu.memory_space<vmem>>, vector<1x16xi32>,
      %swap3A_932 = arith.index_cast %scan3A_348 : i32 to index
      %swap3A_933 = arith.constant 1856 : index
      %swap3A_934 = tpu.vector_load %arg4[%swap3A_932, %swap3A_933] {strides = array<i32>} : memref<16x2048xi32, #tpu.memory_space<vmem>>, vector<1x16xi32>,
      %swap3A_935 = vector.shape_cast %swap3A_934 : vector<1x16xi32> to vector<16xi32>
      %swap3A_936 = vector.shape_cast %add3A_352 : vector<16xi32> to vector<1x16xi32>
      tpu.vector_store %arg4[%swap3A_932, %swap3A_933], %swap3A_936 {strides = array<i32>} : memref<16x2048xi32, #tpu.memory_space<vmem>>, vector<1x16xi32>,
      %swap3A_937 = arith.index_cast %scan3A_348 : i32 to index
      %swap3A_938 = arith.constant 1872 : index
      %swap3A_939 = tpu.vector_load %arg4[%swap3A_937, %swap3A_938] {strides = array<i32>} : memref<16x2048xi32, #tpu.memory_space<vmem>>, vector<1x16xi32>,
      %swap3A_940 = vector.shape_cast %swap3A_939 : vector<1x16xi32> to vector<16xi32>
      %swap3A_941 = vector.shape_cast %add3A_352 : vector<16xi32> to vector<1x16xi32>
      tpu.vector_store %arg4[%swap3A_937, %swap3A_938], %swap3A_941 {strides = array<i32>} : memref<16x2048xi32, #tpu.memory_space<vmem>>, vector<1x16xi32>,
      %swap3A_942 = arith.index_cast %scan3A_348 : i32 to index
      %swap3A_943 = arith.constant 1888 : index
      %swap3A_944 = tpu.vector_load %arg4[%swap3A_942, %swap3A_943] {strides = array<i32>} : memref<16x2048xi32, #tpu.memory_space<vmem>>, vector<1x16xi32>,
      %swap3A_945 = vector.shape_cast %swap3A_944 : vector<1x16xi32> to vector<16xi32>
      %swap3A_946 = vector.shape_cast %add3A_352 : vector<16xi32> to vector<1x16xi32>
      tpu.vector_store %arg4[%swap3A_942, %swap3A_943], %swap3A_946 {strides = array<i32>} : memref<16x2048xi32, #tpu.memory_space<vmem>>, vector<1x16xi32>,
      %swap3A_947 = arith.index_cast %scan3A_348 : i32 to index
      %swap3A_948 = arith.constant 1904 : index
      %swap3A_949 = tpu.vector_load %arg4[%swap3A_947, %swap3A_948] {strides = array<i32>} : memref<16x2048xi32, #tpu.memory_space<vmem>>, vector<1x16xi32>,
      %swap3A_950 = vector.shape_cast %swap3A_949 : vector<1x16xi32> to vector<16xi32>
      %swap3A_951 = vector.shape_cast %add3A_352 : vector<16xi32> to vector<1x16xi32>
      tpu.vector_store %arg4[%swap3A_947, %swap3A_948], %swap3A_951 {strides = array<i32>} : memref<16x2048xi32, #tpu.memory_space<vmem>>, vector<1x16xi32>,
      %swap3A_952 = arith.index_cast %scan3A_348 : i32 to index
      %swap3A_953 = arith.constant 1920 : index
      %swap3A_954 = tpu.vector_load %arg4[%swap3A_952, %swap3A_953] {strides = array<i32>} : memref<16x2048xi32, #tpu.memory_space<vmem>>, vector<1x16xi32>,
      %swap3A_955 = vector.shape_cast %swap3A_954 : vector<1x16xi32> to vector<16xi32>
      %swap3A_956 = vector.shape_cast %add3A_352 : vector<16xi32> to vector<1x16xi32>
      tpu.vector_store %arg4[%swap3A_952, %swap3A_953], %swap3A_956 {strides = array<i32>} : memref<16x2048xi32, #tpu.memory_space<vmem>>, vector<1x16xi32>,
      %swap3A_957 = arith.index_cast %scan3A_348 : i32 to index
      %swap3A_958 = arith.constant 1936 : index
      %swap3A_959 = tpu.vector_load %arg4[%swap3A_957, %swap3A_958] {strides = array<i32>} : memref<16x2048xi32, #tpu.memory_space<vmem>>, vector<1x16xi32>,
      %swap3A_960 = vector.shape_cast %swap3A_959 : vector<1x16xi32> to vector<16xi32>
      %swap3A_961 = vector.shape_cast %add3A_352 : vector<16xi32> to vector<1x16xi32>
      tpu.vector_store %arg4[%swap3A_957, %swap3A_958], %swap3A_961 {strides = array<i32>} : memref<16x2048xi32, #tpu.memory_space<vmem>>, vector<1x16xi32>,
      %swap3A_962 = arith.index_cast %scan3A_348 : i32 to index
      %swap3A_963 = arith.constant 1952 : index
      %swap3A_964 = tpu.vector_load %arg4[%swap3A_962, %swap3A_963] {strides = array<i32>} : memref<16x2048xi32, #tpu.memory_space<vmem>>, vector<1x16xi32>,
      %swap3A_965 = vector.shape_cast %swap3A_964 : vector<1x16xi32> to vector<16xi32>
      %swap3A_966 = vector.shape_cast %add3A_352 : vector<16xi32> to vector<1x16xi32>
      tpu.vector_store %arg4[%swap3A_962, %swap3A_963], %swap3A_966 {strides = array<i32>} : memref<16x2048xi32, #tpu.memory_space<vmem>>, vector<1x16xi32>,
      %swap3A_967 = arith.index_cast %scan3A_348 : i32 to index
      %swap3A_968 = arith.constant 1968 : index
      %swap3A_969 = tpu.vector_load %arg4[%swap3A_967, %swap3A_968] {strides = array<i32>} : memref<16x2048xi32, #tpu.memory_space<vmem>>, vector<1x16xi32>,
      %swap3A_970 = vector.shape_cast %swap3A_969 : vector<1x16xi32> to vector<16xi32>
      %swap3A_971 = vector.shape_cast %add3A_352 : vector<16xi32> to vector<1x16xi32>
      tpu.vector_store %arg4[%swap3A_967, %swap3A_968], %swap3A_971 {strides = array<i32>} : memref<16x2048xi32, #tpu.memory_space<vmem>>, vector<1x16xi32>,
      %swap3A_972 = arith.index_cast %scan3A_348 : i32 to index
      %swap3A_973 = arith.constant 1984 : index
      %swap3A_974 = tpu.vector_load %arg4[%swap3A_972, %swap3A_973] {strides = array<i32>} : memref<16x2048xi32, #tpu.memory_space<vmem>>, vector<1x16xi32>,
      %swap3A_975 = vector.shape_cast %swap3A_974 : vector<1x16xi32> to vector<16xi32>
      %swap3A_976 = vector.shape_cast %add3A_352 : vector<16xi32> to vector<1x16xi32>
      tpu.vector_store %arg4[%swap3A_972, %swap3A_973], %swap3A_976 {strides = array<i32>} : memref<16x2048xi32, #tpu.memory_space<vmem>>, vector<1x16xi32>,
      %swap3A_977 = arith.index_cast %scan3A_348 : i32 to index
      %swap3A_978 = arith.constant 2000 : index
      %swap3A_979 = tpu.vector_load %arg4[%swap3A_977, %swap3A_978] {strides = array<i32>} : memref<16x2048xi32, #tpu.memory_space<vmem>>, vector<1x16xi32>,
      %swap3A_980 = vector.shape_cast %swap3A_979 : vector<1x16xi32> to vector<16xi32>
      %swap3A_981 = vector.shape_cast %add3A_352 : vector<16xi32> to vector<1x16xi32>
      tpu.vector_store %arg4[%swap3A_977, %swap3A_978], %swap3A_981 {strides = array<i32>} : memref<16x2048xi32, #tpu.memory_space<vmem>>, vector<1x16xi32>,
      %swap3A_982 = arith.index_cast %scan3A_348 : i32 to index
      %swap3A_983 = arith.constant 2016 : index
      %swap3A_984 = tpu.vector_load %arg4[%swap3A_982, %swap3A_983] {strides = array<i32>} : memref<16x2048xi32, #tpu.memory_space<vmem>>, vector<1x16xi32>,
      %swap3A_985 = vector.shape_cast %swap3A_984 : vector<1x16xi32> to vector<16xi32>
      %swap3A_986 = vector.shape_cast %add3A_352 : vector<16xi32> to vector<1x16xi32>
      tpu.vector_store %arg4[%swap3A_982, %swap3A_983], %swap3A_986 {strides = array<i32>} : memref<16x2048xi32, #tpu.memory_space<vmem>>, vector<1x16xi32>,
      %swap3A_987 = arith.index_cast %scan3A_348 : i32 to index
      %swap3A_988 = arith.constant 2032 : index
      %swap3A_989 = tpu.vector_load %arg4[%swap3A_987, %swap3A_988] {strides = array<i32>} : memref<16x2048xi32, #tpu.memory_space<vmem>>, vector<1x16xi32>,
      %swap3A_990 = vector.shape_cast %swap3A_989 : vector<1x16xi32> to vector<16xi32>
      %swap3A_991 = vector.shape_cast %add3A_352 : vector<16xi32> to vector<1x16xi32>
      tpu.vector_store %arg4[%swap3A_987, %swap3A_988], %swap3A_991 {strides = array<i32>} : memref<16x2048xi32, #tpu.memory_space<vmem>>, vector<1x16xi32>,
    }
    %scan3A_235 = arith.constant 16 : i32
    %add3A_236 = arith.constant 0 : i32
    %add3A_237 = arith.addi %add3A_236, %add3A_230 : i32
    %dma_start3A_238 = arith.constant 0 : i32
    %dma_start3A_239 = tpu.memref_slice %arg2[%add3A_237, %dma_start3A_238] : memref<16384x2048xi32, #tpu.memory_space<hbm>> -> memref<16x2048xi32, #tpu.memory_space<hbm>>
    %dma_start3A_240 = arith.constant 0 : i32
    %dma_start3A_241 = tpu.memref_slice %arg2[%add3A_237, %dma_start3A_240] : memref<16384x2048xi32, #tpu.memory_space<hbm>> -> memref<16x2048xi32, #tpu.memory_space<hbm>>
    tpu.enqueue_dma source(%arg4 : memref<16x2048xi32, #tpu.memory_space<vmem>>) target(%dma_start3A_241 : memref<16x2048xi32, #tpu.memory_space<hbm>>) target_semaphore(%arg6 : memref<!tpu.dma_semaphore, #tpu.memory_space<semaphore_mem>>)
    %add3A_242 = arith.constant 2048 : i32
    %add3A_243 = arith.addi %add3A_242, %add3A_230 : i32
    %dma_start3A_244 = arith.constant 0 : i32
    %dma_start3A_245 = tpu.memref_slice %arg2[%add3A_243, %dma_start3A_244] : memref<16384x2048xi32, #tpu.memory_space<hbm>> -> memref<16x2048xi32, #tpu.memory_space<hbm>>
    %dma_start3A_246 = arith.constant 0 : i32
    %dma_start3A_247 = tpu.memref_slice %arg2[%add3A_243, %dma_start3A_246] : memref<16384x2048xi32, #tpu.memory_space<hbm>> -> memref<16x2048xi32, #tpu.memory_space<hbm>>
    tpu.enqueue_dma source(%arg4 : memref<16x2048xi32, #tpu.memory_space<vmem>>) target(%dma_start3A_247 : memref<16x2048xi32, #tpu.memory_space<hbm>>) target_semaphore(%arg6 : memref<!tpu.dma_semaphore, #tpu.memory_space<semaphore_mem>>)
    %add3A_248 = arith.constant 4096 : i32
    %add3A_249 = arith.addi %add3A_248, %add3A_230 : i32
    %dma_start3A_250 = arith.constant 0 : i32
    %dma_start3A_251 = tpu.memref_slice %arg2[%add3A_249, %dma_start3A_250] : memref<16384x2048xi32, #tpu.memory_space<hbm>> -> memref<16x2048xi32, #tpu.memory_space<hbm>>
    %dma_start3A_252 = arith.constant 0 : i32
    %dma_start3A_253 = tpu.memref_slice %arg2[%add3A_249, %dma_start3A_252] : memref<16384x2048xi32, #tpu.memory_space<hbm>> -> memref<16x2048xi32, #tpu.memory_space<hbm>>
    tpu.enqueue_dma source(%arg4 : memref<16x2048xi32, #tpu.memory_space<vmem>>) target(%dma_start3A_253 : memref<16x2048xi32, #tpu.memory_space<hbm>>) target_semaphore(%arg6 : memref<!tpu.dma_semaphore, #tpu.memory_space<semaphore_mem>>)
    %add3A_254 = arith.constant 6144 : i32
    %add3A_255 = arith.addi %add3A_254, %add3A_230 : i32
    %dma_start3A_256 = arith.constant 0 : i32
    %dma_start3A_257 = tpu.memref_slice %arg2[%add3A_255, %dma_start3A_256] : memref<16384x2048xi32, #tpu.memory_space<hbm>> -> memref<16x2048xi32, #tpu.memory_space<hbm>>
    %dma_start3A_258 = arith.constant 0 : i32
    %dma_start3A_259 = tpu.memref_slice %arg2[%add3A_255, %dma_start3A_258] : memref<16384x2048xi32, #tpu.memory_space<hbm>> -> memref<16x2048xi32, #tpu.memory_space<hbm>>
    tpu.enqueue_dma source(%arg4 : memref<16x2048xi32, #tpu.memory_space<vmem>>) target(%dma_start3A_259 : memref<16x2048xi32, #tpu.memory_space<hbm>>) target_semaphore(%arg6 : memref<!tpu.dma_semaphore, #tpu.memory_space<semaphore_mem>>)
    %add3A_260 = arith.constant 8192 : i32
    %add3A_261 = arith.addi %add3A_260, %add3A_230 : i32
    %dma_start3A_262 = arith.constant 0 : i32
    %dma_start3A_263 = tpu.memref_slice %arg2[%add3A_261, %dma_start3A_262] : memref<16384x2048xi32, #tpu.memory_space<hbm>> -> memref<16x2048xi32, #tpu.memory_space<hbm>>
    %dma_start3A_264 = arith.constant 0 : i32
    %dma_start3A_265 = tpu.memref_slice %arg2[%add3A_261, %dma_start3A_264] : memref<16384x2048xi32, #tpu.memory_space<hbm>> -> memref<16x2048xi32, #tpu.memory_space<hbm>>
    tpu.enqueue_dma source(%arg4 : memref<16x2048xi32, #tpu.memory_space<vmem>>) target(%dma_start3A_265 : memref<16x2048xi32, #tpu.memory_space<hbm>>) target_semaphore(%arg6 : memref<!tpu.dma_semaphore, #tpu.memory_space<semaphore_mem>>)
    %add3A_266 = arith.constant 10240 : i32
    %add3A_267 = arith.addi %add3A_266, %add3A_230 : i32
    %dma_start3A_268 = arith.constant 0 : i32
    %dma_start3A_269 = tpu.memref_slice %arg2[%add3A_267, %dma_start3A_268] : memref<16384x2048xi32, #tpu.memory_space<hbm>> -> memref<16x2048xi32, #tpu.memory_space<hbm>>
    %dma_start3A_270 = arith.constant 0 : i32
    %dma_start3A_271 = tpu.memref_slice %arg2[%add3A_267, %dma_start3A_270] : memref<16384x2048xi32, #tpu.memory_space<hbm>> -> memref<16x2048xi32, #tpu.memory_space<hbm>>
    tpu.enqueue_dma source(%arg4 : memref<16x2048xi32, #tpu.memory_space<vmem>>) target(%dma_start3A_271 : memref<16x2048xi32, #tpu.memory_space<hbm>>) target_semaphore(%arg6 : memref<!tpu.dma_semaphore, #tpu.memory_space<semaphore_mem>>)
    %add3A_272 = arith.constant 12288 : i32
    %add3A_273 = arith.addi %add3A_272, %add3A_230 : i32
    %dma_start3A_274 = arith.constant 0 : i32
    %dma_start3A_275 = tpu.memref_slice %arg2[%add3A_273, %dma_start3A_274] : memref<16384x2048xi32, #tpu.memory_space<hbm>> -> memref<16x2048xi32, #tpu.memory_space<hbm>>
    %dma_start3A_276 = arith.constant 0 : i32
    %dma_start3A_277 = tpu.memref_slice %arg2[%add3A_273, %dma_start3A_276] : memref<16384x2048xi32, #tpu.memory_space<hbm>> -> memref<16x2048xi32, #tpu.memory_space<hbm>>
    tpu.enqueue_dma source(%arg4 : memref<16x2048xi32, #tpu.memory_space<vmem>>) target(%dma_start3A_277 : memref<16x2048xi32, #tpu.memory_space<hbm>>) target_semaphore(%arg6 : memref<!tpu.dma_semaphore, #tpu.memory_space<semaphore_mem>>)
    %add3A_278 = arith.constant 14336 : i32
    %add3A_279 = arith.addi %add3A_278, %add3A_230 : i32
    %dma_start3A_280 = arith.constant 0 : i32
    %dma_start3A_281 = tpu.memref_slice %arg2[%add3A_279, %dma_start3A_280] : memref<16384x2048xi32, #tpu.memory_space<hbm>> -> memref<16x2048xi32, #tpu.memory_space<hbm>>
    %dma_start3A_282 = arith.constant 0 : i32
    %dma_start3A_283 = tpu.memref_slice %arg2[%add3A_279, %dma_start3A_282] : memref<16384x2048xi32, #tpu.memory_space<hbm>> -> memref<16x2048xi32, #tpu.memory_space<hbm>>
    tpu.enqueue_dma source(%arg4 : memref<16x2048xi32, #tpu.memory_space<vmem>>) target(%dma_start3A_283 : memref<16x2048xi32, #tpu.memory_space<hbm>>) target_semaphore(%arg6 : memref<!tpu.dma_semaphore, #tpu.memory_space<semaphore_mem>>)
    %dma_wait3A_284 = arith.constant 0 : i32
    %dma_wait3A_285 = tpu.memref_slice %arg2[%add3A_150, %dma_wait3A_284] : memref<16384x2048xi32, #tpu.memory_space<hbm>> -> memref<16x2048xi32, #tpu.memory_space<hbm>>
    %dma_wait3A_286 = arith.constant 0 : i32
    %dma_wait3A_287 = tpu.memref_slice %arg2[%add3A_150, %dma_wait3A_286] : memref<16384x2048xi32, #tpu.memory_space<hbm>> -> memref<16x2048xi32, #tpu.memory_space<hbm>>
    tpu.wait_dma2 semaphore(%arg5 : memref<!tpu.dma_semaphore, #tpu.memory_space<semaphore_mem>>) src(%arg3 : memref<16x2048xi32, #tpu.memory_space<vmem>>) dst(%dma_wait3A_287 : memref<16x2048xi32, #tpu.memory_space<hbm>>)
    %dma_wait3A_288 = arith.constant 0 : i32
    %dma_wait3A_289 = tpu.memref_slice %arg2[%add3A_156, %dma_wait3A_288] : memref<16384x2048xi32, #tpu.memory_space<hbm>> -> memref<16x2048xi32, #tpu.memory_space<hbm>>
    %dma_wait3A_290 = arith.constant 0 : i32
    %dma_wait3A_291 = tpu.memref_slice %arg2[%add3A_156, %dma_wait3A_290] : memref<16384x2048xi32, #tpu.memory_space<hbm>> -> memref<16x2048xi32, #tpu.memory_space<hbm>>
    tpu.wait_dma2 semaphore(%arg5 : memref<!tpu.dma_semaphore, #tpu.memory_space<semaphore_mem>>) src(%arg3 : memref<16x2048xi32, #tpu.memory_space<vmem>>) dst(%dma_wait3A_291 : memref<16x2048xi32, #tpu.memory_space<hbm>>)
    %dma_wait3A_292 = arith.constant 0 : i32
    %dma_wait3A_293 = tpu.memref_slice %arg2[%add3A_162, %dma_wait3A_292] : memref<16384x2048xi32, #tpu.memory_space<hbm>> -> memref<16x2048xi32, #tpu.memory_space<hbm>>
    %dma_wait3A_294 = arith.constant 0 : i32
    %dma_wait3A_295 = tpu.memref_slice %arg2[%add3A_162, %dma_wait3A_294] : memref<16384x2048xi32, #tpu.memory_space<hbm>> -> memref<16x2048xi32, #tpu.memory_space<hbm>>
    tpu.wait_dma2 semaphore(%arg5 : memref<!tpu.dma_semaphore, #tpu.memory_space<semaphore_mem>>) src(%arg3 : memref<16x2048xi32, #tpu.memory_space<vmem>>) dst(%dma_wait3A_295 : memref<16x2048xi32, #tpu.memory_space<hbm>>)
    %dma_wait3A_296 = arith.constant 0 : i32
    %dma_wait3A_297 = tpu.memref_slice %arg2[%add3A_168, %dma_wait3A_296] : memref<16384x2048xi32, #tpu.memory_space<hbm>> -> memref<16x2048xi32, #tpu.memory_space<hbm>>
    %dma_wait3A_298 = arith.constant 0 : i32
    %dma_wait3A_299 = tpu.memref_slice %arg2[%add3A_168, %dma_wait3A_298] : memref<16384x2048xi32, #tpu.memory_space<hbm>> -> memref<16x2048xi32, #tpu.memory_space<hbm>>
    tpu.wait_dma2 semaphore(%arg5 : memref<!tpu.dma_semaphore, #tpu.memory_space<semaphore_mem>>) src(%arg3 : memref<16x2048xi32, #tpu.memory_space<vmem>>) dst(%dma_wait3A_299 : memref<16x2048xi32, #tpu.memory_space<hbm>>)
    %dma_wait3A_300 = arith.constant 0 : i32
    %dma_wait3A_301 = tpu.memref_slice %arg2[%add3A_174, %dma_wait3A_300] : memref<16384x2048xi32, #tpu.memory_space<hbm>> -> memref<16x2048xi32, #tpu.memory_space<hbm>>
    %dma_wait3A_302 = arith.constant 0 : i32
    %dma_wait3A_303 = tpu.memref_slice %arg2[%add3A_174, %dma_wait3A_302] : memref<16384x2048xi32, #tpu.memory_space<hbm>> -> memref<16x2048xi32, #tpu.memory_space<hbm>>
    tpu.wait_dma2 semaphore(%arg5 : memref<!tpu.dma_semaphore, #tpu.memory_space<semaphore_mem>>) src(%arg3 : memref<16x2048xi32, #tpu.memory_space<vmem>>) dst(%dma_wait3A_303 : memref<16x2048xi32, #tpu.memory_space<hbm>>)
    %dma_wait3A_304 = arith.constant 0 : i32
    %dma_wait3A_305 = tpu.memref_slice %arg2[%add3A_180, %dma_wait3A_304] : memref<16384x2048xi32, #tpu.memory_space<hbm>> -> memref<16x2048xi32, #tpu.memory_space<hbm>>
    %dma_wait3A_306 = arith.constant 0 : i32
    %dma_wait3A_307 = tpu.memref_slice %arg2[%add3A_180, %dma_wait3A_306] : memref<16384x2048xi32, #tpu.memory_space<hbm>> -> memref<16x2048xi32, #tpu.memory_space<hbm>>
    tpu.wait_dma2 semaphore(%arg5 : memref<!tpu.dma_semaphore, #tpu.memory_space<semaphore_mem>>) src(%arg3 : memref<16x2048xi32, #tpu.memory_space<vmem>>) dst(%dma_wait3A_307 : memref<16x2048xi32, #tpu.memory_space<hbm>>)
    %dma_wait3A_308 = arith.constant 0 : i32
    %dma_wait3A_309 = tpu.memref_slice %arg2[%add3A_186, %dma_wait3A_308] : memref<16384x2048xi32, #tpu.memory_space<hbm>> -> memref<16x2048xi32, #tpu.memory_space<hbm>>
    %dma_wait3A_310 = arith.constant 0 : i32
    %dma_wait3A_311 = tpu.memref_slice %arg2[%add3A_186, %dma_wait3A_310] : memref<16384x2048xi32, #tpu.memory_space<hbm>> -> memref<16x2048xi32, #tpu.memory_space<hbm>>
    tpu.wait_dma2 semaphore(%arg5 : memref<!tpu.dma_semaphore, #tpu.memory_space<semaphore_mem>>) src(%arg3 : memref<16x2048xi32, #tpu.memory_space<vmem>>) dst(%dma_wait3A_311 : memref<16x2048xi32, #tpu.memory_space<hbm>>)
    %dma_wait3A_312 = arith.constant 0 : i32
    %dma_wait3A_313 = tpu.memref_slice %arg2[%add3A_192, %dma_wait3A_312] : memref<16384x2048xi32, #tpu.memory_space<hbm>> -> memref<16x2048xi32, #tpu.memory_space<hbm>>
    %dma_wait3A_314 = arith.constant 0 : i32
    %dma_wait3A_315 = tpu.memref_slice %arg2[%add3A_192, %dma_wait3A_314] : memref<16384x2048xi32, #tpu.memory_space<hbm>> -> memref<16x2048xi32, #tpu.memory_space<hbm>>
    tpu.wait_dma2 semaphore(%arg5 : memref<!tpu.dma_semaphore, #tpu.memory_space<semaphore_mem>>) src(%arg3 : memref<16x2048xi32, #tpu.memory_space<vmem>>) dst(%dma_wait3A_315 : memref<16x2048xi32, #tpu.memory_space<hbm>>)
    %dma_wait3A_316 = arith.constant 0 : i32
    %dma_wait3A_317 = tpu.memref_slice %arg2[%add3A_237, %dma_wait3A_316] : memref<16384x2048xi32, #tpu.memory_space<hbm>> -> memref<16x2048xi32, #tpu.memory_space<hbm>>
    %dma_wait3A_318 = arith.constant 0 : i32
    %dma_wait3A_319 = tpu.memref_slice %arg2[%add3A_237, %dma_wait3A_318] : memref<16384x2048xi32, #tpu.memory_space<hbm>> -> memref<16x2048xi32, #tpu.memory_space<hbm>>
    tpu.wait_dma2 semaphore(%arg6 : memref<!tpu.dma_semaphore, #tpu.memory_space<semaphore_mem>>) src(%arg4 : memref<16x2048xi32, #tpu.memory_space<vmem>>) dst(%dma_wait3A_319 : memref<16x2048xi32, #tpu.memory_space<hbm>>)
    %dma_wait3A_320 = arith.constant 0 : i32
    %dma_wait3A_321 = tpu.memref_slice %arg2[%add3A_243, %dma_wait3A_320] : memref<16384x2048xi32, #tpu.memory_space<hbm>> -> memref<16x2048xi32, #tpu.memory_space<hbm>>
    %dma_wait3A_322 = arith.constant 0 : i32
    %dma_wait3A_323 = tpu.memref_slice %arg2[%add3A_243, %dma_wait3A_322] : memref<16384x2048xi32, #tpu.memory_space<hbm>> -> memref<16x2048xi32, #tpu.memory_space<hbm>>
    tpu.wait_dma2 semaphore(%arg6 : memref<!tpu.dma_semaphore, #tpu.memory_space<semaphore_mem>>) src(%arg4 : memref<16x2048xi32, #tpu.memory_space<vmem>>) dst(%dma_wait3A_323 : memref<16x2048xi32, #tpu.memory_space<hbm>>)
    %dma_wait3A_324 = arith.constant 0 : i32
    %dma_wait3A_325 = tpu.memref_slice %arg2[%add3A_249, %dma_wait3A_324] : memref<16384x2048xi32, #tpu.memory_space<hbm>> -> memref<16x2048xi32, #tpu.memory_space<hbm>>
    %dma_wait3A_326 = arith.constant 0 : i32
    %dma_wait3A_327 = tpu.memref_slice %arg2[%add3A_249, %dma_wait3A_326] : memref<16384x2048xi32, #tpu.memory_space<hbm>> -> memref<16x2048xi32, #tpu.memory_space<hbm>>
    tpu.wait_dma2 semaphore(%arg6 : memref<!tpu.dma_semaphore, #tpu.memory_space<semaphore_mem>>) src(%arg4 : memref<16x2048xi32, #tpu.memory_space<vmem>>) dst(%dma_wait3A_327 : memref<16x2048xi32, #tpu.memory_space<hbm>>)
    %dma_wait3A_328 = arith.constant 0 : i32
    %dma_wait3A_329 = tpu.memref_slice %arg2[%add3A_255, %dma_wait3A_328] : memref<16384x2048xi32, #tpu.memory_space<hbm>> -> memref<16x2048xi32, #tpu.memory_space<hbm>>
    %dma_wait3A_330 = arith.constant 0 : i32
    %dma_wait3A_331 = tpu.memref_slice %arg2[%add3A_255, %dma_wait3A_330] : memref<16384x2048xi32, #tpu.memory_space<hbm>> -> memref<16x2048xi32, #tpu.memory_space<hbm>>
    tpu.wait_dma2 semaphore(%arg6 : memref<!tpu.dma_semaphore, #tpu.memory_space<semaphore_mem>>) src(%arg4 : memref<16x2048xi32, #tpu.memory_space<vmem>>) dst(%dma_wait3A_331 : memref<16x2048xi32, #tpu.memory_space<hbm>>)
    %dma_wait3A_332 = arith.constant 0 : i32
    %dma_wait3A_333 = tpu.memref_slice %arg2[%add3A_261, %dma_wait3A_332] : memref<16384x2048xi32, #tpu.memory_space<hbm>> -> memref<16x2048xi32, #tpu.memory_space<hbm>>
    %dma_wait3A_334 = arith.constant 0 : i32
    %dma_wait3A_335 = tpu.memref_slice %arg2[%add3A_261, %dma_wait3A_334] : memref<16384x2048xi32, #tpu.memory_space<hbm>> -> memref<16x2048xi32, #tpu.memory_space<hbm>>
    tpu.wait_dma2 semaphore(%arg6 : memref<!tpu.dma_semaphore, #tpu.memory_space<semaphore_mem>>) src(%arg4 : memref<16x2048xi32, #tpu.memory_space<vmem>>) dst(%dma_wait3A_335 : memref<16x2048xi32, #tpu.memory_space<hbm>>)
    %dma_wait3A_336 = arith.constant 0 : i32
    %dma_wait3A_337 = tpu.memref_slice %arg2[%add3A_267, %dma_wait3A_336] : memref<16384x2048xi32, #tpu.memory_space<hbm>> -> memref<16x2048xi32, #tpu.memory_space<hbm>>
    %dma_wait3A_338 = arith.constant 0 : i32
    %dma_wait3A_339 = tpu.memref_slice %arg2[%add3A_267, %dma_wait3A_338] : memref<16384x2048xi32, #tpu.memory_space<hbm>> -> memref<16x2048xi32, #tpu.memory_space<hbm>>
    tpu.wait_dma2 semaphore(%arg6 : memref<!tpu.dma_semaphore, #tpu.memory_space<semaphore_mem>>) src(%arg4 : memref<16x2048xi32, #tpu.memory_space<vmem>>) dst(%dma_wait3A_339 : memref<16x2048xi32, #tpu.memory_space<hbm>>)
    %dma_wait3A_340 = arith.constant 0 : i32
    %dma_wait3A_341 = tpu.memref_slice %arg2[%add3A_273, %dma_wait3A_340] : memref<16384x2048xi32, #tpu.memory_space<hbm>> -> memref<16x2048xi32, #tpu.memory_space<hbm>>
    %dma_wait3A_342 = arith.constant 0 : i32
    %dma_wait3A_343 = tpu.memref_slice %arg2[%add3A_273, %dma_wait3A_342] : memref<16384x2048xi32, #tpu.memory_space<hbm>> -> memref<16x2048xi32, #tpu.memory_space<hbm>>
    tpu.wait_dma2 semaphore(%arg6 : memref<!tpu.dma_semaphore, #tpu.memory_space<semaphore_mem>>) src(%arg4 : memref<16x2048xi32, #tpu.memory_space<vmem>>) dst(%dma_wait3A_343 : memref<16x2048xi32, #tpu.memory_space<hbm>>)
    %dma_wait3A_344 = arith.constant 0 : i32
    %dma_wait3A_345 = tpu.memref_slice %arg2[%add3A_279, %dma_wait3A_344] : memref<16384x2048xi32, #tpu.memory_space<hbm>> -> memref<16x2048xi32, #tpu.memory_space<hbm>>
    %dma_wait3A_346 = arith.constant 0 : i32
    %dma_wait3A_347 = tpu.memref_slice %arg2[%add3A_279, %dma_wait3A_346] : memref<16384x2048xi32, #tpu.memory_space<hbm>> -> memref<16x2048xi32, #tpu.memory_space<hbm>>
    tpu.wait_dma2 semaphore(%arg6 : memref<!tpu.dma_semaphore, #tpu.memory_space<semaphore_mem>>) src(%arg4 : memref<16x2048xi32, #tpu.memory_space<vmem>>) dst(%dma_wait3A_347 : memref<16x2048xi32, #tpu.memory_space<hbm>>)
    return
  }
}

module attributes {stable_mosaic.version = 14 : i64} {
  func.func @_mm_body(%arg0: i32, %arg1: memref<8x2048xf32, #tpu.memory_space<vmem>>, %arg2: memref<256x2048xf32, #tpu.memory_space<vmem>>, %arg3: memref<8x256xf32, #tpu.memory_space<vmem>>) attributes {dimension_semantics = [#tpu.dimension_semantics<arbitrary>], iteration_bounds = array<i64: 8>, scalar_prefetch = 0 : i64, scratch_operands = 0 : i64, tpu.core_type = #tpu.core_type<tc>, window_params = [{pipeline_mode = #tpu.pipeline_mode<synchronous>, transform_indices = @transform_0, window_bounds = array<i64: 8, 2048>}, {transform_indices = @transform_1, window_bounds = array<i64: 256, 2048>}, {transform_indices = @transform_2, window_bounds = array<i64: 8, 256>}]} {
    %get3A = arith.constant 0 : index
    %get3A_0 = arith.constant 0 : index
    %get3A_1 = vector.load %arg1[%get3A, %get3A_0] : memref<8x2048xf32, #tpu.memory_space<vmem>>, vector<8x2048xf32>
    %get3A_2 = arith.constant 0 : index
    %get3A_3 = arith.constant 0 : index
    %get3A_4 = vector.load %arg2[%get3A_2, %get3A_3] : memref<256x2048xf32, #tpu.memory_space<vmem>>, vector<256x2048xf32>
    %dot_general3A = arith.constant dense<0.000000e+00> : vector<8x256xf32>
    %dot_general3A_5 = tpu.matmul %get3A_1, %get3A_4, %dot_general3A {dimension_numbers = #tpu.dot_dimension_numbers<[1], [1], [0], [0], [0, 0, 1, 0], [], []>, transpose_lhs_hint = false} : vector<8x2048xf32>, vector<256x2048xf32>, vector<8x256xf32> -> vector<8x256xf32>
    %iota3A = tpu.iota {dimensions = array<i32: 0>} : vector<8x256xi32>
    %reduce_max3A = arith.constant dense<0xFF800000> : vector<256xf32>
    %reduce_max3A_6 = vector.multi_reduction <maximumf>, %dot_general3A_5, %reduce_max3A [0] : vector<8x256xf32> to vector<256xf32>
    %broadcast_in_dim3A = vector.shape_cast %reduce_max3A_6 : vector<256xf32> to vector<1x256xf32>
    %eq3A = vector.broadcast %broadcast_in_dim3A : vector<1x256xf32> to vector<8x256xf32>
    %eq3A_7 = arith.cmpf oeq, %dot_general3A_5, %eq3A : vector<8x256xf32>
    %jit3A = arith.constant 8 : i32
    %broadcast_in_dim3A_8 = vector.broadcast %jit3A : i32 to vector<8x256xi32>
    %select_n3A = arith.select %eq3A_7, %iota3A, %broadcast_in_dim3A_8 : vector<8x256xi1>, vector<8x256xi32>
    %reduce_min3A = arith.constant dense<2147483647> : vector<256xi32>
    %reduce_min3A_9 = vector.multi_reduction <minsi>, %select_n3A, %reduce_min3A [0] : vector<8x256xi32> to vector<256xi32>
    %broadcast_in_dim3A_10 = vector.shape_cast %reduce_min3A_9 : vector<256xi32> to vector<1x256xi32>
    %eq3A_11 = vector.broadcast %broadcast_in_dim3A_10 : vector<1x256xi32> to vector<8x256xi32>
    %eq3A_12 = arith.cmpi eq, %iota3A, %eq3A_11 : vector<8x256xi32>
    %jit3A_13 = arith.constant 0xFF800000 : f32
    %broadcast_in_dim3A_14 = vector.broadcast %jit3A_13 : f32 to vector<8x256xf32>
    %select_n3A_15 = arith.select %eq3A_12, %broadcast_in_dim3A_14, %dot_general3A_5 : vector<8x256xi1>, vector<8x256xf32>
    %reduce_max3A_16 = arith.constant dense<0xFF800000> : vector<256xf32>
    %reduce_max3A_17 = vector.multi_reduction <maximumf>, %select_n3A_15, %reduce_max3A_16 [0] : vector<8x256xf32> to vector<256xf32>
    %broadcast_in_dim3A_18 = vector.shape_cast %reduce_max3A_17 : vector<256xf32> to vector<1x256xf32>
    %eq3A_19 = vector.broadcast %broadcast_in_dim3A_18 : vector<1x256xf32> to vector<8x256xf32>
    %eq3A_20 = arith.cmpf oeq, %select_n3A_15, %eq3A_19 : vector<8x256xf32>
    %jit3A_21 = arith.constant 8 : i32
    %broadcast_in_dim3A_22 = vector.broadcast %jit3A_21 : i32 to vector<8x256xi32>
    %select_n3A_23 = arith.select %eq3A_20, %iota3A, %broadcast_in_dim3A_22 : vector<8x256xi1>, vector<8x256xi32>
    %reduce_min3A_24 = arith.constant dense<2147483647> : vector<256xi32>
    %reduce_min3A_25 = vector.multi_reduction <minsi>, %select_n3A_23, %reduce_min3A_24 [0] : vector<8x256xi32> to vector<256xi32>
    %broadcast_in_dim3A_26 = vector.shape_cast %reduce_min3A_25 : vector<256xi32> to vector<1x256xi32>
    %eq3A_27 = vector.broadcast %broadcast_in_dim3A_10 : vector<1x256xi32> to vector<8x256xi32>
    %eq3A_28 = arith.cmpi eq, %iota3A, %eq3A_27 : vector<8x256xi32>
    %eq3A_29 = vector.broadcast %broadcast_in_dim3A_26 : vector<1x256xi32> to vector<8x256xi32>
    %eq3A_30 = arith.cmpi eq, %iota3A, %eq3A_29 : vector<8x256xi32>
    %or3A = arith.ori %eq3A_28, %eq3A_30 : vector<8x256xi1>
    %logistic3A = arith.negf %dot_general3A_5 : vector<8x256xf32>
    %logistic3A_31 = math.exp %logistic3A : vector<8x256xf32>
    %logistic3A_32 = arith.constant 1.000000e+00 : f32
    %logistic3A_33 = vector.broadcast %logistic3A_32 : f32 to vector<8x256xf32>
    %logistic3A_34 = arith.addf %logistic3A_33, %logistic3A_31 : vector<8x256xf32>
    %logistic3A_35 = arith.divf %logistic3A_33, %logistic3A_34 : vector<8x256xf32>
    %jit3A_36 = arith.constant 0.000000e+00 : f32
    %broadcast_in_dim3A_37 = vector.broadcast %jit3A_36 : f32 to vector<8x256xf32>
    %select_n3A_38 = arith.select %or3A, %logistic3A_35, %broadcast_in_dim3A_37 : vector<8x256xi1>, vector<8x256xf32>
    %swap3A = arith.constant 0 : index
    %swap3A_39 = arith.constant 0 : index
    %swap3A_40 = vector.load %arg3[%swap3A, %swap3A_39] : memref<8x256xf32, #tpu.memory_space<vmem>>, vector<8x256xf32>
    tpu.vector_store %arg3[%swap3A, %swap3A_39], %select_n3A_38 {strides = array<i32>} : memref<8x256xf32, #tpu.memory_space<vmem>>, vector<8x256xf32>,
    return
  }
  func.func @transform_0(%arg0: i32) -> (i32, i32) {
    %c0_i32 = arith.constant 0 : i32
    %c0_i32_0 = arith.constant 0 : i32
    %c0_i32_1 = arith.constant 0 : i32
    return %c0_i32, %c0_i32_0 : i32, i32
  }
  func.func @transform_1(%arg0: i32) -> (i32, i32) {
    %c0_i32 = arith.constant 0 : i32
    %c0_i32_0 = arith.constant 0 : i32
    return %arg0, %c0_i32 : i32, i32
  }
  func.func @transform_2(%arg0: i32) -> (i32, i32) {
    %c0_i32 = arith.constant 0 : i32
    %c0_i32_0 = arith.constant 0 : i32
    return %c0_i32, %arg0 : i32, i32
  }
}

</mosaic_0001>

<sc_bundles>
// kernel: kernel.4.cloned.1.call-start
scs
__scs_entry_jumppad:
0x0: {  	(pc) =	sbr.rel $0x88, $3  }
0x1: {  	(tag) =	ssettag $0x0;
	lr =	simm.s32 $0x1  }
0x2: {  	[smem:$0x3F9F] =	sst lr;
	_ =	strace $0xD0000000  }
0x3: {  	_ = 	snop  }
0x4: {  	_ = 	snop  }
0x5: {  	_ = 	snop  }
0x6: {  	_ = 	snop  }
0x7: {  	_ = 	snop  }
__scs_overlays_trampoline_lowered:
0x8: {  	[smem:$0x3FAE] =	sst s0  }
0x9: {  	[smem:$0x3FAF] =	sst s1  }
0xa: {  	[smem:$0x3FB0] =	sst s2  }
0xb: {  	[smem:$0x3FB1] =	sst s3  }
0xc: {  	[smem:$0x3FB2] =	sst s4  }
0xd: {  	[smem:$0x3FB3] =	sst s5  }
0xe: {  	[smem:$0x3FB4] =	sst s6  }
0xf: {  	[smem:$0x3FB5] =	sst s7  }
0x10: {  	[smem:$0x3FB6] =	sst s8  }
0x11: {  	[smem:$0x3FB7] =	sst s9;
	s0 =	simm.s32 @!p0 $0x0  }
0x12: {  	s1 =	sld [smem:$0x3F9D];
	s0 =	simm.s32 @p0 $0x1  }
0x13: {  	[smem:$0x3FB8] =	sst s0;
	s0 =	simm.s32 @!p1 $0x0  }
0x14: {  	s2 =	sld [smem:$0x3F9C];
	s0 =	simm.s32 @p1 $0x1  }
0x15: {  	[smem:$0x3FB9] =	sst s0;
	s0 =	simm.s32 @!p2 $0x0  }
0x16: {  	s3 =	sld [smem:$0x3FDB];
	s0 =	simm.s32 @p2 $0x1  }
0x17: {  	s4 =	simm.s32 $0x1BF5;
	[smem:$0x3FBB] =	sst s0  }
0x18: {  	s0 =	sld [smem:$0x3F9E];
	_ =	swait.ge [sflag:s4], $0x0  }
0x19: {  	s7 =	sld [smem:$0x3F9F]  }
0x1a: {  	s8 =	sadd.s32 $0xFFFFE003, lr  }
0x1b: {  	s9 =	sadd.s32 $0xFFFFFEF7, lr;
	s5 =	simm.s32 $0xFFFFFFFF;
	p2 =	slt.u32 s8, $0xFFFFF086  }
0x1c: {  	p1 =	slt.u32 s9, $0xF7A;
	s5 =	simm.s32 @!p2 $0x0  }
0x1d: {  	s5 =	simm.s32 @p1 $0x1;
	p0 =	seq.s32 s7, s2  }
0x1e: {  	s7 =	smul.u32 @!p0 $0xF7A, s2;
	p2 =	seq.s32 @!p0 s5, $0x0  }
0x1f: {  	s9 =	smul.u32 $0xF7A, s1;
	s8 =	simm.s32 @!p0 $0x1BF5;
	p2 =	por !p2, p0  }
0x20: {  	[sflag:s8] =	ssyncset.s32 @!p0 $0xFFFFF086;
	s6 =	sadd.s32 @!p0 s3, s7;
	s7 =	simm.s32 @!p0 $0x108  }
0x21: {  	s3 =	sadd.s32 s3, s9;
	s6 =	sadd.s32 @!p0 $0x88, s6;
	s7 =	simm.s32 @p2 $0x1082  }
0x22: {  	[simem:s7], [sflag:s8] =	dma.local @!p0 [hbm:s6], $0xF7A  }
0x23: {  	s9 =	sor.u32 $0xD0000000, s2;
	s6 =	simm.s32 $0x108;
	_ =	swait.ge @!p0 [sflag:s8], $0x0  }
0x24: {  	s3 =	sadd.s32 $0x88, s3;
	s6 =	simm.s32 @!p1 $0x1082;
	[sflag:s4] =	ssyncset.s32 $0xFFFFF086  }
0x25: {  	[simem:s6], [sflag:s4] =	dma.local [hbm:s3], $0xF7A  }
0x26: {  	[smem:$0x3F9F] =	sst s1;
	(tag) =	ssettag s2;
	_ =	strace s9  }
0x27: {  	s1 =	sld [smem:$0x3FAF]  }
0x28: {  	s2 =	sld [smem:$0x3FB0]  }
0x29: {  	s4 =	sld [smem:$0x3FB2]  }
0x2a: {  	p0 =	seq.s32 s5, $0x0;
	s5 =	sld [smem:$0x3FB3]  }
0x2b: {  	s6 =	sld [smem:$0x3FB4]  }
0x2c: {  	s7 =	sld [smem:$0x3FB5]  }
0x2d: {  	s3 =	simm.s32 $0x108;
	s8 =	sld [smem:$0x3FB6]  }
0x2e: {  	s3 =	simm.s32 @!p0 $0x1082;
	s9 =	sld [smem:$0x3FB7]  }
0x2f: {  	lr =	sadd.s32 s0, s3;
	s0 =	sld [smem:$0x3FAE]  }
0x30: {  	s3 =	sld [smem:$0x3FB1]  }
0x31: {  	[smem:$0x3FBA] =	sst s10  }
0x32: {  	s10 =	sld [smem:$0x3FB8];
	_ =	sdelay $0x3  }
0x33: {  	p0 =	seq.s32 s10, $0x1;
	s10 =	sld [smem:$0x3FBA];
	_ =	sdelay $0x3  }
0x34: {  	[smem:$0x3FBA] =	sst s10  }
0x35: {  	s10 =	sld [smem:$0x3FB9];
	_ =	sdelay $0x3  }
0x36: {  	p1 =	seq.s32 s10, $0x1;
	s10 =	sld [smem:$0x3FBA];
	_ =	sdelay $0x3  }
0x37: {  	[smem:$0x3FBA] =	sst s10  }
0x38: {  	s10 =	sld [smem:$0x3FBB]  }
0x39: {  	_ = 	snop;
	(pc) =	sbr.ind lr, $3  }
0x3a: {  	_ = 	snop  }
0x3b: {  	_ = 	snop  }
0x3c: {  	p2 =	seq.s32 s10, $0x1;
	s10 =	sld [smem:$0x3FBA]  }
0x3d: {  	_ =	shalt  }
0x3e: {  	_ =	shalt  }
0x3f: {  	_ =	shalt  }
0x40: {  	_ =	shalt  }
0x41: {  	_ =	shalt  }
0x42: {  	_ =	shalt  }
0x43: {  	_ =	shalt  }
0x44: {  	_ =	shalt  }
0x45: {  	_ =	shalt  }
0x46: {  	_ =	shalt  }
0x47: {  	_ =	shalt  }
0x48: {  	_ =	shalt  }
0x49: {  	_ =	shalt  }
0x4a: {  	_ =	shalt  }
0x4b: {  	_ =	shalt  }
0x4c: {  	_ =	shalt  }
0x4d: {  	_ =	shalt  }
0x4e: {  	_ =	shalt  }
0x4f: {  	_ =	shalt  }
0x50: {  	_ =	shalt  }
0x51: {  	_ =	shalt  }
0x52: {  	_ =	shalt  }
0x53: {  	_ =	shalt  }
0x54: {  	_ =	shalt  }
0x55: {  	_ =	shalt  }
0x56: {  	_ =	shalt  }
0x57: {  	_ =	shalt  }
0x58: {  	_ =	shalt  }
0x59: {  	_ =	shalt  }
0x5a: {  	_ =	shalt  }
0x5b: {  	_ =	shalt  }
0x5c: {  	_ =	shalt  }
0x5d: {  	_ =	shalt  }
0x5e: {  	_ =	shalt  }
0x5f: {  	_ =	shalt  }
0x60: {  	_ =	shalt  }
0x61: {  	_ =	shalt  }
0x62: {  	_ =	shalt  }
0x63: {  	_ =	shalt  }
0x64: {  	_ =	shalt  }
0x65: {  	_ =	shalt  }
0x66: {  	_ =	shalt  }
0x67: {  	_ =	shalt  }
0x68: {  	_ =	shalt  }
0x69: {  	_ =	shalt  }
0x6a: {  	_ =	shalt  }
0x6b: {  	_ =	shalt  }
0x6c: {  	_ =	shalt  }
0x6d: {  	_ =	shalt  }
0x6e: {  	_ =	shalt  }
0x6f: {  	_ =	shalt  }
0x70: {  	_ =	shalt  }
0x71: {  	_ =	shalt  }
0x72: {  	_ =	shalt  }
0x73: {  	_ =	shalt  }
0x74: {  	_ =	shalt  }
0x75: {  	_ =	shalt  }
0x76: {  	_ =	shalt  }
0x77: {  	_ =	shalt  }
0x78: {  	_ =	shalt  }
0x79: {  	_ =	shalt  }
0x7a: {  	_ =	shalt  }
0x7b: {  	_ =	shalt  }
0x7c: {  	_ =	shalt  }
0x7d: {  	_ =	shalt  }
0x7e: {  	_ =	shalt  }
0x7f: {  	_ =	shalt  }
0x80: {  	_ =	shalt  }
0x81: {  	_ =	shalt  }
0x82: {  	_ =	shalt  }
0x83: {  	_ =	shalt  }
0x84: {  	_ =	shalt  }
0x85: {  	_ =	shalt  }
0x86: {  	_ =	shalt  }
0x87: {  	_ =	shalt  }
.Lfunc_end0:
.L_simem_size_0:
called_computation_lowered:
.L_overlay_start_0:
0x88: {  	s2 =	sld [smem:$0x3FD9]  }
0x89: {  	s3 =	sld [smem:$0x3FFE];
	_ =	sdelay $0x1  }
0x8a: {  	s1 =	srdreg.scid  }
0x8b: {  	s0 =	sand.u32 $0x1, s1  }
0x8c: {  	s15 =	sshll.u32 s0, $0xA;
	s2 =	sadd.s32 s3, s2  }
0x8d: {  	s2 =	sadd.s32 s2, s15  }
0x8e: {  	[smem:$0x3FC6] =	sst s2  }
0x8f: {  	_ = 	snop  }
0x90: {  	s2 =	sld [smem:$0x3FD0];
	_ =	sdelay $0x2  }
0x91: {  	s16 =	simm.s32 $0xA;
	s4 =	simm.s32 $0x10  }
0x92: {  	[smem:s4], [sflag:s16] =	dma.local [hbm:s2], $0x1  }
0x93: {  	_ =	swait.eq [sflag:s16], $0x1  }
0x94: {  	[sflag:s16] =	ssyncset.done $0x0  }
0x95: {  	[sflag:s16] =	ssyncadd.s32 $0xFFFFFFFF  }
0x96: {  	s17 =	sld [smem:$0x11];
	(tm) =	ssettm $0x1  }
0x97: {  	s18 =	sld [smem:$0x3FFB];
	_ =	sdelay $0x3  }
0x98: {  	_ =	strace s18  }
0x99: {  	s3 =	sld [smem:$0x3FFC];
	_ =	sdelay $0x3  }
0x9a: {  	_ =	strace s3  }
0x9b: {  	s3 =	sld [smem:$0x3FFD];
	_ =	sdelay $0x3  }
0x9c: {  	_ =	strace s3  }
0x9d: {  	_ =	strace $0x8FFFFFFF  }
0x9e: {  	s19 =	sld [smem:$0x3FDB];
	_ =	sdelay $0x1  }
0x9f: {  	s20 =	simm.s32 $_scs_section_size  }
0xa0: {  	s5 =	simm.s32 $_size__tile_overlayer_lowered;
	s6 =	simm.s32 $_tile_overlayer_lowered  }
0xa1: {  	s23 =	simm.s32 $0x1BFF;
	s22 =	sshll.u32 s6, $0x1;
	s3 =	sadd.s32 s20, s19  }
0xa2: {  	s7 =	simm.s32 $0x0;
	s21 =	sshll.u32 s5, $0x1;
	s5 =	sadd.s32 s22, s3  }
0xa3: {  	[timem:s7], [sflag:s23] =	dma.local [hbm:s5], s21  }
0xa4: {  	_ =	swait.ge [sflag:s23], s21  }
0xa5: {  	s4 =	ssub.s32 $0x0, s21;
	[sflag:s23] =	ssyncset.done $0x0  }
0xa6: {  	[sflag:s23] =	ssyncadd.s32 s4;
	_ =	sdelay $0x1  }
0xa7: {  	s24 =	simm.s32 $0x1B8B  }
0xa8: {  	_ =	swait.ge [sflag:s24], $0x1  }
0xa9: {  	[sflag:s24] =	ssyncset.done $0x0  }
0xaa: {  	s25 =	simm.s32 $0x1B8E;
	[sflag:s24] =	ssyncadd.s32 $0xFFFFFFFF  }
0xab: {  	s26 =	simm.s32 $execute0_lowered;
	[smem:$0x3FD2] =	sst s25  }
0xac: {  	s4 =	sshll.u32 s26, $0x1;
	_ =	strace $0x80000046;
	[dreg:$0x1] =	wrdreg $0xFFFFFFFF  }
0xad: {  	s28 =	simm.s32 $_size_execute0_lowered;
	s3 =	sadd.s32 s3, s4;
	[dreg:$0x0] =	wrdreg $0x0  }
0xae: {  	s4 =	sshll.u32 s28, $0x1;
	[dreg:$0x2] =	wrdreg s3  }
0xaf: {  	[dreg:$0x3] =	wrdreg s4  }
0xb0: {  	[dreg:$0x4] =	wrdreg $0xC0  }
0xb1: {  	_ =	task [dreg:s7], $0x5FFFF  }
0xb2: {  	[dreg:$0x1] =	wrdreg $0xFFFFFFFF  }
0xb3: {  	[dreg:$0x0] =	wrdreg $0x60  }
0xb4: {  	[dreg:$0x2] =	wrdreg s17  }
0xb5: {  	[dreg:$0x3] =	wrdreg $0x9  }
0xb6: {  	_ =	task.clear_ibuf [dreg:s7], $0x4FFFF;
	_ =	strace $0x90000046  }
0xb7: {  	s29 =	simm.s32 $0x9;
	_ =	strace $0x80000048  }
0xb8: {  	_ =	swait.ge [sflag:s29], $0x1  }
0xb9: {  	[sflag:s29] =	ssyncadd.s32 $0xFFFFFFFF  }
0xba: {  	_ =	strace $0x90000048  }
0xbb: {  	_ =	sfence  }
0xbc: {  	s30 =	sld [smem:$0x0];
	_ =	sdelay $0x2  }
0xbd: {  	s31 =	sshll.u32 s1, $0xD;
	s1 =	sshrl.u32 s1, $0x2  }
0xbe: {  	s3 =	sand.u32 $0x4000, s31;
	s1 =	sadd.s32 s1, s30  }
0xbf: {  	s0 =	sor.u32 s3, s0;
	s1 =	sshll.u32 s1, $0x11  }
0xc0: {  	s0 =	sor.u32 s1, s0  }
0xc1: {  	s0 =	sadd.s32 $0x8F2B, s0  }
0xc2: {  	[sflag:s0] =	ssyncadd.remote.s32 $0x1  }
0xc3: {  	_ =	sfence.sel $0xFFFF  }
0xc4: {  	[dreg:$0x0] =	wrdreg $0xFFFFFFFF;
	(pc) =	sbr.abs _section_cstart, $3  }
0xc5: {  	[dreg:$0x1] =	wrdreg $0xFFFFFFFF  }
0xc6: {  	_ =	task.clear_ibuf [dreg:s7], $0x2FFFF;
	_ =	strace $0x9FFFFFFF  }
0xc7: {  	(tm) =	ssettm $0x7FFFFFFF  }
tec
execute0_lowered:
.L_overlay_start_1:
0x0: {  	(tag) =	ssettag $0x1  }
0x1: {  	s0 =	srdreg.scid  }
0x2: {  	s2 =	stileid.u32;
	s0 =	sand.u32 $0x1, s0  }
0x3: {  	s3 =	sshll.u32 s2, $0x7;
	s4 =	sshll.u32 s0, $0x6;
	s0 =	ssub.s32 $0x2, s0  }
0x4: {  	s1 =	rddreg [dreg:$0x0];
	s19 =	sor.u32 s4, s3;
	s9 =	sshrl.u32 s0, $0x1  }
0x5: {  	s2 =	simm.s32 $0x0;
	s4 =	sshll.u32 s19, $0x8;
	s0 =	ssub.s32 s0, s9  }
0x6: {  	[smem:$0x7FF] =	sst s2;
	s4 =	sadd.s32 s1, s4;
	s0 =	smax.u32 s0, $0x1  }
0x7: {  	_ =	strace $0x80000047;
	s10 =	sadd.s32 $0x80000, s4;
	[dreg:$0x13] =	wrdreg s0  }
0x8: {  	s11 =	sadd.s32 $0x100000, s4;
	[dreg:$0x2] =	wrdreg s10  }
0x9: {  	s12 =	sadd.s32 $0x180000, s4;
	[dreg:$0x3] =	wrdreg s11  }
0xa: {  	s13 =	sadd.s32 $0x200000, s4;
	[dreg:$0x4] =	wrdreg s12  }
0xb: {  	s14 =	sadd.s32 $0x280000, s4;
	s15 =	sadd.s32 $0x300000, s4;
	[dreg:$0x5] =	wrdreg s13  }
0xc: {  	s16 =	sadd.s32 $0x380000, s4;
	s18 =	sadd.s32 $0x81000, s4;
	[dreg:$0x6] =	wrdreg s14  }
0xd: {  	s20 =	sadd.s32 $0x101000, s4;
	s21 =	sadd.s32 $0x181000, s4;
	[dreg:$0x7] =	wrdreg s15  }
0xe: {  	s22 =	sadd.s32 $0x201000, s4;
	s23 =	sadd.s32 $0x281000, s4;
	[dreg:$0x8] =	wrdreg s16  }
0xf: {  	s5 =	sadd.s32 $0x301000, s4;
	s26 =	sadd.s32 $0x381000, s4;
	[dreg:$0xa] =	wrdreg s18  }
0x10: {  	s28 =	sadd.s32 $0x102000, s4;
	s29 =	sadd.s32 $0x182000, s4;
	[dreg:$0xb] =	wrdreg s20  }
0x11: {  	s30 =	sadd.s32 $0x202000, s4;
	s31 =	sadd.s32 $0x282000, s4;
	[dreg:$0xc] =	wrdreg s21  }
0x12: {  	s0 =	sadd.s32 $0x302000, s4;
	s6 =	sadd.s32 $0x103000, s4;
	[dreg:$0xd] =	wrdreg s22  }
0x13: {  	s7 =	sadd.s32 $0x183000, s4;
	s8 =	sadd.s32 $0x203000, s4;
	[dreg:$0xe] =	wrdreg s23  }
0x14: {  	s9 =	sadd.s32 $0x283000, s4;
	s10 =	sor.u32 $0x10, s19;
	[dreg:$0xf] =	wrdreg s5  }
0x15: {  	s18 =	sor.u32 $0x20, s19;
	s20 =	sor.u32 $0x30, s19;
	[dreg:$0x12] =	wrdreg s26  }
0x16: {  	s26 =	sadd.s32 $0x82000, s4;
	s5 =	sadd.s32 $0x83000, s4;
	s11 =	sadd.s32 $0x303000, s4  }
0x17: {  	s12 =	sadd.s32 $0x383000, s4;
	s13 =	simm.s32 $0x8000;
	s17 =	sshll.u32 s10, $0x8  }
0x18: {  	s14 =	simm.s32 $0x1;
	s24 =	sshll.u32 s18, $0x8;
	s3 =	sadd.s32 s1, s17  }
0x19: {  	s25 =	sshll.u32 s20, $0x8;
	[dreg:$0x9] =	wrdreg s3;
	s3 =	sadd.s32 s1, s24  }
0x1a: {  	s15 =	simm.s32 $0x2;
	s1 =	sadd.s32 s1, s25;
	[dreg:$0x10] =	wrdreg s3  }
0x1b: {  	s16 =	simm.s32 $0x0;
	[dreg:$0x11] =	wrdreg s1;
	s1 =	sadd.s32 $0x382000, s4  }
.LBB2_1:
0x1c: {  	s17 =	simm.s32 $0xFFFF8000;
	s3 =	smov.u32 s19  }
0x1d: {  	s21 =	simm.s32 $0x0;
	s22 =	simm.s32 $0x0;
	s23 =	simm.s32 $0x0  }
.LBB2_2:
0x1e: {  	s24 =	sadd.s32 $0x8000, s17  }
0x1f: {  	s25 =	sand.u32 $0x380, s23;
	s24 =	sand.u32 $0x4000, s24  }
0x20: {  	v0 =	vmov s3;
	s24 =	sor.u32 s25, s24  }
0x21: {  	[tilespmem:s24+$0x0] =	vst v0  }
0x22: {  	[tilespmem:s24+$0x10] =	vst v0  }
0x23: {  	[tilespmem:s24+$0x20] =	vst v0  }
0x24: {  	[tilespmem:s24+$0x30] =	vst v0  }
0x25: {  	[tilespmem:s24+$0x40] =	vst v0  }
0x26: {  	[tilespmem:s24+$0x50] =	vst v0  }
0x27: {  	[tilespmem:s24+$0x60] =	vst v0  }
0x28: {  	[tilespmem:s24+$0x70] =	vst v0  }
0x29: {  	[tilespmem:s24+$0x400] =	vst v0  }
0x2a: {  	[tilespmem:s24+$0x410] =	vst v0  }
0x2b: {  	[tilespmem:s24+$0x420] =	vst v0  }
0x2c: {  	[tilespmem:s24+$0x430] =	vst v0  }
0x2d: {  	[tilespmem:s24+$0x440] =	vst v0  }
0x2e: {  	[tilespmem:s24+$0x450] =	vst v0  }
0x2f: {  	[tilespmem:s24+$0x460] =	vst v0  }
0x30: {  	[tilespmem:s24+$0x470] =	vst v0  }
0x31: {  	[tilespmem:s24+$0x800] =	vst v0  }
0x32: {  	[tilespmem:s24+$0x810] =	vst v0  }
0x33: {  	[tilespmem:s24+$0x820] =	vst v0  }
0x34: {  	[tilespmem:s24+$0x830] =	vst v0  }
0x35: {  	[tilespmem:s24+$0x840] =	vst v0  }
0x36: {  	[tilespmem:s24+$0x850] =	vst v0  }
0x37: {  	[tilespmem:s24+$0x860] =	vst v0  }
0x38: {  	[tilespmem:s24+$0x870] =	vst v0  }
0x39: {  	[tilespmem:s24+$0xC00] =	vst v0  }
0x3a: {  	[tilespmem:s24+$0xC10] =	vst v0  }
0x3b: {  	[tilespmem:s24+$0xC20] =	vst v0  }
0x3c: {  	[tilespmem:s24+$0xC30] =	vst v0  }
0x3d: {  	[tilespmem:s24+$0xC40] =	vst v0  }
0x3e: {  	[tilespmem:s24+$0xC50] =	vst v0  }
0x3f: {  	[tilespmem:s24+$0xC60] =	vst v0  }
0x40: {  	[tilespmem:s24+$0xC70] =	vst v0  }
0x41: {  	[tilespmem:s24+$0x1000] =	vst v0  }
0x42: {  	[tilespmem:s24+$0x1010] =	vst v0  }
0x43: {  	[tilespmem:s24+$0x1020] =	vst v0  }
0x44: {  	[tilespmem:s24+$0x1030] =	vst v0  }
0x45: {  	[tilespmem:s24+$0x1040] =	vst v0  }
0x46: {  	[tilespmem:s24+$0x1050] =	vst v0  }
0x47: {  	[tilespmem:s24+$0x1060] =	vst v0  }
0x48: {  	[tilespmem:s24+$0x1070] =	vst v0  }
0x49: {  	[tilespmem:s24+$0x1400] =	vst v0  }
0x4a: {  	[tilespmem:s24+$0x1410] =	vst v0  }
0x4b: {  	[tilespmem:s24+$0x1420] =	vst v0  }
0x4c: {  	[tilespmem:s24+$0x1430] =	vst v0  }
0x4d: {  	[tilespmem:s24+$0x1440] =	vst v0  }
0x4e: {  	[tilespmem:s24+$0x1450] =	vst v0  }
0x4f: {  	[tilespmem:s24+$0x1460] =	vst v0  }
0x50: {  	[tilespmem:s24+$0x1470] =	vst v0  }
0x51: {  	[tilespmem:s24+$0x1800] =	vst v0  }
0x52: {  	[tilespmem:s24+$0x1810] =	vst v0  }
0x53: {  	[tilespmem:s24+$0x1820] =	vst v0  }
0x54: {  	[tilespmem:s24+$0x1830] =	vst v0  }
0x55: {  	[tilespmem:s24+$0x1840] =	vst v0  }
0x56: {  	[tilespmem:s24+$0x1850] =	vst v0  }
0x57: {  	[tilespmem:s24+$0x1860] =	vst v0  }
0x58: {  	[tilespmem:s24+$0x1870] =	vst v0  }
0x59: {  	[tilespmem:s24+$0x1C00] =	vst v0  }
0x5a: {  	[tilespmem:s24+$0x1C10] =	vst v0  }
0x5b: {  	[tilespmem:s24+$0x1C20] =	vst v0  }
0x5c: {  	[tilespmem:s24+$0x1C30] =	vst v0  }
0x5d: {  	[tilespmem:s24+$0x1C40] =	vst v0  }
0x5e: {  	[tilespmem:s24+$0x1C50] =	vst v0  }
0x5f: {  	[tilespmem:s24+$0x1C60] =	vst v0  }
0x60: {  	[tilespmem:s24+$0x1C70] =	vst v0  }
0x61: {  	[tilespmem:s24+$0x2000] =	vst v0  }
0x62: {  	[tilespmem:s24+$0x2010] =	vst v0  }
0x63: {  	[tilespmem:s24+$0x2020] =	vst v0  }
0x64: {  	[tilespmem:s24+$0x2030] =	vst v0  }
0x65: {  	[tilespmem:s24+$0x2040] =	vst v0  }
0x66: {  	[tilespmem:s24+$0x2050] =	vst v0  }
0x67: {  	[tilespmem:s24+$0x2060] =	vst v0  }
0x68: {  	[tilespmem:s24+$0x2070] =	vst v0  }
0x69: {  	[tilespmem:s24+$0x2400] =	vst v0  }
0x6a: {  	[tilespmem:s24+$0x2410] =	vst v0  }
0x6b: {  	[tilespmem:s24+$0x2420] =	vst v0  }
0x6c: {  	[tilespmem:s24+$0x2430] =	vst v0  }
0x6d: {  	[tilespmem:s24+$0x2440] =	vst v0  }
0x6e: {  	[tilespmem:s24+$0x2450] =	vst v0  }
0x6f: {  	[tilespmem:s24+$0x2460] =	vst v0  }
0x70: {  	[tilespmem:s24+$0x2470] =	vst v0  }
0x71: {  	[tilespmem:s24+$0x2800] =	vst v0  }
0x72: {  	[tilespmem:s24+$0x2810] =	vst v0  }
0x73: {  	[tilespmem:s24+$0x2820] =	vst v0  }
0x74: {  	[tilespmem:s24+$0x2830] =	vst v0  }
0x75: {  	[tilespmem:s24+$0x2840] =	vst v0  }
0x76: {  	[tilespmem:s24+$0x2850] =	vst v0  }
0x77: {  	[tilespmem:s24+$0x2860] =	vst v0  }
0x78: {  	[tilespmem:s24+$0x2870] =	vst v0  }
0x79: {  	[tilespmem:s24+$0x2C00] =	vst v0  }
0x7a: {  	[tilespmem:s24+$0x2C10] =	vst v0  }
0x7b: {  	[tilespmem:s24+$0x2C20] =	vst v0  }
0x7c: {  	[tilespmem:s24+$0x2C30] =	vst v0  }
0x7d: {  	[tilespmem:s24+$0x2C40] =	vst v0  }
0x7e: {  	[tilespmem:s24+$0x2C50] =	vst v0  }
0x7f: {  	[tilespmem:s24+$0x2C60] =	vst v0  }
0x80: {  	[tilespmem:s24+$0x2C70] =	vst v0  }
0x81: {  	[tilespmem:s24+$0x3000] =	vst v0  }
0x82: {  	[tilespmem:s24+$0x3010] =	vst v0  }
0x83: {  	[tilespmem:s24+$0x3020] =	vst v0  }
0x84: {  	[tilespmem:s24+$0x3030] =	vst v0  }
0x85: {  	[tilespmem:s24+$0x3040] =	vst v0  }
0x86: {  	[tilespmem:s24+$0x3050] =	vst v0  }
0x87: {  	[tilespmem:s24+$0x3060] =	vst v0  }
0x88: {  	[tilespmem:s24+$0x3070] =	vst v0  }
0x89: {  	[tilespmem:s24+$0x3400] =	vst v0  }
0x8a: {  	[tilespmem:s24+$0x3410] =	vst v0  }
0x8b: {  	[tilespmem:s24+$0x3420] =	vst v0  }
0x8c: {  	[tilespmem:s24+$0x3430] =	vst v0  }
0x8d: {  	s25 =	sand.u32 $0x7, s21;
	[tilespmem:s24+$0x3440] =	vst v0  }
0x8e: {  	s25 =	sshll.u32 s25, $0x7;
	[tilespmem:s24+$0x3450] =	vst v0  }
0x8f: {  	[tilespmem:s24+$0x3460] =	vst v0;
	s25 =	sadd.s32 s25, s22  }
0x90: {  	[tilespmem:s24+$0x3470] =	vst v0;
	s24 =	sor.u32 $0x3800, s25  }
0x91: {  	[tilespmem:s24+$0x0] =	vst v0;
	s24 =	sor.u32 $0x3810, s25  }
0x92: {  	[tilespmem:s24+$0x0] =	vst v0;
	s24 =	sor.u32 $0x3820, s25  }
0x93: {  	[tilespmem:s24+$0x0] =	vst v0;
	s24 =	sor.u32 $0x3830, s25  }
0x94: {  	[tilespmem:s24+$0x0] =	vst v0;
	s24 =	sor.u32 $0x3840, s25  }
0x95: {  	[tilespmem:s24+$0x0] =	vst v0;
	s24 =	sor.u32 $0x3850, s25  }
0x96: {  	[tilespmem:s24+$0x0] =	vst v0;
	s24 =	sor.u32 $0x3860, s25  }
0x97: {  	[tilespmem:s24+$0x0] =	vst v0;
	s24 =	sor.u32 $0x3870, s25  }
0x98: {  	[tilespmem:s24+$0x0] =	vst v0;
	s24 =	sor.u32 $0x3C00, s25  }
0x99: {  	[tilespmem:s24+$0x0] =	vst v0;
	s24 =	sor.u32 $0x3C10, s25  }
0x9a: {  	[tilespmem:s24+$0x0] =	vst v0;
	s24 =	sor.u32 $0x3C20, s25  }
0x9b: {  	p0 =	sne.s32 s23, $0x780;
	[tilespmem:s24+$0x0] =	vst v0;
	s24 =	sor.u32 $0x3C30, s25  }
.Ltmp0:
0x9c: {  	[tilespmem:s24+$0x0] =	vst v0;
	s24 =	sor.u32 $0x3C40, s25;
	(pc) =	sbr.rel @p0 .LBB2_2-.Ltmp0, $4  }
0x9d: {  	[tilespmem:s24+$0x0] =	vst v0;
	s24 =	sor.u32 $0x3C50, s25  }
0x9e: {  	[tilespmem:s24+$0x0] =	vst v0;
	s24 =	sor.u32 $0x3C60, s25  }
0x9f: {  	s17 =	sadd.s32 $0x800, s17;
	s3 =	sadd.s32 $0x1, s3;
	s25 =	sor.u32 $0x3C70, s25;
	[tilespmem:s24+$0x0] =	vst v0  }
0xa0: {  	s23 =	sadd.s32 $0x80, s23;
	s21 =	sadd.s32 $0x1, s21;
	s22 =	sadd.s32 $0x800, s22;
	[tilespmem:s25+$0x0] =	vst v0  }
0xa1: {  	s17 =	simm.s32 $0x0;
	s3 =	rddreg [dreg:$0x2]  }
0xa2: {  	[hbm4b:s4+s17] =	stream.linear.scatter [tilespmem:s17], [sflag:$0x1], $0x8000, $0x38;
	[tilespmem:$0x10000] =	vst v63  }
0xa3: {  	s25 =	rddreg [dreg:$0x3]  }
0xa4: {  	[hbm4b:s3+s17] =	stream.linear.scatter [tilespmem:s17], [sflag:$0x1], $0x8000, $0x38;
	[tilespmem:$0x10000] =	vst v63  }
0xa5: {  	s21 =	rddreg [dreg:$0x4]  }
0xa6: {  	[hbm4b:s25+s17] =	stream.linear.scatter [tilespmem:s17], [sflag:$0x1], $0x8000, $0x38;
	[tilespmem:$0x10000] =	vst v63  }
0xa7: {  	s22 =	rddreg [dreg:$0x5]  }
0xa8: {  	[hbm4b:s21+s17] =	stream.linear.scatter [tilespmem:s17], [sflag:$0x1], $0x8000, $0x38;
	[tilespmem:$0x10000] =	vst v63  }
0xa9: {  	s23 =	rddreg [dreg:$0x6]  }
0xaa: {  	[hbm4b:s22+s17] =	stream.linear.scatter [tilespmem:s17], [sflag:$0x1], $0x8000, $0x38;
	[tilespmem:$0x10000] =	vst v63  }
0xab: {  	s24 =	rddreg [dreg:$0x7]  }
0xac: {  	[hbm4b:s23+s17] =	stream.linear.scatter [tilespmem:s17], [sflag:$0x1], $0x8000, $0x38;
	[tilespmem:$0x10000] =	vst v63  }
0xad: {  	s3 =	simm.s32 $0xFFFF8000;
	s25 =	rddreg [dreg:$0x8]  }
0xae: {  	[hbm4b:s24+s17] =	stream.linear.scatter [tilespmem:s17], [sflag:$0x1], $0x8000, $0x38;
	[tilespmem:$0x10000] =	vst v63  }
0xaf: {  	s21 =	smov.u32 s10;
	s22 =	simm.s32 $0x0;
	s23 =	simm.s32 $0x0  }
0xb0: {  	[hbm4b:s25+s17] =	stream.linear.scatter [tilespmem:s17], [sflag:$0x1], $0x8000, $0x38;
	[tilespmem:$0x10000] =	vst v63  }
.LBB2_4:
0xb1: {  	s24 =	sadd.s32 $0x8000, s3  }
0xb2: {  	s25 =	sand.u32 $0x380, s23;
	s24 =	sand.u32 $0x4000, s24  }
0xb3: {  	v0 =	vmov s21;
	s24 =	sor.u32 s25, s24  }
0xb4: {  	[tilespmem:s24+$0x8000] =	vst v0  }
0xb5: {  	[tilespmem:s24+$0x8010] =	vst v0  }
0xb6: {  	[tilespmem:s24+$0x8020] =	vst v0  }
0xb7: {  	[tilespmem:s24+$0x8030] =	vst v0  }
0xb8: {  	[tilespmem:s24+$0x8040] =	vst v0  }
0xb9: {  	[tilespmem:s24+$0x8050] =	vst v0  }
0xba: {  	[tilespmem:s24+$0x8060] =	vst v0  }
0xbb: {  	[tilespmem:s24+$0x8070] =	vst v0  }
0xbc: {  	[tilespmem:s24+$0x8400] =	vst v0  }
0xbd: {  	[tilespmem:s24+$0x8410] =	vst v0  }
0xbe: {  	[tilespmem:s24+$0x8420] =	vst v0  }
0xbf: {  	[tilespmem:s24+$0x8430] =	vst v0  }
0xc0: {  	[tilespmem:s24+$0x8440] =	vst v0  }
0xc1: {  	[tilespmem:s24+$0x8450] =	vst v0  }
0xc2: {  	[tilespmem:s24+$0x8460] =	vst v0  }
0xc3: {  	[tilespmem:s24+$0x8470] =	vst v0  }
0xc4: {  	[tilespmem:s24+$0x8800] =	vst v0  }
0xc5: {  	[tilespmem:s24+$0x8810] =	vst v0  }
0xc6: {  	[tilespmem:s24+$0x8820] =	vst v0  }
0xc7: {  	[tilespmem:s24+$0x8830] =	vst v0  }
0xc8: {  	[tilespmem:s24+$0x8840] =	vst v0  }
0xc9: {  	[tilespmem:s24+$0x8850] =	vst v0  }
0xca: {  	[tilespmem:s24+$0x8860] =	vst v0  }
0xcb: {  	[tilespmem:s24+$0x8870] =	vst v0  }
0xcc: {  	[tilespmem:s24+$0x8C00] =	vst v0  }
0xcd: {  	[tilespmem:s24+$0x8C10] =	vst v0  }
0xce: {  	[tilespmem:s24+$0x8C20] =	vst v0  }
0xcf: {  	[tilespmem:s24+$0x8C30] =	vst v0  }
0xd0: {  	[tilespmem:s24+$0x8C40] =	vst v0  }
0xd1: {  	[tilespmem:s24+$0x8C50] =	vst v0  }
0xd2: {  	[tilespmem:s24+$0x8C60] =	vst v0  }
0xd3: {  	[tilespmem:s24+$0x8C70] =	vst v0  }
0xd4: {  	[tilespmem:s24+$0x9000] =	vst v0  }
0xd5: {  	[tilespmem:s24+$0x9010] =	vst v0  }
0xd6: {  	[tilespmem:s24+$0x9020] =	vst v0  }
0xd7: {  	[tilespmem:s24+$0x9030] =	vst v0  }
0xd8: {  	[tilespmem:s24+$0x9040] =	vst v0  }
0xd9: {  	[tilespmem:s24+$0x9050] =	vst v0  }
0xda: {  	[tilespmem:s24+$0x9060] =	vst v0  }
0xdb: {  	[tilespmem:s24+$0x9070] =	vst v0  }
0xdc: {  	[tilespmem:s24+$0x9400] =	vst v0  }
0xdd: {  	[tilespmem:s24+$0x9410] =	vst v0  }
0xde: {  	[tilespmem:s24+$0x9420] =	vst v0  }
0xdf: {  	[tilespmem:s24+$0x9430] =	vst v0  }
0xe0: {  	[tilespmem:s24+$0x9440] =	vst v0  }
0xe1: {  	[tilespmem:s24+$0x9450] =	vst v0  }
0xe2: {  	[tilespmem:s24+$0x9460] =	vst v0  }
0xe3: {  	[tilespmem:s24+$0x9470] =	vst v0  }
0xe4: {  	[tilespmem:s24+$0x9800] =	vst v0  }
0xe5: {  	[tilespmem:s24+$0x9810] =	vst v0  }
0xe6: {  	[tilespmem:s24+$0x9820] =	vst v0  }
0xe7: {  	[tilespmem:s24+$0x9830] =	vst v0  }
0xe8: {  	[tilespmem:s24+$0x9840] =	vst v0  }
0xe9: {  	[tilespmem:s24+$0x9850] =	vst v0  }
0xea: {  	[tilespmem:s24+$0x9860] =	vst v0  }
0xeb: {  	[tilespmem:s24+$0x9870] =	vst v0  }
0xec: {  	[tilespmem:s24+$0x9C00] =	vst v0  }
0xed: {  	[tilespmem:s24+$0x9C10] =	vst v0  }
0xee: {  	[tilespmem:s24+$0x9C20] =	vst v0  }
0xef: {  	[tilespmem:s24+$0x9C30] =	vst v0  }
0xf0: {  	[tilespmem:s24+$0x9C40] =	vst v0  }
0xf1: {  	[tilespmem:s24+$0x9C50] =	vst v0  }
0xf2: {  	[tilespmem:s24+$0x9C60] =	vst v0  }
0xf3: {  	[tilespmem:s24+$0x9C70] =	vst v0  }
0xf4: {  	[tilespmem:s24+$0xA000] =	vst v0  }
0xf5: {  	[tilespmem:s24+$0xA010] =	vst v0  }
0xf6: {  	[tilespmem:s24+$0xA020] =	vst v0  }
0xf7: {  	[tilespmem:s24+$0xA030] =	vst v0  }
0xf8: {  	[tilespmem:s24+$0xA040] =	vst v0  }
0xf9: {  	[tilespmem:s24+$0xA050] =	vst v0  }
0xfa: {  	[tilespmem:s24+$0xA060] =	vst v0  }
0xfb: {  	[tilespmem:s24+$0xA070] =	vst v0  }
0xfc: {  	[tilespmem:s24+$0xA400] =	vst v0  }
0xfd: {  	[tilespmem:s24+$0xA410] =	vst v0  }
0xfe: {  	[tilespmem:s24+$0xA420] =	vst v0  }
0xff: {  	[tilespmem:s24+$0xA430] =	vst v0  }
0x100: {  	[tilespmem:s24+$0xA440] =	vst v0  }
0x101: {  	[tilespmem:s24+$0xA450] =	vst v0  }
0x102: {  	[tilespmem:s24+$0xA460] =	vst v0  }
0x103: {  	[tilespmem:s24+$0xA470] =	vst v0  }
0x104: {  	[tilespmem:s24+$0xA800] =	vst v0  }
0x105: {  	[tilespmem:s24+$0xA810] =	vst v0  }
0x106: {  	[tilespmem:s24+$0xA820] =	vst v0  }
0x107: {  	[tilespmem:s24+$0xA830] =	vst v0  }
0x108: {  	[tilespmem:s24+$0xA840] =	vst v0  }
0x109: {  	[tilespmem:s24+$0xA850] =	vst v0  }
0x10a: {  	[tilespmem:s24+$0xA860] =	vst v0  }
0x10b: {  	[tilespmem:s24+$0xA870] =	vst v0  }
0x10c: {  	[tilespmem:s24+$0xAC00] =	vst v0  }
0x10d: {  	[tilespmem:s24+$0xAC10] =	vst v0  }
0x10e: {  	[tilespmem:s24+$0xAC20] =	vst v0  }
0x10f: {  	[tilespmem:s24+$0xAC30] =	vst v0  }
0x110: {  	[tilespmem:s24+$0xAC40] =	vst v0  }
0x111: {  	[tilespmem:s24+$0xAC50] =	vst v0  }
0x112: {  	[tilespmem:s24+$0xAC60] =	vst v0  }
0x113: {  	[tilespmem:s24+$0xAC70] =	vst v0  }
0x114: {  	[tilespmem:s24+$0xB000] =	vst v0  }
0x115: {  	[tilespmem:s24+$0xB010] =	vst v0  }
0x116: {  	[tilespmem:s24+$0xB020] =	vst v0  }
0x117: {  	[tilespmem:s24+$0xB030] =	vst v0  }
0x118: {  	[tilespmem:s24+$0xB040] =	vst v0  }
0x119: {  	[tilespmem:s24+$0xB050] =	vst v0  }
0x11a: {  	[tilespmem:s24+$0xB060] =	vst v0  }
0x11b: {  	[tilespmem:s24+$0xB070] =	vst v0  }
0x11c: {  	[tilespmem:s24+$0xB400] =	vst v0  }
0x11d: {  	[tilespmem:s24+$0xB410] =	vst v0  }
0x11e: {  	[tilespmem:s24+$0xB420] =	vst v0  }
0x11f: {  	[tilespmem:s24+$0xB430] =	vst v0  }
0x120: {  	s25 =	sand.u32 $0x7, s17;
	[tilespmem:s24+$0xB440] =	vst v0  }
0x121: {  	s25 =	sshll.u32 s25, $0x7;
	[tilespmem:s24+$0xB450] =	vst v0  }
0x122: {  	[tilespmem:s24+$0xB460] =	vst v0;
	s25 =	sadd.s32 s25, s22  }
0x123: {  	[tilespmem:s24+$0xB470] =	vst v0;
	s24 =	sor.u32 $0x3800, s25  }
0x124: {  	[tilespmem:s24+$0x8000] =	vst v0;
	s24 =	sor.u32 $0x3810, s25  }
0x125: {  	[tilespmem:s24+$0x8000] =	vst v0;
	s24 =	sor.u32 $0x3820, s25  }
0x126: {  	[tilespmem:s24+$0x8000] =	vst v0;
	s24 =	sor.u32 $0x3830, s25  }
0x127: {  	[tilespmem:s24+$0x8000] =	vst v0;
	s24 =	sor.u32 $0x3840, s25  }
0x128: {  	[tilespmem:s24+$0x8000] =	vst v0;
	s24 =	sor.u32 $0x3850, s25  }
0x129: {  	[tilespmem:s24+$0x8000] =	vst v0;
	s24 =	sor.u32 $0x3860, s25  }
0x12a: {  	[tilespmem:s24+$0x8000] =	vst v0;
	s24 =	sor.u32 $0x3870, s25  }
0x12b: {  	[tilespmem:s24+$0x8000] =	vst v0;
	s24 =	sor.u32 $0x3C00, s25  }
0x12c: {  	[tilespmem:s24+$0x8000] =	vst v0;
	s24 =	sor.u32 $0x3C10, s25  }
0x12d: {  	[tilespmem:s24+$0x8000] =	vst v0;
	s24 =	sor.u32 $0x3C20, s25  }
0x12e: {  	p0 =	sne.s32 s23, $0x780;
	[tilespmem:s24+$0x8000] =	vst v0;
	s24 =	sor.u32 $0x3C30, s25  }
.Ltmp1:
0x12f: {  	[tilespmem:s24+$0x8000] =	vst v0;
	s24 =	sor.u32 $0x3C40, s25;
	(pc) =	sbr.rel @p0 .LBB2_4-.Ltmp1, $4  }
0x130: {  	[tilespmem:s24+$0x8000] =	vst v0;
	s24 =	sor.u32 $0x3C50, s25  }
0x131: {  	[tilespmem:s24+$0x8000] =	vst v0;
	s24 =	sor.u32 $0x3C60, s25  }
0x132: {  	s3 =	sadd.s32 $0x800, s3;
	s21 =	sadd.s32 $0x1, s21;
	s25 =	sor.u32 $0x3C70, s25;
	[tilespmem:s24+$0x8000] =	vst v0  }
0x133: {  	s23 =	sadd.s32 $0x80, s23;
	s17 =	sadd.s32 $0x1, s17;
	s22 =	sadd.s32 $0x800, s22;
	[tilespmem:s25+$0x8000] =	vst v0  }
0x134: {  	s17 =	simm.s32 $0x0;
	s3 =	rddreg [dreg:$0x9]  }
0x135: {  	[hbm4b:s3+s17] =	stream.linear.scatter [tilespmem:s13], [sflag:$0x2], $0x8000, $0x38;
	[tilespmem:$0x10000] =	vst v63  }
0x136: {  	s24 =	rddreg [dreg:$0xa]  }
0x137: {  	[hbm4b:s24+s17] =	stream.linear.scatter [tilespmem:s13], [sflag:$0x2], $0x8000, $0x38;
	[tilespmem:$0x10000] =	vst v63  }
0x138: {  	s25 =	rddreg [dreg:$0xb]  }
0x139: {  	[hbm4b:s25+s17] =	stream.linear.scatter [tilespmem:s13], [sflag:$0x2], $0x8000, $0x38;
	[tilespmem:$0x10000] =	vst v63  }
0x13a: {  	s21 =	rddreg [dreg:$0xc]  }
0x13b: {  	[hbm4b:s21+s17] =	stream.linear.scatter [tilespmem:s13], [sflag:$0x2], $0x8000, $0x38;
	[tilespmem:$0x10000] =	vst v63  }
0x13c: {  	s22 =	rddreg [dreg:$0xd]  }
0x13d: {  	[hbm4b:s22+s17] =	stream.linear.scatter [tilespmem:s13], [sflag:$0x2], $0x8000, $0x38;
	[tilespmem:$0x10000] =	vst v63  }
0x13e: {  	s23 =	rddreg [dreg:$0xe]  }
0x13f: {  	[hbm4b:s23+s17] =	stream.linear.scatter [tilespmem:s13], [sflag:$0x2], $0x8000, $0x38;
	[tilespmem:$0x10000] =	vst v63  }
0x140: {  	s24 =	rddreg [dreg:$0xf]  }
0x141: {  	[hbm4b:s24+s17] =	stream.linear.scatter [tilespmem:s13], [sflag:$0x2], $0x8000, $0x38;
	[tilespmem:$0x10000] =	vst v63  }
0x142: {  	s25 =	rddreg [dreg:$0x12]  }
0x143: {  	[hbm4b:s25+s17] =	stream.linear.scatter [tilespmem:s13], [sflag:$0x2], $0x8000, $0x38;
	[tilespmem:$0x10000] =	vst v63  }
0x144: {  	_ =	swait.ge [sflag:s14], $0x8000  }
0x145: {  	[sflag:s14] =	ssyncset.done $0x0  }
0x146: {  	[sflag:s14] =	ssyncadd.s32 $0xFFFF8000  }
0x147: {  	_ =	swait.ge [sflag:s14], $0x8000  }
0x148: {  	[sflag:s14] =	ssyncset.done $0x0  }
0x149: {  	[sflag:s14] =	ssyncadd.s32 $0xFFFF8000  }
0x14a: {  	_ =	swait.ge [sflag:s14], $0x8000  }
0x14b: {  	[sflag:s14] =	ssyncset.done $0x0  }
0x14c: {  	[sflag:s14] =	ssyncadd.s32 $0xFFFF8000  }
0x14d: {  	_ =	swait.ge [sflag:s14], $0x8000  }
0x14e: {  	[sflag:s14] =	ssyncset.done $0x0  }
0x14f: {  	[sflag:s14] =	ssyncadd.s32 $0xFFFF8000  }
0x150: {  	_ =	swait.ge [sflag:s14], $0x8000  }
0x151: {  	[sflag:s14] =	ssyncset.done $0x0  }
0x152: {  	[sflag:s14] =	ssyncadd.s32 $0xFFFF8000  }
0x153: {  	_ =	swait.ge [sflag:s14], $0x8000  }
0x154: {  	[sflag:s14] =	ssyncset.done $0x0  }
0x155: {  	[sflag:s14] =	ssyncadd.s32 $0xFFFF8000  }
0x156: {  	_ =	swait.ge [sflag:s14], $0x8000  }
0x157: {  	[sflag:s14] =	ssyncset.done $0x0  }
0x158: {  	[sflag:s14] =	ssyncadd.s32 $0xFFFF8000  }
0x159: {  	_ =	swait.ge [sflag:s14], $0x8000  }
0x15a: {  	s3 =	simm.s32 $0xFFFF8000;
	s21 =	smov.u32 s18;
	[sflag:s14] =	ssyncset.done $0x0  }
0x15b: {  	s22 =	simm.s32 $0x0;
	s23 =	simm.s32 $0x0;
	[sflag:s14] =	ssyncadd.s32 $0xFFFF8000  }
.LBB2_6:
0x15c: {  	s24 =	sadd.s32 $0x8000, s3  }
0x15d: {  	s25 =	sand.u32 $0x380, s23;
	s24 =	sand.u32 $0x4000, s24  }
0x15e: {  	v0 =	vmov s21;
	s24 =	sor.u32 s25, s24  }
0x15f: {  	[tilespmem:s24+$0x0] =	vst v0  }
0x160: {  	[tilespmem:s24+$0x10] =	vst v0  }
0x161: {  	[tilespmem:s24+$0x20] =	vst v0  }
0x162: {  	[tilespmem:s24+$0x30] =	vst v0  }
0x163: {  	[tilespmem:s24+$0x40] =	vst v0  }
0x164: {  	[tilespmem:s24+$0x50] =	vst v0  }
0x165: {  	[tilespmem:s24+$0x60] =	vst v0  }
0x166: {  	[tilespmem:s24+$0x70] =	vst v0  }
0x167: {  	[tilespmem:s24+$0x400] =	vst v0  }
0x168: {  	[tilespmem:s24+$0x410] =	vst v0  }
0x169: {  	[tilespmem:s24+$0x420] =	vst v0  }
0x16a: {  	[tilespmem:s24+$0x430] =	vst v0  }
0x16b: {  	[tilespmem:s24+$0x440] =	vst v0  }
0x16c: {  	[tilespmem:s24+$0x450] =	vst v0  }
0x16d: {  	[tilespmem:s24+$0x460] =	vst v0  }
0x16e: {  	[tilespmem:s24+$0x470] =	vst v0  }
0x16f: {  	[tilespmem:s24+$0x800] =	vst v0  }
0x170: {  	[tilespmem:s24+$0x810] =	vst v0  }
0x171: {  	[tilespmem:s24+$0x820] =	vst v0  }
0x172: {  	[tilespmem:s24+$0x830] =	vst v0  }
0x173: {  	[tilespmem:s24+$0x840] =	vst v0  }
0x174: {  	[tilespmem:s24+$0x850] =	vst v0  }
0x175: {  	[tilespmem:s24+$0x860] =	vst v0  }
0x176: {  	[tilespmem:s24+$0x870] =	vst v0  }
0x177: {  	[tilespmem:s24+$0xC00] =	vst v0  }
0x178: {  	[tilespmem:s24+$0xC10] =	vst v0  }
0x179: {  	[tilespmem:s24+$0xC20] =	vst v0  }
0x17a: {  	[tilespmem:s24+$0xC30] =	vst v0  }
0x17b: {  	[tilespmem:s24+$0xC40] =	vst v0  }
0x17c: {  	[tilespmem:s24+$0xC50] =	vst v0  }
0x17d: {  	[tilespmem:s24+$0xC60] =	vst v0  }
0x17e: {  	[tilespmem:s24+$0xC70] =	vst v0  }
0x17f: {  	[tilespmem:s24+$0x1000] =	vst v0  }
0x180: {  	[tilespmem:s24+$0x1010] =	vst v0  }
0x181: {  	[tilespmem:s24+$0x1020] =	vst v0  }
0x182: {  	[tilespmem:s24+$0x1030] =	vst v0  }
0x183: {  	[tilespmem:s24+$0x1040] =	vst v0  }
0x184: {  	[tilespmem:s24+$0x1050] =	vst v0  }
0x185: {  	[tilespmem:s24+$0x1060] =	vst v0  }
0x186: {  	[tilespmem:s24+$0x1070] =	vst v0  }
0x187: {  	[tilespmem:s24+$0x1400] =	vst v0  }
0x188: {  	[tilespmem:s24+$0x1410] =	vst v0  }
0x189: {  	[tilespmem:s24+$0x1420] =	vst v0  }
0x18a: {  	[tilespmem:s24+$0x1430] =	vst v0  }
0x18b: {  	[tilespmem:s24+$0x1440] =	vst v0  }
0x18c: {  	[tilespmem:s24+$0x1450] =	vst v0  }
0x18d: {  	[tilespmem:s24+$0x1460] =	vst v0  }
0x18e: {  	[tilespmem:s24+$0x1470] =	vst v0  }
0x18f: {  	[tilespmem:s24+$0x1800] =	vst v0  }
0x190: {  	[tilespmem:s24+$0x1810] =	vst v0  }
0x191: {  	[tilespmem:s24+$0x1820] =	vst v0  }
0x192: {  	[tilespmem:s24+$0x1830] =	vst v0  }
0x193: {  	[tilespmem:s24+$0x1840] =	vst v0  }
0x194: {  	[tilespmem:s24+$0x1850] =	vst v0  }
0x195: {  	[tilespmem:s24+$0x1860] =	vst v0  }
0x196: {  	[tilespmem:s24+$0x1870] =	vst v0  }
0x197: {  	[tilespmem:s24+$0x1C00] =	vst v0  }
0x198: {  	[tilespmem:s24+$0x1C10] =	vst v0  }
0x199: {  	[tilespmem:s24+$0x1C20] =	vst v0  }
0x19a: {  	[tilespmem:s24+$0x1C30] =	vst v0  }
0x19b: {  	[tilespmem:s24+$0x1C40] =	vst v0  }
0x19c: {  	[tilespmem:s24+$0x1C50] =	vst v0  }
0x19d: {  	[tilespmem:s24+$0x1C60] =	vst v0  }
0x19e: {  	[tilespmem:s24+$0x1C70] =	vst v0  }
0x19f: {  	[tilespmem:s24+$0x2000] =	vst v0  }
0x1a0: {  	[tilespmem:s24+$0x2010] =	vst v0  }
0x1a1: {  	[tilespmem:s24+$0x2020] =	vst v0  }
0x1a2: {  	[tilespmem:s24+$0x2030] =	vst v0  }
0x1a3: {  	[tilespmem:s24+$0x2040] =	vst v0  }
0x1a4: {  	[tilespmem:s24+$0x2050] =	vst v0  }
0x1a5: {  	[tilespmem:s24+$0x2060] =	vst v0  }
0x1a6: {  	[tilespmem:s24+$0x2070] =	vst v0  }
0x1a7: {  	[tilespmem:s24+$0x2400] =	vst v0  }
0x1a8: {  	[tilespmem:s24+$0x2410] =	vst v0  }
0x1a9: {  	[tilespmem:s24+$0x2420] =	vst v0  }
0x1aa: {  	[tilespmem:s24+$0x2430] =	vst v0  }
0x1ab: {  	[tilespmem:s24+$0x2440] =	vst v0  }
0x1ac: {  	[tilespmem:s24+$0x2450] =	vst v0  }
0x1ad: {  	[tilespmem:s24+$0x2460] =	vst v0  }
0x1ae: {  	[tilespmem:s24+$0x2470] =	vst v0  }
0x1af: {  	[tilespmem:s24+$0x2800] =	vst v0  }
0x1b0: {  	[tilespmem:s24+$0x2810] =	vst v0  }
0x1b1: {  	[tilespmem:s24+$0x2820] =	vst v0  }
0x1b2: {  	[tilespmem:s24+$0x2830] =	vst v0  }
0x1b3: {  	[tilespmem:s24+$0x2840] =	vst v0  }
0x1b4: {  	[tilespmem:s24+$0x2850] =	vst v0  }
0x1b5: {  	[tilespmem:s24+$0x2860] =	vst v0  }
0x1b6: {  	[tilespmem:s24+$0x2870] =	vst v0  }
0x1b7: {  	[tilespmem:s24+$0x2C00] =	vst v0  }
0x1b8: {  	[tilespmem:s24+$0x2C10] =	vst v0  }
0x1b9: {  	[tilespmem:s24+$0x2C20] =	vst v0  }
0x1ba: {  	[tilespmem:s24+$0x2C30] =	vst v0  }
0x1bb: {  	[tilespmem:s24+$0x2C40] =	vst v0  }
0x1bc: {  	[tilespmem:s24+$0x2C50] =	vst v0  }
0x1bd: {  	[tilespmem:s24+$0x2C60] =	vst v0  }
0x1be: {  	[tilespmem:s24+$0x2C70] =	vst v0  }
0x1bf: {  	[tilespmem:s24+$0x3000] =	vst v0  }
0x1c0: {  	[tilespmem:s24+$0x3010] =	vst v0  }
0x1c1: {  	[tilespmem:s24+$0x3020] =	vst v0  }
0x1c2: {  	[tilespmem:s24+$0x3030] =	vst v0  }
0x1c3: {  	[tilespmem:s24+$0x3040] =	vst v0  }
0x1c4: {  	[tilespmem:s24+$0x3050] =	vst v0  }
0x1c5: {  	[tilespmem:s24+$0x3060] =	vst v0  }
0x1c6: {  	[tilespmem:s24+$0x3070] =	vst v0  }
0x1c7: {  	[tilespmem:s24+$0x3400] =	vst v0  }
0x1c8: {  	[tilespmem:s24+$0x3410] =	vst v0  }
0x1c9: {  	[tilespmem:s24+$0x3420] =	vst v0  }
0x1ca: {  	[tilespmem:s24+$0x3430] =	vst v0  }
0x1cb: {  	s25 =	sand.u32 $0x7, s17;
	[tilespmem:s24+$0x3440] =	vst v0  }
0x1cc: {  	s25 =	sshll.u32 s25, $0x7;
	[tilespmem:s24+$0x3450] =	vst v0  }
0x1cd: {  	[tilespmem:s24+$0x3460] =	vst v0;
	s25 =	sadd.s32 s25, s22  }
0x1ce: {  	[tilespmem:s24+$0x3470] =	vst v0;
	s24 =	sor.u32 $0x3800, s25  }
0x1cf: {  	[tilespmem:s24+$0x0] =	vst v0;
	s24 =	sor.u32 $0x3810, s25  }
0x1d0: {  	[tilespmem:s24+$0x0] =	vst v0;
	s24 =	sor.u32 $0x3820, s25  }
0x1d1: {  	[tilespmem:s24+$0x0] =	vst v0;
	s24 =	sor.u32 $0x3830, s25  }
0x1d2: {  	[tilespmem:s24+$0x0] =	vst v0;
	s24 =	sor.u32 $0x3840, s25  }
0x1d3: {  	[tilespmem:s24+$0x0] =	vst v0;
	s24 =	sor.u32 $0x3850, s25  }
0x1d4: {  	[tilespmem:s24+$0x0] =	vst v0;
	s24 =	sor.u32 $0x3860, s25  }
0x1d5: {  	[tilespmem:s24+$0x0] =	vst v0;
	s24 =	sor.u32 $0x3870, s25  }
0x1d6: {  	[tilespmem:s24+$0x0] =	vst v0;
	s24 =	sor.u32 $0x3C00, s25  }
0x1d7: {  	[tilespmem:s24+$0x0] =	vst v0;
	s24 =	sor.u32 $0x3C10, s25  }
0x1d8: {  	[tilespmem:s24+$0x0] =	vst v0;
	s24 =	sor.u32 $0x3C20, s25  }
0x1d9: {  	p0 =	sne.s32 s23, $0x780;
	[tilespmem:s24+$0x0] =	vst v0;
	s24 =	sor.u32 $0x3C30, s25  }
.Ltmp2:
0x1da: {  	[tilespmem:s24+$0x0] =	vst v0;
	s24 =	sor.u32 $0x3C40, s25;
	(pc) =	sbr.rel @p0 .LBB2_6-.Ltmp2, $4  }
0x1db: {  	[tilespmem:s24+$0x0] =	vst v0;
	s24 =	sor.u32 $0x3C50, s25  }
0x1dc: {  	[tilespmem:s24+$0x0] =	vst v0;
	s24 =	sor.u32 $0x3C60, s25  }
0x1dd: {  	s3 =	sadd.s32 $0x800, s3;
	s21 =	sadd.s32 $0x1, s21;
	s25 =	sor.u32 $0x3C70, s25;
	[tilespmem:s24+$0x0] =	vst v0  }
0x1de: {  	s23 =	sadd.s32 $0x80, s23;
	s17 =	sadd.s32 $0x1, s17;
	s22 =	sadd.s32 $0x800, s22;
	[tilespmem:s25+$0x0] =	vst v0  }
0x1df: {  	s17 =	simm.s32 $0x0;
	s3 =	rddreg [dreg:$0x10]  }
0x1e0: {  	[hbm4b:s3+s17] =	stream.linear.scatter [tilespmem:s17], [sflag:$0x1], $0x8000, $0x38;
	[tilespmem:$0x10000] =	vst v63  }
0x1e1: {  	_ = 	snop  }
0x1e2: {  	[hbm4b:s26+s17] =	stream.linear.scatter [tilespmem:s17], [sflag:$0x1], $0x8000, $0x38;
	[tilespmem:$0x10000] =	vst v63  }
0x1e3: {  	_ = 	snop  }
0x1e4: {  	[hbm4b:s28+s17] =	stream.linear.scatter [tilespmem:s17], [sflag:$0x1], $0x8000, $0x38;
	[tilespmem:$0x10000] =	vst v63  }
0x1e5: {  	_ = 	snop  }
0x1e6: {  	[hbm4b:s29+s17] =	stream.linear.scatter [tilespmem:s17], [sflag:$0x1], $0x8000, $0x38;
	[tilespmem:$0x10000] =	vst v63  }
0x1e7: {  	_ = 	snop  }
0x1e8: {  	[hbm4b:s30+s17] =	stream.linear.scatter [tilespmem:s17], [sflag:$0x1], $0x8000, $0x38;
	[tilespmem:$0x10000] =	vst v63  }
0x1e9: {  	_ = 	snop  }
0x1ea: {  	[hbm4b:s31+s17] =	stream.linear.scatter [tilespmem:s17], [sflag:$0x1], $0x8000, $0x38;
	[tilespmem:$0x10000] =	vst v63  }
0x1eb: {  	_ = 	snop  }
0x1ec: {  	[hbm4b:s0+s17] =	stream.linear.scatter [tilespmem:s17], [sflag:$0x1], $0x8000, $0x38;
	[tilespmem:$0x10000] =	vst v63  }
0x1ed: {  	_ = 	snop  }
0x1ee: {  	[hbm4b:s1+s17] =	stream.linear.scatter [tilespmem:s17], [sflag:$0x1], $0x8000, $0x38;
	[tilespmem:$0x10000] =	vst v63  }
0x1ef: {  	_ =	swait.ge [sflag:s15], $0x8000  }
0x1f0: {  	[sflag:s15] =	ssyncset.done $0x0  }
0x1f1: {  	[sflag:s15] =	ssyncadd.s32 $0xFFFF8000  }
0x1f2: {  	_ =	swait.ge [sflag:s15], $0x8000  }
0x1f3: {  	[sflag:s15] =	ssyncset.done $0x0  }
0x1f4: {  	[sflag:s15] =	ssyncadd.s32 $0xFFFF8000  }
0x1f5: {  	_ =	swait.ge [sflag:s15], $0x8000  }
0x1f6: {  	[sflag:s15] =	ssyncset.done $0x0  }
0x1f7: {  	[sflag:s15] =	ssyncadd.s32 $0xFFFF8000  }
0x1f8: {  	_ =	swait.ge [sflag:s15], $0x8000  }
0x1f9: {  	[sflag:s15] =	ssyncset.done $0x0  }
0x1fa: {  	[sflag:s15] =	ssyncadd.s32 $0xFFFF8000  }
0x1fb: {  	_ =	swait.ge [sflag:s15], $0x8000  }
0x1fc: {  	[sflag:s15] =	ssyncset.done $0x0  }
0x1fd: {  	[sflag:s15] =	ssyncadd.s32 $0xFFFF8000  }
0x1fe: {  	_ =	swait.ge [sflag:s15], $0x8000  }
0x1ff: {  	[sflag:s15] =	ssyncset.done $0x0  }
0x200: {  	[sflag:s15] =	ssyncadd.s32 $0xFFFF8000  }
0x201: {  	_ =	swait.ge [sflag:s15], $0x8000  }
0x202: {  	[sflag:s15] =	ssyncset.done $0x0  }
0x203: {  	[sflag:s15] =	ssyncadd.s32 $0xFFFF8000  }
0x204: {  	_ =	swait.ge [sflag:s15], $0x8000  }
0x205: {  	s21 =	smov.u32 s20;
	s22 =	simm.s32 $0x0;
	[sflag:s15] =	ssyncset.done $0x0  }
0x206: {  	s23 =	simm.s32 $0x0;
	s3 =	simm.s32 $0xFFFF8000;
	[sflag:s15] =	ssyncadd.s32 $0xFFFF8000  }
.LBB2_8:
0x207: {  	s24 =	sadd.s32 $0x8000, s3  }
0x208: {  	s25 =	sand.u32 $0x380, s23;
	s24 =	sand.u32 $0x4000, s24  }
0x209: {  	v0 =	vmov s21;
	s24 =	sor.u32 s25, s24  }
0x20a: {  	[tilespmem:s24+$0x8000] =	vst v0  }
0x20b: {  	[tilespmem:s24+$0x8010] =	vst v0  }
0x20c: {  	[tilespmem:s24+$0x8020] =	vst v0  }
0x20d: {  	[tilespmem:s24+$0x8030] =	vst v0  }
0x20e: {  	[tilespmem:s24+$0x8040] =	vst v0  }
0x20f: {  	[tilespmem:s24+$0x8050] =	vst v0  }
0x210: {  	[tilespmem:s24+$0x8060] =	vst v0  }
0x211: {  	[tilespmem:s24+$0x8070] =	vst v0  }
0x212: {  	[tilespmem:s24+$0x8400] =	vst v0  }
0x213: {  	[tilespmem:s24+$0x8410] =	vst v0  }
0x214: {  	[tilespmem:s24+$0x8420] =	vst v0  }
0x215: {  	[tilespmem:s24+$0x8430] =	vst v0  }
0x216: {  	[tilespmem:s24+$0x8440] =	vst v0  }
0x217: {  	[tilespmem:s24+$0x8450] =	vst v0  }
0x218: {  	[tilespmem:s24+$0x8460] =	vst v0  }
0x219: {  	[tilespmem:s24+$0x8470] =	vst v0  }
0x21a: {  	[tilespmem:s24+$0x8800] =	vst v0  }
0x21b: {  	[tilespmem:s24+$0x8810] =	vst v0  }
0x21c: {  	[tilespmem:s24+$0x8820] =	vst v0  }
0x21d: {  	[tilespmem:s24+$0x8830] =	vst v0  }
0x21e: {  	[tilespmem:s24+$0x8840] =	vst v0  }
0x21f: {  	[tilespmem:s24+$0x8850] =	vst v0  }
0x220: {  	[tilespmem:s24+$0x8860] =	vst v0  }
0x221: {  	[tilespmem:s24+$0x8870] =	vst v0  }
0x222: {  	[tilespmem:s24+$0x8C00] =	vst v0  }
0x223: {  	[tilespmem:s24+$0x8C10] =	vst v0  }
0x224: {  	[tilespmem:s24+$0x8C20] =	vst v0  }
0x225: {  	[tilespmem:s24+$0x8C30] =	vst v0  }
0x226: {  	[tilespmem:s24+$0x8C40] =	vst v0  }
0x227: {  	[tilespmem:s24+$0x8C50] =	vst v0  }
0x228: {  	[tilespmem:s24+$0x8C60] =	vst v0  }
0x229: {  	[tilespmem:s24+$0x8C70] =	vst v0  }
0x22a: {  	[tilespmem:s24+$0x9000] =	vst v0  }
0x22b: {  	[tilespmem:s24+$0x9010] =	vst v0  }
0x22c: {  	[tilespmem:s24+$0x9020] =	vst v0  }
0x22d: {  	[tilespmem:s24+$0x9030] =	vst v0  }
0x22e: {  	[tilespmem:s24+$0x9040] =	vst v0  }
0x22f: {  	[tilespmem:s24+$0x9050] =	vst v0  }
0x230: {  	[tilespmem:s24+$0x9060] =	vst v0  }
0x231: {  	[tilespmem:s24+$0x9070] =	vst v0  }
0x232: {  	[tilespmem:s24+$0x9400] =	vst v0  }
0x233: {  	[tilespmem:s24+$0x9410] =	vst v0  }
0x234: {  	[tilespmem:s24+$0x9420] =	vst v0  }
0x235: {  	[tilespmem:s24+$0x9430] =	vst v0  }
0x236: {  	[tilespmem:s24+$0x9440] =	vst v0  }
0x237: {  	[tilespmem:s24+$0x9450] =	vst v0  }
0x238: {  	[tilespmem:s24+$0x9460] =	vst v0  }
0x239: {  	[tilespmem:s24+$0x9470] =	vst v0  }
0x23a: {  	[tilespmem:s24+$0x9800] =	vst v0  }
0x23b: {  	[tilespmem:s24+$0x9810] =	vst v0  }
0x23c: {  	[tilespmem:s24+$0x9820] =	vst v0  }
0x23d: {  	[tilespmem:s24+$0x9830] =	vst v0  }
0x23e: {  	[tilespmem:s24+$0x9840] =	vst v0  }
0x23f: {  	[tilespmem:s24+$0x9850] =	vst v0  }
0x240: {  	[tilespmem:s24+$0x9860] =	vst v0  }
0x241: {  	[tilespmem:s24+$0x9870] =	vst v0  }
0x242: {  	[tilespmem:s24+$0x9C00] =	vst v0  }
0x243: {  	[tilespmem:s24+$0x9C10] =	vst v0  }
0x244: {  	[tilespmem:s24+$0x9C20] =	vst v0  }
0x245: {  	[tilespmem:s24+$0x9C30] =	vst v0  }
0x246: {  	[tilespmem:s24+$0x9C40] =	vst v0  }
0x247: {  	[tilespmem:s24+$0x9C50] =	vst v0  }
0x248: {  	[tilespmem:s24+$0x9C60] =	vst v0  }
0x249: {  	[tilespmem:s24+$0x9C70] =	vst v0  }
0x24a: {  	[tilespmem:s24+$0xA000] =	vst v0  }
0x24b: {  	[tilespmem:s24+$0xA010] =	vst v0  }
0x24c: {  	[tilespmem:s24+$0xA020] =	vst v0  }
0x24d: {  	[tilespmem:s24+$0xA030] =	vst v0  }
0x24e: {  	[tilespmem:s24+$0xA040] =	vst v0  }
0x24f: {  	[tilespmem:s24+$0xA050] =	vst v0  }
0x250: {  	[tilespmem:s24+$0xA060] =	vst v0  }
0x251: {  	[tilespmem:s24+$0xA070] =	vst v0  }
0x252: {  	[tilespmem:s24+$0xA400] =	vst v0  }
0x253: {  	[tilespmem:s24+$0xA410] =	vst v0  }
0x254: {  	[tilespmem:s24+$0xA420] =	vst v0  }
0x255: {  	[tilespmem:s24+$0xA430] =	vst v0  }
0x256: {  	[tilespmem:s24+$0xA440] =	vst v0  }
0x257: {  	[tilespmem:s24+$0xA450] =	vst v0  }
0x258: {  	[tilespmem:s24+$0xA460] =	vst v0  }
0x259: {  	[tilespmem:s24+$0xA470] =	vst v0  }
0x25a: {  	[tilespmem:s24+$0xA800] =	vst v0  }
0x25b: {  	[tilespmem:s24+$0xA810] =	vst v0  }
0x25c: {  	[tilespmem:s24+$0xA820] =	vst v0  }
0x25d: {  	[tilespmem:s24+$0xA830] =	vst v0  }
0x25e: {  	[tilespmem:s24+$0xA840] =	vst v0  }
0x25f: {  	[tilespmem:s24+$0xA850] =	vst v0  }
0x260: {  	[tilespmem:s24+$0xA860] =	vst v0  }
0x261: {  	[tilespmem:s24+$0xA870] =	vst v0  }
0x262: {  	[tilespmem:s24+$0xAC00] =	vst v0  }
0x263: {  	[tilespmem:s24+$0xAC10] =	vst v0  }
0x264: {  	[tilespmem:s24+$0xAC20] =	vst v0  }
0x265: {  	[tilespmem:s24+$0xAC30] =	vst v0  }
0x266: {  	[tilespmem:s24+$0xAC40] =	vst v0  }
0x267: {  	[tilespmem:s24+$0xAC50] =	vst v0  }
0x268: {  	[tilespmem:s24+$0xAC60] =	vst v0  }
0x269: {  	[tilespmem:s24+$0xAC70] =	vst v0  }
0x26a: {  	[tilespmem:s24+$0xB000] =	vst v0  }
0x26b: {  	[tilespmem:s24+$0xB010] =	vst v0  }
0x26c: {  	[tilespmem:s24+$0xB020] =	vst v0  }
0x26d: {  	[tilespmem:s24+$0xB030] =	vst v0  }
0x26e: {  	[tilespmem:s24+$0xB040] =	vst v0  }
0x26f: {  	[tilespmem:s24+$0xB050] =	vst v0  }
0x270: {  	[tilespmem:s24+$0xB060] =	vst v0  }
0x271: {  	[tilespmem:s24+$0xB070] =	vst v0  }
0x272: {  	[tilespmem:s24+$0xB400] =	vst v0  }
0x273: {  	[tilespmem:s24+$0xB410] =	vst v0  }
0x274: {  	[tilespmem:s24+$0xB420] =	vst v0  }
0x275: {  	[tilespmem:s24+$0xB430] =	vst v0  }
0x276: {  	s25 =	sand.u32 $0x7, s17;
	[tilespmem:s24+$0xB440] =	vst v0  }
0x277: {  	s25 =	sshll.u32 s25, $0x7;
	[tilespmem:s24+$0xB450] =	vst v0  }
0x278: {  	[tilespmem:s24+$0xB460] =	vst v0;
	s25 =	sadd.s32 s25, s22  }
0x279: {  	[tilespmem:s24+$0xB470] =	vst v0;
	s24 =	sor.u32 $0x3800, s25  }
0x27a: {  	[tilespmem:s24+$0x8000] =	vst v0;
	s24 =	sor.u32 $0x3810, s25  }
0x27b: {  	[tilespmem:s24+$0x8000] =	vst v0;
	s24 =	sor.u32 $0x3820, s25  }
0x27c: {  	[tilespmem:s24+$0x8000] =	vst v0;
	s24 =	sor.u32 $0x3830, s25  }
0x27d: {  	[tilespmem:s24+$0x8000] =	vst v0;
	s24 =	sor.u32 $0x3840, s25  }
0x27e: {  	[tilespmem:s24+$0x8000] =	vst v0;
	s24 =	sor.u32 $0x3850, s25  }
0x27f: {  	[tilespmem:s24+$0x8000] =	vst v0;
	s24 =	sor.u32 $0x3860, s25  }
0x280: {  	[tilespmem:s24+$0x8000] =	vst v0;
	s24 =	sor.u32 $0x3870, s25  }
0x281: {  	[tilespmem:s24+$0x8000] =	vst v0;
	s24 =	sor.u32 $0x3C00, s25  }
0x282: {  	[tilespmem:s24+$0x8000] =	vst v0;
	s24 =	sor.u32 $0x3C10, s25  }
0x283: {  	[tilespmem:s24+$0x8000] =	vst v0;
	s24 =	sor.u32 $0x3C20, s25  }
0x284: {  	p0 =	sne.s32 s23, $0x780;
	[tilespmem:s24+$0x8000] =	vst v0;
	s24 =	sor.u32 $0x3C30, s25  }
.Ltmp3:
0x285: {  	[tilespmem:s24+$0x8000] =	vst v0;
	s24 =	sor.u32 $0x3C40, s25;
	(pc) =	sbr.rel @p0 .LBB2_8-.Ltmp3, $4  }
0x286: {  	[tilespmem:s24+$0x8000] =	vst v0;
	s24 =	sor.u32 $0x3C50, s25  }
0x287: {  	[tilespmem:s24+$0x8000] =	vst v0;
	s24 =	sor.u32 $0x3C60, s25  }
0x288: {  	s3 =	sadd.s32 $0x800, s3;
	s21 =	sadd.s32 $0x1, s21;
	s25 =	sor.u32 $0x3C70, s25;
	[tilespmem:s24+$0x8000] =	vst v0  }
0x289: {  	s23 =	sadd.s32 $0x80, s23;
	s17 =	sadd.s32 $0x1, s17;
	s22 =	sadd.s32 $0x800, s22;
	[tilespmem:s25+$0x8000] =	vst v0  }
0x28a: {  	s3 =	rddreg [dreg:$0x11]  }
0x28b: {  	[hbm4b:s3+s2] =	stream.linear.scatter [tilespmem:s13], [sflag:$0x2], $0x8000, $0x38;
	[tilespmem:$0x10000] =	vst v63  }
0x28c: {  	_ = 	snop  }
0x28d: {  	[hbm4b:s5+s2] =	stream.linear.scatter [tilespmem:s13], [sflag:$0x2], $0x8000, $0x38;
	[tilespmem:$0x10000] =	vst v63  }
0x28e: {  	_ = 	snop  }
0x28f: {  	[hbm4b:s6+s2] =	stream.linear.scatter [tilespmem:s13], [sflag:$0x2], $0x8000, $0x38;
	[tilespmem:$0x10000] =	vst v63  }
0x290: {  	_ = 	snop  }
0x291: {  	[hbm4b:s7+s2] =	stream.linear.scatter [tilespmem:s13], [sflag:$0x2], $0x8000, $0x38;
	[tilespmem:$0x10000] =	vst v63  }
0x292: {  	_ = 	snop  }
0x293: {  	[hbm4b:s8+s2] =	stream.linear.scatter [tilespmem:s13], [sflag:$0x2], $0x8000, $0x38;
	[tilespmem:$0x10000] =	vst v63  }
0x294: {  	_ = 	snop  }
0x295: {  	[hbm4b:s9+s2] =	stream.linear.scatter [tilespmem:s13], [sflag:$0x2], $0x8000, $0x38;
	[tilespmem:$0x10000] =	vst v63  }
0x296: {  	_ = 	snop  }
0x297: {  	[hbm4b:s11+s2] =	stream.linear.scatter [tilespmem:s13], [sflag:$0x2], $0x8000, $0x38;
	[tilespmem:$0x10000] =	vst v63  }
0x298: {  	_ = 	snop  }
0x299: {  	[hbm4b:s12+s2] =	stream.linear.scatter [tilespmem:s13], [sflag:$0x2], $0x8000, $0x38;
	[tilespmem:$0x10000] =	vst v63  }
0x29a: {  	_ =	swait.ge [sflag:s14], $0x8000  }
0x29b: {  	[sflag:s14] =	ssyncset.done $0x0  }
0x29c: {  	[sflag:s14] =	ssyncadd.s32 $0xFFFF8000  }
0x29d: {  	_ =	swait.ge [sflag:s14], $0x8000  }
0x29e: {  	[sflag:s14] =	ssyncset.done $0x0  }
0x29f: {  	[sflag:s14] =	ssyncadd.s32 $0xFFFF8000  }
0x2a0: {  	_ =	swait.ge [sflag:s14], $0x8000  }
0x2a1: {  	[sflag:s14] =	ssyncset.done $0x0  }
0x2a2: {  	[sflag:s14] =	ssyncadd.s32 $0xFFFF8000  }
0x2a3: {  	_ =	swait.ge [sflag:s14], $0x8000  }
0x2a4: {  	[sflag:s14] =	ssyncset.done $0x0  }
0x2a5: {  	[sflag:s14] =	ssyncadd.s32 $0xFFFF8000  }
0x2a6: {  	_ =	swait.ge [sflag:s14], $0x8000  }
0x2a7: {  	[sflag:s14] =	ssyncset.done $0x0  }
0x2a8: {  	[sflag:s14] =	ssyncadd.s32 $0xFFFF8000  }
0x2a9: {  	_ =	swait.ge [sflag:s14], $0x8000  }
0x2aa: {  	[sflag:s14] =	ssyncset.done $0x0  }
0x2ab: {  	[sflag:s14] =	ssyncadd.s32 $0xFFFF8000  }
0x2ac: {  	_ =	swait.ge [sflag:s14], $0x8000  }
0x2ad: {  	[sflag:s14] =	ssyncset.done $0x0  }
0x2ae: {  	[sflag:s14] =	ssyncadd.s32 $0xFFFF8000  }
0x2af: {  	_ =	swait.ge [sflag:s14], $0x8000  }
0x2b0: {  	[sflag:s14] =	ssyncset.done $0x0  }
0x2b1: {  	[sflag:s14] =	ssyncadd.s32 $0xFFFF8000  }
0x2b2: {  	_ =	swait.ge [sflag:s15], $0x8000  }
0x2b3: {  	[sflag:s15] =	ssyncset.done $0x0  }
0x2b4: {  	[sflag:s15] =	ssyncadd.s32 $0xFFFF8000  }
0x2b5: {  	_ =	swait.ge [sflag:s15], $0x8000  }
0x2b6: {  	[sflag:s15] =	ssyncset.done $0x0  }
0x2b7: {  	[sflag:s15] =	ssyncadd.s32 $0xFFFF8000  }
0x2b8: {  	_ =	swait.ge [sflag:s15], $0x8000  }
0x2b9: {  	[sflag:s15] =	ssyncset.done $0x0  }
0x2ba: {  	[sflag:s15] =	ssyncadd.s32 $0xFFFF8000  }
0x2bb: {  	_ =	swait.ge [sflag:s15], $0x8000  }
0x2bc: {  	[sflag:s15] =	ssyncset.done $0x0  }
0x2bd: {  	[sflag:s15] =	ssyncadd.s32 $0xFFFF8000  }
0x2be: {  	_ =	swait.ge [sflag:s15], $0x8000  }
0x2bf: {  	[sflag:s15] =	ssyncset.done $0x0  }
0x2c0: {  	[sflag:s15] =	ssyncadd.s32 $0xFFFF8000  }
0x2c1: {  	_ =	swait.ge [sflag:s15], $0x8000  }
0x2c2: {  	[sflag:s15] =	ssyncset.done $0x0  }
0x2c3: {  	[sflag:s15] =	ssyncadd.s32 $0xFFFF8000  }
0x2c4: {  	_ =	swait.ge [sflag:s15], $0x8000  }
0x2c5: {  	[sflag:s15] =	ssyncset.done $0x0  }
0x2c6: {  	[sflag:s15] =	ssyncadd.s32 $0xFFFF8000  }
0x2c7: {  	_ =	swait.ge [sflag:s15], $0x8000  }
0x2c8: {  	s16 =	sadd.s32 $0x1, s16;
	s25 =	rddreg [dreg:$0x13]  }
0x2c9: {  	p0 =	sne.s32 s16, s25  }
.Ltmp4:
0x2ca: {  	_ = 	snop;
	(pc) =	sbr.rel @p0 .LBB2_1-.Ltmp4, $3  }
0x2cb: {  	_ =	sdelay $0x1  }
0x2cc: {  	[sflag:s15] =	ssyncset.done $0x0  }
0x2cd: {  	[sflag:s15] =	ssyncadd.s32 $0xFFFF8000  }
0x2ce: {  	_ =	sfence.sel $0x180000  }
0x2cf: {  	[bflag:$0x0] =	sbarrier.arrive $0xFFFF  }
0x2d0: {  	_ =	strace $0x90000047  }
0x2d1: {  	s0 =	stileid.u32;
	[bflag:$0x2] =	sbarrier.arrive $0xFFFF  }
0x2d2: {  	p0 =	sne.s32 s0, $0x0;
	s0 =	rddreg [dreg:$0x1]  }
0x2d3: {  	s0 =	sadd.s32 @!p0 $0x100000, s0  }
0x2d4: {  	[sflag:s0] =	ssyncadd.tile.s32 @!p0 $0x1;
	_ =	shalt  }
.Lfunc_end2:
_tile_overlayer_lowered:
.L_overlay_start_2:
0x2d5: {  	(tag) =	ssettag $0x2  }
0x2d6: {  	s0 =	rddreg [dreg:$0x0];
	s2 =	stileid.u32  }
0x2d7: {  	s1 =	rddreg [dreg:$0x1];
	p0 =	sne.s32 s2, $0x0  }
0x2d8: {  	s3 =	rddreg [dreg:$0x2];
	[bflag:$0x3] =	sbarrier.arrive $0xFFFF;
	s2 =	simm.s32 @!p0 $0x1C03  }
0x2d9: {  	[timem:s3], [sflag:s2] =	dma.local @!p0 [hbm:s0], s1  }
0x2da: {  	s0 =	simm.s32 @!p0 $0x3  }
0x2db: {  	_ =	swait.ge @!p0 [sflag:s0], s1  }
0x2dc: {  	s1 =	ssub.s32 @!p0 $0x0, s1;
	[sflag:s0] =	ssyncset.done @!p0 $0x0  }
0x2dd: {  	[sflag:s0] =	ssyncadd.s32 @!p0 s1  }
0x2de: {  	[bflag:$0x3] =	sbarrier.arrive $0xFFFF  }
0x2df: {  	_ =	shalt  }

</sc_bundles>
